<compile_context>
chip_gen: v7x
topology: tpu7x:2x2x1
jax: 0.10.2.dev20260603
libtpu: 0.0.44.dev20260713+nightly
codegen_flags: <defaults>
</compile_context>

<pallas_src>
import jax
import jax.numpy as jnp
from jax import lax
from jax.experimental import pallas as pl
from jax.experimental.pallas import tpu as pltpu
from jax.experimental.pallas import tpu_sc as plsc

N_NODES = 10000
N_PAD = 10240
N_EDGES = 320000
D = 128
NC = 2
NS = 16
E_PER_W = N_EDGES // (NC * NS)
DCH = 128
DNCH = E_PER_W // DCH
CHUNK = 40
NCHUNK = E_PER_W // CHUNK
NBUF = 5
NGRP = NCHUNK // NBUF
ROWB = 400

_mesh = plsc.VectorSubcoreMesh(core_axis_name="c", subcore_axis_name="s")


def _deg_body(e4_hbm, et_hbm, out_hbm, idxs_v, idxd_v, idxt_v, ones_v,
              zeros_v, acc_s, acc_d, dsem):
    c = lax.axis_index("c")
    s = lax.axis_index("s")
    w = c * NS + s

    @pl.loop(0, DCH, step=16)
    def _(i):
        ones_v[pl.ds(i, 16)] = jnp.ones((16,), jnp.float32)

    @pl.loop(0, 640, step=16)
    def _(i):
        zeros_v[pl.ds(i, 16)] = jnp.zeros((16,), jnp.float32)

    pltpu.sync_copy(zeros_v, acc_s.at[pl.ds(s * 640, 640)])
    pltpu.sync_copy(zeros_v, acc_d.at[pl.ds(s * 640, 640)])
    plsc.subcore_barrier()

    pltpu.sync_copy(e4_hbm.at[0, w], idxs_v)
    pltpu.sync_copy(e4_hbm.at[1, w], idxd_v)
    pltpu.sync_copy(et_hbm.at[0, w], idxt_v.at[0])
    pltpu.sync_copy(et_hbm.at[1, w], idxt_v.at[1])

    @pl.loop(0, DNCH)
    def _(k):
        pltpu.sync_copy(ones_v, acc_s.at[idxs_v.at[k]], add=True)
        pltpu.sync_copy(ones_v, acc_d.at[idxd_v.at[k]], add=True)

    pltpu.sync_copy(ones_v.at[pl.ds(0, 16)], acc_s.at[idxt_v.at[0]], add=True)
    pltpu.sync_copy(ones_v.at[pl.ds(0, 16)], acc_d.at[idxt_v.at[1]], add=True)

    plsc.subcore_barrier()

    pltpu.sync_copy(acc_s.at[pl.ds(s * 640, 640)],
                    out_hbm.at[c, 0, pl.ds(s * 640, 640)])
    pltpu.sync_copy(acc_d.at[pl.ds(s * 640, 640)],
                    out_hbm.at[c, 1, pl.ds(s * 640, 640)])


def _deg_kernel(e4, et):
    return pl.kernel(
        _deg_body,
        out_type=jax.ShapeDtypeStruct((NC, 2, N_PAD), jnp.float32),
        mesh=_mesh,
        scratch_types=[
            pltpu.VMEM((DNCH, DCH), jnp.int32),
            pltpu.VMEM((DNCH, DCH), jnp.int32),
            pltpu.VMEM((2, 16), jnp.int32),
            pltpu.VMEM((DCH,), jnp.float32),
            pltpu.VMEM((640,), jnp.float32),
            pltpu.VMEM_SHARED((N_PAD,), jnp.float32),
            pltpu.VMEM_SHARED((N_PAD,), jnp.float32),
            pltpu.SemaphoreType.DMA((2,)),
        ],
    )(e4, et)


def _scale_body(x_ref, w_ref, deg_ref, y_ref):
    d = deg_ref[0, 0, 0, 0, :] + deg_ref[1, 0, 0, 0, :]
    norm = lax.rsqrt(jnp.clip(d, 1.0, None))
    z = jnp.dot(x_ref[...], w_ref[...], preferred_element_type=jnp.float32,
                precision=lax.Precision.HIGHEST)
    y_ref[...] = z * norm[:, None]


def _scale_kernel(x, W, degp):
    return pl.pallas_call(
        _scale_body,
        grid=(N_NODES // ROWB,),
        in_specs=[
            pl.BlockSpec((ROWB, D), lambda i: (i, 0)),
            pl.BlockSpec((D, D), lambda i: (0, 0)),
            pl.BlockSpec((NC, 2, 1, 1, ROWB), lambda i: (0, 0, i, 0, 0)),
        ],
        out_specs=pl.BlockSpec((ROWB, D), lambda i: (i, 0)),
        out_shape=jax.ShapeDtypeStruct((N_NODES, D), jnp.float32),
    )(x, W, degp)


def _edge_body(y_hbm, e4_hbm, out_hbm, idxs_v, idxd_v, rows_v, acc,
               gsem, ssem, isem):
    c = lax.axis_index("c")
    s = lax.axis_index("s")
    w = c * NS + s

    @pl.loop(0, CHUNK)
    def _(r):
        @pl.loop(0, D, step=16)
        def _(j):
            rows_v[0, r, pl.ds(j, 16)] = jnp.zeros((16,), jnp.float32)

    @pl.loop(0, 640 // CHUNK)
    def _(k):
        pltpu.sync_copy(rows_v.at[0], acc.at[pl.ds(s * 640 + k * CHUNK, CHUNK)])

    plsc.subcore_barrier()

    for q in range(3):
        pltpu.sync_copy(e4_hbm.at[0, w, q], idxs_v.at[q])
        pltpu.sync_copy(e4_hbm.at[1, w, q], idxd_v.at[q])
    for b in range(NBUF - 1):
        pltpu.async_copy(y_hbm.at[idxs_v.at[0, b]], rows_v.at[b], gsem.at[b])

    def visit(q, qn, b, skip_swait, skip_gfire):
        bp = (b + NBUF - 1) % NBUF
        if not skip_swait:
            pltpu.make_async_copy(y_hbm.at[pl.ds(0, CHUNK)], rows_v.at[bp],
                                  ssem).wait()
        if not skip_gfire:
            if b == 0:
                src_idx = idxs_v.at[q, NBUF - 1]
            else:
                src_idx = idxs_v.at[qn, b - 1]
            pltpu.async_copy(y_hbm.at[src_idx], rows_v.at[bp], gsem.at[bp])
        pltpu.make_async_copy(y_hbm.at[pl.ds(0, CHUNK)], rows_v.at[b],
                              gsem.at[b]).wait()
        pltpu.async_copy(rows_v.at[b], acc.at[idxd_v.at[q, b]], ssem,
                         add=True)

    def group(e, q, wait_idx, fire_load, first=False, last=False):
        if wait_idx:
            pltpu.make_async_copy(e4_hbm.at[0, 0, 0], idxs_v.at[q],
                                  isem).wait()
            pltpu.make_async_copy(e4_hbm.at[0, 0, 0], idxd_v.at[q],
                                  isem).wait()
        qn = (q + 1) % 3
        visit(q, qn, 0, skip_swait=first, skip_gfire=False)
        if fire_load:
            qp = (q + 2) % 3
            pltpu.async_copy(e4_hbm.at[0, w, e + 2], idxs_v.at[qp], isem)
            pltpu.async_copy(e4_hbm.at[1, w, e + 2], idxd_v.at[qp], isem)
        for b in range(1, NBUF):
            visit(q, qn, b, skip_swait=False, skip_gfire=(last and b >= 1))

    group(0, 0, wait_idx=False, fire_load=False, first=True)
    group(1, 1, wait_idx=False, fire_load=True)

    @pl.loop(2, NGRP - 3, step=3)
    def _(g):
        for i, q in enumerate((2, 0, 1)):
            group(g + i, q, wait_idx=True, fire_load=True)

    group(47, 2, wait_idx=True, fire_load=True)
    group(48, 0, wait_idx=True, fire_load=False)
    group(49, 1, wait_idx=False, fire_load=False, last=True)

    pltpu.make_async_copy(y_hbm.at[pl.ds(0, CHUNK)], rows_v.at[NBUF - 1],
                          ssem).wait()

    plsc.subcore_barrier()
    pltpu.sync_copy(acc.at[pl.ds(s * 640, 640)],
                    out_hbm.at[c, pl.ds(s * 640, 640)])


def _edge_kernel(y, e4):
    return pl.kernel(
        _edge_body,
        out_type=jax.ShapeDtypeStruct((NC, N_PAD, D), jnp.float32),
        mesh=_mesh,
        scratch_types=[
            pltpu.VMEM((3, NBUF, CHUNK), jnp.int32),
            pltpu.VMEM((3, NBUF, CHUNK), jnp.int32),
            pltpu.VMEM((NBUF, CHUNK, D), jnp.float32),
            pltpu.VMEM_SHARED((N_PAD, D), jnp.float32),
            pltpu.SemaphoreType.DMA((NBUF,)),
            pltpu.SemaphoreType.DMA,
            pltpu.SemaphoreType.DMA,
        ],
    )(y, e4)


def _out_body(p_ref, deg_ref, b_ref, o_ref):
    agg = p_ref[0] + p_ref[1]
    d = deg_ref[0, 1, 0, 0, :] + deg_ref[1, 1, 0, 0, :]
    norm = lax.rsqrt(jnp.clip(d, 1.0, None))
    o_ref[...] = jnp.maximum(agg * norm[:, None] + b_ref[...], 0.0)


def _out_kernel(p, degp, b2):
    return pl.pallas_call(
        _out_body,
        grid=(N_NODES // ROWB,),
        in_specs=[
            pl.BlockSpec((NC, ROWB, D), lambda i: (0, i, 0)),
            pl.BlockSpec((NC, 2, 1, 1, ROWB), lambda i: (0, 0, i, 0, 0)),
            pl.BlockSpec((1, D), lambda i: (0, 0)),
        ],
        out_specs=pl.BlockSpec((ROWB, D), lambda i: (i, 0)),
        out_shape=jax.ShapeDtypeStruct((N_NODES, D), jnp.float32),
    )(p, degp, b2)


def kernel(x, edge_index, W, b):
    ew = edge_index.reshape(2, NC * NS, E_PER_W)
    e4 = ew[:, :, :DNCH * DCH].reshape(2, NC * NS, DNCH, DCH)
    et = ew[:, :, DNCH * DCH:]
    e5 = edge_index.reshape(2, NC * NS, NGRP, NBUF, CHUNK)
    degp = _deg_kernel(e4, et)
    degt = degp[:, :, :N_NODES].reshape(NC, 2, N_NODES // ROWB, 1, ROWB)
    y = _scale_kernel(x, W, degt)
    p = _edge_kernel(y, e5)
    return _out_kernel(p, degt, b.reshape(1, D))

# --- scband reference (transcript-rebuilt; emitter-appended) ---
"""Pipeline reference for scband-message-passing-32074815767311 (READ-ONLY COPY).

The authoritative reference and input builder live on the scoring server;
editing this copy changes nothing except your own understanding.
"""

import jax, jax.numpy as jnp
import numpy as np

N_NODES = 10000
N_EDGES = 320000
D_IN = 128
D_HID = 128

def setup_inputs(seed: int = 0) -> dict:
    key = jax.random.key(seed)
    k1, k2, k3 = jax.random.split(key, 3)
    x = jax.random.normal(k1, (N_NODES, D_IN), dtype=jnp.float32)
    # int32 used for portability on default (non-x64) jax; values < N_NODES
    edge_index = jax.random.randint(k2, (2, N_EDGES), 0, N_NODES, dtype=jnp.int32)
    # learned params of the single GraphConv layer (message_steps=1)
    W = jax.random.normal(k3, (D_IN, D_HID), dtype=jnp.float32) * 0.05
    b = jnp.zeros((D_HID,), dtype=jnp.float32)
    return {"x": x, "edge_index": edge_index, "W": W, "b": b}

def reference(x, edge_index, W, b):
    # DGL-style GraphConv with norm='both', weight=True, bias=True, activation=ReLU
    src = edge_index[0]
    dst = edge_index[1]
    deg_out = jnp.bincount(src, length=N_NODES).astype(x.dtype)
    deg_in = jnp.bincount(dst, length=N_NODES).astype(x.dtype)
    norm_src = jax.lax.rsqrt(jnp.clip(deg_out, 1.0, None))
    norm_dst = jax.lax.rsqrt(jnp.clip(deg_in, 1.0, None))
    # norm='both': scale source features by D_out^{-1/2}
    h = x * norm_src[:, None]
    # gather messages along edges and scatter-add into destination nodes
    msg = jnp.take(h, src, axis=0)
    agg = jax.ops.segment_sum(msg, dst, num_segments=N_NODES)
    # scale aggregated features by D_in^{-1/2}
    agg = agg * norm_dst[:, None]
    # in_feats == out_feats -> aggregate first, then linear transform (DGL ordering)
    out = agg @ W + b
    return jax.nn.relu(out)

if __name__ == "__main__":
    import jax
    _d = setup_inputs()
    print(jax.jit(kernel)(*tuple(_d.values())))

</pallas_src>

<mosaic_0001>
#map = affine_map<(d0, d1) -> (0, 0)>
#map1 = affine_map<(d0, d1) -> (0, 0, 0, 0, 0)>
#map2 = affine_map<(d0, d1) -> (0, 0, 0)>
module attributes {stable_mosaic.version = 14 : i64} {
  func.func @_edge_body(%arg0: i32, %arg1: i32, %arg2: memref<10000x128xf32, #tpu.memory_space<hbm>>, %arg3: memref<2x32x50x5x40xi32, #tpu.memory_space<hbm>>, %arg4: memref<2x10240x128xf32, #tpu.memory_space<hbm>>, %arg5: memref<3x5x40xi32, #tpu.memory_space<vmem>>, %arg6: memref<3x5x40xi32, #tpu.memory_space<vmem>>, %arg7: memref<5x40x128xf32, #tpu.memory_space<vmem>>, %arg8: memref<10240x128xf32, #tpu.memory_space<vmem_shared>>, %arg9: memref<5x!tpu.dma_semaphore, #tpu.memory_space<semaphore_mem>>, %arg10: memref<!tpu.dma_semaphore, #tpu.memory_space<semaphore_mem>>, %arg11: memref<!tpu.dma_semaphore, #tpu.memory_space<semaphore_mem>>) attributes {dimension_semantics = [#tpu.dimension_semantics<core_parallel>, #tpu.dimension_semantics<subcore_parallel>], iteration_bounds = array<i64: 2, 16>, scalar_prefetch = 0 : i64, scratch_operands = 7 : i64, tpu.core_type = #tpu.core_type<sc_vector_subcore>, window_params = [{transform_indices = #map}, {transform_indices = #map1}, {transform_indices = #map2}]} {
    %mul3A = arith.constant 16 : i32
    %mul3A_0 = arith.muli %arg0, %mul3A : i32
    %add3A = arith.addi %mul3A_0, %arg1 : i32
    %scan3A = arith.constant 0 : i32
    %scan3A_1 = arith.constant 40 : i32
    %scan3A_2 = arith.addi %scan3A, %scan3A_1 : i32
    %scan3A_3 = arith.constant 1 : i32
    scf.for %scan3A_1741 = %scan3A to %scan3A_2 step %scan3A_3  : i32 {
      %mul3A_1742 = arith.constant 1 : i32
      %mul3A_1743 = arith.muli %scan3A_1741, %mul3A_1742 : i32
      %add3A_1744 = arith.constant 0 : i32
      %add3A_1745 = arith.addi %add3A_1744, %mul3A_1743 : i32
      %scan3A_1746 = arith.constant 0 : i32
      %scan3A_1747 = arith.constant 8 : i32
      %scan3A_1748 = arith.addi %scan3A_1746, %scan3A_1747 : i32
      %scan3A_1749 = arith.constant 1 : i32
      scf.for %scan3A_1751 = %scan3A_1746 to %scan3A_1748 step %scan3A_1749  : i32 {
        %mul3A_1752 = arith.constant 16 : i32
        %mul3A_1753 = arith.muli %scan3A_1751, %mul3A_1752 : i32
        %add3A_1754 = arith.constant 0 : i32
        %add3A_1755 = arith.addi %add3A_1754, %mul3A_1753 : i32
        %broadcast_in_dim3A = arith.constant 0.000000e+00 : f32
        %broadcast_in_dim3A_1756 = vector.broadcast %broadcast_in_dim3A : f32 to vector<16xf32>
        %swap3A = arith.constant 0 : i32
        %swap3A_1757 = arith.index_cast %swap3A : i32 to index
        %swap3A_1758 = arith.index_cast %add3A_1745 : i32 to index
        %swap3A_1759 = arith.index_cast %add3A_1755 : i32 to index
        %swap3A_1760 = tpu.vector_load %arg7[%swap3A_1757, %swap3A_1758, %swap3A_1759] {strides = array<i32>} : memref<5x40x128xf32, #tpu.memory_space<vmem>>, vector<1x1x16xf32>,
        %swap3A_1761 = vector.shape_cast %swap3A_1760 : vector<1x1x16xf32> to vector<16xf32>
        %swap3A_1762 = vector.shape_cast %broadcast_in_dim3A_1756 : vector<16xf32> to vector<1x1x16xf32>
        tpu.vector_store %arg7[%swap3A_1757, %swap3A_1758, %swap3A_1759], %swap3A_1762 {strides = array<i32>} : memref<5x40x128xf32, #tpu.memory_space<vmem>>, vector<1x1x16xf32>,
      }
      %scan3A_1750 = arith.constant 8 : i32
    }
    %scan3A_4 = arith.constant 40 : i32
    %scan3A_5 = arith.constant 0 : i32
    %scan3A_6 = arith.constant 16 : i32
    %scan3A_7 = arith.addi %scan3A_5, %scan3A_6 : i32
    %scan3A_8 = arith.constant 1 : i32
    scf.for %scan3A_1741 = %scan3A_5 to %scan3A_7 step %scan3A_8  : i32 {
      %mul3A_1742 = arith.constant 1 : i32
      %mul3A_1743 = arith.muli %scan3A_1741, %mul3A_1742 : i32
      %add3A_1744 = arith.constant 0 : i32
      %add3A_1745 = arith.addi %add3A_1744, %mul3A_1743 : i32
      %mul3A_1746 = arith.constant 640 : i32
      %mul3A_1747 = arith.muli %arg1, %mul3A_1746 : i32
      %mul3A_1748 = arith.constant 40 : i32
      %mul3A_1749 = arith.muli %add3A_1745, %mul3A_1748 : i32
      %add3A_1750 = arith.addi %mul3A_1747, %mul3A_1749 : i32
      %run_scoped3A_1751 = arith.constant 0 : i32
      "tpu.region"() ({
        %run_scoped3A_1752 = tpu.sem_alloc : memref<!tpu.dma_semaphore, #tpu.memory_space<semaphore_mem>>
        %dma_start3A_1753 = arith.constant 0 : i32
        %dma_start3A_1754 = arith.constant 0 : i32
        %dma_start3A_1755 = tpu.memref_slice %arg7[%run_scoped3A_1751, %dma_start3A_1753, %dma_start3A_1754] : memref<5x40x128xf32, #tpu.memory_space<vmem>> -> memref<1x40x128xf32, #tpu.memory_space<vmem>>
        %dma_start3A_1756 = tpu.memref_squeeze %dma_start3A_1755 : memref<1x40x128xf32, #tpu.memory_space<vmem>> -> memref<40x128xf32, #tpu.memory_space<vmem>>
        %dma_start3A_1757 = arith.constant 0 : i32
        %dma_start3A_1758 = tpu.memref_slice %arg8[%add3A_1750, %dma_start3A_1757] : memref<10240x128xf32, #tpu.memory_space<vmem_shared>> -> memref<40x128xf32, #tpu.memory_space<vmem_shared>>
        %dma_start3A_1759 = arith.constant 0 : i32
        %dma_start3A_1760 = tpu.memref_slice %arg8[%add3A_1750, %dma_start3A_1759] : memref<10240x128xf32, #tpu.memory_space<vmem_shared>> -> memref<40x128xf32, #tpu.memory_space<vmem_shared>>
        %dma_start3A_1761 = arith.constant 0 : i32
        %dma_start3A_1762 = arith.constant 0 : i32
        %dma_start3A_1763 = tpu.memref_slice %arg7[%run_scoped3A_1751, %dma_start3A_1761, %dma_start3A_1762] : memref<5x40x128xf32, #tpu.memory_space<vmem>> -> memref<1x40x128xf32, #tpu.memory_space<vmem>>
        %dma_start3A_1764 = tpu.memref_squeeze %dma_start3A_1763 : memref<1x40x128xf32, #tpu.memory_space<vmem>> -> memref<40x128xf32, #tpu.memory_space<vmem>>
        tpu.enqueue_dma source(%dma_start3A_1764 : memref<40x128xf32, #tpu.memory_space<vmem>>) target(%dma_start3A_1760 : memref<40x128xf32, #tpu.memory_space<vmem_shared>>) target_semaphore(%run_scoped3A_1752 : memref<!tpu.dma_semaphore, #tpu.memory_space<semaphore_mem>>)
        %dma_wait3A_1765 = arith.constant 0 : i32
        %dma_wait3A_1766 = arith.constant 0 : i32
        %dma_wait3A_1767 = tpu.memref_slice %arg7[%run_scoped3A_1751, %dma_wait3A_1765, %dma_wait3A_1766] : memref<5x40x128xf32, #tpu.memory_space<vmem>> -> memref<1x40x128xf32, #tpu.memory_space<vmem>>
        %dma_wait3A_1768 = tpu.memref_squeeze %dma_wait3A_1767 : memref<1x40x128xf32, #tpu.memory_space<vmem>> -> memref<40x128xf32, #tpu.memory_space<vmem>>
        %dma_wait3A_1769 = arith.constant 0 : i32
        %dma_wait3A_1770 = tpu.memref_slice %arg8[%add3A_1750, %dma_wait3A_1769] : memref<10240x128xf32, #tpu.memory_space<vmem_shared>> -> memref<40x128xf32, #tpu.memory_space<vmem_shared>>
        %dma_wait3A_1771 = arith.constant 0 : i32
        %dma_wait3A_1772 = tpu.memref_slice %arg8[%add3A_1750, %dma_wait3A_1771] : memref<10240x128xf32, #tpu.memory_space<vmem_shared>> -> memref<40x128xf32, #tpu.memory_space<vmem_shared>>
        %dma_wait3A_1773 = arith.constant 0 : i32
        %dma_wait3A_1774 = arith.constant 0 : i32
        %dma_wait3A_1775 = tpu.memref_slice %arg7[%run_scoped3A_1751, %dma_wait3A_1773, %dma_wait3A_1774] : memref<5x40x128xf32, #tpu.memory_space<vmem>> -> memref<1x40x128xf32, #tpu.memory_space<vmem>>
        %dma_wait3A_1776 = tpu.memref_squeeze %dma_wait3A_1775 : memref<1x40x128xf32, #tpu.memory_space<vmem>> -> memref<40x128xf32, #tpu.memory_space<vmem>>
        tpu.wait_dma2 semaphore(%run_scoped3A_1752 : memref<!tpu.dma_semaphore, #tpu.memory_space<semaphore_mem>>) src(%dma_wait3A_1776 : memref<40x128xf32, #tpu.memory_space<vmem>>) dst(%dma_wait3A_1772 : memref<40x128xf32, #tpu.memory_space<vmem_shared>>)
        tpu.yield
      }) : () -> ()
    }
    %scan3A_9 = arith.constant 16 : i32
    %barrier3A = arith.constant 0 : index
    tpu.barrier barrier_id(%barrier3A)
    %run_scoped3A = arith.constant 0 : i32
    %run_scoped3A_10 = arith.constant 0 : i32
    %run_scoped3A_11 = arith.constant 0 : i32
    "tpu.region"() ({
      %run_scoped3A_1741 = tpu.sem_alloc : memref<!tpu.dma_semaphore, #tpu.memory_space<semaphore_mem>>
      %dma_start3A_1742 = arith.constant 0 : i32
      %dma_start3A_1743 = arith.constant 0 : i32
      %dma_start3A_1744 = tpu.memref_slice %arg5[%run_scoped3A_11, %dma_start3A_1742, %dma_start3A_1743] : memref<3x5x40xi32, #tpu.memory_space<vmem>> -> memref<1x5x40xi32, #tpu.memory_space<vmem>>
      %dma_start3A_1745 = tpu.memref_squeeze %dma_start3A_1744 : memref<1x5x40xi32, #tpu.memory_space<vmem>> -> memref<5x40xi32, #tpu.memory_space<vmem>>
      %dma_start3A_1746 = arith.constant 0 : i32
      %dma_start3A_1747 = arith.constant 0 : i32
      %dma_start3A_1748 = tpu.memref_slice %arg3[%run_scoped3A, %add3A, %run_scoped3A_10, %dma_start3A_1746, %dma_start3A_1747] : memref<2x32x50x5x40xi32, #tpu.memory_space<hbm>> -> memref<1x1x1x5x40xi32, #tpu.memory_space<hbm>>
      %dma_start3A_1749 = tpu.memref_squeeze %dma_start3A_1748 : memref<1x1x1x5x40xi32, #tpu.memory_space<hbm>> -> memref<5x40xi32, #tpu.memory_space<hbm>>
      %dma_start3A_1750 = arith.constant 0 : i32
      %dma_start3A_1751 = arith.constant 0 : i32
      %dma_start3A_1752 = tpu.memref_slice %arg5[%run_scoped3A_11, %dma_start3A_1750, %dma_start3A_1751] : memref<3x5x40xi32, #tpu.memory_space<vmem>> -> memref<1x5x40xi32, #tpu.memory_space<vmem>>
      %dma_start3A_1753 = tpu.memref_squeeze %dma_start3A_1752 : memref<1x5x40xi32, #tpu.memory_space<vmem>> -> memref<5x40xi32, #tpu.memory_space<vmem>>
      %dma_start3A_1754 = arith.constant 0 : i32
      %dma_start3A_1755 = arith.constant 0 : i32
      %dma_start3A_1756 = tpu.memref_slice %arg3[%run_scoped3A, %add3A, %run_scoped3A_10, %dma_start3A_1754, %dma_start3A_1755] : memref<2x32x50x5x40xi32, #tpu.memory_space<hbm>> -> memref<1x1x1x5x40xi32, #tpu.memory_space<hbm>>
      %dma_start3A_1757 = tpu.memref_squeeze %dma_start3A_1756 : memref<1x1x1x5x40xi32, #tpu.memory_space<hbm>> -> memref<5x40xi32, #tpu.memory_space<hbm>>
      tpu.enqueue_dma source(%dma_start3A_1757 : memref<5x40xi32, #tpu.memory_space<hbm>>) target(%dma_start3A_1753 : memref<5x40xi32, #tpu.memory_space<vmem>>) target_semaphore(%run_scoped3A_1741 : memref<!tpu.dma_semaphore, #tpu.memory_space<semaphore_mem>>)
      %dma_wait3A_1758 = arith.constant 0 : i32
      %dma_wait3A_1759 = arith.constant 0 : i32
      %dma_wait3A_1760 = tpu.memref_slice %arg5[%run_scoped3A_11, %dma_wait3A_1758, %dma_wait3A_1759] : memref<3x5x40xi32, #tpu.memory_space<vmem>> -> memref<1x5x40xi32, #tpu.memory_space<vmem>>
      %dma_wait3A_1761 = tpu.memref_squeeze %dma_wait3A_1760 : memref<1x5x40xi32, #tpu.memory_space<vmem>> -> memref<5x40xi32, #tpu.memory_space<vmem>>
      %dma_wait3A_1762 = arith.constant 0 : i32
      %dma_wait3A_1763 = arith.constant 0 : i32
      %dma_wait3A_1764 = tpu.memref_slice %arg3[%run_scoped3A, %add3A, %run_scoped3A_10, %dma_wait3A_1762, %dma_wait3A_1763] : memref<2x32x50x5x40xi32, #tpu.memory_space<hbm>> -> memref<1x1x1x5x40xi32, #tpu.memory_space<hbm>>
      %dma_wait3A_1765 = tpu.memref_squeeze %dma_wait3A_1764 : memref<1x1x1x5x40xi32, #tpu.memory_space<hbm>> -> memref<5x40xi32, #tpu.memory_space<hbm>>
      %dma_wait3A_1766 = arith.constant 0 : i32
      %dma_wait3A_1767 = arith.constant 0 : i32
      %dma_wait3A_1768 = tpu.memref_slice %arg5[%run_scoped3A_11, %dma_wait3A_1766, %dma_wait3A_1767] : memref<3x5x40xi32, #tpu.memory_space<vmem>> -> memref<1x5x40xi32, #tpu.memory_space<vmem>>
      %dma_wait3A_1769 = tpu.memref_squeeze %dma_wait3A_1768 : memref<1x5x40xi32, #tpu.memory_space<vmem>> -> memref<5x40xi32, #tpu.memory_space<vmem>>
      %dma_wait3A_1770 = arith.constant 0 : i32
      %dma_wait3A_1771 = arith.constant 0 : i32
      %dma_wait3A_1772 = tpu.memref_slice %arg3[%run_scoped3A, %add3A, %run_scoped3A_10, %dma_wait3A_1770, %dma_wait3A_1771] : memref<2x32x50x5x40xi32, #tpu.memory_space<hbm>> -> memref<1x1x1x5x40xi32, #tpu.memory_space<hbm>>
      %dma_wait3A_1773 = tpu.memref_squeeze %dma_wait3A_1772 : memref<1x1x1x5x40xi32, #tpu.memory_space<hbm>> -> memref<5x40xi32, #tpu.memory_space<hbm>>
      tpu.wait_dma2 semaphore(%run_scoped3A_1741 : memref<!tpu.dma_semaphore, #tpu.memory_space<semaphore_mem>>) src(%dma_wait3A_1773 : memref<5x40xi32, #tpu.memory_space<hbm>>) dst(%dma_wait3A_1769 : memref<5x40xi32, #tpu.memory_space<vmem>>)
      tpu.yield
    }) : () -> ()
    %run_scoped3A_12 = arith.constant 1 : i32
    %run_scoped3A_13 = arith.constant 0 : i32
    %run_scoped3A_14 = arith.constant 0 : i32
    "tpu.region"() ({
      %run_scoped3A_1741 = tpu.sem_alloc : memref<!tpu.dma_semaphore, #tpu.memory_space<semaphore_mem>>
      %dma_start3A_1742 = arith.constant 0 : i32
      %dma_start3A_1743 = arith.constant 0 : i32
      %dma_start3A_1744 = tpu.memref_slice %arg6[%run_scoped3A_14, %dma_start3A_1742, %dma_start3A_1743] : memref<3x5x40xi32, #tpu.memory_space<vmem>> -> memref<1x5x40xi32, #tpu.memory_space<vmem>>
      %dma_start3A_1745 = tpu.memref_squeeze %dma_start3A_1744 : memref<1x5x40xi32, #tpu.memory_space<vmem>> -> memref<5x40xi32, #tpu.memory_space<vmem>>
      %dma_start3A_1746 = arith.constant 0 : i32
      %dma_start3A_1747 = arith.constant 0 : i32
      %dma_start3A_1748 = tpu.memref_slice %arg3[%run_scoped3A_12, %add3A, %run_scoped3A_13, %dma_start3A_1746, %dma_start3A_1747] : memref<2x32x50x5x40xi32, #tpu.memory_space<hbm>> -> memref<1x1x1x5x40xi32, #tpu.memory_space<hbm>>
      %dma_start3A_1749 = tpu.memref_squeeze %dma_start3A_1748 : memref<1x1x1x5x40xi32, #tpu.memory_space<hbm>> -> memref<5x40xi32, #tpu.memory_space<hbm>>
      %dma_start3A_1750 = arith.constant 0 : i32
      %dma_start3A_1751 = arith.constant 0 : i32
      %dma_start3A_1752 = tpu.memref_slice %arg6[%run_scoped3A_14, %dma_start3A_1750, %dma_start3A_1751] : memref<3x5x40xi32, #tpu.memory_space<vmem>> -> memref<1x5x40xi32, #tpu.memory_space<vmem>>
      %dma_start3A_1753 = tpu.memref_squeeze %dma_start3A_1752 : memref<1x5x40xi32, #tpu.memory_space<vmem>> -> memref<5x40xi32, #tpu.memory_space<vmem>>
      %dma_start3A_1754 = arith.constant 0 : i32
      %dma_start3A_1755 = arith.constant 0 : i32
      %dma_start3A_1756 = tpu.memref_slice %arg3[%run_scoped3A_12, %add3A, %run_scoped3A_13, %dma_start3A_1754, %dma_start3A_1755] : memref<2x32x50x5x40xi32, #tpu.memory_space<hbm>> -> memref<1x1x1x5x40xi32, #tpu.memory_space<hbm>>
      %dma_start3A_1757 = tpu.memref_squeeze %dma_start3A_1756 : memref<1x1x1x5x40xi32, #tpu.memory_space<hbm>> -> memref<5x40xi32, #tpu.memory_space<hbm>>
      tpu.enqueue_dma source(%dma_start3A_1757 : memref<5x40xi32, #tpu.memory_space<hbm>>) target(%dma_start3A_1753 : memref<5x40xi32, #tpu.memory_space<vmem>>) target_semaphore(%run_scoped3A_1741 : memref<!tpu.dma_semaphore, #tpu.memory_space<semaphore_mem>>)
      %dma_wait3A_1758 = arith.constant 0 : i32
      %dma_wait3A_1759 = arith.constant 0 : i32
      %dma_wait3A_1760 = tpu.memref_slice %arg6[%run_scoped3A_14, %dma_wait3A_1758, %dma_wait3A_1759] : memref<3x5x40xi32, #tpu.memory_space<vmem>> -> memref<1x5x40xi32, #tpu.memory_space<vmem>>
      %dma_wait3A_1761 = tpu.memref_squeeze %dma_wait3A_1760 : memref<1x5x40xi32, #tpu.memory_space<vmem>> -> memref<5x40xi32, #tpu.memory_space<vmem>>
      %dma_wait3A_1762 = arith.constant 0 : i32
      %dma_wait3A_1763 = arith.constant 0 : i32
      %dma_wait3A_1764 = tpu.memref_slice %arg3[%run_scoped3A_12, %add3A, %run_scoped3A_13, %dma_wait3A_1762, %dma_wait3A_1763] : memref<2x32x50x5x40xi32, #tpu.memory_space<hbm>> -> memref<1x1x1x5x40xi32, #tpu.memory_space<hbm>>
      %dma_wait3A_1765 = tpu.memref_squeeze %dma_wait3A_1764 : memref<1x1x1x5x40xi32, #tpu.memory_space<hbm>> -> memref<5x40xi32, #tpu.memory_space<hbm>>
      %dma_wait3A_1766 = arith.constant 0 : i32
      %dma_wait3A_1767 = arith.constant 0 : i32
      %dma_wait3A_1768 = tpu.memref_slice %arg6[%run_scoped3A_14, %dma_wait3A_1766, %dma_wait3A_1767] : memref<3x5x40xi32, #tpu.memory_space<vmem>> -> memref<1x5x40xi32, #tpu.memory_space<vmem>>
      %dma_wait3A_1769 = tpu.memref_squeeze %dma_wait3A_1768 : memref<1x5x40xi32, #tpu.memory_space<vmem>> -> memref<5x40xi32, #tpu.memory_space<vmem>>
      %dma_wait3A_1770 = arith.constant 0 : i32
      %dma_wait3A_1771 = arith.constant 0 : i32
      %dma_wait3A_1772 = tpu.memref_slice %arg3[%run_scoped3A_12, %add3A, %run_scoped3A_13, %dma_wait3A_1770, %dma_wait3A_1771] : memref<2x32x50x5x40xi32, #tpu.memory_space<hbm>> -> memref<1x1x1x5x40xi32, #tpu.memory_space<hbm>>
      %dma_wait3A_1773 = tpu.memref_squeeze %dma_wait3A_1772 : memref<1x1x1x5x40xi32, #tpu.memory_space<hbm>> -> memref<5x40xi32, #tpu.memory_space<hbm>>
      tpu.wait_dma2 semaphore(%run_scoped3A_1741 : memref<!tpu.dma_semaphore, #tpu.memory_space<semaphore_mem>>) src(%dma_wait3A_1773 : memref<5x40xi32, #tpu.memory_space<hbm>>) dst(%dma_wait3A_1769 : memref<5x40xi32, #tpu.memory_space<vmem>>)
      tpu.yield
    }) : () -> ()
    %run_scoped3A_15 = arith.constant 0 : i32
    %run_scoped3A_16 = arith.constant 1 : i32
    %run_scoped3A_17 = arith.constant 1 : i32
    "tpu.region"() ({
      %run_scoped3A_1741 = tpu.sem_alloc : memref<!tpu.dma_semaphore, #tpu.memory_space<semaphore_mem>>
      %dma_start3A_1742 = arith.constant 0 : i32
      %dma_start3A_1743 = arith.constant 0 : i32
      %dma_start3A_1744 = tpu.memref_slice %arg5[%run_scoped3A_17, %dma_start3A_1742, %dma_start3A_1743] : memref<3x5x40xi32, #tpu.memory_space<vmem>> -> memref<1x5x40xi32, #tpu.memory_space<vmem>>
      %dma_start3A_1745 = tpu.memref_squeeze %dma_start3A_1744 : memref<1x5x40xi32, #tpu.memory_space<vmem>> -> memref<5x40xi32, #tpu.memory_space<vmem>>
      %dma_start3A_1746 = arith.constant 0 : i32
      %dma_start3A_1747 = arith.constant 0 : i32
      %dma_start3A_1748 = tpu.memref_slice %arg3[%run_scoped3A_15, %add3A, %run_scoped3A_16, %dma_start3A_1746, %dma_start3A_1747] : memref<2x32x50x5x40xi32, #tpu.memory_space<hbm>> -> memref<1x1x1x5x40xi32, #tpu.memory_space<hbm>>
      %dma_start3A_1749 = tpu.memref_squeeze %dma_start3A_1748 : memref<1x1x1x5x40xi32, #tpu.memory_space<hbm>> -> memref<5x40xi32, #tpu.memory_space<hbm>>
      %dma_start3A_1750 = arith.constant 0 : i32
      %dma_start3A_1751 = arith.constant 0 : i32
      %dma_start3A_1752 = tpu.memref_slice %arg5[%run_scoped3A_17, %dma_start3A_1750, %dma_start3A_1751] : memref<3x5x40xi32, #tpu.memory_space<vmem>> -> memref<1x5x40xi32, #tpu.memory_space<vmem>>
      %dma_start3A_1753 = tpu.memref_squeeze %dma_start3A_1752 : memref<1x5x40xi32, #tpu.memory_space<vmem>> -> memref<5x40xi32, #tpu.memory_space<vmem>>
      %dma_start3A_1754 = arith.constant 0 : i32
      %dma_start3A_1755 = arith.constant 0 : i32
      %dma_start3A_1756 = tpu.memref_slice %arg3[%run_scoped3A_15, %add3A, %run_scoped3A_16, %dma_start3A_1754, %dma_start3A_1755] : memref<2x32x50x5x40xi32, #tpu.memory_space<hbm>> -> memref<1x1x1x5x40xi32, #tpu.memory_space<hbm>>
      %dma_start3A_1757 = tpu.memref_squeeze %dma_start3A_1756 : memref<1x1x1x5x40xi32, #tpu.memory_space<hbm>> -> memref<5x40xi32, #tpu.memory_space<hbm>>
      tpu.enqueue_dma source(%dma_start3A_1757 : memref<5x40xi32, #tpu.memory_space<hbm>>) target(%dma_start3A_1753 : memref<5x40xi32, #tpu.memory_space<vmem>>) target_semaphore(%run_scoped3A_1741 : memref<!tpu.dma_semaphore, #tpu.memory_space<semaphore_mem>>)
      %dma_wait3A_1758 = arith.constant 0 : i32
      %dma_wait3A_1759 = arith.constant 0 : i32
      %dma_wait3A_1760 = tpu.memref_slice %arg5[%run_scoped3A_17, %dma_wait3A_1758, %dma_wait3A_1759] : memref<3x5x40xi32, #tpu.memory_space<vmem>> -> memref<1x5x40xi32, #tpu.memory_space<vmem>>
      %dma_wait3A_1761 = tpu.memref_squeeze %dma_wait3A_1760 : memref<1x5x40xi32, #tpu.memory_space<vmem>> -> memref<5x40xi32, #tpu.memory_space<vmem>>
      %dma_wait3A_1762 = arith.constant 0 : i32
      %dma_wait3A_1763 = arith.constant 0 : i32
      %dma_wait3A_1764 = tpu.memref_slice %arg3[%run_scoped3A_15, %add3A, %run_scoped3A_16, %dma_wait3A_1762, %dma_wait3A_1763] : memref<2x32x50x5x40xi32, #tpu.memory_space<hbm>> -> memref<1x1x1x5x40xi32, #tpu.memory_space<hbm>>
      %dma_wait3A_1765 = tpu.memref_squeeze %dma_wait3A_1764 : memref<1x1x1x5x40xi32, #tpu.memory_space<hbm>> -> memref<5x40xi32, #tpu.memory_space<hbm>>
      %dma_wait3A_1766 = arith.constant 0 : i32
      %dma_wait3A_1767 = arith.constant 0 : i32
      %dma_wait3A_1768 = tpu.memref_slice %arg5[%run_scoped3A_17, %dma_wait3A_1766, %dma_wait3A_1767] : memref<3x5x40xi32, #tpu.memory_space<vmem>> -> memref<1x5x40xi32, #tpu.memory_space<vmem>>
      %dma_wait3A_1769 = tpu.memref_squeeze %dma_wait3A_1768 : memref<1x5x40xi32, #tpu.memory_space<vmem>> -> memref<5x40xi32, #tpu.memory_space<vmem>>
      %dma_wait3A_1770 = arith.constant 0 : i32
      %dma_wait3A_1771 = arith.constant 0 : i32
      %dma_wait3A_1772 = tpu.memref_slice %arg3[%run_scoped3A_15, %add3A, %run_scoped3A_16, %dma_wait3A_1770, %dma_wait3A_1771] : memref<2x32x50x5x40xi32, #tpu.memory_space<hbm>> -> memref<1x1x1x5x40xi32, #tpu.memory_space<hbm>>
      %dma_wait3A_1773 = tpu.memref_squeeze %dma_wait3A_1772 : memref<1x1x1x5x40xi32, #tpu.memory_space<hbm>> -> memref<5x40xi32, #tpu.memory_space<hbm>>
      tpu.wait_dma2 semaphore(%run_scoped3A_1741 : memref<!tpu.dma_semaphore, #tpu.memory_space<semaphore_mem>>) src(%dma_wait3A_1773 : memref<5x40xi32, #tpu.memory_space<hbm>>) dst(%dma_wait3A_1769 : memref<5x40xi32, #tpu.memory_space<vmem>>)
      tpu.yield
    }) : () -> ()
    %run_scoped3A_18 = arith.constant 1 : i32
    %run_scoped3A_19 = arith.constant 1 : i32
    %run_scoped3A_20 = arith.constant 1 : i32
    "tpu.region"() ({
      %run_scoped3A_1741 = tpu.sem_alloc : memref<!tpu.dma_semaphore, #tpu.memory_space<semaphore_mem>>
      %dma_start3A_1742 = arith.constant 0 : i32
      %dma_start3A_1743 = arith.constant 0 : i32
      %dma_start3A_1744 = tpu.memref_slice %arg6[%run_scoped3A_20, %dma_start3A_1742, %dma_start3A_1743] : memref<3x5x40xi32, #tpu.memory_space<vmem>> -> memref<1x5x40xi32, #tpu.memory_space<vmem>>
      %dma_start3A_1745 = tpu.memref_squeeze %dma_start3A_1744 : memref<1x5x40xi32, #tpu.memory_space<vmem>> -> memref<5x40xi32, #tpu.memory_space<vmem>>
      %dma_start3A_1746 = arith.constant 0 : i32
      %dma_start3A_1747 = arith.constant 0 : i32
      %dma_start3A_1748 = tpu.memref_slice %arg3[%run_scoped3A_18, %add3A, %run_scoped3A_19, %dma_start3A_1746, %dma_start3A_1747] : memref<2x32x50x5x40xi32, #tpu.memory_space<hbm>> -> memref<1x1x1x5x40xi32, #tpu.memory_space<hbm>>
      %dma_start3A_1749 = tpu.memref_squeeze %dma_start3A_1748 : memref<1x1x1x5x40xi32, #tpu.memory_space<hbm>> -> memref<5x40xi32, #tpu.memory_space<hbm>>
      %dma_start3A_1750 = arith.constant 0 : i32
      %dma_start3A_1751 = arith.constant 0 : i32
      %dma_start3A_1752 = tpu.memref_slice %arg6[%run_scoped3A_20, %dma_start3A_1750, %dma_start3A_1751] : memref<3x5x40xi32, #tpu.memory_space<vmem>> -> memref<1x5x40xi32, #tpu.memory_space<vmem>>
      %dma_start3A_1753 = tpu.memref_squeeze %dma_start3A_1752 : memref<1x5x40xi32, #tpu.memory_space<vmem>> -> memref<5x40xi32, #tpu.memory_space<vmem>>
      %dma_start3A_1754 = arith.constant 0 : i32
      %dma_start3A_1755 = arith.constant 0 : i32
      %dma_start3A_1756 = tpu.memref_slice %arg3[%run_scoped3A_18, %add3A, %run_scoped3A_19, %dma_start3A_1754, %dma_start3A_1755] : memref<2x32x50x5x40xi32, #tpu.memory_space<hbm>> -> memref<1x1x1x5x40xi32, #tpu.memory_space<hbm>>
      %dma_start3A_1757 = tpu.memref_squeeze %dma_start3A_1756 : memref<1x1x1x5x40xi32, #tpu.memory_space<hbm>> -> memref<5x40xi32, #tpu.memory_space<hbm>>
      tpu.enqueue_dma source(%dma_start3A_1757 : memref<5x40xi32, #tpu.memory_space<hbm>>) target(%dma_start3A_1753 : memref<5x40xi32, #tpu.memory_space<vmem>>) target_semaphore(%run_scoped3A_1741 : memref<!tpu.dma_semaphore, #tpu.memory_space<semaphore_mem>>)
      %dma_wait3A_1758 = arith.constant 0 : i32
      %dma_wait3A_1759 = arith.constant 0 : i32
      %dma_wait3A_1760 = tpu.memref_slice %arg6[%run_scoped3A_20, %dma_wait3A_1758, %dma_wait3A_1759] : memref<3x5x40xi32, #tpu.memory_space<vmem>> -> memref<1x5x40xi32, #tpu.memory_space<vmem>>
      %dma_wait3A_1761 = tpu.memref_squeeze %dma_wait3A_1760 : memref<1x5x40xi32, #tpu.memory_space<vmem>> -> memref<5x40xi32, #tpu.memory_space<vmem>>
      %dma_wait3A_1762 = arith.constant 0 : i32
      %dma_wait3A_1763 = arith.constant 0 : i32
      %dma_wait3A_1764 = tpu.memref_slice %arg3[%run_scoped3A_18, %add3A, %run_scoped3A_19, %dma_wait3A_1762, %dma_wait3A_1763] : memref<2x32x50x5x40xi32, #tpu.memory_space<hbm>> -> memref<1x1x1x5x40xi32, #tpu.memory_space<hbm>>
      %dma_wait3A_1765 = tpu.memref_squeeze %dma_wait3A_1764 : memref<1x1x1x5x40xi32, #tpu.memory_space<hbm>> -> memref<5x40xi32, #tpu.memory_space<hbm>>
      %dma_wait3A_1766 = arith.constant 0 : i32
      %dma_wait3A_1767 = arith.constant 0 : i32
      %dma_wait3A_1768 = tpu.memref_slice %arg6[%run_scoped3A_20, %dma_wait3A_1766, %dma_wait3A_1767] : memref<3x5x40xi32, #tpu.memory_space<vmem>> -> memref<1x5x40xi32, #tpu.memory_space<vmem>>
      %dma_wait3A_1769 = tpu.memref_squeeze %dma_wait3A_1768 : memref<1x5x40xi32, #tpu.memory_space<vmem>> -> memref<5x40xi32, #tpu.memory_space<vmem>>
      %dma_wait3A_1770 = arith.constant 0 : i32
      %dma_wait3A_1771 = arith.constant 0 : i32
      %dma_wait3A_1772 = tpu.memref_slice %arg3[%run_scoped3A_18, %add3A, %run_scoped3A_19, %dma_wait3A_1770, %dma_wait3A_1771] : memref<2x32x50x5x40xi32, #tpu.memory_space<hbm>> -> memref<1x1x1x5x40xi32, #tpu.memory_space<hbm>>
      %dma_wait3A_1773 = tpu.memref_squeeze %dma_wait3A_1772 : memref<1x1x1x5x40xi32, #tpu.memory_space<hbm>> -> memref<5x40xi32, #tpu.memory_space<hbm>>
      tpu.wait_dma2 semaphore(%run_scoped3A_1741 : memref<!tpu.dma_semaphore, #tpu.memory_space<semaphore_mem>>) src(%dma_wait3A_1773 : memref<5x40xi32, #tpu.memory_space<hbm>>) dst(%dma_wait3A_1769 : memref<5x40xi32, #tpu.memory_space<vmem>>)
      tpu.yield
    }) : () -> ()
    %run_scoped3A_21 = arith.constant 0 : i32
    %run_scoped3A_22 = arith.constant 2 : i32
    %run_scoped3A_23 = arith.constant 2 : i32
    "tpu.region"() ({
      %run_scoped3A_1741 = tpu.sem_alloc : memref<!tpu.dma_semaphore, #tpu.memory_space<semaphore_mem>>
      %dma_start3A_1742 = arith.constant 0 : i32
      %dma_start3A_1743 = arith.constant 0 : i32
      %dma_start3A_1744 = tpu.memref_slice %arg5[%run_scoped3A_23, %dma_start3A_1742, %dma_start3A_1743] : memref<3x5x40xi32, #tpu.memory_space<vmem>> -> memref<1x5x40xi32, #tpu.memory_space<vmem>>
      %dma_start3A_1745 = tpu.memref_squeeze %dma_start3A_1744 : memref<1x5x40xi32, #tpu.memory_space<vmem>> -> memref<5x40xi32, #tpu.memory_space<vmem>>
      %dma_start3A_1746 = arith.constant 0 : i32
      %dma_start3A_1747 = arith.constant 0 : i32
      %dma_start3A_1748 = tpu.memref_slice %arg3[%run_scoped3A_21, %add3A, %run_scoped3A_22, %dma_start3A_1746, %dma_start3A_1747] : memref<2x32x50x5x40xi32, #tpu.memory_space<hbm>> -> memref<1x1x1x5x40xi32, #tpu.memory_space<hbm>>
      %dma_start3A_1749 = tpu.memref_squeeze %dma_start3A_1748 : memref<1x1x1x5x40xi32, #tpu.memory_space<hbm>> -> memref<5x40xi32, #tpu.memory_space<hbm>>
      %dma_start3A_1750 = arith.constant 0 : i32
      %dma_start3A_1751 = arith.constant 0 : i32
      %dma_start3A_1752 = tpu.memref_slice %arg5[%run_scoped3A_23, %dma_start3A_1750, %dma_start3A_1751] : memref<3x5x40xi32, #tpu.memory_space<vmem>> -> memref<1x5x40xi32, #tpu.memory_space<vmem>>
      %dma_start3A_1753 = tpu.memref_squeeze %dma_start3A_1752 : memref<1x5x40xi32, #tpu.memory_space<vmem>> -> memref<5x40xi32, #tpu.memory_space<vmem>>
      %dma_start3A_1754 = arith.constant 0 : i32
      %dma_start3A_1755 = arith.constant 0 : i32
      %dma_start3A_1756 = tpu.memref_slice %arg3[%run_scoped3A_21, %add3A, %run_scoped3A_22, %dma_start3A_1754, %dma_start3A_1755] : memref<2x32x50x5x40xi32, #tpu.memory_space<hbm>> -> memref<1x1x1x5x40xi32, #tpu.memory_space<hbm>>
      %dma_start3A_1757 = tpu.memref_squeeze %dma_start3A_1756 : memref<1x1x1x5x40xi32, #tpu.memory_space<hbm>> -> memref<5x40xi32, #tpu.memory_space<hbm>>
      tpu.enqueue_dma source(%dma_start3A_1757 : memref<5x40xi32, #tpu.memory_space<hbm>>) target(%dma_start3A_1753 : memref<5x40xi32, #tpu.memory_space<vmem>>) target_semaphore(%run_scoped3A_1741 : memref<!tpu.dma_semaphore, #tpu.memory_space<semaphore_mem>>)
      %dma_wait3A_1758 = arith.constant 0 : i32
      %dma_wait3A_1759 = arith.constant 0 : i32
      %dma_wait3A_1760 = tpu.memref_slice %arg5[%run_scoped3A_23, %dma_wait3A_1758, %dma_wait3A_1759] : memref<3x5x40xi32, #tpu.memory_space<vmem>> -> memref<1x5x40xi32, #tpu.memory_space<vmem>>
      %dma_wait3A_1761 = tpu.memref_squeeze %dma_wait3A_1760 : memref<1x5x40xi32, #tpu.memory_space<vmem>> -> memref<5x40xi32, #tpu.memory_space<vmem>>
      %dma_wait3A_1762 = arith.constant 0 : i32
      %dma_wait3A_1763 = arith.constant 0 : i32
      %dma_wait3A_1764 = tpu.memref_slice %arg3[%run_scoped3A_21, %add3A, %run_scoped3A_22, %dma_wait3A_1762, %dma_wait3A_1763] : memref<2x32x50x5x40xi32, #tpu.memory_space<hbm>> -> memref<1x1x1x5x40xi32, #tpu.memory_space<hbm>>
      %dma_wait3A_1765 = tpu.memref_squeeze %dma_wait3A_1764 : memref<1x1x1x5x40xi32, #tpu.memory_space<hbm>> -> memref<5x40xi32, #tpu.memory_space<hbm>>
      %dma_wait3A_1766 = arith.constant 0 : i32
      %dma_wait3A_1767 = arith.constant 0 : i32
      %dma_wait3A_1768 = tpu.memref_slice %arg5[%run_scoped3A_23, %dma_wait3A_1766, %dma_wait3A_1767] : memref<3x5x40xi32, #tpu.memory_space<vmem>> -> memref<1x5x40xi32, #tpu.memory_space<vmem>>
      %dma_wait3A_1769 = tpu.memref_squeeze %dma_wait3A_1768 : memref<1x5x40xi32, #tpu.memory_space<vmem>> -> memref<5x40xi32, #tpu.memory_space<vmem>>
      %dma_wait3A_1770 = arith.constant 0 : i32
      %dma_wait3A_1771 = arith.constant 0 : i32
      %dma_wait3A_1772 = tpu.memref_slice %arg3[%run_scoped3A_21, %add3A, %run_scoped3A_22, %dma_wait3A_1770, %dma_wait3A_1771] : memref<2x32x50x5x40xi32, #tpu.memory_space<hbm>> -> memref<1x1x1x5x40xi32, #tpu.memory_space<hbm>>
      %dma_wait3A_1773 = tpu.memref_squeeze %dma_wait3A_1772 : memref<1x1x1x5x40xi32, #tpu.memory_space<hbm>> -> memref<5x40xi32, #tpu.memory_space<hbm>>
      tpu.wait_dma2 semaphore(%run_scoped3A_1741 : memref<!tpu.dma_semaphore, #tpu.memory_space<semaphore_mem>>) src(%dma_wait3A_1773 : memref<5x40xi32, #tpu.memory_space<hbm>>) dst(%dma_wait3A_1769 : memref<5x40xi32, #tpu.memory_space<vmem>>)
      tpu.yield
    }) : () -> ()
    %run_scoped3A_24 = arith.constant 1 : i32
    %run_scoped3A_25 = arith.constant 2 : i32
    %run_scoped3A_26 = arith.constant 2 : i32
    "tpu.region"() ({
      %run_scoped3A_1741 = tpu.sem_alloc : memref<!tpu.dma_semaphore, #tpu.memory_space<semaphore_mem>>
      %dma_start3A_1742 = arith.constant 0 : i32
      %dma_start3A_1743 = arith.constant 0 : i32
      %dma_start3A_1744 = tpu.memref_slice %arg6[%run_scoped3A_26, %dma_start3A_1742, %dma_start3A_1743] : memref<3x5x40xi32, #tpu.memory_space<vmem>> -> memref<1x5x40xi32, #tpu.memory_space<vmem>>
      %dma_start3A_1745 = tpu.memref_squeeze %dma_start3A_1744 : memref<1x5x40xi32, #tpu.memory_space<vmem>> -> memref<5x40xi32, #tpu.memory_space<vmem>>
      %dma_start3A_1746 = arith.constant 0 : i32
      %dma_start3A_1747 = arith.constant 0 : i32
      %dma_start3A_1748 = tpu.memref_slice %arg3[%run_scoped3A_24, %add3A, %run_scoped3A_25, %dma_start3A_1746, %dma_start3A_1747] : memref<2x32x50x5x40xi32, #tpu.memory_space<hbm>> -> memref<1x1x1x5x40xi32, #tpu.memory_space<hbm>>
      %dma_start3A_1749 = tpu.memref_squeeze %dma_start3A_1748 : memref<1x1x1x5x40xi32, #tpu.memory_space<hbm>> -> memref<5x40xi32, #tpu.memory_space<hbm>>
      %dma_start3A_1750 = arith.constant 0 : i32
      %dma_start3A_1751 = arith.constant 0 : i32
      %dma_start3A_1752 = tpu.memref_slice %arg6[%run_scoped3A_26, %dma_start3A_1750, %dma_start3A_1751] : memref<3x5x40xi32, #tpu.memory_space<vmem>> -> memref<1x5x40xi32, #tpu.memory_space<vmem>>
      %dma_start3A_1753 = tpu.memref_squeeze %dma_start3A_1752 : memref<1x5x40xi32, #tpu.memory_space<vmem>> -> memref<5x40xi32, #tpu.memory_space<vmem>>
      %dma_start3A_1754 = arith.constant 0 : i32
      %dma_start3A_1755 = arith.constant 0 : i32
      %dma_start3A_1756 = tpu.memref_slice %arg3[%run_scoped3A_24, %add3A, %run_scoped3A_25, %dma_start3A_1754, %dma_start3A_1755] : memref<2x32x50x5x40xi32, #tpu.memory_space<hbm>> -> memref<1x1x1x5x40xi32, #tpu.memory_space<hbm>>
      %dma_start3A_1757 = tpu.memref_squeeze %dma_start3A_1756 : memref<1x1x1x5x40xi32, #tpu.memory_space<hbm>> -> memref<5x40xi32, #tpu.memory_space<hbm>>
      tpu.enqueue_dma source(%dma_start3A_1757 : memref<5x40xi32, #tpu.memory_space<hbm>>) target(%dma_start3A_1753 : memref<5x40xi32, #tpu.memory_space<vmem>>) target_semaphore(%run_scoped3A_1741 : memref<!tpu.dma_semaphore, #tpu.memory_space<semaphore_mem>>)
      %dma_wait3A_1758 = arith.constant 0 : i32
      %dma_wait3A_1759 = arith.constant 0 : i32
      %dma_wait3A_1760 = tpu.memref_slice %arg6[%run_scoped3A_26, %dma_wait3A_1758, %dma_wait3A_1759] : memref<3x5x40xi32, #tpu.memory_space<vmem>> -> memref<1x5x40xi32, #tpu.memory_space<vmem>>
      %dma_wait3A_1761 = tpu.memref_squeeze %dma_wait3A_1760 : memref<1x5x40xi32, #tpu.memory_space<vmem>> -> memref<5x40xi32, #tpu.memory_space<vmem>>
      %dma_wait3A_1762 = arith.constant 0 : i32
      %dma_wait3A_1763 = arith.constant 0 : i32
      %dma_wait3A_1764 = tpu.memref_slice %arg3[%run_scoped3A_24, %add3A, %run_scoped3A_25, %dma_wait3A_1762, %dma_wait3A_1763] : memref<2x32x50x5x40xi32, #tpu.memory_space<hbm>> -> memref<1x1x1x5x40xi32, #tpu.memory_space<hbm>>
      %dma_wait3A_1765 = tpu.memref_squeeze %dma_wait3A_1764 : memref<1x1x1x5x40xi32, #tpu.memory_space<hbm>> -> memref<5x40xi32, #tpu.memory_space<hbm>>
      %dma_wait3A_1766 = arith.constant 0 : i32
      %dma_wait3A_1767 = arith.constant 0 : i32
      %dma_wait3A_1768 = tpu.memref_slice %arg6[%run_scoped3A_26, %dma_wait3A_1766, %dma_wait3A_1767] : memref<3x5x40xi32, #tpu.memory_space<vmem>> -> memref<1x5x40xi32, #tpu.memory_space<vmem>>
      %dma_wait3A_1769 = tpu.memref_squeeze %dma_wait3A_1768 : memref<1x5x40xi32, #tpu.memory_space<vmem>> -> memref<5x40xi32, #tpu.memory_space<vmem>>
      %dma_wait3A_1770 = arith.constant 0 : i32
      %dma_wait3A_1771 = arith.constant 0 : i32
      %dma_wait3A_1772 = tpu.memref_slice %arg3[%run_scoped3A_24, %add3A, %run_scoped3A_25, %dma_wait3A_1770, %dma_wait3A_1771] : memref<2x32x50x5x40xi32, #tpu.memory_space<hbm>> -> memref<1x1x1x5x40xi32, #tpu.memory_space<hbm>>
      %dma_wait3A_1773 = tpu.memref_squeeze %dma_wait3A_1772 : memref<1x1x1x5x40xi32, #tpu.memory_space<hbm>> -> memref<5x40xi32, #tpu.memory_space<hbm>>
      tpu.wait_dma2 semaphore(%run_scoped3A_1741 : memref<!tpu.dma_semaphore, #tpu.memory_space<semaphore_mem>>) src(%dma_wait3A_1773 : memref<5x40xi32, #tpu.memory_space<hbm>>) dst(%dma_wait3A_1769 : memref<5x40xi32, #tpu.memory_space<vmem>>)
      tpu.yield
    }) : () -> ()
    %dma_start3A = arith.constant 0 : i32
    %dma_start3A_27 = arith.constant 0 : i32
    %dma_start3A_28 = arith.constant 0 : i32
    %dma_start3A_29 = arith.constant 0 : i32
    %dma_start3A_30 = arith.constant 0 : i32
    %dma_start3A_31 = arith.constant 0 : i32
    %dma_start3A_32 = tpu.memref_slice %arg7[%dma_start3A_28, %dma_start3A_30, %dma_start3A_31] : memref<5x40x128xf32, #tpu.memory_space<vmem>> -> memref<1x40x128xf32, #tpu.memory_space<vmem>>
    %dma_start3A_33 = tpu.memref_squeeze %dma_start3A_32 : memref<1x40x128xf32, #tpu.memory_space<vmem>> -> memref<40x128xf32, #tpu.memory_space<vmem>>
    %dma_start3A_34 = arith.constant 0 : i32
    %dma_start3A_35 = tpu.memref_slice %arg5[%dma_start3A, %dma_start3A_27, %dma_start3A_34] : memref<3x5x40xi32, #tpu.memory_space<vmem>> -> memref<1x1x40xi32, #tpu.memory_space<vmem>>
    %dma_start3A_36 = tpu.memref_squeeze %dma_start3A_35 : memref<1x1x40xi32, #tpu.memory_space<vmem>> -> memref<40xi32, #tpu.memory_space<vmem>>
    %dma_start3A_37 = arith.constant 0 : i32
    %dma_start3A_38 = arith.constant 0 : i32
    %dma_start3A_39 = tpu.memref_slice %arg2[%dma_start3A_37, %dma_start3A_38] : memref<10000x128xf32, #tpu.memory_space<hbm>> -> memref<10000x128xf32, #tpu.memory_space<hbm>>
    %dma_start3A_40 = tpu.memref_slice %arg9[%dma_start3A_29] : memref<5x!tpu.dma_semaphore, #tpu.memory_space<semaphore_mem>> -> memref<1x!tpu.dma_semaphore, #tpu.memory_space<semaphore_mem>>
    %dma_start3A_41 = tpu.memref_squeeze %dma_start3A_40 : memref<1x!tpu.dma_semaphore, #tpu.memory_space<semaphore_mem>> -> memref<!tpu.dma_semaphore, #tpu.memory_space<semaphore_mem>>
    tpu.enqueue_indirect_dma source(%dma_start3A_39 : memref<10000x128xf32, #tpu.memory_space<hbm>>) target(%dma_start3A_33 : memref<40x128xf32, #tpu.memory_space<vmem>>) offsets(%dma_start3A_36 : memref<40xi32, #tpu.memory_space<vmem>>) semaphore(%dma_start3A_41 : memref<!tpu.dma_semaphore, #tpu.memory_space<semaphore_mem>>)
    %dma_start3A_42 = arith.constant 0 : i32
    %dma_start3A_43 = arith.constant 1 : i32
    %dma_start3A_44 = arith.constant 1 : i32
    %dma_start3A_45 = arith.constant 1 : i32
    %dma_start3A_46 = arith.constant 0 : i32
    %dma_start3A_47 = arith.constant 0 : i32
    %dma_start3A_48 = tpu.memref_slice %arg7[%dma_start3A_44, %dma_start3A_46, %dma_start3A_47] : memref<5x40x128xf32, #tpu.memory_space<vmem>> -> memref<1x40x128xf32, #tpu.memory_space<vmem>>
    %dma_start3A_49 = tpu.memref_squeeze %dma_start3A_48 : memref<1x40x128xf32, #tpu.memory_space<vmem>> -> memref<40x128xf32, #tpu.memory_space<vmem>>
    %dma_start3A_50 = arith.constant 0 : i32
    %dma_start3A_51 = tpu.memref_slice %arg5[%dma_start3A_42, %dma_start3A_43, %dma_start3A_50] : memref<3x5x40xi32, #tpu.memory_space<vmem>> -> memref<1x1x40xi32, #tpu.memory_space<vmem>>
    %dma_start3A_52 = tpu.memref_squeeze %dma_start3A_51 : memref<1x1x40xi32, #tpu.memory_space<vmem>> -> memref<40xi32, #tpu.memory_space<vmem>>
    %dma_start3A_53 = arith.constant 0 : i32
    %dma_start3A_54 = arith.constant 0 : i32
    %dma_start3A_55 = tpu.memref_slice %arg2[%dma_start3A_53, %dma_start3A_54] : memref<10000x128xf32, #tpu.memory_space<hbm>> -> memref<10000x128xf32, #tpu.memory_space<hbm>>
    %dma_start3A_56 = tpu.memref_slice %arg9[%dma_start3A_45] : memref<5x!tpu.dma_semaphore, #tpu.memory_space<semaphore_mem>> -> memref<1x!tpu.dma_semaphore, #tpu.memory_space<semaphore_mem>>
    %dma_start3A_57 = tpu.memref_squeeze %dma_start3A_56 : memref<1x!tpu.dma_semaphore, #tpu.memory_space<semaphore_mem>> -> memref<!tpu.dma_semaphore, #tpu.memory_space<semaphore_mem>>
    tpu.enqueue_indirect_dma source(%dma_start3A_55 : memref<10000x128xf32, #tpu.memory_space<hbm>>) target(%dma_start3A_49 : memref<40x128xf32, #tpu.memory_space<vmem>>) offsets(%dma_start3A_52 : memref<40xi32, #tpu.memory_space<vmem>>) semaphore(%dma_start3A_57 : memref<!tpu.dma_semaphore, #tpu.memory_space<semaphore_mem>>)
    %dma_start3A_58 = arith.constant 0 : i32
    %dma_start3A_59 = arith.constant 2 : i32
    %dma_start3A_60 = arith.constant 2 : i32
    %dma_start3A_61 = arith.constant 2 : i32
    %dma_start3A_62 = arith.constant 0 : i32
    %dma_start3A_63 = arith.constant 0 : i32
    %dma_start3A_64 = tpu.memref_slice %arg7[%dma_start3A_60, %dma_start3A_62, %dma_start3A_63] : memref<5x40x128xf32, #tpu.memory_space<vmem>> -> memref<1x40x128xf32, #tpu.memory_space<vmem>>
    %dma_start3A_65 = tpu.memref_squeeze %dma_start3A_64 : memref<1x40x128xf32, #tpu.memory_space<vmem>> -> memref<40x128xf32, #tpu.memory_space<vmem>>
    %dma_start3A_66 = arith.constant 0 : i32
    %dma_start3A_67 = tpu.memref_slice %arg5[%dma_start3A_58, %dma_start3A_59, %dma_start3A_66] : memref<3x5x40xi32, #tpu.memory_space<vmem>> -> memref<1x1x40xi32, #tpu.memory_space<vmem>>
    %dma_start3A_68 = tpu.memref_squeeze %dma_start3A_67 : memref<1x1x40xi32, #tpu.memory_space<vmem>> -> memref<40xi32, #tpu.memory_space<vmem>>
    %dma_start3A_69 = arith.constant 0 : i32
    %dma_start3A_70 = arith.constant 0 : i32
    %dma_start3A_71 = tpu.memref_slice %arg2[%dma_start3A_69, %dma_start3A_70] : memref<10000x128xf32, #tpu.memory_space<hbm>> -> memref<10000x128xf32, #tpu.memory_space<hbm>>
    %dma_start3A_72 = tpu.memref_slice %arg9[%dma_start3A_61] : memref<5x!tpu.dma_semaphore, #tpu.memory_space<semaphore_mem>> -> memref<1x!tpu.dma_semaphore, #tpu.memory_space<semaphore_mem>>
    %dma_start3A_73 = tpu.memref_squeeze %dma_start3A_72 : memref<1x!tpu.dma_semaphore, #tpu.memory_space<semaphore_mem>> -> memref<!tpu.dma_semaphore, #tpu.memory_space<semaphore_mem>>
    tpu.enqueue_indirect_dma source(%dma_start3A_71 : memref<10000x128xf32, #tpu.memory_space<hbm>>) target(%dma_start3A_65 : memref<40x128xf32, #tpu.memory_space<vmem>>) offsets(%dma_start3A_68 : memref<40xi32, #tpu.memory_space<vmem>>) semaphore(%dma_start3A_73 : memref<!tpu.dma_semaphore, #tpu.memory_space<semaphore_mem>>)
    %dma_start3A_74 = arith.constant 0 : i32
    %dma_start3A_75 = arith.constant 3 : i32
    %dma_start3A_76 = arith.constant 3 : i32
    %dma_start3A_77 = arith.constant 3 : i32
    %dma_start3A_78 = arith.constant 0 : i32
    %dma_start3A_79 = arith.constant 0 : i32
    %dma_start3A_80 = tpu.memref_slice %arg7[%dma_start3A_76, %dma_start3A_78, %dma_start3A_79] : memref<5x40x128xf32, #tpu.memory_space<vmem>> -> memref<1x40x128xf32, #tpu.memory_space<vmem>>
    %dma_start3A_81 = tpu.memref_squeeze %dma_start3A_80 : memref<1x40x128xf32, #tpu.memory_space<vmem>> -> memref<40x128xf32, #tpu.memory_space<vmem>>
    %dma_start3A_82 = arith.constant 0 : i32
    %dma_start3A_83 = tpu.memref_slice %arg5[%dma_start3A_74, %dma_start3A_75, %dma_start3A_82] : memref<3x5x40xi32, #tpu.memory_space<vmem>> -> memref<1x1x40xi32, #tpu.memory_space<vmem>>
    %dma_start3A_84 = tpu.memref_squeeze %dma_start3A_83 : memref<1x1x40xi32, #tpu.memory_space<vmem>> -> memref<40xi32, #tpu.memory_space<vmem>>
    %dma_start3A_85 = arith.constant 0 : i32
    %dma_start3A_86 = arith.constant 0 : i32
    %dma_start3A_87 = tpu.memref_slice %arg2[%dma_start3A_85, %dma_start3A_86] : memref<10000x128xf32, #tpu.memory_space<hbm>> -> memref<10000x128xf32, #tpu.memory_space<hbm>>
    %dma_start3A_88 = tpu.memref_slice %arg9[%dma_start3A_77] : memref<5x!tpu.dma_semaphore, #tpu.memory_space<semaphore_mem>> -> memref<1x!tpu.dma_semaphore, #tpu.memory_space<semaphore_mem>>
    %dma_start3A_89 = tpu.memref_squeeze %dma_start3A_88 : memref<1x!tpu.dma_semaphore, #tpu.memory_space<semaphore_mem>> -> memref<!tpu.dma_semaphore, #tpu.memory_space<semaphore_mem>>
    tpu.enqueue_indirect_dma source(%dma_start3A_87 : memref<10000x128xf32, #tpu.memory_space<hbm>>) target(%dma_start3A_81 : memref<40x128xf32, #tpu.memory_space<vmem>>) offsets(%dma_start3A_84 : memref<40xi32, #tpu.memory_space<vmem>>) semaphore(%dma_start3A_89 : memref<!tpu.dma_semaphore, #tpu.memory_space<semaphore_mem>>)
    %dma_start3A_90 = arith.constant 0 : i32
    %dma_start3A_91 = arith.constant 4 : i32
    %dma_start3A_92 = arith.constant 4 : i32
    %dma_start3A_93 = arith.constant 4 : i32
    %dma_start3A_94 = arith.constant 0 : i32
    %dma_start3A_95 = arith.constant 0 : i32
    %dma_start3A_96 = tpu.memref_slice %arg7[%dma_start3A_92, %dma_start3A_94, %dma_start3A_95] : memref<5x40x128xf32, #tpu.memory_space<vmem>> -> memref<1x40x128xf32, #tpu.memory_space<vmem>>
    %dma_start3A_97 = tpu.memref_squeeze %dma_start3A_96 : memref<1x40x128xf32, #tpu.memory_space<vmem>> -> memref<40x128xf32, #tpu.memory_space<vmem>>
    %dma_start3A_98 = arith.constant 0 : i32
    %dma_start3A_99 = tpu.memref_slice %arg5[%dma_start3A_90, %dma_start3A_91, %dma_start3A_98] : memref<3x5x40xi32, #tpu.memory_space<vmem>> -> memref<1x1x40xi32, #tpu.memory_space<vmem>>
    %dma_start3A_100 = tpu.memref_squeeze %dma_start3A_99 : memref<1x1x40xi32, #tpu.memory_space<vmem>> -> memref<40xi32, #tpu.memory_space<vmem>>
    %dma_start3A_101 = arith.constant 0 : i32
    %dma_start3A_102 = arith.constant 0 : i32
    %dma_start3A_103 = tpu.memref_slice %arg2[%dma_start3A_101, %dma_start3A_102] : memref<10000x128xf32, #tpu.memory_space<hbm>> -> memref<10000x128xf32, #tpu.memory_space<hbm>>
    %dma_start3A_104 = tpu.memref_slice %arg9[%dma_start3A_93] : memref<5x!tpu.dma_semaphore, #tpu.memory_space<semaphore_mem>> -> memref<1x!tpu.dma_semaphore, #tpu.memory_space<semaphore_mem>>
    %dma_start3A_105 = tpu.memref_squeeze %dma_start3A_104 : memref<1x!tpu.dma_semaphore, #tpu.memory_space<semaphore_mem>> -> memref<!tpu.dma_semaphore, #tpu.memory_space<semaphore_mem>>
    tpu.enqueue_indirect_dma source(%dma_start3A_103 : memref<10000x128xf32, #tpu.memory_space<hbm>>) target(%dma_start3A_97 : memref<40x128xf32, #tpu.memory_space<vmem>>) offsets(%dma_start3A_100 : memref<40xi32, #tpu.memory_space<vmem>>) semaphore(%dma_start3A_105 : memref<!tpu.dma_semaphore, #tpu.memory_space<semaphore_mem>>)
    %dma_wait3A = arith.constant 0 : i32
    %dma_wait3A_106 = arith.constant 0 : i32
    %dma_wait3A_107 = arith.constant 0 : i32
    %dma_wait3A_108 = arith.constant 0 : i32
    %dma_wait3A_109 = tpu.memref_slice %arg7[%dma_wait3A, %dma_wait3A_107, %dma_wait3A_108] : memref<5x40x128xf32, #tpu.memory_space<vmem>> -> memref<1x40x128xf32, #tpu.memory_space<vmem>>
    %dma_wait3A_110 = tpu.memref_squeeze %dma_wait3A_109 : memref<1x40x128xf32, #tpu.memory_space<vmem>> -> memref<40x128xf32, #tpu.memory_space<vmem>>
    %dma_wait3A_111 = arith.constant 0 : i32
    %dma_wait3A_112 = arith.constant 0 : i32
    %dma_wait3A_113 = tpu.memref_slice %arg2[%dma_wait3A_111, %dma_wait3A_112] : memref<10000x128xf32, #tpu.memory_space<hbm>> -> memref<40x128xf32, #tpu.memory_space<hbm>>
    %dma_wait3A_114 = tpu.memref_slice %arg9[%dma_wait3A_106] : memref<5x!tpu.dma_semaphore, #tpu.memory_space<semaphore_mem>> -> memref<1x!tpu.dma_semaphore, #tpu.memory_space<semaphore_mem>>
    %dma_wait3A_115 = tpu.memref_squeeze %dma_wait3A_114 : memref<1x!tpu.dma_semaphore, #tpu.memory_space<semaphore_mem>> -> memref<!tpu.dma_semaphore, #tpu.memory_space<semaphore_mem>>
    %dma_wait3A_116 = arith.constant 0 : i32
    %dma_wait3A_117 = arith.constant 0 : i32
    %dma_wait3A_118 = tpu.memref_slice %arg7[%dma_wait3A, %dma_wait3A_116, %dma_wait3A_117] : memref<5x40x128xf32, #tpu.memory_space<vmem>> -> memref<1x40x128xf32, #tpu.memory_space<vmem>>
    %dma_wait3A_119 = tpu.memref_squeeze %dma_wait3A_118 : memref<1x40x128xf32, #tpu.memory_space<vmem>> -> memref<40x128xf32, #tpu.memory_space<vmem>>
    %dma_wait3A_120 = arith.constant 0 : i32
    %dma_wait3A_121 = arith.constant 0 : i32
    %dma_wait3A_122 = tpu.memref_slice %arg2[%dma_wait3A_120, %dma_wait3A_121] : memref<10000x128xf32, #tpu.memory_space<hbm>> -> memref<40x128xf32, #tpu.memory_space<hbm>>
    tpu.wait_dma2 semaphore(%dma_wait3A_115 : memref<!tpu.dma_semaphore, #tpu.memory_space<semaphore_mem>>) src(%dma_wait3A_122 : memref<40x128xf32, #tpu.memory_space<hbm>>) dst(%dma_wait3A_119 : memref<40x128xf32, #tpu.memory_space<vmem>>)
    %dma_start3A_123 = arith.constant 0 : i32
    %dma_start3A_124 = arith.constant 0 : i32
    %dma_start3A_125 = arith.constant 0 : i32
    %dma_start3A_126 = arith.constant 0 : i32
    %dma_start3A_127 = arith.constant 0 : i32
    %dma_start3A_128 = tpu.memref_slice %arg7[%dma_start3A_123, %dma_start3A_126, %dma_start3A_127] : memref<5x40x128xf32, #tpu.memory_space<vmem>> -> memref<1x40x128xf32, #tpu.memory_space<vmem>>
    %dma_start3A_129 = tpu.memref_squeeze %dma_start3A_128 : memref<1x40x128xf32, #tpu.memory_space<vmem>> -> memref<40x128xf32, #tpu.memory_space<vmem>>
    %dma_start3A_130 = arith.constant 0 : i32
    %dma_start3A_131 = tpu.memref_slice %arg6[%dma_start3A_124, %dma_start3A_125, %dma_start3A_130] : memref<3x5x40xi32, #tpu.memory_space<vmem>> -> memref<1x1x40xi32, #tpu.memory_space<vmem>>
    %dma_start3A_132 = tpu.memref_squeeze %dma_start3A_131 : memref<1x1x40xi32, #tpu.memory_space<vmem>> -> memref<40xi32, #tpu.memory_space<vmem>>
    %dma_start3A_133 = arith.constant 0 : i32
    %dma_start3A_134 = arith.constant 0 : i32
    %dma_start3A_135 = tpu.memref_slice %arg8[%dma_start3A_133, %dma_start3A_134] : memref<10240x128xf32, #tpu.memory_space<vmem_shared>> -> memref<10240x128xf32, #tpu.memory_space<vmem_shared>>
    tpu.enqueue_indirect_dma source(%dma_start3A_129 : memref<40x128xf32, #tpu.memory_space<vmem>>) target(%dma_start3A_135 : memref<10240x128xf32, #tpu.memory_space<vmem_shared>>) offsets(%dma_start3A_132 : memref<40xi32, #tpu.memory_space<vmem>>) semaphore(%arg10 : memref<!tpu.dma_semaphore, #tpu.memory_space<semaphore_mem>>) {add = true}
    %dma_wait3A_136 = arith.constant 0 : i32
    %dma_wait3A_137 = arith.constant 0 : i32
    %dma_wait3A_138 = arith.constant 0 : i32
    %dma_wait3A_139 = tpu.memref_slice %arg7[%dma_wait3A_136, %dma_wait3A_137, %dma_wait3A_138] : memref<5x40x128xf32, #tpu.memory_space<vmem>> -> memref<1x40x128xf32, #tpu.memory_space<vmem>>
    %dma_wait3A_140 = tpu.memref_squeeze %dma_wait3A_139 : memref<1x40x128xf32, #tpu.memory_space<vmem>> -> memref<40x128xf32, #tpu.memory_space<vmem>>
    %dma_wait3A_141 = arith.constant 0 : i32
    %dma_wait3A_142 = arith.constant 0 : i32
    %dma_wait3A_143 = tpu.memref_slice %arg2[%dma_wait3A_141, %dma_wait3A_142] : memref<10000x128xf32, #tpu.memory_space<hbm>> -> memref<40x128xf32, #tpu.memory_space<hbm>>
    %dma_wait3A_144 = arith.constant 0 : i32
    %dma_wait3A_145 = arith.constant 0 : i32
    %dma_wait3A_146 = tpu.memref_slice %arg7[%dma_wait3A_136, %dma_wait3A_144, %dma_wait3A_145] : memref<5x40x128xf32, #tpu.memory_space<vmem>> -> memref<1x40x128xf32, #tpu.memory_space<vmem>>
    %dma_wait3A_147 = tpu.memref_squeeze %dma_wait3A_146 : memref<1x40x128xf32, #tpu.memory_space<vmem>> -> memref<40x128xf32, #tpu.memory_space<vmem>>
    %dma_wait3A_148 = arith.constant 0 : i32
    %dma_wait3A_149 = arith.constant 0 : i32
    %dma_wait3A_150 = tpu.memref_slice %arg2[%dma_wait3A_148, %dma_wait3A_149] : memref<10000x128xf32, #tpu.memory_space<hbm>> -> memref<40x128xf32, #tpu.memory_space<hbm>>
    tpu.wait_dma2 semaphore(%arg10 : memref<!tpu.dma_semaphore, #tpu.memory_space<semaphore_mem>>) src(%dma_wait3A_150 : memref<40x128xf32, #tpu.memory_space<hbm>>) dst(%dma_wait3A_147 : memref<40x128xf32, #tpu.memory_space<vmem>>)
    %dma_start3A_151 = arith.constant 1 : i32
    %dma_start3A_152 = arith.constant 0 : i32
    %dma_start3A_153 = arith.constant 0 : i32
    %dma_start3A_154 = arith.constant 0 : i32
    %dma_start3A_155 = arith.constant 0 : i32
    %dma_start3A_156 = arith.constant 0 : i32
    %dma_start3A_157 = tpu.memref_slice %arg7[%dma_start3A_153, %dma_start3A_155, %dma_start3A_156] : memref<5x40x128xf32, #tpu.memory_space<vmem>> -> memref<1x40x128xf32, #tpu.memory_space<vmem>>
    %dma_start3A_158 = tpu.memref_squeeze %dma_start3A_157 : memref<1x40x128xf32, #tpu.memory_space<vmem>> -> memref<40x128xf32, #tpu.memory_space<vmem>>
    %dma_start3A_159 = arith.constant 0 : i32
    %dma_start3A_160 = tpu.memref_slice %arg5[%dma_start3A_151, %dma_start3A_152, %dma_start3A_159] : memref<3x5x40xi32, #tpu.memory_space<vmem>> -> memref<1x1x40xi32, #tpu.memory_space<vmem>>
    %dma_start3A_161 = tpu.memref_squeeze %dma_start3A_160 : memref<1x1x40xi32, #tpu.memory_space<vmem>> -> memref<40xi32, #tpu.memory_space<vmem>>
    %dma_start3A_162 = arith.constant 0 : i32
    %dma_start3A_163 = arith.constant 0 : i32
    %dma_start3A_164 = tpu.memref_slice %arg2[%dma_start3A_162, %dma_start3A_163] : memref<10000x128xf32, #tpu.memory_space<hbm>> -> memref<10000x128xf32, #tpu.memory_space<hbm>>
    %dma_start3A_165 = tpu.memref_slice %arg9[%dma_start3A_154] : memref<5x!tpu.dma_semaphore, #tpu.memory_space<semaphore_mem>> -> memref<1x!tpu.dma_semaphore, #tpu.memory_space<semaphore_mem>>
    %dma_start3A_166 = tpu.memref_squeeze %dma_start3A_165 : memref<1x!tpu.dma_semaphore, #tpu.memory_space<semaphore_mem>> -> memref<!tpu.dma_semaphore, #tpu.memory_space<semaphore_mem>>
    tpu.enqueue_indirect_dma source(%dma_start3A_164 : memref<10000x128xf32, #tpu.memory_space<hbm>>) target(%dma_start3A_158 : memref<40x128xf32, #tpu.memory_space<vmem>>) offsets(%dma_start3A_161 : memref<40xi32, #tpu.memory_space<vmem>>) semaphore(%dma_start3A_166 : memref<!tpu.dma_semaphore, #tpu.memory_space<semaphore_mem>>)
    %dma_wait3A_167 = arith.constant 1 : i32
    %dma_wait3A_168 = arith.constant 1 : i32
    %dma_wait3A_169 = arith.constant 0 : i32
    %dma_wait3A_170 = arith.constant 0 : i32
    %dma_wait3A_171 = tpu.memref_slice %arg7[%dma_wait3A_167, %dma_wait3A_169, %dma_wait3A_170] : memref<5x40x128xf32, #tpu.memory_space<vmem>> -> memref<1x40x128xf32, #tpu.memory_space<vmem>>
    %dma_wait3A_172 = tpu.memref_squeeze %dma_wait3A_171 : memref<1x40x128xf32, #tpu.memory_space<vmem>> -> memref<40x128xf32, #tpu.memory_space<vmem>>
    %dma_wait3A_173 = arith.constant 0 : i32
    %dma_wait3A_174 = arith.constant 0 : i32
    %dma_wait3A_175 = tpu.memref_slice %arg2[%dma_wait3A_173, %dma_wait3A_174] : memref<10000x128xf32, #tpu.memory_space<hbm>> -> memref<40x128xf32, #tpu.memory_space<hbm>>
    %dma_wait3A_176 = tpu.memref_slice %arg9[%dma_wait3A_168] : memref<5x!tpu.dma_semaphore, #tpu.memory_space<semaphore_mem>> -> memref<1x!tpu.dma_semaphore, #tpu.memory_space<semaphore_mem>>
    %dma_wait3A_177 = tpu.memref_squeeze %dma_wait3A_176 : memref<1x!tpu.dma_semaphore, #tpu.memory_space<semaphore_mem>> -> memref<!tpu.dma_semaphore, #tpu.memory_space<semaphore_mem>>
    %dma_wait3A_178 = arith.constant 0 : i32
    %dma_wait3A_179 = arith.constant 0 : i32
    %dma_wait3A_180 = tpu.memref_slice %arg7[%dma_wait3A_167, %dma_wait3A_178, %dma_wait3A_179] : memref<5x40x128xf32, #tpu.memory_space<vmem>> -> memref<1x40x128xf32, #tpu.memory_space<vmem>>
    %dma_wait3A_181 = tpu.memref_squeeze %dma_wait3A_180 : memref<1x40x128xf32, #tpu.memory_space<vmem>> -> memref<40x128xf32, #tpu.memory_space<vmem>>
    %dma_wait3A_182 = arith.constant 0 : i32
    %dma_wait3A_183 = arith.constant 0 : i32
    %dma_wait3A_184 = tpu.memref_slice %arg2[%dma_wait3A_182, %dma_wait3A_183] : memref<10000x128xf32, #tpu.memory_space<hbm>> -> memref<40x128xf32, #tpu.memory_space<hbm>>
    tpu.wait_dma2 semaphore(%dma_wait3A_177 : memref<!tpu.dma_semaphore, #tpu.memory_space<semaphore_mem>>) src(%dma_wait3A_184 : memref<40x128xf32, #tpu.memory_space<hbm>>) dst(%dma_wait3A_181 : memref<40x128xf32, #tpu.memory_space<vmem>>)
    %dma_start3A_185 = arith.constant 1 : i32
    %dma_start3A_186 = arith.constant 0 : i32
    %dma_start3A_187 = arith.constant 1 : i32
    %dma_start3A_188 = arith.constant 0 : i32
    %dma_start3A_189 = arith.constant 0 : i32
    %dma_start3A_190 = tpu.memref_slice %arg7[%dma_start3A_185, %dma_start3A_188, %dma_start3A_189] : memref<5x40x128xf32, #tpu.memory_space<vmem>> -> memref<1x40x128xf32, #tpu.memory_space<vmem>>
    %dma_start3A_191 = tpu.memref_squeeze %dma_start3A_190 : memref<1x40x128xf32, #tpu.memory_space<vmem>> -> memref<40x128xf32, #tpu.memory_space<vmem>>
    %dma_start3A_192 = arith.constant 0 : i32
    %dma_start3A_193 = tpu.memref_slice %arg6[%dma_start3A_186, %dma_start3A_187, %dma_start3A_192] : memref<3x5x40xi32, #tpu.memory_space<vmem>> -> memref<1x1x40xi32, #tpu.memory_space<vmem>>
    %dma_start3A_194 = tpu.memref_squeeze %dma_start3A_193 : memref<1x1x40xi32, #tpu.memory_space<vmem>> -> memref<40xi32, #tpu.memory_space<vmem>>
    %dma_start3A_195 = arith.constant 0 : i32
    %dma_start3A_196 = arith.constant 0 : i32
    %dma_start3A_197 = tpu.memref_slice %arg8[%dma_start3A_195, %dma_start3A_196] : memref<10240x128xf32, #tpu.memory_space<vmem_shared>> -> memref<10240x128xf32, #tpu.memory_space<vmem_shared>>
    tpu.enqueue_indirect_dma source(%dma_start3A_191 : memref<40x128xf32, #tpu.memory_space<vmem>>) target(%dma_start3A_197 : memref<10240x128xf32, #tpu.memory_space<vmem_shared>>) offsets(%dma_start3A_194 : memref<40xi32, #tpu.memory_space<vmem>>) semaphore(%arg10 : memref<!tpu.dma_semaphore, #tpu.memory_space<semaphore_mem>>) {add = true}
    %dma_wait3A_198 = arith.constant 1 : i32
    %dma_wait3A_199 = arith.constant 0 : i32
    %dma_wait3A_200 = arith.constant 0 : i32
    %dma_wait3A_201 = tpu.memref_slice %arg7[%dma_wait3A_198, %dma_wait3A_199, %dma_wait3A_200] : memref<5x40x128xf32, #tpu.memory_space<vmem>> -> memref<1x40x128xf32, #tpu.memory_space<vmem>>
    %dma_wait3A_202 = tpu.memref_squeeze %dma_wait3A_201 : memref<1x40x128xf32, #tpu.memory_space<vmem>> -> memref<40x128xf32, #tpu.memory_space<vmem>>
    %dma_wait3A_203 = arith.constant 0 : i32
    %dma_wait3A_204 = arith.constant 0 : i32
    %dma_wait3A_205 = tpu.memref_slice %arg2[%dma_wait3A_203, %dma_wait3A_204] : memref<10000x128xf32, #tpu.memory_space<hbm>> -> memref<40x128xf32, #tpu.memory_space<hbm>>
    %dma_wait3A_206 = arith.constant 0 : i32
    %dma_wait3A_207 = arith.constant 0 : i32
    %dma_wait3A_208 = tpu.memref_slice %arg7[%dma_wait3A_198, %dma_wait3A_206, %dma_wait3A_207] : memref<5x40x128xf32, #tpu.memory_space<vmem>> -> memref<1x40x128xf32, #tpu.memory_space<vmem>>
    %dma_wait3A_209 = tpu.memref_squeeze %dma_wait3A_208 : memref<1x40x128xf32, #tpu.memory_space<vmem>> -> memref<40x128xf32, #tpu.memory_space<vmem>>
    %dma_wait3A_210 = arith.constant 0 : i32
    %dma_wait3A_211 = arith.constant 0 : i32
    %dma_wait3A_212 = tpu.memref_slice %arg2[%dma_wait3A_210, %dma_wait3A_211] : memref<10000x128xf32, #tpu.memory_space<hbm>> -> memref<40x128xf32, #tpu.memory_space<hbm>>
    tpu.wait_dma2 semaphore(%arg10 : memref<!tpu.dma_semaphore, #tpu.memory_space<semaphore_mem>>) src(%dma_wait3A_212 : memref<40x128xf32, #tpu.memory_space<hbm>>) dst(%dma_wait3A_209 : memref<40x128xf32, #tpu.memory_space<vmem>>)
    %dma_start3A_213 = arith.constant 1 : i32
    %dma_start3A_214 = arith.constant 1 : i32
    %dma_start3A_215 = arith.constant 1 : i32
    %dma_start3A_216 = arith.constant 1 : i32
    %dma_start3A_217 = arith.constant 0 : i32
    %dma_start3A_218 = arith.constant 0 : i32
    %dma_start3A_219 = tpu.memref_slice %arg7[%dma_start3A_215, %dma_start3A_217, %dma_start3A_218] : memref<5x40x128xf32, #tpu.memory_space<vmem>> -> memref<1x40x128xf32, #tpu.memory_space<vmem>>
    %dma_start3A_220 = tpu.memref_squeeze %dma_start3A_219 : memref<1x40x128xf32, #tpu.memory_space<vmem>> -> memref<40x128xf32, #tpu.memory_space<vmem>>
    %dma_start3A_221 = arith.constant 0 : i32
    %dma_start3A_222 = tpu.memref_slice %arg5[%dma_start3A_213, %dma_start3A_214, %dma_start3A_221] : memref<3x5x40xi32, #tpu.memory_space<vmem>> -> memref<1x1x40xi32, #tpu.memory_space<vmem>>
    %dma_start3A_223 = tpu.memref_squeeze %dma_start3A_222 : memref<1x1x40xi32, #tpu.memory_space<vmem>> -> memref<40xi32, #tpu.memory_space<vmem>>
    %dma_start3A_224 = arith.constant 0 : i32
    %dma_start3A_225 = arith.constant 0 : i32
    %dma_start3A_226 = tpu.memref_slice %arg2[%dma_start3A_224, %dma_start3A_225] : memref<10000x128xf32, #tpu.memory_space<hbm>> -> memref<10000x128xf32, #tpu.memory_space<hbm>>
    %dma_start3A_227 = tpu.memref_slice %arg9[%dma_start3A_216] : memref<5x!tpu.dma_semaphore, #tpu.memory_space<semaphore_mem>> -> memref<1x!tpu.dma_semaphore, #tpu.memory_space<semaphore_mem>>
    %dma_start3A_228 = tpu.memref_squeeze %dma_start3A_227 : memref<1x!tpu.dma_semaphore, #tpu.memory_space<semaphore_mem>> -> memref<!tpu.dma_semaphore, #tpu.memory_space<semaphore_mem>>
    tpu.enqueue_indirect_dma source(%dma_start3A_226 : memref<10000x128xf32, #tpu.memory_space<hbm>>) target(%dma_start3A_220 : memref<40x128xf32, #tpu.memory_space<vmem>>) offsets(%dma_start3A_223 : memref<40xi32, #tpu.memory_space<vmem>>) semaphore(%dma_start3A_228 : memref<!tpu.dma_semaphore, #tpu.memory_space<semaphore_mem>>)
    %dma_wait3A_229 = arith.constant 2 : i32
    %dma_wait3A_230 = arith.constant 2 : i32
    %dma_wait3A_231 = arith.constant 0 : i32
    %dma_wait3A_232 = arith.constant 0 : i32
    %dma_wait3A_233 = tpu.memref_slice %arg7[%dma_wait3A_229, %dma_wait3A_231, %dma_wait3A_232] : memref<5x40x128xf32, #tpu.memory_space<vmem>> -> memref<1x40x128xf32, #tpu.memory_space<vmem>>
    %dma_wait3A_234 = tpu.memref_squeeze %dma_wait3A_233 : memref<1x40x128xf32, #tpu.memory_space<vmem>> -> memref<40x128xf32, #tpu.memory_space<vmem>>
    %dma_wait3A_235 = arith.constant 0 : i32
    %dma_wait3A_236 = arith.constant 0 : i32
    %dma_wait3A_237 = tpu.memref_slice %arg2[%dma_wait3A_235, %dma_wait3A_236] : memref<10000x128xf32, #tpu.memory_space<hbm>> -> memref<40x128xf32, #tpu.memory_space<hbm>>
    %dma_wait3A_238 = tpu.memref_slice %arg9[%dma_wait3A_230] : memref<5x!tpu.dma_semaphore, #tpu.memory_space<semaphore_mem>> -> memref<1x!tpu.dma_semaphore, #tpu.memory_space<semaphore_mem>>
    %dma_wait3A_239 = tpu.memref_squeeze %dma_wait3A_238 : memref<1x!tpu.dma_semaphore, #tpu.memory_space<semaphore_mem>> -> memref<!tpu.dma_semaphore, #tpu.memory_space<semaphore_mem>>
    %dma_wait3A_240 = arith.constant 0 : i32
    %dma_wait3A_241 = arith.constant 0 : i32
    %dma_wait3A_242 = tpu.memref_slice %arg7[%dma_wait3A_229, %dma_wait3A_240, %dma_wait3A_241] : memref<5x40x128xf32, #tpu.memory_space<vmem>> -> memref<1x40x128xf32, #tpu.memory_space<vmem>>
    %dma_wait3A_243 = tpu.memref_squeeze %dma_wait3A_242 : memref<1x40x128xf32, #tpu.memory_space<vmem>> -> memref<40x128xf32, #tpu.memory_space<vmem>>
    %dma_wait3A_244 = arith.constant 0 : i32
    %dma_wait3A_245 = arith.constant 0 : i32
    %dma_wait3A_246 = tpu.memref_slice %arg2[%dma_wait3A_244, %dma_wait3A_245] : memref<10000x128xf32, #tpu.memory_space<hbm>> -> memref<40x128xf32, #tpu.memory_space<hbm>>
    tpu.wait_dma2 semaphore(%dma_wait3A_239 : memref<!tpu.dma_semaphore, #tpu.memory_space<semaphore_mem>>) src(%dma_wait3A_246 : memref<40x128xf32, #tpu.memory_space<hbm>>) dst(%dma_wait3A_243 : memref<40x128xf32, #tpu.memory_space<vmem>>)
    %dma_start3A_247 = arith.constant 2 : i32
    %dma_start3A_248 = arith.constant 0 : i32
    %dma_start3A_249 = arith.constant 2 : i32
    %dma_start3A_250 = arith.constant 0 : i32
    %dma_start3A_251 = arith.constant 0 : i32
    %dma_start3A_252 = tpu.memref_slice %arg7[%dma_start3A_247, %dma_start3A_250, %dma_start3A_251] : memref<5x40x128xf32, #tpu.memory_space<vmem>> -> memref<1x40x128xf32, #tpu.memory_space<vmem>>
    %dma_start3A_253 = tpu.memref_squeeze %dma_start3A_252 : memref<1x40x128xf32, #tpu.memory_space<vmem>> -> memref<40x128xf32, #tpu.memory_space<vmem>>
    %dma_start3A_254 = arith.constant 0 : i32
    %dma_start3A_255 = tpu.memref_slice %arg6[%dma_start3A_248, %dma_start3A_249, %dma_start3A_254] : memref<3x5x40xi32, #tpu.memory_space<vmem>> -> memref<1x1x40xi32, #tpu.memory_space<vmem>>
    %dma_start3A_256 = tpu.memref_squeeze %dma_start3A_255 : memref<1x1x40xi32, #tpu.memory_space<vmem>> -> memref<40xi32, #tpu.memory_space<vmem>>
    %dma_start3A_257 = arith.constant 0 : i32
    %dma_start3A_258 = arith.constant 0 : i32
    %dma_start3A_259 = tpu.memref_slice %arg8[%dma_start3A_257, %dma_start3A_258] : memref<10240x128xf32, #tpu.memory_space<vmem_shared>> -> memref<10240x128xf32, #tpu.memory_space<vmem_shared>>
    tpu.enqueue_indirect_dma source(%dma_start3A_253 : memref<40x128xf32, #tpu.memory_space<vmem>>) target(%dma_start3A_259 : memref<10240x128xf32, #tpu.memory_space<vmem_shared>>) offsets(%dma_start3A_256 : memref<40xi32, #tpu.memory_space<vmem>>) semaphore(%arg10 : memref<!tpu.dma_semaphore, #tpu.memory_space<semaphore_mem>>) {add = true}
    %dma_wait3A_260 = arith.constant 2 : i32
    %dma_wait3A_261 = arith.constant 0 : i32
    %dma_wait3A_262 = arith.constant 0 : i32
    %dma_wait3A_263 = tpu.memref_slice %arg7[%dma_wait3A_260, %dma_wait3A_261, %dma_wait3A_262] : memref<5x40x128xf32, #tpu.memory_space<vmem>> -> memref<1x40x128xf32, #tpu.memory_space<vmem>>
    %dma_wait3A_264 = tpu.memref_squeeze %dma_wait3A_263 : memref<1x40x128xf32, #tpu.memory_space<vmem>> -> memref<40x128xf32, #tpu.memory_space<vmem>>
    %dma_wait3A_265 = arith.constant 0 : i32
    %dma_wait3A_266 = arith.constant 0 : i32
    %dma_wait3A_267 = tpu.memref_slice %arg2[%dma_wait3A_265, %dma_wait3A_266] : memref<10000x128xf32, #tpu.memory_space<hbm>> -> memref<40x128xf32, #tpu.memory_space<hbm>>
    %dma_wait3A_268 = arith.constant 0 : i32
    %dma_wait3A_269 = arith.constant 0 : i32
    %dma_wait3A_270 = tpu.memref_slice %arg7[%dma_wait3A_260, %dma_wait3A_268, %dma_wait3A_269] : memref<5x40x128xf32, #tpu.memory_space<vmem>> -> memref<1x40x128xf32, #tpu.memory_space<vmem>>
    %dma_wait3A_271 = tpu.memref_squeeze %dma_wait3A_270 : memref<1x40x128xf32, #tpu.memory_space<vmem>> -> memref<40x128xf32, #tpu.memory_space<vmem>>
    %dma_wait3A_272 = arith.constant 0 : i32
    %dma_wait3A_273 = arith.constant 0 : i32
    %dma_wait3A_274 = tpu.memref_slice %arg2[%dma_wait3A_272, %dma_wait3A_273] : memref<10000x128xf32, #tpu.memory_space<hbm>> -> memref<40x128xf32, #tpu.memory_space<hbm>>
    tpu.wait_dma2 semaphore(%arg10 : memref<!tpu.dma_semaphore, #tpu.memory_space<semaphore_mem>>) src(%dma_wait3A_274 : memref<40x128xf32, #tpu.memory_space<hbm>>) dst(%dma_wait3A_271 : memref<40x128xf32, #tpu.memory_space<vmem>>)
    %dma_start3A_275 = arith.constant 1 : i32
    %dma_start3A_276 = arith.constant 2 : i32
    %dma_start3A_277 = arith.constant 2 : i32
    %dma_start3A_278 = arith.constant 2 : i32
    %dma_start3A_279 = arith.constant 0 : i32
    %dma_start3A_280 = arith.constant 0 : i32
    %dma_start3A_281 = tpu.memref_slice %arg7[%dma_start3A_277, %dma_start3A_279, %dma_start3A_280] : memref<5x40x128xf32, #tpu.memory_space<vmem>> -> memref<1x40x128xf32, #tpu.memory_space<vmem>>
    %dma_start3A_282 = tpu.memref_squeeze %dma_start3A_281 : memref<1x40x128xf32, #tpu.memory_space<vmem>> -> memref<40x128xf32, #tpu.memory_space<vmem>>
    %dma_start3A_283 = arith.constant 0 : i32
    %dma_start3A_284 = tpu.memref_slice %arg5[%dma_start3A_275, %dma_start3A_276, %dma_start3A_283] : memref<3x5x40xi32, #tpu.memory_space<vmem>> -> memref<1x1x40xi32, #tpu.memory_space<vmem>>
    %dma_start3A_285 = tpu.memref_squeeze %dma_start3A_284 : memref<1x1x40xi32, #tpu.memory_space<vmem>> -> memref<40xi32, #tpu.memory_space<vmem>>
    %dma_start3A_286 = arith.constant 0 : i32
    %dma_start3A_287 = arith.constant 0 : i32
    %dma_start3A_288 = tpu.memref_slice %arg2[%dma_start3A_286, %dma_start3A_287] : memref<10000x128xf32, #tpu.memory_space<hbm>> -> memref<10000x128xf32, #tpu.memory_space<hbm>>
    %dma_start3A_289 = tpu.memref_slice %arg9[%dma_start3A_278] : memref<5x!tpu.dma_semaphore, #tpu.memory_space<semaphore_mem>> -> memref<1x!tpu.dma_semaphore, #tpu.memory_space<semaphore_mem>>
    %dma_start3A_290 = tpu.memref_squeeze %dma_start3A_289 : memref<1x!tpu.dma_semaphore, #tpu.memory_space<semaphore_mem>> -> memref<!tpu.dma_semaphore, #tpu.memory_space<semaphore_mem>>
    tpu.enqueue_indirect_dma source(%dma_start3A_288 : memref<10000x128xf32, #tpu.memory_space<hbm>>) target(%dma_start3A_282 : memref<40x128xf32, #tpu.memory_space<vmem>>) offsets(%dma_start3A_285 : memref<40xi32, #tpu.memory_space<vmem>>) semaphore(%dma_start3A_290 : memref<!tpu.dma_semaphore, #tpu.memory_space<semaphore_mem>>)
    %dma_wait3A_291 = arith.constant 3 : i32
    %dma_wait3A_292 = arith.constant 3 : i32
    %dma_wait3A_293 = arith.constant 0 : i32
    %dma_wait3A_294 = arith.constant 0 : i32
    %dma_wait3A_295 = tpu.memref_slice %arg7[%dma_wait3A_291, %dma_wait3A_293, %dma_wait3A_294] : memref<5x40x128xf32, #tpu.memory_space<vmem>> -> memref<1x40x128xf32, #tpu.memory_space<vmem>>
    %dma_wait3A_296 = tpu.memref_squeeze %dma_wait3A_295 : memref<1x40x128xf32, #tpu.memory_space<vmem>> -> memref<40x128xf32, #tpu.memory_space<vmem>>
    %dma_wait3A_297 = arith.constant 0 : i32
    %dma_wait3A_298 = arith.constant 0 : i32
    %dma_wait3A_299 = tpu.memref_slice %arg2[%dma_wait3A_297, %dma_wait3A_298] : memref<10000x128xf32, #tpu.memory_space<hbm>> -> memref<40x128xf32, #tpu.memory_space<hbm>>
    %dma_wait3A_300 = tpu.memref_slice %arg9[%dma_wait3A_292] : memref<5x!tpu.dma_semaphore, #tpu.memory_space<semaphore_mem>> -> memref<1x!tpu.dma_semaphore, #tpu.memory_space<semaphore_mem>>
    %dma_wait3A_301 = tpu.memref_squeeze %dma_wait3A_300 : memref<1x!tpu.dma_semaphore, #tpu.memory_space<semaphore_mem>> -> memref<!tpu.dma_semaphore, #tpu.memory_space<semaphore_mem>>
    %dma_wait3A_302 = arith.constant 0 : i32
    %dma_wait3A_303 = arith.constant 0 : i32
    %dma_wait3A_304 = tpu.memref_slice %arg7[%dma_wait3A_291, %dma_wait3A_302, %dma_wait3A_303] : memref<5x40x128xf32, #tpu.memory_space<vmem>> -> memref<1x40x128xf32, #tpu.memory_space<vmem>>
    %dma_wait3A_305 = tpu.memref_squeeze %dma_wait3A_304 : memref<1x40x128xf32, #tpu.memory_space<vmem>> -> memref<40x128xf32, #tpu.memory_space<vmem>>
    %dma_wait3A_306 = arith.constant 0 : i32
    %dma_wait3A_307 = arith.constant 0 : i32
    %dma_wait3A_308 = tpu.memref_slice %arg2[%dma_wait3A_306, %dma_wait3A_307] : memref<10000x128xf32, #tpu.memory_space<hbm>> -> memref<40x128xf32, #tpu.memory_space<hbm>>
    tpu.wait_dma2 semaphore(%dma_wait3A_301 : memref<!tpu.dma_semaphore, #tpu.memory_space<semaphore_mem>>) src(%dma_wait3A_308 : memref<40x128xf32, #tpu.memory_space<hbm>>) dst(%dma_wait3A_305 : memref<40x128xf32, #tpu.memory_space<vmem>>)
    %dma_start3A_309 = arith.constant 3 : i32
    %dma_start3A_310 = arith.constant 0 : i32
    %dma_start3A_311 = arith.constant 3 : i32
    %dma_start3A_312 = arith.constant 0 : i32
    %dma_start3A_313 = arith.constant 0 : i32
    %dma_start3A_314 = tpu.memref_slice %arg7[%dma_start3A_309, %dma_start3A_312, %dma_start3A_313] : memref<5x40x128xf32, #tpu.memory_space<vmem>> -> memref<1x40x128xf32, #tpu.memory_space<vmem>>
    %dma_start3A_315 = tpu.memref_squeeze %dma_start3A_314 : memref<1x40x128xf32, #tpu.memory_space<vmem>> -> memref<40x128xf32, #tpu.memory_space<vmem>>
    %dma_start3A_316 = arith.constant 0 : i32
    %dma_start3A_317 = tpu.memref_slice %arg6[%dma_start3A_310, %dma_start3A_311, %dma_start3A_316] : memref<3x5x40xi32, #tpu.memory_space<vmem>> -> memref<1x1x40xi32, #tpu.memory_space<vmem>>
    %dma_start3A_318 = tpu.memref_squeeze %dma_start3A_317 : memref<1x1x40xi32, #tpu.memory_space<vmem>> -> memref<40xi32, #tpu.memory_space<vmem>>
    %dma_start3A_319 = arith.constant 0 : i32
    %dma_start3A_320 = arith.constant 0 : i32
    %dma_start3A_321 = tpu.memref_slice %arg8[%dma_start3A_319, %dma_start3A_320] : memref<10240x128xf32, #tpu.memory_space<vmem_shared>> -> memref<10240x128xf32, #tpu.memory_space<vmem_shared>>
    tpu.enqueue_indirect_dma source(%dma_start3A_315 : memref<40x128xf32, #tpu.memory_space<vmem>>) target(%dma_start3A_321 : memref<10240x128xf32, #tpu.memory_space<vmem_shared>>) offsets(%dma_start3A_318 : memref<40xi32, #tpu.memory_space<vmem>>) semaphore(%arg10 : memref<!tpu.dma_semaphore, #tpu.memory_space<semaphore_mem>>) {add = true}
    %dma_wait3A_322 = arith.constant 3 : i32
    %dma_wait3A_323 = arith.constant 0 : i32
    %dma_wait3A_324 = arith.constant 0 : i32
    %dma_wait3A_325 = tpu.memref_slice %arg7[%dma_wait3A_322, %dma_wait3A_323, %dma_wait3A_324] : memref<5x40x128xf32, #tpu.memory_space<vmem>> -> memref<1x40x128xf32, #tpu.memory_space<vmem>>
    %dma_wait3A_326 = tpu.memref_squeeze %dma_wait3A_325 : memref<1x40x128xf32, #tpu.memory_space<vmem>> -> memref<40x128xf32, #tpu.memory_space<vmem>>
    %dma_wait3A_327 = arith.constant 0 : i32
    %dma_wait3A_328 = arith.constant 0 : i32
    %dma_wait3A_329 = tpu.memref_slice %arg2[%dma_wait3A_327, %dma_wait3A_328] : memref<10000x128xf32, #tpu.memory_space<hbm>> -> memref<40x128xf32, #tpu.memory_space<hbm>>
    %dma_wait3A_330 = arith.constant 0 : i32
    %dma_wait3A_331 = arith.constant 0 : i32
    %dma_wait3A_332 = tpu.memref_slice %arg7[%dma_wait3A_322, %dma_wait3A_330, %dma_wait3A_331] : memref<5x40x128xf32, #tpu.memory_space<vmem>> -> memref<1x40x128xf32, #tpu.memory_space<vmem>>
    %dma_wait3A_333 = tpu.memref_squeeze %dma_wait3A_332 : memref<1x40x128xf32, #tpu.memory_space<vmem>> -> memref<40x128xf32, #tpu.memory_space<vmem>>
    %dma_wait3A_334 = arith.constant 0 : i32
    %dma_wait3A_335 = arith.constant 0 : i32
    %dma_wait3A_336 = tpu.memref_slice %arg2[%dma_wait3A_334, %dma_wait3A_335] : memref<10000x128xf32, #tpu.memory_space<hbm>> -> memref<40x128xf32, #tpu.memory_space<hbm>>
    tpu.wait_dma2 semaphore(%arg10 : memref<!tpu.dma_semaphore, #tpu.memory_space<semaphore_mem>>) src(%dma_wait3A_336 : memref<40x128xf32, #tpu.memory_space<hbm>>) dst(%dma_wait3A_333 : memref<40x128xf32, #tpu.memory_space<vmem>>)
    %dma_start3A_337 = arith.constant 1 : i32
    %dma_start3A_338 = arith.constant 3 : i32
    %dma_start3A_339 = arith.constant 3 : i32
    %dma_start3A_340 = arith.constant 3 : i32
    %dma_start3A_341 = arith.constant 0 : i32
    %dma_start3A_342 = arith.constant 0 : i32
    %dma_start3A_343 = tpu.memref_slice %arg7[%dma_start3A_339, %dma_start3A_341, %dma_start3A_342] : memref<5x40x128xf32, #tpu.memory_space<vmem>> -> memref<1x40x128xf32, #tpu.memory_space<vmem>>
    %dma_start3A_344 = tpu.memref_squeeze %dma_start3A_343 : memref<1x40x128xf32, #tpu.memory_space<vmem>> -> memref<40x128xf32, #tpu.memory_space<vmem>>
    %dma_start3A_345 = arith.constant 0 : i32
    %dma_start3A_346 = tpu.memref_slice %arg5[%dma_start3A_337, %dma_start3A_338, %dma_start3A_345] : memref<3x5x40xi32, #tpu.memory_space<vmem>> -> memref<1x1x40xi32, #tpu.memory_space<vmem>>
    %dma_start3A_347 = tpu.memref_squeeze %dma_start3A_346 : memref<1x1x40xi32, #tpu.memory_space<vmem>> -> memref<40xi32, #tpu.memory_space<vmem>>
    %dma_start3A_348 = arith.constant 0 : i32
    %dma_start3A_349 = arith.constant 0 : i32
    %dma_start3A_350 = tpu.memref_slice %arg2[%dma_start3A_348, %dma_start3A_349] : memref<10000x128xf32, #tpu.memory_space<hbm>> -> memref<10000x128xf32, #tpu.memory_space<hbm>>
    %dma_start3A_351 = tpu.memref_slice %arg9[%dma_start3A_340] : memref<5x!tpu.dma_semaphore, #tpu.memory_space<semaphore_mem>> -> memref<1x!tpu.dma_semaphore, #tpu.memory_space<semaphore_mem>>
    %dma_start3A_352 = tpu.memref_squeeze %dma_start3A_351 : memref<1x!tpu.dma_semaphore, #tpu.memory_space<semaphore_mem>> -> memref<!tpu.dma_semaphore, #tpu.memory_space<semaphore_mem>>
    tpu.enqueue_indirect_dma source(%dma_start3A_350 : memref<10000x128xf32, #tpu.memory_space<hbm>>) target(%dma_start3A_344 : memref<40x128xf32, #tpu.memory_space<vmem>>) offsets(%dma_start3A_347 : memref<40xi32, #tpu.memory_space<vmem>>) semaphore(%dma_start3A_352 : memref<!tpu.dma_semaphore, #tpu.memory_space<semaphore_mem>>)
    %dma_wait3A_353 = arith.constant 4 : i32
    %dma_wait3A_354 = arith.constant 4 : i32
    %dma_wait3A_355 = arith.constant 0 : i32
    %dma_wait3A_356 = arith.constant 0 : i32
    %dma_wait3A_357 = tpu.memref_slice %arg7[%dma_wait3A_353, %dma_wait3A_355, %dma_wait3A_356] : memref<5x40x128xf32, #tpu.memory_space<vmem>> -> memref<1x40x128xf32, #tpu.memory_space<vmem>>
    %dma_wait3A_358 = tpu.memref_squeeze %dma_wait3A_357 : memref<1x40x128xf32, #tpu.memory_space<vmem>> -> memref<40x128xf32, #tpu.memory_space<vmem>>
    %dma_wait3A_359 = arith.constant 0 : i32
    %dma_wait3A_360 = arith.constant 0 : i32
    %dma_wait3A_361 = tpu.memref_slice %arg2[%dma_wait3A_359, %dma_wait3A_360] : memref<10000x128xf32, #tpu.memory_space<hbm>> -> memref<40x128xf32, #tpu.memory_space<hbm>>
    %dma_wait3A_362 = tpu.memref_slice %arg9[%dma_wait3A_354] : memref<5x!tpu.dma_semaphore, #tpu.memory_space<semaphore_mem>> -> memref<1x!tpu.dma_semaphore, #tpu.memory_space<semaphore_mem>>
    %dma_wait3A_363 = tpu.memref_squeeze %dma_wait3A_362 : memref<1x!tpu.dma_semaphore, #tpu.memory_space<semaphore_mem>> -> memref<!tpu.dma_semaphore, #tpu.memory_space<semaphore_mem>>
    %dma_wait3A_364 = arith.constant 0 : i32
    %dma_wait3A_365 = arith.constant 0 : i32
    %dma_wait3A_366 = tpu.memref_slice %arg7[%dma_wait3A_353, %dma_wait3A_364, %dma_wait3A_365] : memref<5x40x128xf32, #tpu.memory_space<vmem>> -> memref<1x40x128xf32, #tpu.memory_space<vmem>>
    %dma_wait3A_367 = tpu.memref_squeeze %dma_wait3A_366 : memref<1x40x128xf32, #tpu.memory_space<vmem>> -> memref<40x128xf32, #tpu.memory_space<vmem>>
    %dma_wait3A_368 = arith.constant 0 : i32
    %dma_wait3A_369 = arith.constant 0 : i32
    %dma_wait3A_370 = tpu.memref_slice %arg2[%dma_wait3A_368, %dma_wait3A_369] : memref<10000x128xf32, #tpu.memory_space<hbm>> -> memref<40x128xf32, #tpu.memory_space<hbm>>
    tpu.wait_dma2 semaphore(%dma_wait3A_363 : memref<!tpu.dma_semaphore, #tpu.memory_space<semaphore_mem>>) src(%dma_wait3A_370 : memref<40x128xf32, #tpu.memory_space<hbm>>) dst(%dma_wait3A_367 : memref<40x128xf32, #tpu.memory_space<vmem>>)
    %dma_start3A_371 = arith.constant 4 : i32
    %dma_start3A_372 = arith.constant 0 : i32
    %dma_start3A_373 = arith.constant 4 : i32
    %dma_start3A_374 = arith.constant 0 : i32
    %dma_start3A_375 = arith.constant 0 : i32
    %dma_start3A_376 = tpu.memref_slice %arg7[%dma_start3A_371, %dma_start3A_374, %dma_start3A_375] : memref<5x40x128xf32, #tpu.memory_space<vmem>> -> memref<1x40x128xf32, #tpu.memory_space<vmem>>
    %dma_start3A_377 = tpu.memref_squeeze %dma_start3A_376 : memref<1x40x128xf32, #tpu.memory_space<vmem>> -> memref<40x128xf32, #tpu.memory_space<vmem>>
    %dma_start3A_378 = arith.constant 0 : i32
    %dma_start3A_379 = tpu.memref_slice %arg6[%dma_start3A_372, %dma_start3A_373, %dma_start3A_378] : memref<3x5x40xi32, #tpu.memory_space<vmem>> -> memref<1x1x40xi32, #tpu.memory_space<vmem>>
    %dma_start3A_380 = tpu.memref_squeeze %dma_start3A_379 : memref<1x1x40xi32, #tpu.memory_space<vmem>> -> memref<40xi32, #tpu.memory_space<vmem>>
    %dma_start3A_381 = arith.constant 0 : i32
    %dma_start3A_382 = arith.constant 0 : i32
    %dma_start3A_383 = tpu.memref_slice %arg8[%dma_start3A_381, %dma_start3A_382] : memref<10240x128xf32, #tpu.memory_space<vmem_shared>> -> memref<10240x128xf32, #tpu.memory_space<vmem_shared>>
    tpu.enqueue_indirect_dma source(%dma_start3A_377 : memref<40x128xf32, #tpu.memory_space<vmem>>) target(%dma_start3A_383 : memref<10240x128xf32, #tpu.memory_space<vmem_shared>>) offsets(%dma_start3A_380 : memref<40xi32, #tpu.memory_space<vmem>>) semaphore(%arg10 : memref<!tpu.dma_semaphore, #tpu.memory_space<semaphore_mem>>) {add = true}
    %dma_wait3A_384 = arith.constant 4 : i32
    %dma_wait3A_385 = arith.constant 0 : i32
    %dma_wait3A_386 = arith.constant 0 : i32
    %dma_wait3A_387 = tpu.memref_slice %arg7[%dma_wait3A_384, %dma_wait3A_385, %dma_wait3A_386] : memref<5x40x128xf32, #tpu.memory_space<vmem>> -> memref<1x40x128xf32, #tpu.memory_space<vmem>>
    %dma_wait3A_388 = tpu.memref_squeeze %dma_wait3A_387 : memref<1x40x128xf32, #tpu.memory_space<vmem>> -> memref<40x128xf32, #tpu.memory_space<vmem>>
    %dma_wait3A_389 = arith.constant 0 : i32
    %dma_wait3A_390 = arith.constant 0 : i32
    %dma_wait3A_391 = tpu.memref_slice %arg2[%dma_wait3A_389, %dma_wait3A_390] : memref<10000x128xf32, #tpu.memory_space<hbm>> -> memref<40x128xf32, #tpu.memory_space<hbm>>
    %dma_wait3A_392 = arith.constant 0 : i32
    %dma_wait3A_393 = arith.constant 0 : i32
    %dma_wait3A_394 = tpu.memref_slice %arg7[%dma_wait3A_384, %dma_wait3A_392, %dma_wait3A_393] : memref<5x40x128xf32, #tpu.memory_space<vmem>> -> memref<1x40x128xf32, #tpu.memory_space<vmem>>
    %dma_wait3A_395 = tpu.memref_squeeze %dma_wait3A_394 : memref<1x40x128xf32, #tpu.memory_space<vmem>> -> memref<40x128xf32, #tpu.memory_space<vmem>>
    %dma_wait3A_396 = arith.constant 0 : i32
    %dma_wait3A_397 = arith.constant 0 : i32
    %dma_wait3A_398 = tpu.memref_slice %arg2[%dma_wait3A_396, %dma_wait3A_397] : memref<10000x128xf32, #tpu.memory_space<hbm>> -> memref<40x128xf32, #tpu.memory_space<hbm>>
    tpu.wait_dma2 semaphore(%arg10 : memref<!tpu.dma_semaphore, #tpu.memory_space<semaphore_mem>>) src(%dma_wait3A_398 : memref<40x128xf32, #tpu.memory_space<hbm>>) dst(%dma_wait3A_395 : memref<40x128xf32, #tpu.memory_space<vmem>>)
    %dma_start3A_399 = arith.constant 1 : i32
    %dma_start3A_400 = arith.constant 4 : i32
    %dma_start3A_401 = arith.constant 4 : i32
    %dma_start3A_402 = arith.constant 4 : i32
    %dma_start3A_403 = arith.constant 0 : i32
    %dma_start3A_404 = arith.constant 0 : i32
    %dma_start3A_405 = tpu.memref_slice %arg7[%dma_start3A_401, %dma_start3A_403, %dma_start3A_404] : memref<5x40x128xf32, #tpu.memory_space<vmem>> -> memref<1x40x128xf32, #tpu.memory_space<vmem>>
    %dma_start3A_406 = tpu.memref_squeeze %dma_start3A_405 : memref<1x40x128xf32, #tpu.memory_space<vmem>> -> memref<40x128xf32, #tpu.memory_space<vmem>>
    %dma_start3A_407 = arith.constant 0 : i32
    %dma_start3A_408 = tpu.memref_slice %arg5[%dma_start3A_399, %dma_start3A_400, %dma_start3A_407] : memref<3x5x40xi32, #tpu.memory_space<vmem>> -> memref<1x1x40xi32, #tpu.memory_space<vmem>>
    %dma_start3A_409 = tpu.memref_squeeze %dma_start3A_408 : memref<1x1x40xi32, #tpu.memory_space<vmem>> -> memref<40xi32, #tpu.memory_space<vmem>>
    %dma_start3A_410 = arith.constant 0 : i32
    %dma_start3A_411 = arith.constant 0 : i32
    %dma_start3A_412 = tpu.memref_slice %arg2[%dma_start3A_410, %dma_start3A_411] : memref<10000x128xf32, #tpu.memory_space<hbm>> -> memref<10000x128xf32, #tpu.memory_space<hbm>>
    %dma_start3A_413 = tpu.memref_slice %arg9[%dma_start3A_402] : memref<5x!tpu.dma_semaphore, #tpu.memory_space<semaphore_mem>> -> memref<1x!tpu.dma_semaphore, #tpu.memory_space<semaphore_mem>>
    %dma_start3A_414 = tpu.memref_squeeze %dma_start3A_413 : memref<1x!tpu.dma_semaphore, #tpu.memory_space<semaphore_mem>> -> memref<!tpu.dma_semaphore, #tpu.memory_space<semaphore_mem>>
    tpu.enqueue_indirect_dma source(%dma_start3A_412 : memref<10000x128xf32, #tpu.memory_space<hbm>>) target(%dma_start3A_406 : memref<40x128xf32, #tpu.memory_space<vmem>>) offsets(%dma_start3A_409 : memref<40xi32, #tpu.memory_space<vmem>>) semaphore(%dma_start3A_414 : memref<!tpu.dma_semaphore, #tpu.memory_space<semaphore_mem>>)
    %dma_wait3A_415 = arith.constant 0 : i32
    %dma_wait3A_416 = arith.constant 0 : i32
    %dma_wait3A_417 = arith.constant 0 : i32
    %dma_wait3A_418 = arith.constant 0 : i32
    %dma_wait3A_419 = tpu.memref_slice %arg7[%dma_wait3A_415, %dma_wait3A_417, %dma_wait3A_418] : memref<5x40x128xf32, #tpu.memory_space<vmem>> -> memref<1x40x128xf32, #tpu.memory_space<vmem>>
    %dma_wait3A_420 = tpu.memref_squeeze %dma_wait3A_419 : memref<1x40x128xf32, #tpu.memory_space<vmem>> -> memref<40x128xf32, #tpu.memory_space<vmem>>
    %dma_wait3A_421 = arith.constant 0 : i32
    %dma_wait3A_422 = arith.constant 0 : i32
    %dma_wait3A_423 = tpu.memref_slice %arg2[%dma_wait3A_421, %dma_wait3A_422] : memref<10000x128xf32, #tpu.memory_space<hbm>> -> memref<40x128xf32, #tpu.memory_space<hbm>>
    %dma_wait3A_424 = tpu.memref_slice %arg9[%dma_wait3A_416] : memref<5x!tpu.dma_semaphore, #tpu.memory_space<semaphore_mem>> -> memref<1x!tpu.dma_semaphore, #tpu.memory_space<semaphore_mem>>
    %dma_wait3A_425 = tpu.memref_squeeze %dma_wait3A_424 : memref<1x!tpu.dma_semaphore, #tpu.memory_space<semaphore_mem>> -> memref<!tpu.dma_semaphore, #tpu.memory_space<semaphore_mem>>
    %dma_wait3A_426 = arith.constant 0 : i32
    %dma_wait3A_427 = arith.constant 0 : i32
    %dma_wait3A_428 = tpu.memref_slice %arg7[%dma_wait3A_415, %dma_wait3A_426, %dma_wait3A_427] : memref<5x40x128xf32, #tpu.memory_space<vmem>> -> memref<1x40x128xf32, #tpu.memory_space<vmem>>
    %dma_wait3A_429 = tpu.memref_squeeze %dma_wait3A_428 : memref<1x40x128xf32, #tpu.memory_space<vmem>> -> memref<40x128xf32, #tpu.memory_space<vmem>>
    %dma_wait3A_430 = arith.constant 0 : i32
    %dma_wait3A_431 = arith.constant 0 : i32
    %dma_wait3A_432 = tpu.memref_slice %arg2[%dma_wait3A_430, %dma_wait3A_431] : memref<10000x128xf32, #tpu.memory_space<hbm>> -> memref<40x128xf32, #tpu.memory_space<hbm>>
    tpu.wait_dma2 semaphore(%dma_wait3A_425 : memref<!tpu.dma_semaphore, #tpu.memory_space<semaphore_mem>>) src(%dma_wait3A_432 : memref<40x128xf32, #tpu.memory_space<hbm>>) dst(%dma_wait3A_429 : memref<40x128xf32, #tpu.memory_space<vmem>>)
    %dma_start3A_433 = arith.constant 0 : i32
    %dma_start3A_434 = arith.constant 1 : i32
    %dma_start3A_435 = arith.constant 0 : i32
    %dma_start3A_436 = arith.constant 0 : i32
    %dma_start3A_437 = arith.constant 0 : i32
    %dma_start3A_438 = tpu.memref_slice %arg7[%dma_start3A_433, %dma_start3A_436, %dma_start3A_437] : memref<5x40x128xf32, #tpu.memory_space<vmem>> -> memref<1x40x128xf32, #tpu.memory_space<vmem>>
    %dma_start3A_439 = tpu.memref_squeeze %dma_start3A_438 : memref<1x40x128xf32, #tpu.memory_space<vmem>> -> memref<40x128xf32, #tpu.memory_space<vmem>>
    %dma_start3A_440 = arith.constant 0 : i32
    %dma_start3A_441 = tpu.memref_slice %arg6[%dma_start3A_434, %dma_start3A_435, %dma_start3A_440] : memref<3x5x40xi32, #tpu.memory_space<vmem>> -> memref<1x1x40xi32, #tpu.memory_space<vmem>>
    %dma_start3A_442 = tpu.memref_squeeze %dma_start3A_441 : memref<1x1x40xi32, #tpu.memory_space<vmem>> -> memref<40xi32, #tpu.memory_space<vmem>>
    %dma_start3A_443 = arith.constant 0 : i32
    %dma_start3A_444 = arith.constant 0 : i32
    %dma_start3A_445 = tpu.memref_slice %arg8[%dma_start3A_443, %dma_start3A_444] : memref<10240x128xf32, #tpu.memory_space<vmem_shared>> -> memref<10240x128xf32, #tpu.memory_space<vmem_shared>>
    tpu.enqueue_indirect_dma source(%dma_start3A_439 : memref<40x128xf32, #tpu.memory_space<vmem>>) target(%dma_start3A_445 : memref<10240x128xf32, #tpu.memory_space<vmem_shared>>) offsets(%dma_start3A_442 : memref<40xi32, #tpu.memory_space<vmem>>) semaphore(%arg10 : memref<!tpu.dma_semaphore, #tpu.memory_space<semaphore_mem>>) {add = true}
    %dma_start3A_446 = arith.constant 0 : i32
    %dma_start3A_447 = arith.constant 3 : i32
    %dma_start3A_448 = arith.constant 0 : i32
    %dma_start3A_449 = arith.constant 0 : i32
    %dma_start3A_450 = arith.constant 0 : i32
    %dma_start3A_451 = tpu.memref_slice %arg5[%dma_start3A_448, %dma_start3A_449, %dma_start3A_450] : memref<3x5x40xi32, #tpu.memory_space<vmem>> -> memref<1x5x40xi32, #tpu.memory_space<vmem>>
    %dma_start3A_452 = tpu.memref_squeeze %dma_start3A_451 : memref<1x5x40xi32, #tpu.memory_space<vmem>> -> memref<5x40xi32, #tpu.memory_space<vmem>>
    %dma_start3A_453 = arith.constant 0 : i32
    %dma_start3A_454 = arith.constant 0 : i32
    %dma_start3A_455 = tpu.memref_slice %arg3[%dma_start3A_446, %add3A, %dma_start3A_447, %dma_start3A_453, %dma_start3A_454] : memref<2x32x50x5x40xi32, #tpu.memory_space<hbm>> -> memref<1x1x1x5x40xi32, #tpu.memory_space<hbm>>
    %dma_start3A_456 = tpu.memref_squeeze %dma_start3A_455 : memref<1x1x1x5x40xi32, #tpu.memory_space<hbm>> -> memref<5x40xi32, #tpu.memory_space<hbm>>
    %dma_start3A_457 = arith.constant 0 : i32
    %dma_start3A_458 = arith.constant 0 : i32
    %dma_start3A_459 = tpu.memref_slice %arg5[%dma_start3A_448, %dma_start3A_457, %dma_start3A_458] : memref<3x5x40xi32, #tpu.memory_space<vmem>> -> memref<1x5x40xi32, #tpu.memory_space<vmem>>
    %dma_start3A_460 = tpu.memref_squeeze %dma_start3A_459 : memref<1x5x40xi32, #tpu.memory_space<vmem>> -> memref<5x40xi32, #tpu.memory_space<vmem>>
    %dma_start3A_461 = arith.constant 0 : i32
    %dma_start3A_462 = arith.constant 0 : i32
    %dma_start3A_463 = tpu.memref_slice %arg3[%dma_start3A_446, %add3A, %dma_start3A_447, %dma_start3A_461, %dma_start3A_462] : memref<2x32x50x5x40xi32, #tpu.memory_space<hbm>> -> memref<1x1x1x5x40xi32, #tpu.memory_space<hbm>>
    %dma_start3A_464 = tpu.memref_squeeze %dma_start3A_463 : memref<1x1x1x5x40xi32, #tpu.memory_space<hbm>> -> memref<5x40xi32, #tpu.memory_space<hbm>>
    tpu.enqueue_dma source(%dma_start3A_464 : memref<5x40xi32, #tpu.memory_space<hbm>>) target(%dma_start3A_460 : memref<5x40xi32, #tpu.memory_space<vmem>>) target_semaphore(%arg11 : memref<!tpu.dma_semaphore, #tpu.memory_space<semaphore_mem>>)
    %dma_start3A_465 = arith.constant 1 : i32
    %dma_start3A_466 = arith.constant 3 : i32
    %dma_start3A_467 = arith.constant 0 : i32
    %dma_start3A_468 = arith.constant 0 : i32
    %dma_start3A_469 = arith.constant 0 : i32
    %dma_start3A_470 = tpu.memref_slice %arg6[%dma_start3A_467, %dma_start3A_468, %dma_start3A_469] : memref<3x5x40xi32, #tpu.memory_space<vmem>> -> memref<1x5x40xi32, #tpu.memory_space<vmem>>
    %dma_start3A_471 = tpu.memref_squeeze %dma_start3A_470 : memref<1x5x40xi32, #tpu.memory_space<vmem>> -> memref<5x40xi32, #tpu.memory_space<vmem>>
    %dma_start3A_472 = arith.constant 0 : i32
    %dma_start3A_473 = arith.constant 0 : i32
    %dma_start3A_474 = tpu.memref_slice %arg3[%dma_start3A_465, %add3A, %dma_start3A_466, %dma_start3A_472, %dma_start3A_473] : memref<2x32x50x5x40xi32, #tpu.memory_space<hbm>> -> memref<1x1x1x5x40xi32, #tpu.memory_space<hbm>>
    %dma_start3A_475 = tpu.memref_squeeze %dma_start3A_474 : memref<1x1x1x5x40xi32, #tpu.memory_space<hbm>> -> memref<5x40xi32, #tpu.memory_space<hbm>>
    %dma_start3A_476 = arith.constant 0 : i32
    %dma_start3A_477 = arith.constant 0 : i32
    %dma_start3A_478 = tpu.memref_slice %arg6[%dma_start3A_467, %dma_start3A_476, %dma_start3A_477] : memref<3x5x40xi32, #tpu.memory_space<vmem>> -> memref<1x5x40xi32, #tpu.memory_space<vmem>>
    %dma_start3A_479 = tpu.memref_squeeze %dma_start3A_478 : memref<1x5x40xi32, #tpu.memory_space<vmem>> -> memref<5x40xi32, #tpu.memory_space<vmem>>
    %dma_start3A_480 = arith.constant 0 : i32
    %dma_start3A_481 = arith.constant 0 : i32
    %dma_start3A_482 = tpu.memref_slice %arg3[%dma_start3A_465, %add3A, %dma_start3A_466, %dma_start3A_480, %dma_start3A_481] : memref<2x32x50x5x40xi32, #tpu.memory_space<hbm>> -> memref<1x1x1x5x40xi32, #tpu.memory_space<hbm>>
    %dma_start3A_483 = tpu.memref_squeeze %dma_start3A_482 : memref<1x1x1x5x40xi32, #tpu.memory_space<hbm>> -> memref<5x40xi32, #tpu.memory_space<hbm>>
    tpu.enqueue_dma source(%dma_start3A_483 : memref<5x40xi32, #tpu.memory_space<hbm>>) target(%dma_start3A_479 : memref<5x40xi32, #tpu.memory_space<vmem>>) target_semaphore(%arg11 : memref<!tpu.dma_semaphore, #tpu.memory_space<semaphore_mem>>)
    %dma_wait3A_484 = arith.constant 0 : i32
    %dma_wait3A_485 = arith.constant 0 : i32
    %dma_wait3A_486 = arith.constant 0 : i32
    %dma_wait3A_487 = tpu.memref_slice %arg7[%dma_wait3A_484, %dma_wait3A_485, %dma_wait3A_486] : memref<5x40x128xf32, #tpu.memory_space<vmem>> -> memref<1x40x128xf32, #tpu.memory_space<vmem>>
    %dma_wait3A_488 = tpu.memref_squeeze %dma_wait3A_487 : memref<1x40x128xf32, #tpu.memory_space<vmem>> -> memref<40x128xf32, #tpu.memory_space<vmem>>
    %dma_wait3A_489 = arith.constant 0 : i32
    %dma_wait3A_490 = arith.constant 0 : i32
    %dma_wait3A_491 = tpu.memref_slice %arg2[%dma_wait3A_489, %dma_wait3A_490] : memref<10000x128xf32, #tpu.memory_space<hbm>> -> memref<40x128xf32, #tpu.memory_space<hbm>>
    %dma_wait3A_492 = arith.constant 0 : i32
    %dma_wait3A_493 = arith.constant 0 : i32
    %dma_wait3A_494 = tpu.memref_slice %arg7[%dma_wait3A_484, %dma_wait3A_492, %dma_wait3A_493] : memref<5x40x128xf32, #tpu.memory_space<vmem>> -> memref<1x40x128xf32, #tpu.memory_space<vmem>>
    %dma_wait3A_495 = tpu.memref_squeeze %dma_wait3A_494 : memref<1x40x128xf32, #tpu.memory_space<vmem>> -> memref<40x128xf32, #tpu.memory_space<vmem>>
    %dma_wait3A_496 = arith.constant 0 : i32
    %dma_wait3A_497 = arith.constant 0 : i32
    %dma_wait3A_498 = tpu.memref_slice %arg2[%dma_wait3A_496, %dma_wait3A_497] : memref<10000x128xf32, #tpu.memory_space<hbm>> -> memref<40x128xf32, #tpu.memory_space<hbm>>
    tpu.wait_dma2 semaphore(%arg10 : memref<!tpu.dma_semaphore, #tpu.memory_space<semaphore_mem>>) src(%dma_wait3A_498 : memref<40x128xf32, #tpu.memory_space<hbm>>) dst(%dma_wait3A_495 : memref<40x128xf32, #tpu.memory_space<vmem>>)
    %dma_start3A_499 = arith.constant 2 : i32
    %dma_start3A_500 = arith.constant 0 : i32
    %dma_start3A_501 = arith.constant 0 : i32
    %dma_start3A_502 = arith.constant 0 : i32
    %dma_start3A_503 = arith.constant 0 : i32
    %dma_start3A_504 = arith.constant 0 : i32
    %dma_start3A_505 = tpu.memref_slice %arg7[%dma_start3A_501, %dma_start3A_503, %dma_start3A_504] : memref<5x40x128xf32, #tpu.memory_space<vmem>> -> memref<1x40x128xf32, #tpu.memory_space<vmem>>
    %dma_start3A_506 = tpu.memref_squeeze %dma_start3A_505 : memref<1x40x128xf32, #tpu.memory_space<vmem>> -> memref<40x128xf32, #tpu.memory_space<vmem>>
    %dma_start3A_507 = arith.constant 0 : i32
    %dma_start3A_508 = tpu.memref_slice %arg5[%dma_start3A_499, %dma_start3A_500, %dma_start3A_507] : memref<3x5x40xi32, #tpu.memory_space<vmem>> -> memref<1x1x40xi32, #tpu.memory_space<vmem>>
    %dma_start3A_509 = tpu.memref_squeeze %dma_start3A_508 : memref<1x1x40xi32, #tpu.memory_space<vmem>> -> memref<40xi32, #tpu.memory_space<vmem>>
    %dma_start3A_510 = arith.constant 0 : i32
    %dma_start3A_511 = arith.constant 0 : i32
    %dma_start3A_512 = tpu.memref_slice %arg2[%dma_start3A_510, %dma_start3A_511] : memref<10000x128xf32, #tpu.memory_space<hbm>> -> memref<10000x128xf32, #tpu.memory_space<hbm>>
    %dma_start3A_513 = tpu.memref_slice %arg9[%dma_start3A_502] : memref<5x!tpu.dma_semaphore, #tpu.memory_space<semaphore_mem>> -> memref<1x!tpu.dma_semaphore, #tpu.memory_space<semaphore_mem>>
    %dma_start3A_514 = tpu.memref_squeeze %dma_start3A_513 : memref<1x!tpu.dma_semaphore, #tpu.memory_space<semaphore_mem>> -> memref<!tpu.dma_semaphore, #tpu.memory_space<semaphore_mem>>
    tpu.enqueue_indirect_dma source(%dma_start3A_512 : memref<10000x128xf32, #tpu.memory_space<hbm>>) target(%dma_start3A_506 : memref<40x128xf32, #tpu.memory_space<vmem>>) offsets(%dma_start3A_509 : memref<40xi32, #tpu.memory_space<vmem>>) semaphore(%dma_start3A_514 : memref<!tpu.dma_semaphore, #tpu.memory_space<semaphore_mem>>)
    %dma_wait3A_515 = arith.constant 1 : i32
    %dma_wait3A_516 = arith.constant 1 : i32
    %dma_wait3A_517 = arith.constant 0 : i32
    %dma_wait3A_518 = arith.constant 0 : i32
    %dma_wait3A_519 = tpu.memref_slice %arg7[%dma_wait3A_515, %dma_wait3A_517, %dma_wait3A_518] : memref<5x40x128xf32, #tpu.memory_space<vmem>> -> memref<1x40x128xf32, #tpu.memory_space<vmem>>
    %dma_wait3A_520 = tpu.memref_squeeze %dma_wait3A_519 : memref<1x40x128xf32, #tpu.memory_space<vmem>> -> memref<40x128xf32, #tpu.memory_space<vmem>>
    %dma_wait3A_521 = arith.constant 0 : i32
    %dma_wait3A_522 = arith.constant 0 : i32
    %dma_wait3A_523 = tpu.memref_slice %arg2[%dma_wait3A_521, %dma_wait3A_522] : memref<10000x128xf32, #tpu.memory_space<hbm>> -> memref<40x128xf32, #tpu.memory_space<hbm>>
    %dma_wait3A_524 = tpu.memref_slice %arg9[%dma_wait3A_516] : memref<5x!tpu.dma_semaphore, #tpu.memory_space<semaphore_mem>> -> memref<1x!tpu.dma_semaphore, #tpu.memory_space<semaphore_mem>>
    %dma_wait3A_525 = tpu.memref_squeeze %dma_wait3A_524 : memref<1x!tpu.dma_semaphore, #tpu.memory_space<semaphore_mem>> -> memref<!tpu.dma_semaphore, #tpu.memory_space<semaphore_mem>>
    %dma_wait3A_526 = arith.constant 0 : i32
    %dma_wait3A_527 = arith.constant 0 : i32
    %dma_wait3A_528 = tpu.memref_slice %arg7[%dma_wait3A_515, %dma_wait3A_526, %dma_wait3A_527] : memref<5x40x128xf32, #tpu.memory_space<vmem>> -> memref<1x40x128xf32, #tpu.memory_space<vmem>>
    %dma_wait3A_529 = tpu.memref_squeeze %dma_wait3A_528 : memref<1x40x128xf32, #tpu.memory_space<vmem>> -> memref<40x128xf32, #tpu.memory_space<vmem>>
    %dma_wait3A_530 = arith.constant 0 : i32
    %dma_wait3A_531 = arith.constant 0 : i32
    %dma_wait3A_532 = tpu.memref_slice %arg2[%dma_wait3A_530, %dma_wait3A_531] : memref<10000x128xf32, #tpu.memory_space<hbm>> -> memref<40x128xf32, #tpu.memory_space<hbm>>
    tpu.wait_dma2 semaphore(%dma_wait3A_525 : memref<!tpu.dma_semaphore, #tpu.memory_space<semaphore_mem>>) src(%dma_wait3A_532 : memref<40x128xf32, #tpu.memory_space<hbm>>) dst(%dma_wait3A_529 : memref<40x128xf32, #tpu.memory_space<vmem>>)
    %dma_start3A_533 = arith.constant 1 : i32
    %dma_start3A_534 = arith.constant 1 : i32
    %dma_start3A_535 = arith.constant 1 : i32
    %dma_start3A_536 = arith.constant 0 : i32
    %dma_start3A_537 = arith.constant 0 : i32
    %dma_start3A_538 = tpu.memref_slice %arg7[%dma_start3A_533, %dma_start3A_536, %dma_start3A_537] : memref<5x40x128xf32, #tpu.memory_space<vmem>> -> memref<1x40x128xf32, #tpu.memory_space<vmem>>
    %dma_start3A_539 = tpu.memref_squeeze %dma_start3A_538 : memref<1x40x128xf32, #tpu.memory_space<vmem>> -> memref<40x128xf32, #tpu.memory_space<vmem>>
    %dma_start3A_540 = arith.constant 0 : i32
    %dma_start3A_541 = tpu.memref_slice %arg6[%dma_start3A_534, %dma_start3A_535, %dma_start3A_540] : memref<3x5x40xi32, #tpu.memory_space<vmem>> -> memref<1x1x40xi32, #tpu.memory_space<vmem>>
    %dma_start3A_542 = tpu.memref_squeeze %dma_start3A_541 : memref<1x1x40xi32, #tpu.memory_space<vmem>> -> memref<40xi32, #tpu.memory_space<vmem>>
    %dma_start3A_543 = arith.constant 0 : i32
    %dma_start3A_544 = arith.constant 0 : i32
    %dma_start3A_545 = tpu.memref_slice %arg8[%dma_start3A_543, %dma_start3A_544] : memref<10240x128xf32, #tpu.memory_space<vmem_shared>> -> memref<10240x128xf32, #tpu.memory_space<vmem_shared>>
    tpu.enqueue_indirect_dma source(%dma_start3A_539 : memref<40x128xf32, #tpu.memory_space<vmem>>) target(%dma_start3A_545 : memref<10240x128xf32, #tpu.memory_space<vmem_shared>>) offsets(%dma_start3A_542 : memref<40xi32, #tpu.memory_space<vmem>>) semaphore(%arg10 : memref<!tpu.dma_semaphore, #tpu.memory_space<semaphore_mem>>) {add = true}
    %dma_wait3A_546 = arith.constant 1 : i32
    %dma_wait3A_547 = arith.constant 0 : i32
    %dma_wait3A_548 = arith.constant 0 : i32
    %dma_wait3A_549 = tpu.memref_slice %arg7[%dma_wait3A_546, %dma_wait3A_547, %dma_wait3A_548] : memref<5x40x128xf32, #tpu.memory_space<vmem>> -> memref<1x40x128xf32, #tpu.memory_space<vmem>>
    %dma_wait3A_550 = tpu.memref_squeeze %dma_wait3A_549 : memref<1x40x128xf32, #tpu.memory_space<vmem>> -> memref<40x128xf32, #tpu.memory_space<vmem>>
    %dma_wait3A_551 = arith.constant 0 : i32
    %dma_wait3A_552 = arith.constant 0 : i32
    %dma_wait3A_553 = tpu.memref_slice %arg2[%dma_wait3A_551, %dma_wait3A_552] : memref<10000x128xf32, #tpu.memory_space<hbm>> -> memref<40x128xf32, #tpu.memory_space<hbm>>
    %dma_wait3A_554 = arith.constant 0 : i32
    %dma_wait3A_555 = arith.constant 0 : i32
    %dma_wait3A_556 = tpu.memref_slice %arg7[%dma_wait3A_546, %dma_wait3A_554, %dma_wait3A_555] : memref<5x40x128xf32, #tpu.memory_space<vmem>> -> memref<1x40x128xf32, #tpu.memory_space<vmem>>
    %dma_wait3A_557 = tpu.memref_squeeze %dma_wait3A_556 : memref<1x40x128xf32, #tpu.memory_space<vmem>> -> memref<40x128xf32, #tpu.memory_space<vmem>>
    %dma_wait3A_558 = arith.constant 0 : i32
    %dma_wait3A_559 = arith.constant 0 : i32
    %dma_wait3A_560 = tpu.memref_slice %arg2[%dma_wait3A_558, %dma_wait3A_559] : memref<10000x128xf32, #tpu.memory_space<hbm>> -> memref<40x128xf32, #tpu.memory_space<hbm>>
    tpu.wait_dma2 semaphore(%arg10 : memref<!tpu.dma_semaphore, #tpu.memory_space<semaphore_mem>>) src(%dma_wait3A_560 : memref<40x128xf32, #tpu.memory_space<hbm>>) dst(%dma_wait3A_557 : memref<40x128xf32, #tpu.memory_space<vmem>>)
    %dma_start3A_561 = arith.constant 2 : i32
    %dma_start3A_562 = arith.constant 1 : i32
    %dma_start3A_563 = arith.constant 1 : i32
    %dma_start3A_564 = arith.constant 1 : i32
    %dma_start3A_565 = arith.constant 0 : i32
    %dma_start3A_566 = arith.constant 0 : i32
    %dma_start3A_567 = tpu.memref_slice %arg7[%dma_start3A_563, %dma_start3A_565, %dma_start3A_566] : memref<5x40x128xf32, #tpu.memory_space<vmem>> -> memref<1x40x128xf32, #tpu.memory_space<vmem>>
    %dma_start3A_568 = tpu.memref_squeeze %dma_start3A_567 : memref<1x40x128xf32, #tpu.memory_space<vmem>> -> memref<40x128xf32, #tpu.memory_space<vmem>>
    %dma_start3A_569 = arith.constant 0 : i32
    %dma_start3A_570 = tpu.memref_slice %arg5[%dma_start3A_561, %dma_start3A_562, %dma_start3A_569] : memref<3x5x40xi32, #tpu.memory_space<vmem>> -> memref<1x1x40xi32, #tpu.memory_space<vmem>>
    %dma_start3A_571 = tpu.memref_squeeze %dma_start3A_570 : memref<1x1x40xi32, #tpu.memory_space<vmem>> -> memref<40xi32, #tpu.memory_space<vmem>>
    %dma_start3A_572 = arith.constant 0 : i32
    %dma_start3A_573 = arith.constant 0 : i32
    %dma_start3A_574 = tpu.memref_slice %arg2[%dma_start3A_572, %dma_start3A_573] : memref<10000x128xf32, #tpu.memory_space<hbm>> -> memref<10000x128xf32, #tpu.memory_space<hbm>>
    %dma_start3A_575 = tpu.memref_slice %arg9[%dma_start3A_564] : memref<5x!tpu.dma_semaphore, #tpu.memory_space<semaphore_mem>> -> memref<1x!tpu.dma_semaphore, #tpu.memory_space<semaphore_mem>>
    %dma_start3A_576 = tpu.memref_squeeze %dma_start3A_575 : memref<1x!tpu.dma_semaphore, #tpu.memory_space<semaphore_mem>> -> memref<!tpu.dma_semaphore, #tpu.memory_space<semaphore_mem>>
    tpu.enqueue_indirect_dma source(%dma_start3A_574 : memref<10000x128xf32, #tpu.memory_space<hbm>>) target(%dma_start3A_568 : memref<40x128xf32, #tpu.memory_space<vmem>>) offsets(%dma_start3A_571 : memref<40xi32, #tpu.memory_space<vmem>>) semaphore(%dma_start3A_576 : memref<!tpu.dma_semaphore, #tpu.memory_space<semaphore_mem>>)
    %dma_wait3A_577 = arith.constant 2 : i32
    %dma_wait3A_578 = arith.constant 2 : i32
    %dma_wait3A_579 = arith.constant 0 : i32
    %dma_wait3A_580 = arith.constant 0 : i32
    %dma_wait3A_581 = tpu.memref_slice %arg7[%dma_wait3A_577, %dma_wait3A_579, %dma_wait3A_580] : memref<5x40x128xf32, #tpu.memory_space<vmem>> -> memref<1x40x128xf32, #tpu.memory_space<vmem>>
    %dma_wait3A_582 = tpu.memref_squeeze %dma_wait3A_581 : memref<1x40x128xf32, #tpu.memory_space<vmem>> -> memref<40x128xf32, #tpu.memory_space<vmem>>
    %dma_wait3A_583 = arith.constant 0 : i32
    %dma_wait3A_584 = arith.constant 0 : i32
    %dma_wait3A_585 = tpu.memref_slice %arg2[%dma_wait3A_583, %dma_wait3A_584] : memref<10000x128xf32, #tpu.memory_space<hbm>> -> memref<40x128xf32, #tpu.memory_space<hbm>>
    %dma_wait3A_586 = tpu.memref_slice %arg9[%dma_wait3A_578] : memref<5x!tpu.dma_semaphore, #tpu.memory_space<semaphore_mem>> -> memref<1x!tpu.dma_semaphore, #tpu.memory_space<semaphore_mem>>
    %dma_wait3A_587 = tpu.memref_squeeze %dma_wait3A_586 : memref<1x!tpu.dma_semaphore, #tpu.memory_space<semaphore_mem>> -> memref<!tpu.dma_semaphore, #tpu.memory_space<semaphore_mem>>
    %dma_wait3A_588 = arith.constant 0 : i32
    %dma_wait3A_589 = arith.constant 0 : i32
    %dma_wait3A_590 = tpu.memref_slice %arg7[%dma_wait3A_577, %dma_wait3A_588, %dma_wait3A_589] : memref<5x40x128xf32, #tpu.memory_space<vmem>> -> memref<1x40x128xf32, #tpu.memory_space<vmem>>
    %dma_wait3A_591 = tpu.memref_squeeze %dma_wait3A_590 : memref<1x40x128xf32, #tpu.memory_space<vmem>> -> memref<40x128xf32, #tpu.memory_space<vmem>>
    %dma_wait3A_592 = arith.constant 0 : i32
    %dma_wait3A_593 = arith.constant 0 : i32
    %dma_wait3A_594 = tpu.memref_slice %arg2[%dma_wait3A_592, %dma_wait3A_593] : memref<10000x128xf32, #tpu.memory_space<hbm>> -> memref<40x128xf32, #tpu.memory_space<hbm>>
    tpu.wait_dma2 semaphore(%dma_wait3A_587 : memref<!tpu.dma_semaphore, #tpu.memory_space<semaphore_mem>>) src(%dma_wait3A_594 : memref<40x128xf32, #tpu.memory_space<hbm>>) dst(%dma_wait3A_591 : memref<40x128xf32, #tpu.memory_space<vmem>>)
    %dma_start3A_595 = arith.constant 2 : i32
    %dma_start3A_596 = arith.constant 1 : i32
    %dma_start3A_597 = arith.constant 2 : i32
    %dma_start3A_598 = arith.constant 0 : i32
    %dma_start3A_599 = arith.constant 0 : i32
    %dma_start3A_600 = tpu.memref_slice %arg7[%dma_start3A_595, %dma_start3A_598, %dma_start3A_599] : memref<5x40x128xf32, #tpu.memory_space<vmem>> -> memref<1x40x128xf32, #tpu.memory_space<vmem>>
    %dma_start3A_601 = tpu.memref_squeeze %dma_start3A_600 : memref<1x40x128xf32, #tpu.memory_space<vmem>> -> memref<40x128xf32, #tpu.memory_space<vmem>>
    %dma_start3A_602 = arith.constant 0 : i32
    %dma_start3A_603 = tpu.memref_slice %arg6[%dma_start3A_596, %dma_start3A_597, %dma_start3A_602] : memref<3x5x40xi32, #tpu.memory_space<vmem>> -> memref<1x1x40xi32, #tpu.memory_space<vmem>>
    %dma_start3A_604 = tpu.memref_squeeze %dma_start3A_603 : memref<1x1x40xi32, #tpu.memory_space<vmem>> -> memref<40xi32, #tpu.memory_space<vmem>>
    %dma_start3A_605 = arith.constant 0 : i32
    %dma_start3A_606 = arith.constant 0 : i32
    %dma_start3A_607 = tpu.memref_slice %arg8[%dma_start3A_605, %dma_start3A_606] : memref<10240x128xf32, #tpu.memory_space<vmem_shared>> -> memref<10240x128xf32, #tpu.memory_space<vmem_shared>>
    tpu.enqueue_indirect_dma source(%dma_start3A_601 : memref<40x128xf32, #tpu.memory_space<vmem>>) target(%dma_start3A_607 : memref<10240x128xf32, #tpu.memory_space<vmem_shared>>) offsets(%dma_start3A_604 : memref<40xi32, #tpu.memory_space<vmem>>) semaphore(%arg10 : memref<!tpu.dma_semaphore, #tpu.memory_space<semaphore_mem>>) {add = true}
    %dma_wait3A_608 = arith.constant 2 : i32
    %dma_wait3A_609 = arith.constant 0 : i32
    %dma_wait3A_610 = arith.constant 0 : i32
    %dma_wait3A_611 = tpu.memref_slice %arg7[%dma_wait3A_608, %dma_wait3A_609, %dma_wait3A_610] : memref<5x40x128xf32, #tpu.memory_space<vmem>> -> memref<1x40x128xf32, #tpu.memory_space<vmem>>
    %dma_wait3A_612 = tpu.memref_squeeze %dma_wait3A_611 : memref<1x40x128xf32, #tpu.memory_space<vmem>> -> memref<40x128xf32, #tpu.memory_space<vmem>>
    %dma_wait3A_613 = arith.constant 0 : i32
    %dma_wait3A_614 = arith.constant 0 : i32
    %dma_wait3A_615 = tpu.memref_slice %arg2[%dma_wait3A_613, %dma_wait3A_614] : memref<10000x128xf32, #tpu.memory_space<hbm>> -> memref<40x128xf32, #tpu.memory_space<hbm>>
    %dma_wait3A_616 = arith.constant 0 : i32
    %dma_wait3A_617 = arith.constant 0 : i32
    %dma_wait3A_618 = tpu.memref_slice %arg7[%dma_wait3A_608, %dma_wait3A_616, %dma_wait3A_617] : memref<5x40x128xf32, #tpu.memory_space<vmem>> -> memref<1x40x128xf32, #tpu.memory_space<vmem>>
    %dma_wait3A_619 = tpu.memref_squeeze %dma_wait3A_618 : memref<1x40x128xf32, #tpu.memory_space<vmem>> -> memref<40x128xf32, #tpu.memory_space<vmem>>
    %dma_wait3A_620 = arith.constant 0 : i32
    %dma_wait3A_621 = arith.constant 0 : i32
    %dma_wait3A_622 = tpu.memref_slice %arg2[%dma_wait3A_620, %dma_wait3A_621] : memref<10000x128xf32, #tpu.memory_space<hbm>> -> memref<40x128xf32, #tpu.memory_space<hbm>>
    tpu.wait_dma2 semaphore(%arg10 : memref<!tpu.dma_semaphore, #tpu.memory_space<semaphore_mem>>) src(%dma_wait3A_622 : memref<40x128xf32, #tpu.memory_space<hbm>>) dst(%dma_wait3A_619 : memref<40x128xf32, #tpu.memory_space<vmem>>)
    %dma_start3A_623 = arith.constant 2 : i32
    %dma_start3A_624 = arith.constant 2 : i32
    %dma_start3A_625 = arith.constant 2 : i32
    %dma_start3A_626 = arith.constant 2 : i32
    %dma_start3A_627 = arith.constant 0 : i32
    %dma_start3A_628 = arith.constant 0 : i32
    %dma_start3A_629 = tpu.memref_slice %arg7[%dma_start3A_625, %dma_start3A_627, %dma_start3A_628] : memref<5x40x128xf32, #tpu.memory_space<vmem>> -> memref<1x40x128xf32, #tpu.memory_space<vmem>>
    %dma_start3A_630 = tpu.memref_squeeze %dma_start3A_629 : memref<1x40x128xf32, #tpu.memory_space<vmem>> -> memref<40x128xf32, #tpu.memory_space<vmem>>
    %dma_start3A_631 = arith.constant 0 : i32
    %dma_start3A_632 = tpu.memref_slice %arg5[%dma_start3A_623, %dma_start3A_624, %dma_start3A_631] : memref<3x5x40xi32, #tpu.memory_space<vmem>> -> memref<1x1x40xi32, #tpu.memory_space<vmem>>
    %dma_start3A_633 = tpu.memref_squeeze %dma_start3A_632 : memref<1x1x40xi32, #tpu.memory_space<vmem>> -> memref<40xi32, #tpu.memory_space<vmem>>
    %dma_start3A_634 = arith.constant 0 : i32
    %dma_start3A_635 = arith.constant 0 : i32
    %dma_start3A_636 = tpu.memref_slice %arg2[%dma_start3A_634, %dma_start3A_635] : memref<10000x128xf32, #tpu.memory_space<hbm>> -> memref<10000x128xf32, #tpu.memory_space<hbm>>
    %dma_start3A_637 = tpu.memref_slice %arg9[%dma_start3A_626] : memref<5x!tpu.dma_semaphore, #tpu.memory_space<semaphore_mem>> -> memref<1x!tpu.dma_semaphore, #tpu.memory_space<semaphore_mem>>
    %dma_start3A_638 = tpu.memref_squeeze %dma_start3A_637 : memref<1x!tpu.dma_semaphore, #tpu.memory_space<semaphore_mem>> -> memref<!tpu.dma_semaphore, #tpu.memory_space<semaphore_mem>>
    tpu.enqueue_indirect_dma source(%dma_start3A_636 : memref<10000x128xf32, #tpu.memory_space<hbm>>) target(%dma_start3A_630 : memref<40x128xf32, #tpu.memory_space<vmem>>) offsets(%dma_start3A_633 : memref<40xi32, #tpu.memory_space<vmem>>) semaphore(%dma_start3A_638 : memref<!tpu.dma_semaphore, #tpu.memory_space<semaphore_mem>>)
    %dma_wait3A_639 = arith.constant 3 : i32
    %dma_wait3A_640 = arith.constant 3 : i32
    %dma_wait3A_641 = arith.constant 0 : i32
    %dma_wait3A_642 = arith.constant 0 : i32
    %dma_wait3A_643 = tpu.memref_slice %arg7[%dma_wait3A_639, %dma_wait3A_641, %dma_wait3A_642] : memref<5x40x128xf32, #tpu.memory_space<vmem>> -> memref<1x40x128xf32, #tpu.memory_space<vmem>>
    %dma_wait3A_644 = tpu.memref_squeeze %dma_wait3A_643 : memref<1x40x128xf32, #tpu.memory_space<vmem>> -> memref<40x128xf32, #tpu.memory_space<vmem>>
    %dma_wait3A_645 = arith.constant 0 : i32
    %dma_wait3A_646 = arith.constant 0 : i32
    %dma_wait3A_647 = tpu.memref_slice %arg2[%dma_wait3A_645, %dma_wait3A_646] : memref<10000x128xf32, #tpu.memory_space<hbm>> -> memref<40x128xf32, #tpu.memory_space<hbm>>
    %dma_wait3A_648 = tpu.memref_slice %arg9[%dma_wait3A_640] : memref<5x!tpu.dma_semaphore, #tpu.memory_space<semaphore_mem>> -> memref<1x!tpu.dma_semaphore, #tpu.memory_space<semaphore_mem>>
    %dma_wait3A_649 = tpu.memref_squeeze %dma_wait3A_648 : memref<1x!tpu.dma_semaphore, #tpu.memory_space<semaphore_mem>> -> memref<!tpu.dma_semaphore, #tpu.memory_space<semaphore_mem>>
    %dma_wait3A_650 = arith.constant 0 : i32
    %dma_wait3A_651 = arith.constant 0 : i32
    %dma_wait3A_652 = tpu.memref_slice %arg7[%dma_wait3A_639, %dma_wait3A_650, %dma_wait3A_651] : memref<5x40x128xf32, #tpu.memory_space<vmem>> -> memref<1x40x128xf32, #tpu.memory_space<vmem>>
    %dma_wait3A_653 = tpu.memref_squeeze %dma_wait3A_652 : memref<1x40x128xf32, #tpu.memory_space<vmem>> -> memref<40x128xf32, #tpu.memory_space<vmem>>
    %dma_wait3A_654 = arith.constant 0 : i32
    %dma_wait3A_655 = arith.constant 0 : i32
    %dma_wait3A_656 = tpu.memref_slice %arg2[%dma_wait3A_654, %dma_wait3A_655] : memref<10000x128xf32, #tpu.memory_space<hbm>> -> memref<40x128xf32, #tpu.memory_space<hbm>>
    tpu.wait_dma2 semaphore(%dma_wait3A_649 : memref<!tpu.dma_semaphore, #tpu.memory_space<semaphore_mem>>) src(%dma_wait3A_656 : memref<40x128xf32, #tpu.memory_space<hbm>>) dst(%dma_wait3A_653 : memref<40x128xf32, #tpu.memory_space<vmem>>)
    %dma_start3A_657 = arith.constant 3 : i32
    %dma_start3A_658 = arith.constant 1 : i32
    %dma_start3A_659 = arith.constant 3 : i32
    %dma_start3A_660 = arith.constant 0 : i32
    %dma_start3A_661 = arith.constant 0 : i32
    %dma_start3A_662 = tpu.memref_slice %arg7[%dma_start3A_657, %dma_start3A_660, %dma_start3A_661] : memref<5x40x128xf32, #tpu.memory_space<vmem>> -> memref<1x40x128xf32, #tpu.memory_space<vmem>>
    %dma_start3A_663 = tpu.memref_squeeze %dma_start3A_662 : memref<1x40x128xf32, #tpu.memory_space<vmem>> -> memref<40x128xf32, #tpu.memory_space<vmem>>
    %dma_start3A_664 = arith.constant 0 : i32
    %dma_start3A_665 = tpu.memref_slice %arg6[%dma_start3A_658, %dma_start3A_659, %dma_start3A_664] : memref<3x5x40xi32, #tpu.memory_space<vmem>> -> memref<1x1x40xi32, #tpu.memory_space<vmem>>
    %dma_start3A_666 = tpu.memref_squeeze %dma_start3A_665 : memref<1x1x40xi32, #tpu.memory_space<vmem>> -> memref<40xi32, #tpu.memory_space<vmem>>
    %dma_start3A_667 = arith.constant 0 : i32
    %dma_start3A_668 = arith.constant 0 : i32
    %dma_start3A_669 = tpu.memref_slice %arg8[%dma_start3A_667, %dma_start3A_668] : memref<10240x128xf32, #tpu.memory_space<vmem_shared>> -> memref<10240x128xf32, #tpu.memory_space<vmem_shared>>
    tpu.enqueue_indirect_dma source(%dma_start3A_663 : memref<40x128xf32, #tpu.memory_space<vmem>>) target(%dma_start3A_669 : memref<10240x128xf32, #tpu.memory_space<vmem_shared>>) offsets(%dma_start3A_666 : memref<40xi32, #tpu.memory_space<vmem>>) semaphore(%arg10 : memref<!tpu.dma_semaphore, #tpu.memory_space<semaphore_mem>>) {add = true}
    %dma_wait3A_670 = arith.constant 3 : i32
    %dma_wait3A_671 = arith.constant 0 : i32
    %dma_wait3A_672 = arith.constant 0 : i32
    %dma_wait3A_673 = tpu.memref_slice %arg7[%dma_wait3A_670, %dma_wait3A_671, %dma_wait3A_672] : memref<5x40x128xf32, #tpu.memory_space<vmem>> -> memref<1x40x128xf32, #tpu.memory_space<vmem>>
    %dma_wait3A_674 = tpu.memref_squeeze %dma_wait3A_673 : memref<1x40x128xf32, #tpu.memory_space<vmem>> -> memref<40x128xf32, #tpu.memory_space<vmem>>
    %dma_wait3A_675 = arith.constant 0 : i32
    %dma_wait3A_676 = arith.constant 0 : i32
    %dma_wait3A_677 = tpu.memref_slice %arg2[%dma_wait3A_675, %dma_wait3A_676] : memref<10000x128xf32, #tpu.memory_space<hbm>> -> memref<40x128xf32, #tpu.memory_space<hbm>>
    %dma_wait3A_678 = arith.constant 0 : i32
    %dma_wait3A_679 = arith.constant 0 : i32
    %dma_wait3A_680 = tpu.memref_slice %arg7[%dma_wait3A_670, %dma_wait3A_678, %dma_wait3A_679] : memref<5x40x128xf32, #tpu.memory_space<vmem>> -> memref<1x40x128xf32, #tpu.memory_space<vmem>>
    %dma_wait3A_681 = tpu.memref_squeeze %dma_wait3A_680 : memref<1x40x128xf32, #tpu.memory_space<vmem>> -> memref<40x128xf32, #tpu.memory_space<vmem>>
    %dma_wait3A_682 = arith.constant 0 : i32
    %dma_wait3A_683 = arith.constant 0 : i32
    %dma_wait3A_684 = tpu.memref_slice %arg2[%dma_wait3A_682, %dma_wait3A_683] : memref<10000x128xf32, #tpu.memory_space<hbm>> -> memref<40x128xf32, #tpu.memory_space<hbm>>
    tpu.wait_dma2 semaphore(%arg10 : memref<!tpu.dma_semaphore, #tpu.memory_space<semaphore_mem>>) src(%dma_wait3A_684 : memref<40x128xf32, #tpu.memory_space<hbm>>) dst(%dma_wait3A_681 : memref<40x128xf32, #tpu.memory_space<vmem>>)
    %dma_start3A_685 = arith.constant 2 : i32
    %dma_start3A_686 = arith.constant 3 : i32
    %dma_start3A_687 = arith.constant 3 : i32
    %dma_start3A_688 = arith.constant 3 : i32
    %dma_start3A_689 = arith.constant 0 : i32
    %dma_start3A_690 = arith.constant 0 : i32
    %dma_start3A_691 = tpu.memref_slice %arg7[%dma_start3A_687, %dma_start3A_689, %dma_start3A_690] : memref<5x40x128xf32, #tpu.memory_space<vmem>> -> memref<1x40x128xf32, #tpu.memory_space<vmem>>
    %dma_start3A_692 = tpu.memref_squeeze %dma_start3A_691 : memref<1x40x128xf32, #tpu.memory_space<vmem>> -> memref<40x128xf32, #tpu.memory_space<vmem>>
    %dma_start3A_693 = arith.constant 0 : i32
    %dma_start3A_694 = tpu.memref_slice %arg5[%dma_start3A_685, %dma_start3A_686, %dma_start3A_693] : memref<3x5x40xi32, #tpu.memory_space<vmem>> -> memref<1x1x40xi32, #tpu.memory_space<vmem>>
    %dma_start3A_695 = tpu.memref_squeeze %dma_start3A_694 : memref<1x1x40xi32, #tpu.memory_space<vmem>> -> memref<40xi32, #tpu.memory_space<vmem>>
    %dma_start3A_696 = arith.constant 0 : i32
    %dma_start3A_697 = arith.constant 0 : i32
    %dma_start3A_698 = tpu.memref_slice %arg2[%dma_start3A_696, %dma_start3A_697] : memref<10000x128xf32, #tpu.memory_space<hbm>> -> memref<10000x128xf32, #tpu.memory_space<hbm>>
    %dma_start3A_699 = tpu.memref_slice %arg9[%dma_start3A_688] : memref<5x!tpu.dma_semaphore, #tpu.memory_space<semaphore_mem>> -> memref<1x!tpu.dma_semaphore, #tpu.memory_space<semaphore_mem>>
    %dma_start3A_700 = tpu.memref_squeeze %dma_start3A_699 : memref<1x!tpu.dma_semaphore, #tpu.memory_space<semaphore_mem>> -> memref<!tpu.dma_semaphore, #tpu.memory_space<semaphore_mem>>
    tpu.enqueue_indirect_dma source(%dma_start3A_698 : memref<10000x128xf32, #tpu.memory_space<hbm>>) target(%dma_start3A_692 : memref<40x128xf32, #tpu.memory_space<vmem>>) offsets(%dma_start3A_695 : memref<40xi32, #tpu.memory_space<vmem>>) semaphore(%dma_start3A_700 : memref<!tpu.dma_semaphore, #tpu.memory_space<semaphore_mem>>)
    %dma_wait3A_701 = arith.constant 4 : i32
    %dma_wait3A_702 = arith.constant 4 : i32
    %dma_wait3A_703 = arith.constant 0 : i32
    %dma_wait3A_704 = arith.constant 0 : i32
    %dma_wait3A_705 = tpu.memref_slice %arg7[%dma_wait3A_701, %dma_wait3A_703, %dma_wait3A_704] : memref<5x40x128xf32, #tpu.memory_space<vmem>> -> memref<1x40x128xf32, #tpu.memory_space<vmem>>
    %dma_wait3A_706 = tpu.memref_squeeze %dma_wait3A_705 : memref<1x40x128xf32, #tpu.memory_space<vmem>> -> memref<40x128xf32, #tpu.memory_space<vmem>>
    %dma_wait3A_707 = arith.constant 0 : i32
    %dma_wait3A_708 = arith.constant 0 : i32
    %dma_wait3A_709 = tpu.memref_slice %arg2[%dma_wait3A_707, %dma_wait3A_708] : memref<10000x128xf32, #tpu.memory_space<hbm>> -> memref<40x128xf32, #tpu.memory_space<hbm>>
    %dma_wait3A_710 = tpu.memref_slice %arg9[%dma_wait3A_702] : memref<5x!tpu.dma_semaphore, #tpu.memory_space<semaphore_mem>> -> memref<1x!tpu.dma_semaphore, #tpu.memory_space<semaphore_mem>>
    %dma_wait3A_711 = tpu.memref_squeeze %dma_wait3A_710 : memref<1x!tpu.dma_semaphore, #tpu.memory_space<semaphore_mem>> -> memref<!tpu.dma_semaphore, #tpu.memory_space<semaphore_mem>>
    %dma_wait3A_712 = arith.constant 0 : i32
    %dma_wait3A_713 = arith.constant 0 : i32
    %dma_wait3A_714 = tpu.memref_slice %arg7[%dma_wait3A_701, %dma_wait3A_712, %dma_wait3A_713] : memref<5x40x128xf32, #tpu.memory_space<vmem>> -> memref<1x40x128xf32, #tpu.memory_space<vmem>>
    %dma_wait3A_715 = tpu.memref_squeeze %dma_wait3A_714 : memref<1x40x128xf32, #tpu.memory_space<vmem>> -> memref<40x128xf32, #tpu.memory_space<vmem>>
    %dma_wait3A_716 = arith.constant 0 : i32
    %dma_wait3A_717 = arith.constant 0 : i32
    %dma_wait3A_718 = tpu.memref_slice %arg2[%dma_wait3A_716, %dma_wait3A_717] : memref<10000x128xf32, #tpu.memory_space<hbm>> -> memref<40x128xf32, #tpu.memory_space<hbm>>
    tpu.wait_dma2 semaphore(%dma_wait3A_711 : memref<!tpu.dma_semaphore, #tpu.memory_space<semaphore_mem>>) src(%dma_wait3A_718 : memref<40x128xf32, #tpu.memory_space<hbm>>) dst(%dma_wait3A_715 : memref<40x128xf32, #tpu.memory_space<vmem>>)
    %dma_start3A_719 = arith.constant 4 : i32
    %dma_start3A_720 = arith.constant 1 : i32
    %dma_start3A_721 = arith.constant 4 : i32
    %dma_start3A_722 = arith.constant 0 : i32
    %dma_start3A_723 = arith.constant 0 : i32
    %dma_start3A_724 = tpu.memref_slice %arg7[%dma_start3A_719, %dma_start3A_722, %dma_start3A_723] : memref<5x40x128xf32, #tpu.memory_space<vmem>> -> memref<1x40x128xf32, #tpu.memory_space<vmem>>
    %dma_start3A_725 = tpu.memref_squeeze %dma_start3A_724 : memref<1x40x128xf32, #tpu.memory_space<vmem>> -> memref<40x128xf32, #tpu.memory_space<vmem>>
    %dma_start3A_726 = arith.constant 0 : i32
    %dma_start3A_727 = tpu.memref_slice %arg6[%dma_start3A_720, %dma_start3A_721, %dma_start3A_726] : memref<3x5x40xi32, #tpu.memory_space<vmem>> -> memref<1x1x40xi32, #tpu.memory_space<vmem>>
    %dma_start3A_728 = tpu.memref_squeeze %dma_start3A_727 : memref<1x1x40xi32, #tpu.memory_space<vmem>> -> memref<40xi32, #tpu.memory_space<vmem>>
    %dma_start3A_729 = arith.constant 0 : i32
    %dma_start3A_730 = arith.constant 0 : i32
    %dma_start3A_731 = tpu.memref_slice %arg8[%dma_start3A_729, %dma_start3A_730] : memref<10240x128xf32, #tpu.memory_space<vmem_shared>> -> memref<10240x128xf32, #tpu.memory_space<vmem_shared>>
    tpu.enqueue_indirect_dma source(%dma_start3A_725 : memref<40x128xf32, #tpu.memory_space<vmem>>) target(%dma_start3A_731 : memref<10240x128xf32, #tpu.memory_space<vmem_shared>>) offsets(%dma_start3A_728 : memref<40xi32, #tpu.memory_space<vmem>>) semaphore(%arg10 : memref<!tpu.dma_semaphore, #tpu.memory_space<semaphore_mem>>) {add = true}
    %scan3A_732 = arith.constant 0 : i32
    %scan3A_733 = arith.constant 15 : i32
    %scan3A_734 = arith.addi %scan3A_732, %scan3A_733 : i32
    %scan3A_735 = arith.constant 1 : i32
    scf.for %scan3A_1741 = %scan3A_732 to %scan3A_734 step %scan3A_735  : i32 {
      %mul3A_1742 = arith.constant 3 : i32
      %mul3A_1743 = arith.muli %scan3A_1741, %mul3A_1742 : i32
      %add3A_1744 = arith.constant 2 : i32
      %add3A_1745 = arith.addi %add3A_1744, %mul3A_1743 : i32
      %add3A_1746 = arith.constant 0 : i32
      %add3A_1747 = arith.addi %add3A_1745, %add3A_1746 : i32
      %dma_wait3A_1748 = arith.constant 0 : i32
      %dma_wait3A_1749 = arith.constant 0 : i32
      %dma_wait3A_1750 = arith.constant 0 : i32
      %dma_wait3A_1751 = arith.constant 2 : i32
      %dma_wait3A_1752 = arith.constant 0 : i32
      %dma_wait3A_1753 = arith.constant 0 : i32
      %dma_wait3A_1754 = tpu.memref_slice %arg5[%dma_wait3A_1751, %dma_wait3A_1752, %dma_wait3A_1753] : memref<3x5x40xi32, #tpu.memory_space<vmem>> -> memref<1x5x40xi32, #tpu.memory_space<vmem>>
      %dma_wait3A_1755 = tpu.memref_squeeze %dma_wait3A_1754 : memref<1x5x40xi32, #tpu.memory_space<vmem>> -> memref<5x40xi32, #tpu.memory_space<vmem>>
      %dma_wait3A_1756 = arith.constant 0 : i32
      %dma_wait3A_1757 = arith.constant 0 : i32
      %dma_wait3A_1758 = tpu.memref_slice %arg3[%dma_wait3A_1748, %dma_wait3A_1749, %dma_wait3A_1750, %dma_wait3A_1756, %dma_wait3A_1757] : memref<2x32x50x5x40xi32, #tpu.memory_space<hbm>> -> memref<1x1x1x5x40xi32, #tpu.memory_space<hbm>>
      %dma_wait3A_1759 = tpu.memref_squeeze %dma_wait3A_1758 : memref<1x1x1x5x40xi32, #tpu.memory_space<hbm>> -> memref<5x40xi32, #tpu.memory_space<hbm>>
      %dma_wait3A_1760 = arith.constant 0 : i32
      %dma_wait3A_1761 = arith.constant 0 : i32
      %dma_wait3A_1762 = tpu.memref_slice %arg5[%dma_wait3A_1751, %dma_wait3A_1760, %dma_wait3A_1761] : memref<3x5x40xi32, #tpu.memory_space<vmem>> -> memref<1x5x40xi32, #tpu.memory_space<vmem>>
      %dma_wait3A_1763 = tpu.memref_squeeze %dma_wait3A_1762 : memref<1x5x40xi32, #tpu.memory_space<vmem>> -> memref<5x40xi32, #tpu.memory_space<vmem>>
      %dma_wait3A_1764 = arith.constant 0 : i32
      %dma_wait3A_1765 = arith.constant 0 : i32
      %dma_wait3A_1766 = tpu.memref_slice %arg3[%dma_wait3A_1748, %dma_wait3A_1749, %dma_wait3A_1750, %dma_wait3A_1764, %dma_wait3A_1765] : memref<2x32x50x5x40xi32, #tpu.memory_space<hbm>> -> memref<1x1x1x5x40xi32, #tpu.memory_space<hbm>>
      %dma_wait3A_1767 = tpu.memref_squeeze %dma_wait3A_1766 : memref<1x1x1x5x40xi32, #tpu.memory_space<hbm>> -> memref<5x40xi32, #tpu.memory_space<hbm>>
      tpu.wait_dma2 semaphore(%arg11 : memref<!tpu.dma_semaphore, #tpu.memory_space<semaphore_mem>>) src(%dma_wait3A_1767 : memref<5x40xi32, #tpu.memory_space<hbm>>) dst(%dma_wait3A_1763 : memref<5x40xi32, #tpu.memory_space<vmem>>)
      %dma_wait3A_1768 = arith.constant 0 : i32
      %dma_wait3A_1769 = arith.constant 0 : i32
      %dma_wait3A_1770 = arith.constant 0 : i32
      %dma_wait3A_1771 = arith.constant 2 : i32
      %dma_wait3A_1772 = arith.constant 0 : i32
      %dma_wait3A_1773 = arith.constant 0 : i32
      %dma_wait3A_1774 = tpu.memref_slice %arg6[%dma_wait3A_1771, %dma_wait3A_1772, %dma_wait3A_1773] : memref<3x5x40xi32, #tpu.memory_space<vmem>> -> memref<1x5x40xi32, #tpu.memory_space<vmem>>
      %dma_wait3A_1775 = tpu.memref_squeeze %dma_wait3A_1774 : memref<1x5x40xi32, #tpu.memory_space<vmem>> -> memref<5x40xi32, #tpu.memory_space<vmem>>
      %dma_wait3A_1776 = arith.constant 0 : i32
      %dma_wait3A_1777 = arith.constant 0 : i32
      %dma_wait3A_1778 = tpu.memref_slice %arg3[%dma_wait3A_1768, %dma_wait3A_1769, %dma_wait3A_1770, %dma_wait3A_1776, %dma_wait3A_1777] : memref<2x32x50x5x40xi32, #tpu.memory_space<hbm>> -> memref<1x1x1x5x40xi32, #tpu.memory_space<hbm>>
      %dma_wait3A_1779 = tpu.memref_squeeze %dma_wait3A_1778 : memref<1x1x1x5x40xi32, #tpu.memory_space<hbm>> -> memref<5x40xi32, #tpu.memory_space<hbm>>
      %dma_wait3A_1780 = arith.constant 0 : i32
      %dma_wait3A_1781 = arith.constant 0 : i32
      %dma_wait3A_1782 = tpu.memref_slice %arg6[%dma_wait3A_1771, %dma_wait3A_1780, %dma_wait3A_1781] : memref<3x5x40xi32, #tpu.memory_space<vmem>> -> memref<1x5x40xi32, #tpu.memory_space<vmem>>
      %dma_wait3A_1783 = tpu.memref_squeeze %dma_wait3A_1782 : memref<1x5x40xi32, #tpu.memory_space<vmem>> -> memref<5x40xi32, #tpu.memory_space<vmem>>
      %dma_wait3A_1784 = arith.constant 0 : i32
      %dma_wait3A_1785 = arith.constant 0 : i32
      %dma_wait3A_1786 = tpu.memref_slice %arg3[%dma_wait3A_1768, %dma_wait3A_1769, %dma_wait3A_1770, %dma_wait3A_1784, %dma_wait3A_1785] : memref<2x32x50x5x40xi32, #tpu.memory_space<hbm>> -> memref<1x1x1x5x40xi32, #tpu.memory_space<hbm>>
      %dma_wait3A_1787 = tpu.memref_squeeze %dma_wait3A_1786 : memref<1x1x1x5x40xi32, #tpu.memory_space<hbm>> -> memref<5x40xi32, #tpu.memory_space<hbm>>
      tpu.wait_dma2 semaphore(%arg11 : memref<!tpu.dma_semaphore, #tpu.memory_space<semaphore_mem>>) src(%dma_wait3A_1787 : memref<5x40xi32, #tpu.memory_space<hbm>>) dst(%dma_wait3A_1783 : memref<5x40xi32, #tpu.memory_space<vmem>>)
      %dma_wait3A_1788 = arith.constant 4 : i32
      %dma_wait3A_1789 = arith.constant 0 : i32
      %dma_wait3A_1790 = arith.constant 0 : i32
      %dma_wait3A_1791 = tpu.memref_slice %arg7[%dma_wait3A_1788, %dma_wait3A_1789, %dma_wait3A_1790] : memref<5x40x128xf32, #tpu.memory_space<vmem>> -> memref<1x40x128xf32, #tpu.memory_space<vmem>>
      %dma_wait3A_1792 = tpu.memref_squeeze %dma_wait3A_1791 : memref<1x40x128xf32, #tpu.memory_space<vmem>> -> memref<40x128xf32, #tpu.memory_space<vmem>>
      %dma_wait3A_1793 = arith.constant 0 : i32
      %dma_wait3A_1794 = arith.constant 0 : i32
      %dma_wait3A_1795 = tpu.memref_slice %arg2[%dma_wait3A_1793, %dma_wait3A_1794] : memref<10000x128xf32, #tpu.memory_space<hbm>> -> memref<40x128xf32, #tpu.memory_space<hbm>>
      %dma_wait3A_1796 = arith.constant 0 : i32
      %dma_wait3A_1797 = arith.constant 0 : i32
      %dma_wait3A_1798 = tpu.memref_slice %arg7[%dma_wait3A_1788, %dma_wait3A_1796, %dma_wait3A_1797] : memref<5x40x128xf32, #tpu.memory_space<vmem>> -> memref<1x40x128xf32, #tpu.memory_space<vmem>>
      %dma_wait3A_1799 = tpu.memref_squeeze %dma_wait3A_1798 : memref<1x40x128xf32, #tpu.memory_space<vmem>> -> memref<40x128xf32, #tpu.memory_space<vmem>>
      %dma_wait3A_1800 = arith.constant 0 : i32
      %dma_wait3A_1801 = arith.constant 0 : i32
      %dma_wait3A_1802 = tpu.memref_slice %arg2[%dma_wait3A_1800, %dma_wait3A_1801] : memref<10000x128xf32, #tpu.memory_space<hbm>> -> memref<40x128xf32, #tpu.memory_space<hbm>>
      tpu.wait_dma2 semaphore(%arg10 : memref<!tpu.dma_semaphore, #tpu.memory_space<semaphore_mem>>) src(%dma_wait3A_1802 : memref<40x128xf32, #tpu.memory_space<hbm>>) dst(%dma_wait3A_1799 : memref<40x128xf32, #tpu.memory_space<vmem>>)
      %dma_start3A_1803 = arith.constant 2 : i32
      %dma_start3A_1804 = arith.constant 4 : i32
      %dma_start3A_1805 = arith.constant 4 : i32
      %dma_start3A_1806 = arith.constant 4 : i32
      %dma_start3A_1807 = arith.constant 0 : i32
      %dma_start3A_1808 = arith.constant 0 : i32
      %dma_start3A_1809 = tpu.memref_slice %arg7[%dma_start3A_1805, %dma_start3A_1807, %dma_start3A_1808] : memref<5x40x128xf32, #tpu.memory_space<vmem>> -> memref<1x40x128xf32, #tpu.memory_space<vmem>>
      %dma_start3A_1810 = tpu.memref_squeeze %dma_start3A_1809 : memref<1x40x128xf32, #tpu.memory_space<vmem>> -> memref<40x128xf32, #tpu.memory_space<vmem>>
      %dma_start3A_1811 = arith.constant 0 : i32
      %dma_start3A_1812 = tpu.memref_slice %arg5[%dma_start3A_1803, %dma_start3A_1804, %dma_start3A_1811] : memref<3x5x40xi32, #tpu.memory_space<vmem>> -> memref<1x1x40xi32, #tpu.memory_space<vmem>>
      %dma_start3A_1813 = tpu.memref_squeeze %dma_start3A_1812 : memref<1x1x40xi32, #tpu.memory_space<vmem>> -> memref<40xi32, #tpu.memory_space<vmem>>
      %dma_start3A_1814 = arith.constant 0 : i32
      %dma_start3A_1815 = arith.constant 0 : i32
      %dma_start3A_1816 = tpu.memref_slice %arg2[%dma_start3A_1814, %dma_start3A_1815] : memref<10000x128xf32, #tpu.memory_space<hbm>> -> memref<10000x128xf32, #tpu.memory_space<hbm>>
      %dma_start3A_1817 = tpu.memref_slice %arg9[%dma_start3A_1806] : memref<5x!tpu.dma_semaphore, #tpu.memory_space<semaphore_mem>> -> memref<1x!tpu.dma_semaphore, #tpu.memory_space<semaphore_mem>>
      %dma_start3A_1818 = tpu.memref_squeeze %dma_start3A_1817 : memref<1x!tpu.dma_semaphore, #tpu.memory_space<semaphore_mem>> -> memref<!tpu.dma_semaphore, #tpu.memory_space<semaphore_mem>>
      tpu.enqueue_indirect_dma source(%dma_start3A_1816 : memref<10000x128xf32, #tpu.memory_space<hbm>>) target(%dma_start3A_1810 : memref<40x128xf32, #tpu.memory_space<vmem>>) offsets(%dma_start3A_1813 : memref<40xi32, #tpu.memory_space<vmem>>) semaphore(%dma_start3A_1818 : memref<!tpu.dma_semaphore, #tpu.memory_space<semaphore_mem>>)
      %dma_wait3A_1819 = arith.constant 0 : i32
      %dma_wait3A_1820 = arith.constant 0 : i32
      %dma_wait3A_1821 = arith.constant 0 : i32
      %dma_wait3A_1822 = arith.constant 0 : i32
      %dma_wait3A_1823 = tpu.memref_slice %arg7[%dma_wait3A_1819, %dma_wait3A_1821, %dma_wait3A_1822] : memref<5x40x128xf32, #tpu.memory_space<vmem>> -> memref<1x40x128xf32, #tpu.memory_space<vmem>>
      %dma_wait3A_1824 = tpu.memref_squeeze %dma_wait3A_1823 : memref<1x40x128xf32, #tpu.memory_space<vmem>> -> memref<40x128xf32, #tpu.memory_space<vmem>>
      %dma_wait3A_1825 = arith.constant 0 : i32
      %dma_wait3A_1826 = arith.constant 0 : i32
      %dma_wait3A_1827 = tpu.memref_slice %arg2[%dma_wait3A_1825, %dma_wait3A_1826] : memref<10000x128xf32, #tpu.memory_space<hbm>> -> memref<40x128xf32, #tpu.memory_space<hbm>>
      %dma_wait3A_1828 = tpu.memref_slice %arg9[%dma_wait3A_1820] : memref<5x!tpu.dma_semaphore, #tpu.memory_space<semaphore_mem>> -> memref<1x!tpu.dma_semaphore, #tpu.memory_space<semaphore_mem>>
      %dma_wait3A_1829 = tpu.memref_squeeze %dma_wait3A_1828 : memref<1x!tpu.dma_semaphore, #tpu.memory_space<semaphore_mem>> -> memref<!tpu.dma_semaphore, #tpu.memory_space<semaphore_mem>>
      %dma_wait3A_1830 = arith.constant 0 : i32
      %dma_wait3A_1831 = arith.constant 0 : i32
      %dma_wait3A_1832 = tpu.memref_slice %arg7[%dma_wait3A_1819, %dma_wait3A_1830, %dma_wait3A_1831] : memref<5x40x128xf32, #tpu.memory_space<vmem>> -> memref<1x40x128xf32, #tpu.memory_space<vmem>>
      %dma_wait3A_1833 = tpu.memref_squeeze %dma_wait3A_1832 : memref<1x40x128xf32, #tpu.memory_space<vmem>> -> memref<40x128xf32, #tpu.memory_space<vmem>>
      %dma_wait3A_1834 = arith.constant 0 : i32
      %dma_wait3A_1835 = arith.constant 0 : i32
      %dma_wait3A_1836 = tpu.memref_slice %arg2[%dma_wait3A_1834, %dma_wait3A_1835] : memref<10000x128xf32, #tpu.memory_space<hbm>> -> memref<40x128xf32, #tpu.memory_space<hbm>>
      tpu.wait_dma2 semaphore(%dma_wait3A_1829 : memref<!tpu.dma_semaphore, #tpu.memory_space<semaphore_mem>>) src(%dma_wait3A_1836 : memref<40x128xf32, #tpu.memory_space<hbm>>) dst(%dma_wait3A_1833 : memref<40x128xf32, #tpu.memory_space<vmem>>)
      %dma_start3A_1837 = arith.constant 0 : i32
      %dma_start3A_1838 = arith.constant 2 : i32
      %dma_start3A_1839 = arith.constant 0 : i32
      %dma_start3A_1840 = arith.constant 0 : i32
      %dma_start3A_1841 = arith.constant 0 : i32
      %dma_start3A_1842 = tpu.memref_slice %arg7[%dma_start3A_1837, %dma_start3A_1840, %dma_start3A_1841] : memref<5x40x128xf32, #tpu.memory_space<vmem>> -> memref<1x40x128xf32, #tpu.memory_space<vmem>>
      %dma_start3A_1843 = tpu.memref_squeeze %dma_start3A_1842 : memref<1x40x128xf32, #tpu.memory_space<vmem>> -> memref<40x128xf32, #tpu.memory_space<vmem>>
      %dma_start3A_1844 = arith.constant 0 : i32
      %dma_start3A_1845 = tpu.memref_slice %arg6[%dma_start3A_1838, %dma_start3A_1839, %dma_start3A_1844] : memref<3x5x40xi32, #tpu.memory_space<vmem>> -> memref<1x1x40xi32, #tpu.memory_space<vmem>>
      %dma_start3A_1846 = tpu.memref_squeeze %dma_start3A_1845 : memref<1x1x40xi32, #tpu.memory_space<vmem>> -> memref<40xi32, #tpu.memory_space<vmem>>
      %dma_start3A_1847 = arith.constant 0 : i32
      %dma_start3A_1848 = arith.constant 0 : i32
      %dma_start3A_1849 = tpu.memref_slice %arg8[%dma_start3A_1847, %dma_start3A_1848] : memref<10240x128xf32, #tpu.memory_space<vmem_shared>> -> memref<10240x128xf32, #tpu.memory_space<vmem_shared>>
      tpu.enqueue_indirect_dma source(%dma_start3A_1843 : memref<40x128xf32, #tpu.memory_space<vmem>>) target(%dma_start3A_1849 : memref<10240x128xf32, #tpu.memory_space<vmem_shared>>) offsets(%dma_start3A_1846 : memref<40xi32, #tpu.memory_space<vmem>>) semaphore(%arg10 : memref<!tpu.dma_semaphore, #tpu.memory_space<semaphore_mem>>) {add = true}
      %add3A_1850 = arith.constant 2 : i32
      %add3A_1851 = arith.addi %add3A_1747, %add3A_1850 : i32
      %dma_start3A_1852 = arith.constant 0 : i32
      %dma_start3A_1853 = arith.constant 1 : i32
      %dma_start3A_1854 = arith.constant 0 : i32
      %dma_start3A_1855 = arith.constant 0 : i32
      %dma_start3A_1856 = tpu.memref_slice %arg5[%dma_start3A_1853, %dma_start3A_1854, %dma_start3A_1855] : memref<3x5x40xi32, #tpu.memory_space<vmem>> -> memref<1x5x40xi32, #tpu.memory_space<vmem>>
      %dma_start3A_1857 = tpu.memref_squeeze %dma_start3A_1856 : memref<1x5x40xi32, #tpu.memory_space<vmem>> -> memref<5x40xi32, #tpu.memory_space<vmem>>
      %dma_start3A_1858 = arith.constant 0 : i32
      %dma_start3A_1859 = arith.constant 0 : i32
      %dma_start3A_1860 = tpu.memref_slice %arg3[%dma_start3A_1852, %add3A, %add3A_1851, %dma_start3A_1858, %dma_start3A_1859] : memref<2x32x50x5x40xi32, #tpu.memory_space<hbm>> -> memref<1x1x1x5x40xi32, #tpu.memory_space<hbm>>
      %dma_start3A_1861 = tpu.memref_squeeze %dma_start3A_1860 : memref<1x1x1x5x40xi32, #tpu.memory_space<hbm>> -> memref<5x40xi32, #tpu.memory_space<hbm>>
      %dma_start3A_1862 = arith.constant 0 : i32
      %dma_start3A_1863 = arith.constant 0 : i32
      %dma_start3A_1864 = tpu.memref_slice %arg5[%dma_start3A_1853, %dma_start3A_1862, %dma_start3A_1863] : memref<3x5x40xi32, #tpu.memory_space<vmem>> -> memref<1x5x40xi32, #tpu.memory_space<vmem>>
      %dma_start3A_1865 = tpu.memref_squeeze %dma_start3A_1864 : memref<1x5x40xi32, #tpu.memory_space<vmem>> -> memref<5x40xi32, #tpu.memory_space<vmem>>
      %dma_start3A_1866 = arith.constant 0 : i32
      %dma_start3A_1867 = arith.constant 0 : i32
      %dma_start3A_1868 = tpu.memref_slice %arg3[%dma_start3A_1852, %add3A, %add3A_1851, %dma_start3A_1866, %dma_start3A_1867] : memref<2x32x50x5x40xi32, #tpu.memory_space<hbm>> -> memref<1x1x1x5x40xi32, #tpu.memory_space<hbm>>
      %dma_start3A_1869 = tpu.memref_squeeze %dma_start3A_1868 : memref<1x1x1x5x40xi32, #tpu.memory_space<hbm>> -> memref<5x40xi32, #tpu.memory_space<hbm>>
      tpu.enqueue_dma source(%dma_start3A_1869 : memref<5x40xi32, #tpu.memory_space<hbm>>) target(%dma_start3A_1865 : memref<5x40xi32, #tpu.memory_space<vmem>>) target_semaphore(%arg11 : memref<!tpu.dma_semaphore, #tpu.memory_space<semaphore_mem>>)
      %add3A_1870 = arith.constant 2 : i32
      %add3A_1871 = arith.addi %add3A_1747, %add3A_1870 : i32
      %dma_start3A_1872 = arith.constant 1 : i32
      %dma_start3A_1873 = arith.constant 1 : i32
      %dma_start3A_1874 = arith.constant 0 : i32
      %dma_start3A_1875 = arith.constant 0 : i32
      %dma_start3A_1876 = tpu.memref_slice %arg6[%dma_start3A_1873, %dma_start3A_1874, %dma_start3A_1875] : memref<3x5x40xi32, #tpu.memory_space<vmem>> -> memref<1x5x40xi32, #tpu.memory_space<vmem>>
      %dma_start3A_1877 = tpu.memref_squeeze %dma_start3A_1876 : memref<1x5x40xi32, #tpu.memory_space<vmem>> -> memref<5x40xi32, #tpu.memory_space<vmem>>
      %dma_start3A_1878 = arith.constant 0 : i32
      %dma_start3A_1879 = arith.constant 0 : i32
      %dma_start3A_1880 = tpu.memref_slice %arg3[%dma_start3A_1872, %add3A, %add3A_1871, %dma_start3A_1878, %dma_start3A_1879] : memref<2x32x50x5x40xi32, #tpu.memory_space<hbm>> -> memref<1x1x1x5x40xi32, #tpu.memory_space<hbm>>
      %dma_start3A_1881 = tpu.memref_squeeze %dma_start3A_1880 : memref<1x1x1x5x40xi32, #tpu.memory_space<hbm>> -> memref<5x40xi32, #tpu.memory_space<hbm>>
      %dma_start3A_1882 = arith.constant 0 : i32
      %dma_start3A_1883 = arith.constant 0 : i32
      %dma_start3A_1884 = tpu.memref_slice %arg6[%dma_start3A_1873, %dma_start3A_1882, %dma_start3A_1883] : memref<3x5x40xi32, #tpu.memory_space<vmem>> -> memref<1x5x40xi32, #tpu.memory_space<vmem>>
      %dma_start3A_1885 = tpu.memref_squeeze %dma_start3A_1884 : memref<1x5x40xi32, #tpu.memory_space<vmem>> -> memref<5x40xi32, #tpu.memory_space<vmem>>
      %dma_start3A_1886 = arith.constant 0 : i32
      %dma_start3A_1887 = arith.constant 0 : i32
      %dma_start3A_1888 = tpu.memref_slice %arg3[%dma_start3A_1872, %add3A, %add3A_1871, %dma_start3A_1886, %dma_start3A_1887] : memref<2x32x50x5x40xi32, #tpu.memory_space<hbm>> -> memref<1x1x1x5x40xi32, #tpu.memory_space<hbm>>
      %dma_start3A_1889 = tpu.memref_squeeze %dma_start3A_1888 : memref<1x1x1x5x40xi32, #tpu.memory_space<hbm>> -> memref<5x40xi32, #tpu.memory_space<hbm>>
      tpu.enqueue_dma source(%dma_start3A_1889 : memref<5x40xi32, #tpu.memory_space<hbm>>) target(%dma_start3A_1885 : memref<5x40xi32, #tpu.memory_space<vmem>>) target_semaphore(%arg11 : memref<!tpu.dma_semaphore, #tpu.memory_space<semaphore_mem>>)
      %dma_wait3A_1890 = arith.constant 0 : i32
      %dma_wait3A_1891 = arith.constant 0 : i32
      %dma_wait3A_1892 = arith.constant 0 : i32
      %dma_wait3A_1893 = tpu.memref_slice %arg7[%dma_wait3A_1890, %dma_wait3A_1891, %dma_wait3A_1892] : memref<5x40x128xf32, #tpu.memory_space<vmem>> -> memref<1x40x128xf32, #tpu.memory_space<vmem>>
      %dma_wait3A_1894 = tpu.memref_squeeze %dma_wait3A_1893 : memref<1x40x128xf32, #tpu.memory_space<vmem>> -> memref<40x128xf32, #tpu.memory_space<vmem>>
      %dma_wait3A_1895 = arith.constant 0 : i32
      %dma_wait3A_1896 = arith.constant 0 : i32
      %dma_wait3A_1897 = tpu.memref_slice %arg2[%dma_wait3A_1895, %dma_wait3A_1896] : memref<10000x128xf32, #tpu.memory_space<hbm>> -> memref<40x128xf32, #tpu.memory_space<hbm>>
      %dma_wait3A_1898 = arith.constant 0 : i32
      %dma_wait3A_1899 = arith.constant 0 : i32
      %dma_wait3A_1900 = tpu.memref_slice %arg7[%dma_wait3A_1890, %dma_wait3A_1898, %dma_wait3A_1899] : memref<5x40x128xf32, #tpu.memory_space<vmem>> -> memref<1x40x128xf32, #tpu.memory_space<vmem>>
      %dma_wait3A_1901 = tpu.memref_squeeze %dma_wait3A_1900 : memref<1x40x128xf32, #tpu.memory_space<vmem>> -> memref<40x128xf32, #tpu.memory_space<vmem>>
      %dma_wait3A_1902 = arith.constant 0 : i32
      %dma_wait3A_1903 = arith.constant 0 : i32
      %dma_wait3A_1904 = tpu.memref_slice %arg2[%dma_wait3A_1902, %dma_wait3A_1903] : memref<10000x128xf32, #tpu.memory_space<hbm>> -> memref<40x128xf32, #tpu.memory_space<hbm>>
      tpu.wait_dma2 semaphore(%arg10 : memref<!tpu.dma_semaphore, #tpu.memory_space<semaphore_mem>>) src(%dma_wait3A_1904 : memref<40x128xf32, #tpu.memory_space<hbm>>) dst(%dma_wait3A_1901 : memref<40x128xf32, #tpu.memory_space<vmem>>)
      %dma_start3A_1905 = arith.constant 0 : i32
      %dma_start3A_1906 = arith.constant 0 : i32
      %dma_start3A_1907 = arith.constant 0 : i32
      %dma_start3A_1908 = arith.constant 0 : i32
      %dma_start3A_1909 = arith.constant 0 : i32
      %dma_start3A_1910 = arith.constant 0 : i32
      %dma_start3A_1911 = tpu.memref_slice %arg7[%dma_start3A_1907, %dma_start3A_1909, %dma_start3A_1910] : memref<5x40x128xf32, #tpu.memory_space<vmem>> -> memref<1x40x128xf32, #tpu.memory_space<vmem>>
      %dma_start3A_1912 = tpu.memref_squeeze %dma_start3A_1911 : memref<1x40x128xf32, #tpu.memory_space<vmem>> -> memref<40x128xf32, #tpu.memory_space<vmem>>
      %dma_start3A_1913 = arith.constant 0 : i32
      %dma_start3A_1914 = tpu.memref_slice %arg5[%dma_start3A_1905, %dma_start3A_1906, %dma_start3A_1913] : memref<3x5x40xi32, #tpu.memory_space<vmem>> -> memref<1x1x40xi32, #tpu.memory_space<vmem>>
      %dma_start3A_1915 = tpu.memref_squeeze %dma_start3A_1914 : memref<1x1x40xi32, #tpu.memory_space<vmem>> -> memref<40xi32, #tpu.memory_space<vmem>>
      %dma_start3A_1916 = arith.constant 0 : i32
      %dma_start3A_1917 = arith.constant 0 : i32
      %dma_start3A_1918 = tpu.memref_slice %arg2[%dma_start3A_1916, %dma_start3A_1917] : memref<10000x128xf32, #tpu.memory_space<hbm>> -> memref<10000x128xf32, #tpu.memory_space<hbm>>
      %dma_start3A_1919 = tpu.memref_slice %arg9[%dma_start3A_1908] : memref<5x!tpu.dma_semaphore, #tpu.memory_space<semaphore_mem>> -> memref<1x!tpu.dma_semaphore, #tpu.memory_space<semaphore_mem>>
      %dma_start3A_1920 = tpu.memref_squeeze %dma_start3A_1919 : memref<1x!tpu.dma_semaphore, #tpu.memory_space<semaphore_mem>> -> memref<!tpu.dma_semaphore, #tpu.memory_space<semaphore_mem>>
      tpu.enqueue_indirect_dma source(%dma_start3A_1918 : memref<10000x128xf32, #tpu.memory_space<hbm>>) target(%dma_start3A_1912 : memref<40x128xf32, #tpu.memory_space<vmem>>) offsets(%dma_start3A_1915 : memref<40xi32, #tpu.memory_space<vmem>>) semaphore(%dma_start3A_1920 : memref<!tpu.dma_semaphore, #tpu.memory_space<semaphore_mem>>)
      %dma_wait3A_1921 = arith.constant 1 : i32
      %dma_wait3A_1922 = arith.constant 1 : i32
      %dma_wait3A_1923 = arith.constant 0 : i32
      %dma_wait3A_1924 = arith.constant 0 : i32
      %dma_wait3A_1925 = tpu.memref_slice %arg7[%dma_wait3A_1921, %dma_wait3A_1923, %dma_wait3A_1924] : memref<5x40x128xf32, #tpu.memory_space<vmem>> -> memref<1x40x128xf32, #tpu.memory_space<vmem>>
      %dma_wait3A_1926 = tpu.memref_squeeze %dma_wait3A_1925 : memref<1x40x128xf32, #tpu.memory_space<vmem>> -> memref<40x128xf32, #tpu.memory_space<vmem>>
      %dma_wait3A_1927 = arith.constant 0 : i32
      %dma_wait3A_1928 = arith.constant 0 : i32
      %dma_wait3A_1929 = tpu.memref_slice %arg2[%dma_wait3A_1927, %dma_wait3A_1928] : memref<10000x128xf32, #tpu.memory_space<hbm>> -> memref<40x128xf32, #tpu.memory_space<hbm>>
      %dma_wait3A_1930 = tpu.memref_slice %arg9[%dma_wait3A_1922] : memref<5x!tpu.dma_semaphore, #tpu.memory_space<semaphore_mem>> -> memref<1x!tpu.dma_semaphore, #tpu.memory_space<semaphore_mem>>
      %dma_wait3A_1931 = tpu.memref_squeeze %dma_wait3A_1930 : memref<1x!tpu.dma_semaphore, #tpu.memory_space<semaphore_mem>> -> memref<!tpu.dma_semaphore, #tpu.memory_space<semaphore_mem>>
      %dma_wait3A_1932 = arith.constant 0 : i32
      %dma_wait3A_1933 = arith.constant 0 : i32
      %dma_wait3A_1934 = tpu.memref_slice %arg7[%dma_wait3A_1921, %dma_wait3A_1932, %dma_wait3A_1933] : memref<5x40x128xf32, #tpu.memory_space<vmem>> -> memref<1x40x128xf32, #tpu.memory_space<vmem>>
      %dma_wait3A_1935 = tpu.memref_squeeze %dma_wait3A_1934 : memref<1x40x128xf32, #tpu.memory_space<vmem>> -> memref<40x128xf32, #tpu.memory_space<vmem>>
      %dma_wait3A_1936 = arith.constant 0 : i32
      %dma_wait3A_1937 = arith.constant 0 : i32
      %dma_wait3A_1938 = tpu.memref_slice %arg2[%dma_wait3A_1936, %dma_wait3A_1937] : memref<10000x128xf32, #tpu.memory_space<hbm>> -> memref<40x128xf32, #tpu.memory_space<hbm>>
      tpu.wait_dma2 semaphore(%dma_wait3A_1931 : memref<!tpu.dma_semaphore, #tpu.memory_space<semaphore_mem>>) src(%dma_wait3A_1938 : memref<40x128xf32, #tpu.memory_space<hbm>>) dst(%dma_wait3A_1935 : memref<40x128xf32, #tpu.memory_space<vmem>>)
      %dma_start3A_1939 = arith.constant 1 : i32
      %dma_start3A_1940 = arith.constant 2 : i32
      %dma_start3A_1941 = arith.constant 1 : i32
      %dma_start3A_1942 = arith.constant 0 : i32
      %dma_start3A_1943 = arith.constant 0 : i32
      %dma_start3A_1944 = tpu.memref_slice %arg7[%dma_start3A_1939, %dma_start3A_1942, %dma_start3A_1943] : memref<5x40x128xf32, #tpu.memory_space<vmem>> -> memref<1x40x128xf32, #tpu.memory_space<vmem>>
      %dma_start3A_1945 = tpu.memref_squeeze %dma_start3A_1944 : memref<1x40x128xf32, #tpu.memory_space<vmem>> -> memref<40x128xf32, #tpu.memory_space<vmem>>
      %dma_start3A_1946 = arith.constant 0 : i32
      %dma_start3A_1947 = tpu.memref_slice %arg6[%dma_start3A_1940, %dma_start3A_1941, %dma_start3A_1946] : memref<3x5x40xi32, #tpu.memory_space<vmem>> -> memref<1x1x40xi32, #tpu.memory_space<vmem>>
      %dma_start3A_1948 = tpu.memref_squeeze %dma_start3A_1947 : memref<1x1x40xi32, #tpu.memory_space<vmem>> -> memref<40xi32, #tpu.memory_space<vmem>>
      %dma_start3A_1949 = arith.constant 0 : i32
      %dma_start3A_1950 = arith.constant 0 : i32
      %dma_start3A_1951 = tpu.memref_slice %arg8[%dma_start3A_1949, %dma_start3A_1950] : memref<10240x128xf32, #tpu.memory_space<vmem_shared>> -> memref<10240x128xf32, #tpu.memory_space<vmem_shared>>
      tpu.enqueue_indirect_dma source(%dma_start3A_1945 : memref<40x128xf32, #tpu.memory_space<vmem>>) target(%dma_start3A_1951 : memref<10240x128xf32, #tpu.memory_space<vmem_shared>>) offsets(%dma_start3A_1948 : memref<40xi32, #tpu.memory_space<vmem>>) semaphore(%arg10 : memref<!tpu.dma_semaphore, #tpu.memory_space<semaphore_mem>>) {add = true}
      %dma_wait3A_1952 = arith.constant 1 : i32
      %dma_wait3A_1953 = arith.constant 0 : i32
      %dma_wait3A_1954 = arith.constant 0 : i32
      %dma_wait3A_1955 = tpu.memref_slice %arg7[%dma_wait3A_1952, %dma_wait3A_1953, %dma_wait3A_1954] : memref<5x40x128xf32, #tpu.memory_space<vmem>> -> memref<1x40x128xf32, #tpu.memory_space<vmem>>
      %dma_wait3A_1956 = tpu.memref_squeeze %dma_wait3A_1955 : memref<1x40x128xf32, #tpu.memory_space<vmem>> -> memref<40x128xf32, #tpu.memory_space<vmem>>
      %dma_wait3A_1957 = arith.constant 0 : i32
      %dma_wait3A_1958 = arith.constant 0 : i32
      %dma_wait3A_1959 = tpu.memref_slice %arg2[%dma_wait3A_1957, %dma_wait3A_1958] : memref<10000x128xf32, #tpu.memory_space<hbm>> -> memref<40x128xf32, #tpu.memory_space<hbm>>
      %dma_wait3A_1960 = arith.constant 0 : i32
      %dma_wait3A_1961 = arith.constant 0 : i32
      %dma_wait3A_1962 = tpu.memref_slice %arg7[%dma_wait3A_1952, %dma_wait3A_1960, %dma_wait3A_1961] : memref<5x40x128xf32, #tpu.memory_space<vmem>> -> memref<1x40x128xf32, #tpu.memory_space<vmem>>
      %dma_wait3A_1963 = tpu.memref_squeeze %dma_wait3A_1962 : memref<1x40x128xf32, #tpu.memory_space<vmem>> -> memref<40x128xf32, #tpu.memory_space<vmem>>
      %dma_wait3A_1964 = arith.constant 0 : i32
      %dma_wait3A_1965 = arith.constant 0 : i32
      %dma_wait3A_1966 = tpu.memref_slice %arg2[%dma_wait3A_1964, %dma_wait3A_1965] : memref<10000x128xf32, #tpu.memory_space<hbm>> -> memref<40x128xf32, #tpu.memory_space<hbm>>
      tpu.wait_dma2 semaphore(%arg10 : memref<!tpu.dma_semaphore, #tpu.memory_space<semaphore_mem>>) src(%dma_wait3A_1966 : memref<40x128xf32, #tpu.memory_space<hbm>>) dst(%dma_wait3A_1963 : memref<40x128xf32, #tpu.memory_space<vmem>>)
      %dma_start3A_1967 = arith.constant 0 : i32
      %dma_start3A_1968 = arith.constant 1 : i32
      %dma_start3A_1969 = arith.constant 1 : i32
      %dma_start3A_1970 = arith.constant 1 : i32
      %dma_start3A_1971 = arith.constant 0 : i32
      %dma_start3A_1972 = arith.constant 0 : i32
      %dma_start3A_1973 = tpu.memref_slice %arg7[%dma_start3A_1969, %dma_start3A_1971, %dma_start3A_1972] : memref<5x40x128xf32, #tpu.memory_space<vmem>> -> memref<1x40x128xf32, #tpu.memory_space<vmem>>
      %dma_start3A_1974 = tpu.memref_squeeze %dma_start3A_1973 : memref<1x40x128xf32, #tpu.memory_space<vmem>> -> memref<40x128xf32, #tpu.memory_space<vmem>>
      %dma_start3A_1975 = arith.constant 0 : i32
      %dma_start3A_1976 = tpu.memref_slice %arg5[%dma_start3A_1967, %dma_start3A_1968, %dma_start3A_1975] : memref<3x5x40xi32, #tpu.memory_space<vmem>> -> memref<1x1x40xi32, #tpu.memory_space<vmem>>
      %dma_start3A_1977 = tpu.memref_squeeze %dma_start3A_1976 : memref<1x1x40xi32, #tpu.memory_space<vmem>> -> memref<40xi32, #tpu.memory_space<vmem>>
      %dma_start3A_1978 = arith.constant 0 : i32
      %dma_start3A_1979 = arith.constant 0 : i32
      %dma_start3A_1980 = tpu.memref_slice %arg2[%dma_start3A_1978, %dma_start3A_1979] : memref<10000x128xf32, #tpu.memory_space<hbm>> -> memref<10000x128xf32, #tpu.memory_space<hbm>>
      %dma_start3A_1981 = tpu.memref_slice %arg9[%dma_start3A_1970] : memref<5x!tpu.dma_semaphore, #tpu.memory_space<semaphore_mem>> -> memref<1x!tpu.dma_semaphore, #tpu.memory_space<semaphore_mem>>
      %dma_start3A_1982 = tpu.memref_squeeze %dma_start3A_1981 : memref<1x!tpu.dma_semaphore, #tpu.memory_space<semaphore_mem>> -> memref<!tpu.dma_semaphore, #tpu.memory_space<semaphore_mem>>
      tpu.enqueue_indirect_dma source(%dma_start3A_1980 : memref<10000x128xf32, #tpu.memory_space<hbm>>) target(%dma_start3A_1974 : memref<40x128xf32, #tpu.memory_space<vmem>>) offsets(%dma_start3A_1977 : memref<40xi32, #tpu.memory_space<vmem>>) semaphore(%dma_start3A_1982 : memref<!tpu.dma_semaphore, #tpu.memory_space<semaphore_mem>>)
      %dma_wait3A_1983 = arith.constant 2 : i32
      %dma_wait3A_1984 = arith.constant 2 : i32
      %dma_wait3A_1985 = arith.constant 0 : i32
      %dma_wait3A_1986 = arith.constant 0 : i32
      %dma_wait3A_1987 = tpu.memref_slice %arg7[%dma_wait3A_1983, %dma_wait3A_1985, %dma_wait3A_1986] : memref<5x40x128xf32, #tpu.memory_space<vmem>> -> memref<1x40x128xf32, #tpu.memory_space<vmem>>
      %dma_wait3A_1988 = tpu.memref_squeeze %dma_wait3A_1987 : memref<1x40x128xf32, #tpu.memory_space<vmem>> -> memref<40x128xf32, #tpu.memory_space<vmem>>
      %dma_wait3A_1989 = arith.constant 0 : i32
      %dma_wait3A_1990 = arith.constant 0 : i32
      %dma_wait3A_1991 = tpu.memref_slice %arg2[%dma_wait3A_1989, %dma_wait3A_1990] : memref<10000x128xf32, #tpu.memory_space<hbm>> -> memref<40x128xf32, #tpu.memory_space<hbm>>
      %dma_wait3A_1992 = tpu.memref_slice %arg9[%dma_wait3A_1984] : memref<5x!tpu.dma_semaphore, #tpu.memory_space<semaphore_mem>> -> memref<1x!tpu.dma_semaphore, #tpu.memory_space<semaphore_mem>>
      %dma_wait3A_1993 = tpu.memref_squeeze %dma_wait3A_1992 : memref<1x!tpu.dma_semaphore, #tpu.memory_space<semaphore_mem>> -> memref<!tpu.dma_semaphore, #tpu.memory_space<semaphore_mem>>
      %dma_wait3A_1994 = arith.constant 0 : i32
      %dma_wait3A_1995 = arith.constant 0 : i32
      %dma_wait3A_1996 = tpu.memref_slice %arg7[%dma_wait3A_1983, %dma_wait3A_1994, %dma_wait3A_1995] : memref<5x40x128xf32, #tpu.memory_space<vmem>> -> memref<1x40x128xf32, #tpu.memory_space<vmem>>
      %dma_wait3A_1997 = tpu.memref_squeeze %dma_wait3A_1996 : memref<1x40x128xf32, #tpu.memory_space<vmem>> -> memref<40x128xf32, #tpu.memory_space<vmem>>
      %dma_wait3A_1998 = arith.constant 0 : i32
      %dma_wait3A_1999 = arith.constant 0 : i32
      %dma_wait3A_2000 = tpu.memref_slice %arg2[%dma_wait3A_1998, %dma_wait3A_1999] : memref<10000x128xf32, #tpu.memory_space<hbm>> -> memref<40x128xf32, #tpu.memory_space<hbm>>
      tpu.wait_dma2 semaphore(%dma_wait3A_1993 : memref<!tpu.dma_semaphore, #tpu.memory_space<semaphore_mem>>) src(%dma_wait3A_2000 : memref<40x128xf32, #tpu.memory_space<hbm>>) dst(%dma_wait3A_1997 : memref<40x128xf32, #tpu.memory_space<vmem>>)
      %dma_start3A_2001 = arith.constant 2 : i32
      %dma_start3A_2002 = arith.constant 2 : i32
      %dma_start3A_2003 = arith.constant 2 : i32
      %dma_start3A_2004 = arith.constant 0 : i32
      %dma_start3A_2005 = arith.constant 0 : i32
      %dma_start3A_2006 = tpu.memref_slice %arg7[%dma_start3A_2001, %dma_start3A_2004, %dma_start3A_2005] : memref<5x40x128xf32, #tpu.memory_space<vmem>> -> memref<1x40x128xf32, #tpu.memory_space<vmem>>
      %dma_start3A_2007 = tpu.memref_squeeze %dma_start3A_2006 : memref<1x40x128xf32, #tpu.memory_space<vmem>> -> memref<40x128xf32, #tpu.memory_space<vmem>>
      %dma_start3A_2008 = arith.constant 0 : i32
      %dma_start3A_2009 = tpu.memref_slice %arg6[%dma_start3A_2002, %dma_start3A_2003, %dma_start3A_2008] : memref<3x5x40xi32, #tpu.memory_space<vmem>> -> memref<1x1x40xi32, #tpu.memory_space<vmem>>
      %dma_start3A_2010 = tpu.memref_squeeze %dma_start3A_2009 : memref<1x1x40xi32, #tpu.memory_space<vmem>> -> memref<40xi32, #tpu.memory_space<vmem>>
      %dma_start3A_2011 = arith.constant 0 : i32
      %dma_start3A_2012 = arith.constant 0 : i32
      %dma_start3A_2013 = tpu.memref_slice %arg8[%dma_start3A_2011, %dma_start3A_2012] : memref<10240x128xf32, #tpu.memory_space<vmem_shared>> -> memref<10240x128xf32, #tpu.memory_space<vmem_shared>>
      tpu.enqueue_indirect_dma source(%dma_start3A_2007 : memref<40x128xf32, #tpu.memory_space<vmem>>) target(%dma_start3A_2013 : memref<10240x128xf32, #tpu.memory_space<vmem_shared>>) offsets(%dma_start3A_2010 : memref<40xi32, #tpu.memory_space<vmem>>) semaphore(%arg10 : memref<!tpu.dma_semaphore, #tpu.memory_space<semaphore_mem>>) {add = true}
      %dma_wait3A_2014 = arith.constant 2 : i32
      %dma_wait3A_2015 = arith.constant 0 : i32
      %dma_wait3A_2016 = arith.constant 0 : i32
      %dma_wait3A_2017 = tpu.memref_slice %arg7[%dma_wait3A_2014, %dma_wait3A_2015, %dma_wait3A_2016] : memref<5x40x128xf32, #tpu.memory_space<vmem>> -> memref<1x40x128xf32, #tpu.memory_space<vmem>>
      %dma_wait3A_2018 = tpu.memref_squeeze %dma_wait3A_2017 : memref<1x40x128xf32, #tpu.memory_space<vmem>> -> memref<40x128xf32, #tpu.memory_space<vmem>>
      %dma_wait3A_2019 = arith.constant 0 : i32
      %dma_wait3A_2020 = arith.constant 0 : i32
      %dma_wait3A_2021 = tpu.memref_slice %arg2[%dma_wait3A_2019, %dma_wait3A_2020] : memref<10000x128xf32, #tpu.memory_space<hbm>> -> memref<40x128xf32, #tpu.memory_space<hbm>>
      %dma_wait3A_2022 = arith.constant 0 : i32
      %dma_wait3A_2023 = arith.constant 0 : i32
      %dma_wait3A_2024 = tpu.memref_slice %arg7[%dma_wait3A_2014, %dma_wait3A_2022, %dma_wait3A_2023] : memref<5x40x128xf32, #tpu.memory_space<vmem>> -> memref<1x40x128xf32, #tpu.memory_space<vmem>>
      %dma_wait3A_2025 = tpu.memref_squeeze %dma_wait3A_2024 : memref<1x40x128xf32, #tpu.memory_space<vmem>> -> memref<40x128xf32, #tpu.memory_space<vmem>>
      %dma_wait3A_2026 = arith.constant 0 : i32
      %dma_wait3A_2027 = arith.constant 0 : i32
      %dma_wait3A_2028 = tpu.memref_slice %arg2[%dma_wait3A_2026, %dma_wait3A_2027] : memref<10000x128xf32, #tpu.memory_space<hbm>> -> memref<40x128xf32, #tpu.memory_space<hbm>>
      tpu.wait_dma2 semaphore(%arg10 : memref<!tpu.dma_semaphore, #tpu.memory_space<semaphore_mem>>) src(%dma_wait3A_2028 : memref<40x128xf32, #tpu.memory_space<hbm>>) dst(%dma_wait3A_2025 : memref<40x128xf32, #tpu.memory_space<vmem>>)
      %dma_start3A_2029 = arith.constant 0 : i32
      %dma_start3A_2030 = arith.constant 2 : i32
      %dma_start3A_2031 = arith.constant 2 : i32
      %dma_start3A_2032 = arith.constant 2 : i32
      %dma_start3A_2033 = arith.constant 0 : i32
      %dma_start3A_2034 = arith.constant 0 : i32
      %dma_start3A_2035 = tpu.memref_slice %arg7[%dma_start3A_2031, %dma_start3A_2033, %dma_start3A_2034] : memref<5x40x128xf32, #tpu.memory_space<vmem>> -> memref<1x40x128xf32, #tpu.memory_space<vmem>>
      %dma_start3A_2036 = tpu.memref_squeeze %dma_start3A_2035 : memref<1x40x128xf32, #tpu.memory_space<vmem>> -> memref<40x128xf32, #tpu.memory_space<vmem>>
      %dma_start3A_2037 = arith.constant 0 : i32
      %dma_start3A_2038 = tpu.memref_slice %arg5[%dma_start3A_2029, %dma_start3A_2030, %dma_start3A_2037] : memref<3x5x40xi32, #tpu.memory_space<vmem>> -> memref<1x1x40xi32, #tpu.memory_space<vmem>>
      %dma_start3A_2039 = tpu.memref_squeeze %dma_start3A_2038 : memref<1x1x40xi32, #tpu.memory_space<vmem>> -> memref<40xi32, #tpu.memory_space<vmem>>
      %dma_start3A_2040 = arith.constant 0 : i32
      %dma_start3A_2041 = arith.constant 0 : i32
      %dma_start3A_2042 = tpu.memref_slice %arg2[%dma_start3A_2040, %dma_start3A_2041] : memref<10000x128xf32, #tpu.memory_space<hbm>> -> memref<10000x128xf32, #tpu.memory_space<hbm>>
      %dma_start3A_2043 = tpu.memref_slice %arg9[%dma_start3A_2032] : memref<5x!tpu.dma_semaphore, #tpu.memory_space<semaphore_mem>> -> memref<1x!tpu.dma_semaphore, #tpu.memory_space<semaphore_mem>>
      %dma_start3A_2044 = tpu.memref_squeeze %dma_start3A_2043 : memref<1x!tpu.dma_semaphore, #tpu.memory_space<semaphore_mem>> -> memref<!tpu.dma_semaphore, #tpu.memory_space<semaphore_mem>>
      tpu.enqueue_indirect_dma source(%dma_start3A_2042 : memref<10000x128xf32, #tpu.memory_space<hbm>>) target(%dma_start3A_2036 : memref<40x128xf32, #tpu.memory_space<vmem>>) offsets(%dma_start3A_2039 : memref<40xi32, #tpu.memory_space<vmem>>) semaphore(%dma_start3A_2044 : memref<!tpu.dma_semaphore, #tpu.memory_space<semaphore_mem>>)
      %dma_wait3A_2045 = arith.constant 3 : i32
      %dma_wait3A_2046 = arith.constant 3 : i32
      %dma_wait3A_2047 = arith.constant 0 : i32
      %dma_wait3A_2048 = arith.constant 0 : i32
      %dma_wait3A_2049 = tpu.memref_slice %arg7[%dma_wait3A_2045, %dma_wait3A_2047, %dma_wait3A_2048] : memref<5x40x128xf32, #tpu.memory_space<vmem>> -> memref<1x40x128xf32, #tpu.memory_space<vmem>>
      %dma_wait3A_2050 = tpu.memref_squeeze %dma_wait3A_2049 : memref<1x40x128xf32, #tpu.memory_space<vmem>> -> memref<40x128xf32, #tpu.memory_space<vmem>>
      %dma_wait3A_2051 = arith.constant 0 : i32
      %dma_wait3A_2052 = arith.constant 0 : i32
      %dma_wait3A_2053 = tpu.memref_slice %arg2[%dma_wait3A_2051, %dma_wait3A_2052] : memref<10000x128xf32, #tpu.memory_space<hbm>> -> memref<40x128xf32, #tpu.memory_space<hbm>>
      %dma_wait3A_2054 = tpu.memref_slice %arg9[%dma_wait3A_2046] : memref<5x!tpu.dma_semaphore, #tpu.memory_space<semaphore_mem>> -> memref<1x!tpu.dma_semaphore, #tpu.memory_space<semaphore_mem>>
      %dma_wait3A_2055 = tpu.memref_squeeze %dma_wait3A_2054 : memref<1x!tpu.dma_semaphore, #tpu.memory_space<semaphore_mem>> -> memref<!tpu.dma_semaphore, #tpu.memory_space<semaphore_mem>>
      %dma_wait3A_2056 = arith.constant 0 : i32
      %dma_wait3A_2057 = arith.constant 0 : i32
      %dma_wait3A_2058 = tpu.memref_slice %arg7[%dma_wait3A_2045, %dma_wait3A_2056, %dma_wait3A_2057] : memref<5x40x128xf32, #tpu.memory_space<vmem>> -> memref<1x40x128xf32, #tpu.memory_space<vmem>>
      %dma_wait3A_2059 = tpu.memref_squeeze %dma_wait3A_2058 : memref<1x40x128xf32, #tpu.memory_space<vmem>> -> memref<40x128xf32, #tpu.memory_space<vmem>>
      %dma_wait3A_2060 = arith.constant 0 : i32
      %dma_wait3A_2061 = arith.constant 0 : i32
      %dma_wait3A_2062 = tpu.memref_slice %arg2[%dma_wait3A_2060, %dma_wait3A_2061] : memref<10000x128xf32, #tpu.memory_space<hbm>> -> memref<40x128xf32, #tpu.memory_space<hbm>>
      tpu.wait_dma2 semaphore(%dma_wait3A_2055 : memref<!tpu.dma_semaphore, #tpu.memory_space<semaphore_mem>>) src(%dma_wait3A_2062 : memref<40x128xf32, #tpu.memory_space<hbm>>) dst(%dma_wait3A_2059 : memref<40x128xf32, #tpu.memory_space<vmem>>)
      %dma_start3A_2063 = arith.constant 3 : i32
      %dma_start3A_2064 = arith.constant 2 : i32
      %dma_start3A_2065 = arith.constant 3 : i32
      %dma_start3A_2066 = arith.constant 0 : i32
      %dma_start3A_2067 = arith.constant 0 : i32
      %dma_start3A_2068 = tpu.memref_slice %arg7[%dma_start3A_2063, %dma_start3A_2066, %dma_start3A_2067] : memref<5x40x128xf32, #tpu.memory_space<vmem>> -> memref<1x40x128xf32, #tpu.memory_space<vmem>>
      %dma_start3A_2069 = tpu.memref_squeeze %dma_start3A_2068 : memref<1x40x128xf32, #tpu.memory_space<vmem>> -> memref<40x128xf32, #tpu.memory_space<vmem>>
      %dma_start3A_2070 = arith.constant 0 : i32
      %dma_start3A_2071 = tpu.memref_slice %arg6[%dma_start3A_2064, %dma_start3A_2065, %dma_start3A_2070] : memref<3x5x40xi32, #tpu.memory_space<vmem>> -> memref<1x1x40xi32, #tpu.memory_space<vmem>>
      %dma_start3A_2072 = tpu.memref_squeeze %dma_start3A_2071 : memref<1x1x40xi32, #tpu.memory_space<vmem>> -> memref<40xi32, #tpu.memory_space<vmem>>
      %dma_start3A_2073 = arith.constant 0 : i32
      %dma_start3A_2074 = arith.constant 0 : i32
      %dma_start3A_2075 = tpu.memref_slice %arg8[%dma_start3A_2073, %dma_start3A_2074] : memref<10240x128xf32, #tpu.memory_space<vmem_shared>> -> memref<10240x128xf32, #tpu.memory_space<vmem_shared>>
      tpu.enqueue_indirect_dma source(%dma_start3A_2069 : memref<40x128xf32, #tpu.memory_space<vmem>>) target(%dma_start3A_2075 : memref<10240x128xf32, #tpu.memory_space<vmem_shared>>) offsets(%dma_start3A_2072 : memref<40xi32, #tpu.memory_space<vmem>>) semaphore(%arg10 : memref<!tpu.dma_semaphore, #tpu.memory_space<semaphore_mem>>) {add = true}
      %dma_wait3A_2076 = arith.constant 3 : i32
      %dma_wait3A_2077 = arith.constant 0 : i32
      %dma_wait3A_2078 = arith.constant 0 : i32
      %dma_wait3A_2079 = tpu.memref_slice %arg7[%dma_wait3A_2076, %dma_wait3A_2077, %dma_wait3A_2078] : memref<5x40x128xf32, #tpu.memory_space<vmem>> -> memref<1x40x128xf32, #tpu.memory_space<vmem>>
      %dma_wait3A_2080 = tpu.memref_squeeze %dma_wait3A_2079 : memref<1x40x128xf32, #tpu.memory_space<vmem>> -> memref<40x128xf32, #tpu.memory_space<vmem>>
      %dma_wait3A_2081 = arith.constant 0 : i32
      %dma_wait3A_2082 = arith.constant 0 : i32
      %dma_wait3A_2083 = tpu.memref_slice %arg2[%dma_wait3A_2081, %dma_wait3A_2082] : memref<10000x128xf32, #tpu.memory_space<hbm>> -> memref<40x128xf32, #tpu.memory_space<hbm>>
      %dma_wait3A_2084 = arith.constant 0 : i32
      %dma_wait3A_2085 = arith.constant 0 : i32
      %dma_wait3A_2086 = tpu.memref_slice %arg7[%dma_wait3A_2076, %dma_wait3A_2084, %dma_wait3A_2085] : memref<5x40x128xf32, #tpu.memory_space<vmem>> -> memref<1x40x128xf32, #tpu.memory_space<vmem>>
      %dma_wait3A_2087 = tpu.memref_squeeze %dma_wait3A_2086 : memref<1x40x128xf32, #tpu.memory_space<vmem>> -> memref<40x128xf32, #tpu.memory_space<vmem>>
      %dma_wait3A_2088 = arith.constant 0 : i32
      %dma_wait3A_2089 = arith.constant 0 : i32
      %dma_wait3A_2090 = tpu.memref_slice %arg2[%dma_wait3A_2088, %dma_wait3A_2089] : memref<10000x128xf32, #tpu.memory_space<hbm>> -> memref<40x128xf32, #tpu.memory_space<hbm>>
      tpu.wait_dma2 semaphore(%arg10 : memref<!tpu.dma_semaphore, #tpu.memory_space<semaphore_mem>>) src(%dma_wait3A_2090 : memref<40x128xf32, #tpu.memory_space<hbm>>) dst(%dma_wait3A_2087 : memref<40x128xf32, #tpu.memory_space<vmem>>)
      %dma_start3A_2091 = arith.constant 0 : i32
      %dma_start3A_2092 = arith.constant 3 : i32
      %dma_start3A_2093 = arith.constant 3 : i32
      %dma_start3A_2094 = arith.constant 3 : i32
      %dma_start3A_2095 = arith.constant 0 : i32
      %dma_start3A_2096 = arith.constant 0 : i32
      %dma_start3A_2097 = tpu.memref_slice %arg7[%dma_start3A_2093, %dma_start3A_2095, %dma_start3A_2096] : memref<5x40x128xf32, #tpu.memory_space<vmem>> -> memref<1x40x128xf32, #tpu.memory_space<vmem>>
      %dma_start3A_2098 = tpu.memref_squeeze %dma_start3A_2097 : memref<1x40x128xf32, #tpu.memory_space<vmem>> -> memref<40x128xf32, #tpu.memory_space<vmem>>
      %dma_start3A_2099 = arith.constant 0 : i32
      %dma_start3A_2100 = tpu.memref_slice %arg5[%dma_start3A_2091, %dma_start3A_2092, %dma_start3A_2099] : memref<3x5x40xi32, #tpu.memory_space<vmem>> -> memref<1x1x40xi32, #tpu.memory_space<vmem>>
      %dma_start3A_2101 = tpu.memref_squeeze %dma_start3A_2100 : memref<1x1x40xi32, #tpu.memory_space<vmem>> -> memref<40xi32, #tpu.memory_space<vmem>>
      %dma_start3A_2102 = arith.constant 0 : i32
      %dma_start3A_2103 = arith.constant 0 : i32
      %dma_start3A_2104 = tpu.memref_slice %arg2[%dma_start3A_2102, %dma_start3A_2103] : memref<10000x128xf32, #tpu.memory_space<hbm>> -> memref<10000x128xf32, #tpu.memory_space<hbm>>
      %dma_start3A_2105 = tpu.memref_slice %arg9[%dma_start3A_2094] : memref<5x!tpu.dma_semaphore, #tpu.memory_space<semaphore_mem>> -> memref<1x!tpu.dma_semaphore, #tpu.memory_space<semaphore_mem>>
      %dma_start3A_2106 = tpu.memref_squeeze %dma_start3A_2105 : memref<1x!tpu.dma_semaphore, #tpu.memory_space<semaphore_mem>> -> memref<!tpu.dma_semaphore, #tpu.memory_space<semaphore_mem>>
      tpu.enqueue_indirect_dma source(%dma_start3A_2104 : memref<10000x128xf32, #tpu.memory_space<hbm>>) target(%dma_start3A_2098 : memref<40x128xf32, #tpu.memory_space<vmem>>) offsets(%dma_start3A_2101 : memref<40xi32, #tpu.memory_space<vmem>>) semaphore(%dma_start3A_2106 : memref<!tpu.dma_semaphore, #tpu.memory_space<semaphore_mem>>)
      %dma_wait3A_2107 = arith.constant 4 : i32
      %dma_wait3A_2108 = arith.constant 4 : i32
      %dma_wait3A_2109 = arith.constant 0 : i32
      %dma_wait3A_2110 = arith.constant 0 : i32
      %dma_wait3A_2111 = tpu.memref_slice %arg7[%dma_wait3A_2107, %dma_wait3A_2109, %dma_wait3A_2110] : memref<5x40x128xf32, #tpu.memory_space<vmem>> -> memref<1x40x128xf32, #tpu.memory_space<vmem>>
      %dma_wait3A_2112 = tpu.memref_squeeze %dma_wait3A_2111 : memref<1x40x128xf32, #tpu.memory_space<vmem>> -> memref<40x128xf32, #tpu.memory_space<vmem>>
      %dma_wait3A_2113 = arith.constant 0 : i32
      %dma_wait3A_2114 = arith.constant 0 : i32
      %dma_wait3A_2115 = tpu.memref_slice %arg2[%dma_wait3A_2113, %dma_wait3A_2114] : memref<10000x128xf32, #tpu.memory_space<hbm>> -> memref<40x128xf32, #tpu.memory_space<hbm>>
      %dma_wait3A_2116 = tpu.memref_slice %arg9[%dma_wait3A_2108] : memref<5x!tpu.dma_semaphore, #tpu.memory_space<semaphore_mem>> -> memref<1x!tpu.dma_semaphore, #tpu.memory_space<semaphore_mem>>
      %dma_wait3A_2117 = tpu.memref_squeeze %dma_wait3A_2116 : memref<1x!tpu.dma_semaphore, #tpu.memory_space<semaphore_mem>> -> memref<!tpu.dma_semaphore, #tpu.memory_space<semaphore_mem>>
      %dma_wait3A_2118 = arith.constant 0 : i32
      %dma_wait3A_2119 = arith.constant 0 : i32
      %dma_wait3A_2120 = tpu.memref_slice %arg7[%dma_wait3A_2107, %dma_wait3A_2118, %dma_wait3A_2119] : memref<5x40x128xf32, #tpu.memory_space<vmem>> -> memref<1x40x128xf32, #tpu.memory_space<vmem>>
      %dma_wait3A_2121 = tpu.memref_squeeze %dma_wait3A_2120 : memref<1x40x128xf32, #tpu.memory_space<vmem>> -> memref<40x128xf32, #tpu.memory_space<vmem>>
      %dma_wait3A_2122 = arith.constant 0 : i32
      %dma_wait3A_2123 = arith.constant 0 : i32
      %dma_wait3A_2124 = tpu.memref_slice %arg2[%dma_wait3A_2122, %dma_wait3A_2123] : memref<10000x128xf32, #tpu.memory_space<hbm>> -> memref<40x128xf32, #tpu.memory_space<hbm>>
      tpu.wait_dma2 semaphore(%dma_wait3A_2117 : memref<!tpu.dma_semaphore, #tpu.memory_space<semaphore_mem>>) src(%dma_wait3A_2124 : memref<40x128xf32, #tpu.memory_space<hbm>>) dst(%dma_wait3A_2121 : memref<40x128xf32, #tpu.memory_space<vmem>>)
      %dma_start3A_2125 = arith.constant 4 : i32
      %dma_start3A_2126 = arith.constant 2 : i32
      %dma_start3A_2127 = arith.constant 4 : i32
      %dma_start3A_2128 = arith.constant 0 : i32
      %dma_start3A_2129 = arith.constant 0 : i32
      %dma_start3A_2130 = tpu.memref_slice %arg7[%dma_start3A_2125, %dma_start3A_2128, %dma_start3A_2129] : memref<5x40x128xf32, #tpu.memory_space<vmem>> -> memref<1x40x128xf32, #tpu.memory_space<vmem>>
      %dma_start3A_2131 = tpu.memref_squeeze %dma_start3A_2130 : memref<1x40x128xf32, #tpu.memory_space<vmem>> -> memref<40x128xf32, #tpu.memory_space<vmem>>
      %dma_start3A_2132 = arith.constant 0 : i32
      %dma_start3A_2133 = tpu.memref_slice %arg6[%dma_start3A_2126, %dma_start3A_2127, %dma_start3A_2132] : memref<3x5x40xi32, #tpu.memory_space<vmem>> -> memref<1x1x40xi32, #tpu.memory_space<vmem>>
      %dma_start3A_2134 = tpu.memref_squeeze %dma_start3A_2133 : memref<1x1x40xi32, #tpu.memory_space<vmem>> -> memref<40xi32, #tpu.memory_space<vmem>>
      %dma_start3A_2135 = arith.constant 0 : i32
      %dma_start3A_2136 = arith.constant 0 : i32
      %dma_start3A_2137 = tpu.memref_slice %arg8[%dma_start3A_2135, %dma_start3A_2136] : memref<10240x128xf32, #tpu.memory_space<vmem_shared>> -> memref<10240x128xf32, #tpu.memory_space<vmem_shared>>
      tpu.enqueue_indirect_dma source(%dma_start3A_2131 : memref<40x128xf32, #tpu.memory_space<vmem>>) target(%dma_start3A_2137 : memref<10240x128xf32, #tpu.memory_space<vmem_shared>>) offsets(%dma_start3A_2134 : memref<40xi32, #tpu.memory_space<vmem>>) semaphore(%arg10 : memref<!tpu.dma_semaphore, #tpu.memory_space<semaphore_mem>>) {add = true}
      %add3A_2138 = arith.constant 1 : i32
      %add3A_2139 = arith.addi %add3A_1745, %add3A_2138 : i32
      %dma_wait3A_2140 = arith.constant 0 : i32
      %dma_wait3A_2141 = arith.constant 0 : i32
      %dma_wait3A_2142 = arith.constant 0 : i32
      %dma_wait3A_2143 = arith.constant 0 : i32
      %dma_wait3A_2144 = arith.constant 0 : i32
      %dma_wait3A_2145 = arith.constant 0 : i32
      %dma_wait3A_2146 = tpu.memref_slice %arg5[%dma_wait3A_2143, %dma_wait3A_2144, %dma_wait3A_2145] : memref<3x5x40xi32, #tpu.memory_space<vmem>> -> memref<1x5x40xi32, #tpu.memory_space<vmem>>
      %dma_wait3A_2147 = tpu.memref_squeeze %dma_wait3A_2146 : memref<1x5x40xi32, #tpu.memory_space<vmem>> -> memref<5x40xi32, #tpu.memory_space<vmem>>
      %dma_wait3A_2148 = arith.constant 0 : i32
      %dma_wait3A_2149 = arith.constant 0 : i32
      %dma_wait3A_2150 = tpu.memref_slice %arg3[%dma_wait3A_2140, %dma_wait3A_2141, %dma_wait3A_2142, %dma_wait3A_2148, %dma_wait3A_2149] : memref<2x32x50x5x40xi32, #tpu.memory_space<hbm>> -> memref<1x1x1x5x40xi32, #tpu.memory_space<hbm>>
      %dma_wait3A_2151 = tpu.memref_squeeze %dma_wait3A_2150 : memref<1x1x1x5x40xi32, #tpu.memory_space<hbm>> -> memref<5x40xi32, #tpu.memory_space<hbm>>
      %dma_wait3A_2152 = arith.constant 0 : i32
      %dma_wait3A_2153 = arith.constant 0 : i32
      %dma_wait3A_2154 = tpu.memref_slice %arg5[%dma_wait3A_2143, %dma_wait3A_2152, %dma_wait3A_2153] : memref<3x5x40xi32, #tpu.memory_space<vmem>> -> memref<1x5x40xi32, #tpu.memory_space<vmem>>
      %dma_wait3A_2155 = tpu.memref_squeeze %dma_wait3A_2154 : memref<1x5x40xi32, #tpu.memory_space<vmem>> -> memref<5x40xi32, #tpu.memory_space<vmem>>
      %dma_wait3A_2156 = arith.constant 0 : i32
      %dma_wait3A_2157 = arith.constant 0 : i32
      %dma_wait3A_2158 = tpu.memref_slice %arg3[%dma_wait3A_2140, %dma_wait3A_2141, %dma_wait3A_2142, %dma_wait3A_2156, %dma_wait3A_2157] : memref<2x32x50x5x40xi32, #tpu.memory_space<hbm>> -> memref<1x1x1x5x40xi32, #tpu.memory_space<hbm>>
      %dma_wait3A_2159 = tpu.memref_squeeze %dma_wait3A_2158 : memref<1x1x1x5x40xi32, #tpu.memory_space<hbm>> -> memref<5x40xi32, #tpu.memory_space<hbm>>
      tpu.wait_dma2 semaphore(%arg11 : memref<!tpu.dma_semaphore, #tpu.memory_space<semaphore_mem>>) src(%dma_wait3A_2159 : memref<5x40xi32, #tpu.memory_space<hbm>>) dst(%dma_wait3A_2155 : memref<5x40xi32, #tpu.memory_space<vmem>>)
      %dma_wait3A_2160 = arith.constant 0 : i32
      %dma_wait3A_2161 = arith.constant 0 : i32
      %dma_wait3A_2162 = arith.constant 0 : i32
      %dma_wait3A_2163 = arith.constant 0 : i32
      %dma_wait3A_2164 = arith.constant 0 : i32
      %dma_wait3A_2165 = arith.constant 0 : i32
      %dma_wait3A_2166 = tpu.memref_slice %arg6[%dma_wait3A_2163, %dma_wait3A_2164, %dma_wait3A_2165] : memref<3x5x40xi32, #tpu.memory_space<vmem>> -> memref<1x5x40xi32, #tpu.memory_space<vmem>>
      %dma_wait3A_2167 = tpu.memref_squeeze %dma_wait3A_2166 : memref<1x5x40xi32, #tpu.memory_space<vmem>> -> memref<5x40xi32, #tpu.memory_space<vmem>>
      %dma_wait3A_2168 = arith.constant 0 : i32
      %dma_wait3A_2169 = arith.constant 0 : i32
      %dma_wait3A_2170 = tpu.memref_slice %arg3[%dma_wait3A_2160, %dma_wait3A_2161, %dma_wait3A_2162, %dma_wait3A_2168, %dma_wait3A_2169] : memref<2x32x50x5x40xi32, #tpu.memory_space<hbm>> -> memref<1x1x1x5x40xi32, #tpu.memory_space<hbm>>
      %dma_wait3A_2171 = tpu.memref_squeeze %dma_wait3A_2170 : memref<1x1x1x5x40xi32, #tpu.memory_space<hbm>> -> memref<5x40xi32, #tpu.memory_space<hbm>>
      %dma_wait3A_2172 = arith.constant 0 : i32
      %dma_wait3A_2173 = arith.constant 0 : i32
      %dma_wait3A_2174 = tpu.memref_slice %arg6[%dma_wait3A_2163, %dma_wait3A_2172, %dma_wait3A_2173] : memref<3x5x40xi32, #tpu.memory_space<vmem>> -> memref<1x5x40xi32, #tpu.memory_space<vmem>>
      %dma_wait3A_2175 = tpu.memref_squeeze %dma_wait3A_2174 : memref<1x5x40xi32, #tpu.memory_space<vmem>> -> memref<5x40xi32, #tpu.memory_space<vmem>>
      %dma_wait3A_2176 = arith.constant 0 : i32
      %dma_wait3A_2177 = arith.constant 0 : i32
      %dma_wait3A_2178 = tpu.memref_slice %arg3[%dma_wait3A_2160, %dma_wait3A_2161, %dma_wait3A_2162, %dma_wait3A_2176, %dma_wait3A_2177] : memref<2x32x50x5x40xi32, #tpu.memory_space<hbm>> -> memref<1x1x1x5x40xi32, #tpu.memory_space<hbm>>
      %dma_wait3A_2179 = tpu.memref_squeeze %dma_wait3A_2178 : memref<1x1x1x5x40xi32, #tpu.memory_space<hbm>> -> memref<5x40xi32, #tpu.memory_space<hbm>>
      tpu.wait_dma2 semaphore(%arg11 : memref<!tpu.dma_semaphore, #tpu.memory_space<semaphore_mem>>) src(%dma_wait3A_2179 : memref<5x40xi32, #tpu.memory_space<hbm>>) dst(%dma_wait3A_2175 : memref<5x40xi32, #tpu.memory_space<vmem>>)
      %dma_wait3A_2180 = arith.constant 4 : i32
      %dma_wait3A_2181 = arith.constant 0 : i32
      %dma_wait3A_2182 = arith.constant 0 : i32
      %dma_wait3A_2183 = tpu.memref_slice %arg7[%dma_wait3A_2180, %dma_wait3A_2181, %dma_wait3A_2182] : memref<5x40x128xf32, #tpu.memory_space<vmem>> -> memref<1x40x128xf32, #tpu.memory_space<vmem>>
      %dma_wait3A_2184 = tpu.memref_squeeze %dma_wait3A_2183 : memref<1x40x128xf32, #tpu.memory_space<vmem>> -> memref<40x128xf32, #tpu.memory_space<vmem>>
      %dma_wait3A_2185 = arith.constant 0 : i32
      %dma_wait3A_2186 = arith.constant 0 : i32
      %dma_wait3A_2187 = tpu.memref_slice %arg2[%dma_wait3A_2185, %dma_wait3A_2186] : memref<10000x128xf32, #tpu.memory_space<hbm>> -> memref<40x128xf32, #tpu.memory_space<hbm>>
      %dma_wait3A_2188 = arith.constant 0 : i32
      %dma_wait3A_2189 = arith.constant 0 : i32
      %dma_wait3A_2190 = tpu.memref_slice %arg7[%dma_wait3A_2180, %dma_wait3A_2188, %dma_wait3A_2189] : memref<5x40x128xf32, #tpu.memory_space<vmem>> -> memref<1x40x128xf32, #tpu.memory_space<vmem>>
      %dma_wait3A_2191 = tpu.memref_squeeze %dma_wait3A_2190 : memref<1x40x128xf32, #tpu.memory_space<vmem>> -> memref<40x128xf32, #tpu.memory_space<vmem>>
      %dma_wait3A_2192 = arith.constant 0 : i32
      %dma_wait3A_2193 = arith.constant 0 : i32
      %dma_wait3A_2194 = tpu.memref_slice %arg2[%dma_wait3A_2192, %dma_wait3A_2193] : memref<10000x128xf32, #tpu.memory_space<hbm>> -> memref<40x128xf32, #tpu.memory_space<hbm>>
      tpu.wait_dma2 semaphore(%arg10 : memref<!tpu.dma_semaphore, #tpu.memory_space<semaphore_mem>>) src(%dma_wait3A_2194 : memref<40x128xf32, #tpu.memory_space<hbm>>) dst(%dma_wait3A_2191 : memref<40x128xf32, #tpu.memory_space<vmem>>)
      %dma_start3A_2195 = arith.constant 0 : i32
      %dma_start3A_2196 = arith.constant 4 : i32
      %dma_start3A_2197 = arith.constant 4 : i32
      %dma_start3A_2198 = arith.constant 4 : i32
      %dma_start3A_2199 = arith.constant 0 : i32
      %dma_start3A_2200 = arith.constant 0 : i32
      %dma_start3A_2201 = tpu.memref_slice %arg7[%dma_start3A_2197, %dma_start3A_2199, %dma_start3A_2200] : memref<5x40x128xf32, #tpu.memory_space<vmem>> -> memref<1x40x128xf32, #tpu.memory_space<vmem>>
      %dma_start3A_2202 = tpu.memref_squeeze %dma_start3A_2201 : memref<1x40x128xf32, #tpu.memory_space<vmem>> -> memref<40x128xf32, #tpu.memory_space<vmem>>
      %dma_start3A_2203 = arith.constant 0 : i32
      %dma_start3A_2204 = tpu.memref_slice %arg5[%dma_start3A_2195, %dma_start3A_2196, %dma_start3A_2203] : memref<3x5x40xi32, #tpu.memory_space<vmem>> -> memref<1x1x40xi32, #tpu.memory_space<vmem>>
      %dma_start3A_2205 = tpu.memref_squeeze %dma_start3A_2204 : memref<1x1x40xi32, #tpu.memory_space<vmem>> -> memref<40xi32, #tpu.memory_space<vmem>>
      %dma_start3A_2206 = arith.constant 0 : i32
      %dma_start3A_2207 = arith.constant 0 : i32
      %dma_start3A_2208 = tpu.memref_slice %arg2[%dma_start3A_2206, %dma_start3A_2207] : memref<10000x128xf32, #tpu.memory_space<hbm>> -> memref<10000x128xf32, #tpu.memory_space<hbm>>
      %dma_start3A_2209 = tpu.memref_slice %arg9[%dma_start3A_2198] : memref<5x!tpu.dma_semaphore, #tpu.memory_space<semaphore_mem>> -> memref<1x!tpu.dma_semaphore, #tpu.memory_space<semaphore_mem>>
      %dma_start3A_2210 = tpu.memref_squeeze %dma_start3A_2209 : memref<1x!tpu.dma_semaphore, #tpu.memory_space<semaphore_mem>> -> memref<!tpu.dma_semaphore, #tpu.memory_space<semaphore_mem>>
      tpu.enqueue_indirect_dma source(%dma_start3A_2208 : memref<10000x128xf32, #tpu.memory_space<hbm>>) target(%dma_start3A_2202 : memref<40x128xf32, #tpu.memory_space<vmem>>) offsets(%dma_start3A_2205 : memref<40xi32, #tpu.memory_space<vmem>>) semaphore(%dma_start3A_2210 : memref<!tpu.dma_semaphore, #tpu.memory_space<semaphore_mem>>)
      %dma_wait3A_2211 = arith.constant 0 : i32
      %dma_wait3A_2212 = arith.constant 0 : i32
      %dma_wait3A_2213 = arith.constant 0 : i32
      %dma_wait3A_2214 = arith.constant 0 : i32
      %dma_wait3A_2215 = tpu.memref_slice %arg7[%dma_wait3A_2211, %dma_wait3A_2213, %dma_wait3A_2214] : memref<5x40x128xf32, #tpu.memory_space<vmem>> -> memref<1x40x128xf32, #tpu.memory_space<vmem>>
      %dma_wait3A_2216 = tpu.memref_squeeze %dma_wait3A_2215 : memref<1x40x128xf32, #tpu.memory_space<vmem>> -> memref<40x128xf32, #tpu.memory_space<vmem>>
      %dma_wait3A_2217 = arith.constant 0 : i32
      %dma_wait3A_2218 = arith.constant 0 : i32
      %dma_wait3A_2219 = tpu.memref_slice %arg2[%dma_wait3A_2217, %dma_wait3A_2218] : memref<10000x128xf32, #tpu.memory_space<hbm>> -> memref<40x128xf32, #tpu.memory_space<hbm>>
      %dma_wait3A_2220 = tpu.memref_slice %arg9[%dma_wait3A_2212] : memref<5x!tpu.dma_semaphore, #tpu.memory_space<semaphore_mem>> -> memref<1x!tpu.dma_semaphore, #tpu.memory_space<semaphore_mem>>
      %dma_wait3A_2221 = tpu.memref_squeeze %dma_wait3A_2220 : memref<1x!tpu.dma_semaphore, #tpu.memory_space<semaphore_mem>> -> memref<!tpu.dma_semaphore, #tpu.memory_space<semaphore_mem>>
      %dma_wait3A_2222 = arith.constant 0 : i32
      %dma_wait3A_2223 = arith.constant 0 : i32
      %dma_wait3A_2224 = tpu.memref_slice %arg7[%dma_wait3A_2211, %dma_wait3A_2222, %dma_wait3A_2223] : memref<5x40x128xf32, #tpu.memory_space<vmem>> -> memref<1x40x128xf32, #tpu.memory_space<vmem>>
      %dma_wait3A_2225 = tpu.memref_squeeze %dma_wait3A_2224 : memref<1x40x128xf32, #tpu.memory_space<vmem>> -> memref<40x128xf32, #tpu.memory_space<vmem>>
      %dma_wait3A_2226 = arith.constant 0 : i32
      %dma_wait3A_2227 = arith.constant 0 : i32
      %dma_wait3A_2228 = tpu.memref_slice %arg2[%dma_wait3A_2226, %dma_wait3A_2227] : memref<10000x128xf32, #tpu.memory_space<hbm>> -> memref<40x128xf32, #tpu.memory_space<hbm>>
      tpu.wait_dma2 semaphore(%dma_wait3A_2221 : memref<!tpu.dma_semaphore, #tpu.memory_space<semaphore_mem>>) src(%dma_wait3A_2228 : memref<40x128xf32, #tpu.memory_space<hbm>>) dst(%dma_wait3A_2225 : memref<40x128xf32, #tpu.memory_space<vmem>>)
      %dma_start3A_2229 = arith.constant 0 : i32
      %dma_start3A_2230 = arith.constant 0 : i32
      %dma_start3A_2231 = arith.constant 0 : i32
      %dma_start3A_2232 = arith.constant 0 : i32
      %dma_start3A_2233 = arith.constant 0 : i32
      %dma_start3A_2234 = tpu.memref_slice %arg7[%dma_start3A_2229, %dma_start3A_2232, %dma_start3A_2233] : memref<5x40x128xf32, #tpu.memory_space<vmem>> -> memref<1x40x128xf32, #tpu.memory_space<vmem>>
      %dma_start3A_2235 = tpu.memref_squeeze %dma_start3A_2234 : memref<1x40x128xf32, #tpu.memory_space<vmem>> -> memref<40x128xf32, #tpu.memory_space<vmem>>
      %dma_start3A_2236 = arith.constant 0 : i32
      %dma_start3A_2237 = tpu.memref_slice %arg6[%dma_start3A_2230, %dma_start3A_2231, %dma_start3A_2236] : memref<3x5x40xi32, #tpu.memory_space<vmem>> -> memref<1x1x40xi32, #tpu.memory_space<vmem>>
      %dma_start3A_2238 = tpu.memref_squeeze %dma_start3A_2237 : memref<1x1x40xi32, #tpu.memory_space<vmem>> -> memref<40xi32, #tpu.memory_space<vmem>>
      %dma_start3A_2239 = arith.constant 0 : i32
      %dma_start3A_2240 = arith.constant 0 : i32
      %dma_start3A_2241 = tpu.memref_slice %arg8[%dma_start3A_2239, %dma_start3A_2240] : memref<10240x128xf32, #tpu.memory_space<vmem_shared>> -> memref<10240x128xf32, #tpu.memory_space<vmem_shared>>
      tpu.enqueue_indirect_dma source(%dma_start3A_2235 : memref<40x128xf32, #tpu.memory_space<vmem>>) target(%dma_start3A_2241 : memref<10240x128xf32, #tpu.memory_space<vmem_shared>>) offsets(%dma_start3A_2238 : memref<40xi32, #tpu.memory_space<vmem>>) semaphore(%arg10 : memref<!tpu.dma_semaphore, #tpu.memory_space<semaphore_mem>>) {add = true}
      %add3A_2242 = arith.constant 2 : i32
      %add3A_2243 = arith.addi %add3A_2139, %add3A_2242 : i32
      %dma_start3A_2244 = arith.constant 0 : i32
      %dma_start3A_2245 = arith.constant 2 : i32
      %dma_start3A_2246 = arith.constant 0 : i32
      %dma_start3A_2247 = arith.constant 0 : i32
      %dma_start3A_2248 = tpu.memref_slice %arg5[%dma_start3A_2245, %dma_start3A_2246, %dma_start3A_2247] : memref<3x5x40xi32, #tpu.memory_space<vmem>> -> memref<1x5x40xi32, #tpu.memory_space<vmem>>
      %dma_start3A_2249 = tpu.memref_squeeze %dma_start3A_2248 : memref<1x5x40xi32, #tpu.memory_space<vmem>> -> memref<5x40xi32, #tpu.memory_space<vmem>>
      %dma_start3A_2250 = arith.constant 0 : i32
      %dma_start3A_2251 = arith.constant 0 : i32
      %dma_start3A_2252 = tpu.memref_slice %arg3[%dma_start3A_2244, %add3A, %add3A_2243, %dma_start3A_2250, %dma_start3A_2251] : memref<2x32x50x5x40xi32, #tpu.memory_space<hbm>> -> memref<1x1x1x5x40xi32, #tpu.memory_space<hbm>>
      %dma_start3A_2253 = tpu.memref_squeeze %dma_start3A_2252 : memref<1x1x1x5x40xi32, #tpu.memory_space<hbm>> -> memref<5x40xi32, #tpu.memory_space<hbm>>
      %dma_start3A_2254 = arith.constant 0 : i32
      %dma_start3A_2255 = arith.constant 0 : i32
      %dma_start3A_2256 = tpu.memref_slice %arg5[%dma_start3A_2245, %dma_start3A_2254, %dma_start3A_2255] : memref<3x5x40xi32, #tpu.memory_space<vmem>> -> memref<1x5x40xi32, #tpu.memory_space<vmem>>
      %dma_start3A_2257 = tpu.memref_squeeze %dma_start3A_2256 : memref<1x5x40xi32, #tpu.memory_space<vmem>> -> memref<5x40xi32, #tpu.memory_space<vmem>>
      %dma_start3A_2258 = arith.constant 0 : i32
      %dma_start3A_2259 = arith.constant 0 : i32
      %dma_start3A_2260 = tpu.memref_slice %arg3[%dma_start3A_2244, %add3A, %add3A_2243, %dma_start3A_2258, %dma_start3A_2259] : memref<2x32x50x5x40xi32, #tpu.memory_space<hbm>> -> memref<1x1x1x5x40xi32, #tpu.memory_space<hbm>>
      %dma_start3A_2261 = tpu.memref_squeeze %dma_start3A_2260 : memref<1x1x1x5x40xi32, #tpu.memory_space<hbm>> -> memref<5x40xi32, #tpu.memory_space<hbm>>
      tpu.enqueue_dma source(%dma_start3A_2261 : memref<5x40xi32, #tpu.memory_space<hbm>>) target(%dma_start3A_2257 : memref<5x40xi32, #tpu.memory_space<vmem>>) target_semaphore(%arg11 : memref<!tpu.dma_semaphore, #tpu.memory_space<semaphore_mem>>)
      %add3A_2262 = arith.constant 2 : i32
      %add3A_2263 = arith.addi %add3A_2139, %add3A_2262 : i32
      %dma_start3A_2264 = arith.constant 1 : i32
      %dma_start3A_2265 = arith.constant 2 : i32
      %dma_start3A_2266 = arith.constant 0 : i32
      %dma_start3A_2267 = arith.constant 0 : i32
      %dma_start3A_2268 = tpu.memref_slice %arg6[%dma_start3A_2265, %dma_start3A_2266, %dma_start3A_2267] : memref<3x5x40xi32, #tpu.memory_space<vmem>> -> memref<1x5x40xi32, #tpu.memory_space<vmem>>
      %dma_start3A_2269 = tpu.memref_squeeze %dma_start3A_2268 : memref<1x5x40xi32, #tpu.memory_space<vmem>> -> memref<5x40xi32, #tpu.memory_space<vmem>>
      %dma_start3A_2270 = arith.constant 0 : i32
      %dma_start3A_2271 = arith.constant 0 : i32
      %dma_start3A_2272 = tpu.memref_slice %arg3[%dma_start3A_2264, %add3A, %add3A_2263, %dma_start3A_2270, %dma_start3A_2271] : memref<2x32x50x5x40xi32, #tpu.memory_space<hbm>> -> memref<1x1x1x5x40xi32, #tpu.memory_space<hbm>>
      %dma_start3A_2273 = tpu.memref_squeeze %dma_start3A_2272 : memref<1x1x1x5x40xi32, #tpu.memory_space<hbm>> -> memref<5x40xi32, #tpu.memory_space<hbm>>
      %dma_start3A_2274 = arith.constant 0 : i32
      %dma_start3A_2275 = arith.constant 0 : i32
      %dma_start3A_2276 = tpu.memref_slice %arg6[%dma_start3A_2265, %dma_start3A_2274, %dma_start3A_2275] : memref<3x5x40xi32, #tpu.memory_space<vmem>> -> memref<1x5x40xi32, #tpu.memory_space<vmem>>
      %dma_start3A_2277 = tpu.memref_squeeze %dma_start3A_2276 : memref<1x5x40xi32, #tpu.memory_space<vmem>> -> memref<5x40xi32, #tpu.memory_space<vmem>>
      %dma_start3A_2278 = arith.constant 0 : i32
      %dma_start3A_2279 = arith.constant 0 : i32
      %dma_start3A_2280 = tpu.memref_slice %arg3[%dma_start3A_2264, %add3A, %add3A_2263, %dma_start3A_2278, %dma_start3A_2279] : memref<2x32x50x5x40xi32, #tpu.memory_space<hbm>> -> memref<1x1x1x5x40xi32, #tpu.memory_space<hbm>>
      %dma_start3A_2281 = tpu.memref_squeeze %dma_start3A_2280 : memref<1x1x1x5x40xi32, #tpu.memory_space<hbm>> -> memref<5x40xi32, #tpu.memory_space<hbm>>
      tpu.enqueue_dma source(%dma_start3A_2281 : memref<5x40xi32, #tpu.memory_space<hbm>>) target(%dma_start3A_2277 : memref<5x40xi32, #tpu.memory_space<vmem>>) target_semaphore(%arg11 : memref<!tpu.dma_semaphore, #tpu.memory_space<semaphore_mem>>)
      %dma_wait3A_2282 = arith.constant 0 : i32
      %dma_wait3A_2283 = arith.constant 0 : i32
      %dma_wait3A_2284 = arith.constant 0 : i32
      %dma_wait3A_2285 = tpu.memref_slice %arg7[%dma_wait3A_2282, %dma_wait3A_2283, %dma_wait3A_2284] : memref<5x40x128xf32, #tpu.memory_space<vmem>> -> memref<1x40x128xf32, #tpu.memory_space<vmem>>
      %dma_wait3A_2286 = tpu.memref_squeeze %dma_wait3A_2285 : memref<1x40x128xf32, #tpu.memory_space<vmem>> -> memref<40x128xf32, #tpu.memory_space<vmem>>
      %dma_wait3A_2287 = arith.constant 0 : i32
      %dma_wait3A_2288 = arith.constant 0 : i32
      %dma_wait3A_2289 = tpu.memref_slice %arg2[%dma_wait3A_2287, %dma_wait3A_2288] : memref<10000x128xf32, #tpu.memory_space<hbm>> -> memref<40x128xf32, #tpu.memory_space<hbm>>
      %dma_wait3A_2290 = arith.constant 0 : i32
      %dma_wait3A_2291 = arith.constant 0 : i32
      %dma_wait3A_2292 = tpu.memref_slice %arg7[%dma_wait3A_2282, %dma_wait3A_2290, %dma_wait3A_2291] : memref<5x40x128xf32, #tpu.memory_space<vmem>> -> memref<1x40x128xf32, #tpu.memory_space<vmem>>
      %dma_wait3A_2293 = tpu.memref_squeeze %dma_wait3A_2292 : memref<1x40x128xf32, #tpu.memory_space<vmem>> -> memref<40x128xf32, #tpu.memory_space<vmem>>
      %dma_wait3A_2294 = arith.constant 0 : i32
      %dma_wait3A_2295 = arith.constant 0 : i32
      %dma_wait3A_2296 = tpu.memref_slice %arg2[%dma_wait3A_2294, %dma_wait3A_2295] : memref<10000x128xf32, #tpu.memory_space<hbm>> -> memref<40x128xf32, #tpu.memory_space<hbm>>
      tpu.wait_dma2 semaphore(%arg10 : memref<!tpu.dma_semaphore, #tpu.memory_space<semaphore_mem>>) src(%dma_wait3A_2296 : memref<40x128xf32, #tpu.memory_space<hbm>>) dst(%dma_wait3A_2293 : memref<40x128xf32, #tpu.memory_space<vmem>>)
      %dma_start3A_2297 = arith.constant 1 : i32
      %dma_start3A_2298 = arith.constant 0 : i32
      %dma_start3A_2299 = arith.constant 0 : i32
      %dma_start3A_2300 = arith.constant 0 : i32
      %dma_start3A_2301 = arith.constant 0 : i32
      %dma_start3A_2302 = arith.constant 0 : i32
      %dma_start3A_2303 = tpu.memref_slice %arg7[%dma_start3A_2299, %dma_start3A_2301, %dma_start3A_2302] : memref<5x40x128xf32, #tpu.memory_space<vmem>> -> memref<1x40x128xf32, #tpu.memory_space<vmem>>
      %dma_start3A_2304 = tpu.memref_squeeze %dma_start3A_2303 : memref<1x40x128xf32, #tpu.memory_space<vmem>> -> memref<40x128xf32, #tpu.memory_space<vmem>>
      %dma_start3A_2305 = arith.constant 0 : i32
      %dma_start3A_2306 = tpu.memref_slice %arg5[%dma_start3A_2297, %dma_start3A_2298, %dma_start3A_2305] : memref<3x5x40xi32, #tpu.memory_space<vmem>> -> memref<1x1x40xi32, #tpu.memory_space<vmem>>
      %dma_start3A_2307 = tpu.memref_squeeze %dma_start3A_2306 : memref<1x1x40xi32, #tpu.memory_space<vmem>> -> memref<40xi32, #tpu.memory_space<vmem>>
      %dma_start3A_2308 = arith.constant 0 : i32
      %dma_start3A_2309 = arith.constant 0 : i32
      %dma_start3A_2310 = tpu.memref_slice %arg2[%dma_start3A_2308, %dma_start3A_2309] : memref<10000x128xf32, #tpu.memory_space<hbm>> -> memref<10000x128xf32, #tpu.memory_space<hbm>>
      %dma_start3A_2311 = tpu.memref_slice %arg9[%dma_start3A_2300] : memref<5x!tpu.dma_semaphore, #tpu.memory_space<semaphore_mem>> -> memref<1x!tpu.dma_semaphore, #tpu.memory_space<semaphore_mem>>
      %dma_start3A_2312 = tpu.memref_squeeze %dma_start3A_2311 : memref<1x!tpu.dma_semaphore, #tpu.memory_space<semaphore_mem>> -> memref<!tpu.dma_semaphore, #tpu.memory_space<semaphore_mem>>
      tpu.enqueue_indirect_dma source(%dma_start3A_2310 : memref<10000x128xf32, #tpu.memory_space<hbm>>) target(%dma_start3A_2304 : memref<40x128xf32, #tpu.memory_space<vmem>>) offsets(%dma_start3A_2307 : memref<40xi32, #tpu.memory_space<vmem>>) semaphore(%dma_start3A_2312 : memref<!tpu.dma_semaphore, #tpu.memory_space<semaphore_mem>>)
      %dma_wait3A_2313 = arith.constant 1 : i32
      %dma_wait3A_2314 = arith.constant 1 : i32
      %dma_wait3A_2315 = arith.constant 0 : i32
      %dma_wait3A_2316 = arith.constant 0 : i32
      %dma_wait3A_2317 = tpu.memref_slice %arg7[%dma_wait3A_2313, %dma_wait3A_2315, %dma_wait3A_2316] : memref<5x40x128xf32, #tpu.memory_space<vmem>> -> memref<1x40x128xf32, #tpu.memory_space<vmem>>
      %dma_wait3A_2318 = tpu.memref_squeeze %dma_wait3A_2317 : memref<1x40x128xf32, #tpu.memory_space<vmem>> -> memref<40x128xf32, #tpu.memory_space<vmem>>
      %dma_wait3A_2319 = arith.constant 0 : i32
      %dma_wait3A_2320 = arith.constant 0 : i32
      %dma_wait3A_2321 = tpu.memref_slice %arg2[%dma_wait3A_2319, %dma_wait3A_2320] : memref<10000x128xf32, #tpu.memory_space<hbm>> -> memref<40x128xf32, #tpu.memory_space<hbm>>
      %dma_wait3A_2322 = tpu.memref_slice %arg9[%dma_wait3A_2314] : memref<5x!tpu.dma_semaphore, #tpu.memory_space<semaphore_mem>> -> memref<1x!tpu.dma_semaphore, #tpu.memory_space<semaphore_mem>>
      %dma_wait3A_2323 = tpu.memref_squeeze %dma_wait3A_2322 : memref<1x!tpu.dma_semaphore, #tpu.memory_space<semaphore_mem>> -> memref<!tpu.dma_semaphore, #tpu.memory_space<semaphore_mem>>
      %dma_wait3A_2324 = arith.constant 0 : i32
      %dma_wait3A_2325 = arith.constant 0 : i32
      %dma_wait3A_2326 = tpu.memref_slice %arg7[%dma_wait3A_2313, %dma_wait3A_2324, %dma_wait3A_2325] : memref<5x40x128xf32, #tpu.memory_space<vmem>> -> memref<1x40x128xf32, #tpu.memory_space<vmem>>
      %dma_wait3A_2327 = tpu.memref_squeeze %dma_wait3A_2326 : memref<1x40x128xf32, #tpu.memory_space<vmem>> -> memref<40x128xf32, #tpu.memory_space<vmem>>
      %dma_wait3A_2328 = arith.constant 0 : i32
      %dma_wait3A_2329 = arith.constant 0 : i32
      %dma_wait3A_2330 = tpu.memref_slice %arg2[%dma_wait3A_2328, %dma_wait3A_2329] : memref<10000x128xf32, #tpu.memory_space<hbm>> -> memref<40x128xf32, #tpu.memory_space<hbm>>
      tpu.wait_dma2 semaphore(%dma_wait3A_2323 : memref<!tpu.dma_semaphore, #tpu.memory_space<semaphore_mem>>) src(%dma_wait3A_2330 : memref<40x128xf32, #tpu.memory_space<hbm>>) dst(%dma_wait3A_2327 : memref<40x128xf32, #tpu.memory_space<vmem>>)
      %dma_start3A_2331 = arith.constant 1 : i32
      %dma_start3A_2332 = arith.constant 0 : i32
      %dma_start3A_2333 = arith.constant 1 : i32
      %dma_start3A_2334 = arith.constant 0 : i32
      %dma_start3A_2335 = arith.constant 0 : i32
      %dma_start3A_2336 = tpu.memref_slice %arg7[%dma_start3A_2331, %dma_start3A_2334, %dma_start3A_2335] : memref<5x40x128xf32, #tpu.memory_space<vmem>> -> memref<1x40x128xf32, #tpu.memory_space<vmem>>
      %dma_start3A_2337 = tpu.memref_squeeze %dma_start3A_2336 : memref<1x40x128xf32, #tpu.memory_space<vmem>> -> memref<40x128xf32, #tpu.memory_space<vmem>>
      %dma_start3A_2338 = arith.constant 0 : i32
      %dma_start3A_2339 = tpu.memref_slice %arg6[%dma_start3A_2332, %dma_start3A_2333, %dma_start3A_2338] : memref<3x5x40xi32, #tpu.memory_space<vmem>> -> memref<1x1x40xi32, #tpu.memory_space<vmem>>
      %dma_start3A_2340 = tpu.memref_squeeze %dma_start3A_2339 : memref<1x1x40xi32, #tpu.memory_space<vmem>> -> memref<40xi32, #tpu.memory_space<vmem>>
      %dma_start3A_2341 = arith.constant 0 : i32
      %dma_start3A_2342 = arith.constant 0 : i32
      %dma_start3A_2343 = tpu.memref_slice %arg8[%dma_start3A_2341, %dma_start3A_2342] : memref<10240x128xf32, #tpu.memory_space<vmem_shared>> -> memref<10240x128xf32, #tpu.memory_space<vmem_shared>>
      tpu.enqueue_indirect_dma source(%dma_start3A_2337 : memref<40x128xf32, #tpu.memory_space<vmem>>) target(%dma_start3A_2343 : memref<10240x128xf32, #tpu.memory_space<vmem_shared>>) offsets(%dma_start3A_2340 : memref<40xi32, #tpu.memory_space<vmem>>) semaphore(%arg10 : memref<!tpu.dma_semaphore, #tpu.memory_space<semaphore_mem>>) {add = true}
      %dma_wait3A_2344 = arith.constant 1 : i32
      %dma_wait3A_2345 = arith.constant 0 : i32
      %dma_wait3A_2346 = arith.constant 0 : i32
      %dma_wait3A_2347 = tpu.memref_slice %arg7[%dma_wait3A_2344, %dma_wait3A_2345, %dma_wait3A_2346] : memref<5x40x128xf32, #tpu.memory_space<vmem>> -> memref<1x40x128xf32, #tpu.memory_space<vmem>>
      %dma_wait3A_2348 = tpu.memref_squeeze %dma_wait3A_2347 : memref<1x40x128xf32, #tpu.memory_space<vmem>> -> memref<40x128xf32, #tpu.memory_space<vmem>>
      %dma_wait3A_2349 = arith.constant 0 : i32
      %dma_wait3A_2350 = arith.constant 0 : i32
      %dma_wait3A_2351 = tpu.memref_slice %arg2[%dma_wait3A_2349, %dma_wait3A_2350] : memref<10000x128xf32, #tpu.memory_space<hbm>> -> memref<40x128xf32, #tpu.memory_space<hbm>>
      %dma_wait3A_2352 = arith.constant 0 : i32
      %dma_wait3A_2353 = arith.constant 0 : i32
      %dma_wait3A_2354 = tpu.memref_slice %arg7[%dma_wait3A_2344, %dma_wait3A_2352, %dma_wait3A_2353] : memref<5x40x128xf32, #tpu.memory_space<vmem>> -> memref<1x40x128xf32, #tpu.memory_space<vmem>>
      %dma_wait3A_2355 = tpu.memref_squeeze %dma_wait3A_2354 : memref<1x40x128xf32, #tpu.memory_space<vmem>> -> memref<40x128xf32, #tpu.memory_space<vmem>>
      %dma_wait3A_2356 = arith.constant 0 : i32
      %dma_wait3A_2357 = arith.constant 0 : i32
      %dma_wait3A_2358 = tpu.memref_slice %arg2[%dma_wait3A_2356, %dma_wait3A_2357] : memref<10000x128xf32, #tpu.memory_space<hbm>> -> memref<40x128xf32, #tpu.memory_space<hbm>>
      tpu.wait_dma2 semaphore(%arg10 : memref<!tpu.dma_semaphore, #tpu.memory_space<semaphore_mem>>) src(%dma_wait3A_2358 : memref<40x128xf32, #tpu.memory_space<hbm>>) dst(%dma_wait3A_2355 : memref<40x128xf32, #tpu.memory_space<vmem>>)
      %dma_start3A_2359 = arith.constant 1 : i32
      %dma_start3A_2360 = arith.constant 1 : i32
      %dma_start3A_2361 = arith.constant 1 : i32
      %dma_start3A_2362 = arith.constant 1 : i32
      %dma_start3A_2363 = arith.constant 0 : i32
      %dma_start3A_2364 = arith.constant 0 : i32
      %dma_start3A_2365 = tpu.memref_slice %arg7[%dma_start3A_2361, %dma_start3A_2363, %dma_start3A_2364] : memref<5x40x128xf32, #tpu.memory_space<vmem>> -> memref<1x40x128xf32, #tpu.memory_space<vmem>>
      %dma_start3A_2366 = tpu.memref_squeeze %dma_start3A_2365 : memref<1x40x128xf32, #tpu.memory_space<vmem>> -> memref<40x128xf32, #tpu.memory_space<vmem>>
      %dma_start3A_2367 = arith.constant 0 : i32
      %dma_start3A_2368 = tpu.memref_slice %arg5[%dma_start3A_2359, %dma_start3A_2360, %dma_start3A_2367] : memref<3x5x40xi32, #tpu.memory_space<vmem>> -> memref<1x1x40xi32, #tpu.memory_space<vmem>>
      %dma_start3A_2369 = tpu.memref_squeeze %dma_start3A_2368 : memref<1x1x40xi32, #tpu.memory_space<vmem>> -> memref<40xi32, #tpu.memory_space<vmem>>
      %dma_start3A_2370 = arith.constant 0 : i32
      %dma_start3A_2371 = arith.constant 0 : i32
      %dma_start3A_2372 = tpu.memref_slice %arg2[%dma_start3A_2370, %dma_start3A_2371] : memref<10000x128xf32, #tpu.memory_space<hbm>> -> memref<10000x128xf32, #tpu.memory_space<hbm>>
      %dma_start3A_2373 = tpu.memref_slice %arg9[%dma_start3A_2362] : memref<5x!tpu.dma_semaphore, #tpu.memory_space<semaphore_mem>> -> memref<1x!tpu.dma_semaphore, #tpu.memory_space<semaphore_mem>>
      %dma_start3A_2374 = tpu.memref_squeeze %dma_start3A_2373 : memref<1x!tpu.dma_semaphore, #tpu.memory_space<semaphore_mem>> -> memref<!tpu.dma_semaphore, #tpu.memory_space<semaphore_mem>>
      tpu.enqueue_indirect_dma source(%dma_start3A_2372 : memref<10000x128xf32, #tpu.memory_space<hbm>>) target(%dma_start3A_2366 : memref<40x128xf32, #tpu.memory_space<vmem>>) offsets(%dma_start3A_2369 : memref<40xi32, #tpu.memory_space<vmem>>) semaphore(%dma_start3A_2374 : memref<!tpu.dma_semaphore, #tpu.memory_space<semaphore_mem>>)
      %dma_wait3A_2375 = arith.constant 2 : i32
      %dma_wait3A_2376 = arith.constant 2 : i32
      %dma_wait3A_2377 = arith.constant 0 : i32
      %dma_wait3A_2378 = arith.constant 0 : i32
      %dma_wait3A_2379 = tpu.memref_slice %arg7[%dma_wait3A_2375, %dma_wait3A_2377, %dma_wait3A_2378] : memref<5x40x128xf32, #tpu.memory_space<vmem>> -> memref<1x40x128xf32, #tpu.memory_space<vmem>>
      %dma_wait3A_2380 = tpu.memref_squeeze %dma_wait3A_2379 : memref<1x40x128xf32, #tpu.memory_space<vmem>> -> memref<40x128xf32, #tpu.memory_space<vmem>>
      %dma_wait3A_2381 = arith.constant 0 : i32
      %dma_wait3A_2382 = arith.constant 0 : i32
      %dma_wait3A_2383 = tpu.memref_slice %arg2[%dma_wait3A_2381, %dma_wait3A_2382] : memref<10000x128xf32, #tpu.memory_space<hbm>> -> memref<40x128xf32, #tpu.memory_space<hbm>>
      %dma_wait3A_2384 = tpu.memref_slice %arg9[%dma_wait3A_2376] : memref<5x!tpu.dma_semaphore, #tpu.memory_space<semaphore_mem>> -> memref<1x!tpu.dma_semaphore, #tpu.memory_space<semaphore_mem>>
      %dma_wait3A_2385 = tpu.memref_squeeze %dma_wait3A_2384 : memref<1x!tpu.dma_semaphore, #tpu.memory_space<semaphore_mem>> -> memref<!tpu.dma_semaphore, #tpu.memory_space<semaphore_mem>>
      %dma_wait3A_2386 = arith.constant 0 : i32
      %dma_wait3A_2387 = arith.constant 0 : i32
      %dma_wait3A_2388 = tpu.memref_slice %arg7[%dma_wait3A_2375, %dma_wait3A_2386, %dma_wait3A_2387] : memref<5x40x128xf32, #tpu.memory_space<vmem>> -> memref<1x40x128xf32, #tpu.memory_space<vmem>>
      %dma_wait3A_2389 = tpu.memref_squeeze %dma_wait3A_2388 : memref<1x40x128xf32, #tpu.memory_space<vmem>> -> memref<40x128xf32, #tpu.memory_space<vmem>>
      %dma_wait3A_2390 = arith.constant 0 : i32
      %dma_wait3A_2391 = arith.constant 0 : i32
      %dma_wait3A_2392 = tpu.memref_slice %arg2[%dma_wait3A_2390, %dma_wait3A_2391] : memref<10000x128xf32, #tpu.memory_space<hbm>> -> memref<40x128xf32, #tpu.memory_space<hbm>>
      tpu.wait_dma2 semaphore(%dma_wait3A_2385 : memref<!tpu.dma_semaphore, #tpu.memory_space<semaphore_mem>>) src(%dma_wait3A_2392 : memref<40x128xf32, #tpu.memory_space<hbm>>) dst(%dma_wait3A_2389 : memref<40x128xf32, #tpu.memory_space<vmem>>)
      %dma_start3A_2393 = arith.constant 2 : i32
      %dma_start3A_2394 = arith.constant 0 : i32
      %dma_start3A_2395 = arith.constant 2 : i32
      %dma_start3A_2396 = arith.constant 0 : i32
      %dma_start3A_2397 = arith.constant 0 : i32
      %dma_start3A_2398 = tpu.memref_slice %arg7[%dma_start3A_2393, %dma_start3A_2396, %dma_start3A_2397] : memref<5x40x128xf32, #tpu.memory_space<vmem>> -> memref<1x40x128xf32, #tpu.memory_space<vmem>>
      %dma_start3A_2399 = tpu.memref_squeeze %dma_start3A_2398 : memref<1x40x128xf32, #tpu.memory_space<vmem>> -> memref<40x128xf32, #tpu.memory_space<vmem>>
      %dma_start3A_2400 = arith.constant 0 : i32
      %dma_start3A_2401 = tpu.memref_slice %arg6[%dma_start3A_2394, %dma_start3A_2395, %dma_start3A_2400] : memref<3x5x40xi32, #tpu.memory_space<vmem>> -> memref<1x1x40xi32, #tpu.memory_space<vmem>>
      %dma_start3A_2402 = tpu.memref_squeeze %dma_start3A_2401 : memref<1x1x40xi32, #tpu.memory_space<vmem>> -> memref<40xi32, #tpu.memory_space<vmem>>
      %dma_start3A_2403 = arith.constant 0 : i32
      %dma_start3A_2404 = arith.constant 0 : i32
      %dma_start3A_2405 = tpu.memref_slice %arg8[%dma_start3A_2403, %dma_start3A_2404] : memref<10240x128xf32, #tpu.memory_space<vmem_shared>> -> memref<10240x128xf32, #tpu.memory_space<vmem_shared>>
      tpu.enqueue_indirect_dma source(%dma_start3A_2399 : memref<40x128xf32, #tpu.memory_space<vmem>>) target(%dma_start3A_2405 : memref<10240x128xf32, #tpu.memory_space<vmem_shared>>) offsets(%dma_start3A_2402 : memref<40xi32, #tpu.memory_space<vmem>>) semaphore(%arg10 : memref<!tpu.dma_semaphore, #tpu.memory_space<semaphore_mem>>) {add = true}
      %dma_wait3A_2406 = arith.constant 2 : i32
      %dma_wait3A_2407 = arith.constant 0 : i32
      %dma_wait3A_2408 = arith.constant 0 : i32
      %dma_wait3A_2409 = tpu.memref_slice %arg7[%dma_wait3A_2406, %dma_wait3A_2407, %dma_wait3A_2408] : memref<5x40x128xf32, #tpu.memory_space<vmem>> -> memref<1x40x128xf32, #tpu.memory_space<vmem>>
      %dma_wait3A_2410 = tpu.memref_squeeze %dma_wait3A_2409 : memref<1x40x128xf32, #tpu.memory_space<vmem>> -> memref<40x128xf32, #tpu.memory_space<vmem>>
      %dma_wait3A_2411 = arith.constant 0 : i32
      %dma_wait3A_2412 = arith.constant 0 : i32
      %dma_wait3A_2413 = tpu.memref_slice %arg2[%dma_wait3A_2411, %dma_wait3A_2412] : memref<10000x128xf32, #tpu.memory_space<hbm>> -> memref<40x128xf32, #tpu.memory_space<hbm>>
      %dma_wait3A_2414 = arith.constant 0 : i32
      %dma_wait3A_2415 = arith.constant 0 : i32
      %dma_wait3A_2416 = tpu.memref_slice %arg7[%dma_wait3A_2406, %dma_wait3A_2414, %dma_wait3A_2415] : memref<5x40x128xf32, #tpu.memory_space<vmem>> -> memref<1x40x128xf32, #tpu.memory_space<vmem>>
      %dma_wait3A_2417 = tpu.memref_squeeze %dma_wait3A_2416 : memref<1x40x128xf32, #tpu.memory_space<vmem>> -> memref<40x128xf32, #tpu.memory_space<vmem>>
      %dma_wait3A_2418 = arith.constant 0 : i32
      %dma_wait3A_2419 = arith.constant 0 : i32
      %dma_wait3A_2420 = tpu.memref_slice %arg2[%dma_wait3A_2418, %dma_wait3A_2419] : memref<10000x128xf32, #tpu.memory_space<hbm>> -> memref<40x128xf32, #tpu.memory_space<hbm>>
      tpu.wait_dma2 semaphore(%arg10 : memref<!tpu.dma_semaphore, #tpu.memory_space<semaphore_mem>>) src(%dma_wait3A_2420 : memref<40x128xf32, #tpu.memory_space<hbm>>) dst(%dma_wait3A_2417 : memref<40x128xf32, #tpu.memory_space<vmem>>)
      %dma_start3A_2421 = arith.constant 1 : i32
      %dma_start3A_2422 = arith.constant 2 : i32
      %dma_start3A_2423 = arith.constant 2 : i32
      %dma_start3A_2424 = arith.constant 2 : i32
      %dma_start3A_2425 = arith.constant 0 : i32
      %dma_start3A_2426 = arith.constant 0 : i32
      %dma_start3A_2427 = tpu.memref_slice %arg7[%dma_start3A_2423, %dma_start3A_2425, %dma_start3A_2426] : memref<5x40x128xf32, #tpu.memory_space<vmem>> -> memref<1x40x128xf32, #tpu.memory_space<vmem>>
      %dma_start3A_2428 = tpu.memref_squeeze %dma_start3A_2427 : memref<1x40x128xf32, #tpu.memory_space<vmem>> -> memref<40x128xf32, #tpu.memory_space<vmem>>
      %dma_start3A_2429 = arith.constant 0 : i32
      %dma_start3A_2430 = tpu.memref_slice %arg5[%dma_start3A_2421, %dma_start3A_2422, %dma_start3A_2429] : memref<3x5x40xi32, #tpu.memory_space<vmem>> -> memref<1x1x40xi32, #tpu.memory_space<vmem>>
      %dma_start3A_2431 = tpu.memref_squeeze %dma_start3A_2430 : memref<1x1x40xi32, #tpu.memory_space<vmem>> -> memref<40xi32, #tpu.memory_space<vmem>>
      %dma_start3A_2432 = arith.constant 0 : i32
      %dma_start3A_2433 = arith.constant 0 : i32
      %dma_start3A_2434 = tpu.memref_slice %arg2[%dma_start3A_2432, %dma_start3A_2433] : memref<10000x128xf32, #tpu.memory_space<hbm>> -> memref<10000x128xf32, #tpu.memory_space<hbm>>
      %dma_start3A_2435 = tpu.memref_slice %arg9[%dma_start3A_2424] : memref<5x!tpu.dma_semaphore, #tpu.memory_space<semaphore_mem>> -> memref<1x!tpu.dma_semaphore, #tpu.memory_space<semaphore_mem>>
      %dma_start3A_2436 = tpu.memref_squeeze %dma_start3A_2435 : memref<1x!tpu.dma_semaphore, #tpu.memory_space<semaphore_mem>> -> memref<!tpu.dma_semaphore, #tpu.memory_space<semaphore_mem>>
      tpu.enqueue_indirect_dma source(%dma_start3A_2434 : memref<10000x128xf32, #tpu.memory_space<hbm>>) target(%dma_start3A_2428 : memref<40x128xf32, #tpu.memory_space<vmem>>) offsets(%dma_start3A_2431 : memref<40xi32, #tpu.memory_space<vmem>>) semaphore(%dma_start3A_2436 : memref<!tpu.dma_semaphore, #tpu.memory_space<semaphore_mem>>)
      %dma_wait3A_2437 = arith.constant 3 : i32
      %dma_wait3A_2438 = arith.constant 3 : i32
      %dma_wait3A_2439 = arith.constant 0 : i32
      %dma_wait3A_2440 = arith.constant 0 : i32
      %dma_wait3A_2441 = tpu.memref_slice %arg7[%dma_wait3A_2437, %dma_wait3A_2439, %dma_wait3A_2440] : memref<5x40x128xf32, #tpu.memory_space<vmem>> -> memref<1x40x128xf32, #tpu.memory_space<vmem>>
      %dma_wait3A_2442 = tpu.memref_squeeze %dma_wait3A_2441 : memref<1x40x128xf32, #tpu.memory_space<vmem>> -> memref<40x128xf32, #tpu.memory_space<vmem>>
      %dma_wait3A_2443 = arith.constant 0 : i32
      %dma_wait3A_2444 = arith.constant 0 : i32
      %dma_wait3A_2445 = tpu.memref_slice %arg2[%dma_wait3A_2443, %dma_wait3A_2444] : memref<10000x128xf32, #tpu.memory_space<hbm>> -> memref<40x128xf32, #tpu.memory_space<hbm>>
      %dma_wait3A_2446 = tpu.memref_slice %arg9[%dma_wait3A_2438] : memref<5x!tpu.dma_semaphore, #tpu.memory_space<semaphore_mem>> -> memref<1x!tpu.dma_semaphore, #tpu.memory_space<semaphore_mem>>
      %dma_wait3A_2447 = tpu.memref_squeeze %dma_wait3A_2446 : memref<1x!tpu.dma_semaphore, #tpu.memory_space<semaphore_mem>> -> memref<!tpu.dma_semaphore, #tpu.memory_space<semaphore_mem>>
      %dma_wait3A_2448 = arith.constant 0 : i32
      %dma_wait3A_2449 = arith.constant 0 : i32
      %dma_wait3A_2450 = tpu.memref_slice %arg7[%dma_wait3A_2437, %dma_wait3A_2448, %dma_wait3A_2449] : memref<5x40x128xf32, #tpu.memory_space<vmem>> -> memref<1x40x128xf32, #tpu.memory_space<vmem>>
      %dma_wait3A_2451 = tpu.memref_squeeze %dma_wait3A_2450 : memref<1x40x128xf32, #tpu.memory_space<vmem>> -> memref<40x128xf32, #tpu.memory_space<vmem>>
      %dma_wait3A_2452 = arith.constant 0 : i32
      %dma_wait3A_2453 = arith.constant 0 : i32
      %dma_wait3A_2454 = tpu.memref_slice %arg2[%dma_wait3A_2452, %dma_wait3A_2453] : memref<10000x128xf32, #tpu.memory_space<hbm>> -> memref<40x128xf32, #tpu.memory_space<hbm>>
      tpu.wait_dma2 semaphore(%dma_wait3A_2447 : memref<!tpu.dma_semaphore, #tpu.memory_space<semaphore_mem>>) src(%dma_wait3A_2454 : memref<40x128xf32, #tpu.memory_space<hbm>>) dst(%dma_wait3A_2451 : memref<40x128xf32, #tpu.memory_space<vmem>>)
      %dma_start3A_2455 = arith.constant 3 : i32
      %dma_start3A_2456 = arith.constant 0 : i32
      %dma_start3A_2457 = arith.constant 3 : i32
      %dma_start3A_2458 = arith.constant 0 : i32
      %dma_start3A_2459 = arith.constant 0 : i32
      %dma_start3A_2460 = tpu.memref_slice %arg7[%dma_start3A_2455, %dma_start3A_2458, %dma_start3A_2459] : memref<5x40x128xf32, #tpu.memory_space<vmem>> -> memref<1x40x128xf32, #tpu.memory_space<vmem>>
      %dma_start3A_2461 = tpu.memref_squeeze %dma_start3A_2460 : memref<1x40x128xf32, #tpu.memory_space<vmem>> -> memref<40x128xf32, #tpu.memory_space<vmem>>
      %dma_start3A_2462 = arith.constant 0 : i32
      %dma_start3A_2463 = tpu.memref_slice %arg6[%dma_start3A_2456, %dma_start3A_2457, %dma_start3A_2462] : memref<3x5x40xi32, #tpu.memory_space<vmem>> -> memref<1x1x40xi32, #tpu.memory_space<vmem>>
      %dma_start3A_2464 = tpu.memref_squeeze %dma_start3A_2463 : memref<1x1x40xi32, #tpu.memory_space<vmem>> -> memref<40xi32, #tpu.memory_space<vmem>>
      %dma_start3A_2465 = arith.constant 0 : i32
      %dma_start3A_2466 = arith.constant 0 : i32
      %dma_start3A_2467 = tpu.memref_slice %arg8[%dma_start3A_2465, %dma_start3A_2466] : memref<10240x128xf32, #tpu.memory_space<vmem_shared>> -> memref<10240x128xf32, #tpu.memory_space<vmem_shared>>
      tpu.enqueue_indirect_dma source(%dma_start3A_2461 : memref<40x128xf32, #tpu.memory_space<vmem>>) target(%dma_start3A_2467 : memref<10240x128xf32, #tpu.memory_space<vmem_shared>>) offsets(%dma_start3A_2464 : memref<40xi32, #tpu.memory_space<vmem>>) semaphore(%arg10 : memref<!tpu.dma_semaphore, #tpu.memory_space<semaphore_mem>>) {add = true}
      %dma_wait3A_2468 = arith.constant 3 : i32
      %dma_wait3A_2469 = arith.constant 0 : i32
      %dma_wait3A_2470 = arith.constant 0 : i32
      %dma_wait3A_2471 = tpu.memref_slice %arg7[%dma_wait3A_2468, %dma_wait3A_2469, %dma_wait3A_2470] : memref<5x40x128xf32, #tpu.memory_space<vmem>> -> memref<1x40x128xf32, #tpu.memory_space<vmem>>
      %dma_wait3A_2472 = tpu.memref_squeeze %dma_wait3A_2471 : memref<1x40x128xf32, #tpu.memory_space<vmem>> -> memref<40x128xf32, #tpu.memory_space<vmem>>
      %dma_wait3A_2473 = arith.constant 0 : i32
      %dma_wait3A_2474 = arith.constant 0 : i32
      %dma_wait3A_2475 = tpu.memref_slice %arg2[%dma_wait3A_2473, %dma_wait3A_2474] : memref<10000x128xf32, #tpu.memory_space<hbm>> -> memref<40x128xf32, #tpu.memory_space<hbm>>
      %dma_wait3A_2476 = arith.constant 0 : i32
      %dma_wait3A_2477 = arith.constant 0 : i32
      %dma_wait3A_2478 = tpu.memref_slice %arg7[%dma_wait3A_2468, %dma_wait3A_2476, %dma_wait3A_2477] : memref<5x40x128xf32, #tpu.memory_space<vmem>> -> memref<1x40x128xf32, #tpu.memory_space<vmem>>
      %dma_wait3A_2479 = tpu.memref_squeeze %dma_wait3A_2478 : memref<1x40x128xf32, #tpu.memory_space<vmem>> -> memref<40x128xf32, #tpu.memory_space<vmem>>
      %dma_wait3A_2480 = arith.constant 0 : i32
      %dma_wait3A_2481 = arith.constant 0 : i32
      %dma_wait3A_2482 = tpu.memref_slice %arg2[%dma_wait3A_2480, %dma_wait3A_2481] : memref<10000x128xf32, #tpu.memory_space<hbm>> -> memref<40x128xf32, #tpu.memory_space<hbm>>
      tpu.wait_dma2 semaphore(%arg10 : memref<!tpu.dma_semaphore, #tpu.memory_space<semaphore_mem>>) src(%dma_wait3A_2482 : memref<40x128xf32, #tpu.memory_space<hbm>>) dst(%dma_wait3A_2479 : memref<40x128xf32, #tpu.memory_space<vmem>>)
      %dma_start3A_2483 = arith.constant 1 : i32
      %dma_start3A_2484 = arith.constant 3 : i32
      %dma_start3A_2485 = arith.constant 3 : i32
      %dma_start3A_2486 = arith.constant 3 : i32
      %dma_start3A_2487 = arith.constant 0 : i32
      %dma_start3A_2488 = arith.constant 0 : i32
      %dma_start3A_2489 = tpu.memref_slice %arg7[%dma_start3A_2485, %dma_start3A_2487, %dma_start3A_2488] : memref<5x40x128xf32, #tpu.memory_space<vmem>> -> memref<1x40x128xf32, #tpu.memory_space<vmem>>
      %dma_start3A_2490 = tpu.memref_squeeze %dma_start3A_2489 : memref<1x40x128xf32, #tpu.memory_space<vmem>> -> memref<40x128xf32, #tpu.memory_space<vmem>>
      %dma_start3A_2491 = arith.constant 0 : i32
      %dma_start3A_2492 = tpu.memref_slice %arg5[%dma_start3A_2483, %dma_start3A_2484, %dma_start3A_2491] : memref<3x5x40xi32, #tpu.memory_space<vmem>> -> memref<1x1x40xi32, #tpu.memory_space<vmem>>
      %dma_start3A_2493 = tpu.memref_squeeze %dma_start3A_2492 : memref<1x1x40xi32, #tpu.memory_space<vmem>> -> memref<40xi32, #tpu.memory_space<vmem>>
      %dma_start3A_2494 = arith.constant 0 : i32
      %dma_start3A_2495 = arith.constant 0 : i32
      %dma_start3A_2496 = tpu.memref_slice %arg2[%dma_start3A_2494, %dma_start3A_2495] : memref<10000x128xf32, #tpu.memory_space<hbm>> -> memref<10000x128xf32, #tpu.memory_space<hbm>>
      %dma_start3A_2497 = tpu.memref_slice %arg9[%dma_start3A_2486] : memref<5x!tpu.dma_semaphore, #tpu.memory_space<semaphore_mem>> -> memref<1x!tpu.dma_semaphore, #tpu.memory_space<semaphore_mem>>
      %dma_start3A_2498 = tpu.memref_squeeze %dma_start3A_2497 : memref<1x!tpu.dma_semaphore, #tpu.memory_space<semaphore_mem>> -> memref<!tpu.dma_semaphore, #tpu.memory_space<semaphore_mem>>
      tpu.enqueue_indirect_dma source(%dma_start3A_2496 : memref<10000x128xf32, #tpu.memory_space<hbm>>) target(%dma_start3A_2490 : memref<40x128xf32, #tpu.memory_space<vmem>>) offsets(%dma_start3A_2493 : memref<40xi32, #tpu.memory_space<vmem>>) semaphore(%dma_start3A_2498 : memref<!tpu.dma_semaphore, #tpu.memory_space<semaphore_mem>>)
      %dma_wait3A_2499 = arith.constant 4 : i32
      %dma_wait3A_2500 = arith.constant 4 : i32
      %dma_wait3A_2501 = arith.constant 0 : i32
      %dma_wait3A_2502 = arith.constant 0 : i32
      %dma_wait3A_2503 = tpu.memref_slice %arg7[%dma_wait3A_2499, %dma_wait3A_2501, %dma_wait3A_2502] : memref<5x40x128xf32, #tpu.memory_space<vmem>> -> memref<1x40x128xf32, #tpu.memory_space<vmem>>
      %dma_wait3A_2504 = tpu.memref_squeeze %dma_wait3A_2503 : memref<1x40x128xf32, #tpu.memory_space<vmem>> -> memref<40x128xf32, #tpu.memory_space<vmem>>
      %dma_wait3A_2505 = arith.constant 0 : i32
      %dma_wait3A_2506 = arith.constant 0 : i32
      %dma_wait3A_2507 = tpu.memref_slice %arg2[%dma_wait3A_2505, %dma_wait3A_2506] : memref<10000x128xf32, #tpu.memory_space<hbm>> -> memref<40x128xf32, #tpu.memory_space<hbm>>
      %dma_wait3A_2508 = tpu.memref_slice %arg9[%dma_wait3A_2500] : memref<5x!tpu.dma_semaphore, #tpu.memory_space<semaphore_mem>> -> memref<1x!tpu.dma_semaphore, #tpu.memory_space<semaphore_mem>>
      %dma_wait3A_2509 = tpu.memref_squeeze %dma_wait3A_2508 : memref<1x!tpu.dma_semaphore, #tpu.memory_space<semaphore_mem>> -> memref<!tpu.dma_semaphore, #tpu.memory_space<semaphore_mem>>
      %dma_wait3A_2510 = arith.constant 0 : i32
      %dma_wait3A_2511 = arith.constant 0 : i32
      %dma_wait3A_2512 = tpu.memref_slice %arg7[%dma_wait3A_2499, %dma_wait3A_2510, %dma_wait3A_2511] : memref<5x40x128xf32, #tpu.memory_space<vmem>> -> memref<1x40x128xf32, #tpu.memory_space<vmem>>
      %dma_wait3A_2513 = tpu.memref_squeeze %dma_wait3A_2512 : memref<1x40x128xf32, #tpu.memory_space<vmem>> -> memref<40x128xf32, #tpu.memory_space<vmem>>
      %dma_wait3A_2514 = arith.constant 0 : i32
      %dma_wait3A_2515 = arith.constant 0 : i32
      %dma_wait3A_2516 = tpu.memref_slice %arg2[%dma_wait3A_2514, %dma_wait3A_2515] : memref<10000x128xf32, #tpu.memory_space<hbm>> -> memref<40x128xf32, #tpu.memory_space<hbm>>
      tpu.wait_dma2 semaphore(%dma_wait3A_2509 : memref<!tpu.dma_semaphore, #tpu.memory_space<semaphore_mem>>) src(%dma_wait3A_2516 : memref<40x128xf32, #tpu.memory_space<hbm>>) dst(%dma_wait3A_2513 : memref<40x128xf32, #tpu.memory_space<vmem>>)
      %dma_start3A_2517 = arith.constant 4 : i32
      %dma_start3A_2518 = arith.constant 0 : i32
      %dma_start3A_2519 = arith.constant 4 : i32
      %dma_start3A_2520 = arith.constant 0 : i32
      %dma_start3A_2521 = arith.constant 0 : i32
      %dma_start3A_2522 = tpu.memref_slice %arg7[%dma_start3A_2517, %dma_start3A_2520, %dma_start3A_2521] : memref<5x40x128xf32, #tpu.memory_space<vmem>> -> memref<1x40x128xf32, #tpu.memory_space<vmem>>
      %dma_start3A_2523 = tpu.memref_squeeze %dma_start3A_2522 : memref<1x40x128xf32, #tpu.memory_space<vmem>> -> memref<40x128xf32, #tpu.memory_space<vmem>>
      %dma_start3A_2524 = arith.constant 0 : i32
      %dma_start3A_2525 = tpu.memref_slice %arg6[%dma_start3A_2518, %dma_start3A_2519, %dma_start3A_2524] : memref<3x5x40xi32, #tpu.memory_space<vmem>> -> memref<1x1x40xi32, #tpu.memory_space<vmem>>
      %dma_start3A_2526 = tpu.memref_squeeze %dma_start3A_2525 : memref<1x1x40xi32, #tpu.memory_space<vmem>> -> memref<40xi32, #tpu.memory_space<vmem>>
      %dma_start3A_2527 = arith.constant 0 : i32
      %dma_start3A_2528 = arith.constant 0 : i32
      %dma_start3A_2529 = tpu.memref_slice %arg8[%dma_start3A_2527, %dma_start3A_2528] : memref<10240x128xf32, #tpu.memory_space<vmem_shared>> -> memref<10240x128xf32, #tpu.memory_space<vmem_shared>>
      tpu.enqueue_indirect_dma source(%dma_start3A_2523 : memref<40x128xf32, #tpu.memory_space<vmem>>) target(%dma_start3A_2529 : memref<10240x128xf32, #tpu.memory_space<vmem_shared>>) offsets(%dma_start3A_2526 : memref<40xi32, #tpu.memory_space<vmem>>) semaphore(%arg10 : memref<!tpu.dma_semaphore, #tpu.memory_space<semaphore_mem>>) {add = true}
      %add3A_2530 = arith.constant 2 : i32
      %add3A_2531 = arith.addi %add3A_1745, %add3A_2530 : i32
      %dma_wait3A_2532 = arith.constant 0 : i32
      %dma_wait3A_2533 = arith.constant 0 : i32
      %dma_wait3A_2534 = arith.constant 0 : i32
      %dma_wait3A_2535 = arith.constant 1 : i32
      %dma_wait3A_2536 = arith.constant 0 : i32
      %dma_wait3A_2537 = arith.constant 0 : i32
      %dma_wait3A_2538 = tpu.memref_slice %arg5[%dma_wait3A_2535, %dma_wait3A_2536, %dma_wait3A_2537] : memref<3x5x40xi32, #tpu.memory_space<vmem>> -> memref<1x5x40xi32, #tpu.memory_space<vmem>>
      %dma_wait3A_2539 = tpu.memref_squeeze %dma_wait3A_2538 : memref<1x5x40xi32, #tpu.memory_space<vmem>> -> memref<5x40xi32, #tpu.memory_space<vmem>>
      %dma_wait3A_2540 = arith.constant 0 : i32
      %dma_wait3A_2541 = arith.constant 0 : i32
      %dma_wait3A_2542 = tpu.memref_slice %arg3[%dma_wait3A_2532, %dma_wait3A_2533, %dma_wait3A_2534, %dma_wait3A_2540, %dma_wait3A_2541] : memref<2x32x50x5x40xi32, #tpu.memory_space<hbm>> -> memref<1x1x1x5x40xi32, #tpu.memory_space<hbm>>
      %dma_wait3A_2543 = tpu.memref_squeeze %dma_wait3A_2542 : memref<1x1x1x5x40xi32, #tpu.memory_space<hbm>> -> memref<5x40xi32, #tpu.memory_space<hbm>>
      %dma_wait3A_2544 = arith.constant 0 : i32
      %dma_wait3A_2545 = arith.constant 0 : i32
      %dma_wait3A_2546 = tpu.memref_slice %arg5[%dma_wait3A_2535, %dma_wait3A_2544, %dma_wait3A_2545] : memref<3x5x40xi32, #tpu.memory_space<vmem>> -> memref<1x5x40xi32, #tpu.memory_space<vmem>>
      %dma_wait3A_2547 = tpu.memref_squeeze %dma_wait3A_2546 : memref<1x5x40xi32, #tpu.memory_space<vmem>> -> memref<5x40xi32, #tpu.memory_space<vmem>>
      %dma_wait3A_2548 = arith.constant 0 : i32
      %dma_wait3A_2549 = arith.constant 0 : i32
      %dma_wait3A_2550 = tpu.memref_slice %arg3[%dma_wait3A_2532, %dma_wait3A_2533, %dma_wait3A_2534, %dma_wait3A_2548, %dma_wait3A_2549] : memref<2x32x50x5x40xi32, #tpu.memory_space<hbm>> -> memref<1x1x1x5x40xi32, #tpu.memory_space<hbm>>
      %dma_wait3A_2551 = tpu.memref_squeeze %dma_wait3A_2550 : memref<1x1x1x5x40xi32, #tpu.memory_space<hbm>> -> memref<5x40xi32, #tpu.memory_space<hbm>>
      tpu.wait_dma2 semaphore(%arg11 : memref<!tpu.dma_semaphore, #tpu.memory_space<semaphore_mem>>) src(%dma_wait3A_2551 : memref<5x40xi32, #tpu.memory_space<hbm>>) dst(%dma_wait3A_2547 : memref<5x40xi32, #tpu.memory_space<vmem>>)
      %dma_wait3A_2552 = arith.constant 0 : i32
      %dma_wait3A_2553 = arith.constant 0 : i32
      %dma_wait3A_2554 = arith.constant 0 : i32
      %dma_wait3A_2555 = arith.constant 1 : i32
      %dma_wait3A_2556 = arith.constant 0 : i32
      %dma_wait3A_2557 = arith.constant 0 : i32
      %dma_wait3A_2558 = tpu.memref_slice %arg6[%dma_wait3A_2555, %dma_wait3A_2556, %dma_wait3A_2557] : memref<3x5x40xi32, #tpu.memory_space<vmem>> -> memref<1x5x40xi32, #tpu.memory_space<vmem>>
      %dma_wait3A_2559 = tpu.memref_squeeze %dma_wait3A_2558 : memref<1x5x40xi32, #tpu.memory_space<vmem>> -> memref<5x40xi32, #tpu.memory_space<vmem>>
      %dma_wait3A_2560 = arith.constant 0 : i32
      %dma_wait3A_2561 = arith.constant 0 : i32
      %dma_wait3A_2562 = tpu.memref_slice %arg3[%dma_wait3A_2552, %dma_wait3A_2553, %dma_wait3A_2554, %dma_wait3A_2560, %dma_wait3A_2561] : memref<2x32x50x5x40xi32, #tpu.memory_space<hbm>> -> memref<1x1x1x5x40xi32, #tpu.memory_space<hbm>>
      %dma_wait3A_2563 = tpu.memref_squeeze %dma_wait3A_2562 : memref<1x1x1x5x40xi32, #tpu.memory_space<hbm>> -> memref<5x40xi32, #tpu.memory_space<hbm>>
      %dma_wait3A_2564 = arith.constant 0 : i32
      %dma_wait3A_2565 = arith.constant 0 : i32
      %dma_wait3A_2566 = tpu.memref_slice %arg6[%dma_wait3A_2555, %dma_wait3A_2564, %dma_wait3A_2565] : memref<3x5x40xi32, #tpu.memory_space<vmem>> -> memref<1x5x40xi32, #tpu.memory_space<vmem>>
      %dma_wait3A_2567 = tpu.memref_squeeze %dma_wait3A_2566 : memref<1x5x40xi32, #tpu.memory_space<vmem>> -> memref<5x40xi32, #tpu.memory_space<vmem>>
      %dma_wait3A_2568 = arith.constant 0 : i32
      %dma_wait3A_2569 = arith.constant 0 : i32
      %dma_wait3A_2570 = tpu.memref_slice %arg3[%dma_wait3A_2552, %dma_wait3A_2553, %dma_wait3A_2554, %dma_wait3A_2568, %dma_wait3A_2569] : memref<2x32x50x5x40xi32, #tpu.memory_space<hbm>> -> memref<1x1x1x5x40xi32, #tpu.memory_space<hbm>>
      %dma_wait3A_2571 = tpu.memref_squeeze %dma_wait3A_2570 : memref<1x1x1x5x40xi32, #tpu.memory_space<hbm>> -> memref<5x40xi32, #tpu.memory_space<hbm>>
      tpu.wait_dma2 semaphore(%arg11 : memref<!tpu.dma_semaphore, #tpu.memory_space<semaphore_mem>>) src(%dma_wait3A_2571 : memref<5x40xi32, #tpu.memory_space<hbm>>) dst(%dma_wait3A_2567 : memref<5x40xi32, #tpu.memory_space<vmem>>)
      %dma_wait3A_2572 = arith.constant 4 : i32
      %dma_wait3A_2573 = arith.constant 0 : i32
      %dma_wait3A_2574 = arith.constant 0 : i32
      %dma_wait3A_2575 = tpu.memref_slice %arg7[%dma_wait3A_2572, %dma_wait3A_2573, %dma_wait3A_2574] : memref<5x40x128xf32, #tpu.memory_space<vmem>> -> memref<1x40x128xf32, #tpu.memory_space<vmem>>
      %dma_wait3A_2576 = tpu.memref_squeeze %dma_wait3A_2575 : memref<1x40x128xf32, #tpu.memory_space<vmem>> -> memref<40x128xf32, #tpu.memory_space<vmem>>
      %dma_wait3A_2577 = arith.constant 0 : i32
      %dma_wait3A_2578 = arith.constant 0 : i32
      %dma_wait3A_2579 = tpu.memref_slice %arg2[%dma_wait3A_2577, %dma_wait3A_2578] : memref<10000x128xf32, #tpu.memory_space<hbm>> -> memref<40x128xf32, #tpu.memory_space<hbm>>
      %dma_wait3A_2580 = arith.constant 0 : i32
      %dma_wait3A_2581 = arith.constant 0 : i32
      %dma_wait3A_2582 = tpu.memref_slice %arg7[%dma_wait3A_2572, %dma_wait3A_2580, %dma_wait3A_2581] : memref<5x40x128xf32, #tpu.memory_space<vmem>> -> memref<1x40x128xf32, #tpu.memory_space<vmem>>
      %dma_wait3A_2583 = tpu.memref_squeeze %dma_wait3A_2582 : memref<1x40x128xf32, #tpu.memory_space<vmem>> -> memref<40x128xf32, #tpu.memory_space<vmem>>
      %dma_wait3A_2584 = arith.constant 0 : i32
      %dma_wait3A_2585 = arith.constant 0 : i32
      %dma_wait3A_2586 = tpu.memref_slice %arg2[%dma_wait3A_2584, %dma_wait3A_2585] : memref<10000x128xf32, #tpu.memory_space<hbm>> -> memref<40x128xf32, #tpu.memory_space<hbm>>
      tpu.wait_dma2 semaphore(%arg10 : memref<!tpu.dma_semaphore, #tpu.memory_space<semaphore_mem>>) src(%dma_wait3A_2586 : memref<40x128xf32, #tpu.memory_space<hbm>>) dst(%dma_wait3A_2583 : memref<40x128xf32, #tpu.memory_space<vmem>>)
      %dma_start3A_2587 = arith.constant 1 : i32
      %dma_start3A_2588 = arith.constant 4 : i32
      %dma_start3A_2589 = arith.constant 4 : i32
      %dma_start3A_2590 = arith.constant 4 : i32
      %dma_start3A_2591 = arith.constant 0 : i32
      %dma_start3A_2592 = arith.constant 0 : i32
      %dma_start3A_2593 = tpu.memref_slice %arg7[%dma_start3A_2589, %dma_start3A_2591, %dma_start3A_2592] : memref<5x40x128xf32, #tpu.memory_space<vmem>> -> memref<1x40x128xf32, #tpu.memory_space<vmem>>
      %dma_start3A_2594 = tpu.memref_squeeze %dma_start3A_2593 : memref<1x40x128xf32, #tpu.memory_space<vmem>> -> memref<40x128xf32, #tpu.memory_space<vmem>>
      %dma_start3A_2595 = arith.constant 0 : i32
      %dma_start3A_2596 = tpu.memref_slice %arg5[%dma_start3A_2587, %dma_start3A_2588, %dma_start3A_2595] : memref<3x5x40xi32, #tpu.memory_space<vmem>> -> memref<1x1x40xi32, #tpu.memory_space<vmem>>
      %dma_start3A_2597 = tpu.memref_squeeze %dma_start3A_2596 : memref<1x1x40xi32, #tpu.memory_space<vmem>> -> memref<40xi32, #tpu.memory_space<vmem>>
      %dma_start3A_2598 = arith.constant 0 : i32
      %dma_start3A_2599 = arith.constant 0 : i32
      %dma_start3A_2600 = tpu.memref_slice %arg2[%dma_start3A_2598, %dma_start3A_2599] : memref<10000x128xf32, #tpu.memory_space<hbm>> -> memref<10000x128xf32, #tpu.memory_space<hbm>>
      %dma_start3A_2601 = tpu.memref_slice %arg9[%dma_start3A_2590] : memref<5x!tpu.dma_semaphore, #tpu.memory_space<semaphore_mem>> -> memref<1x!tpu.dma_semaphore, #tpu.memory_space<semaphore_mem>>
      %dma_start3A_2602 = tpu.memref_squeeze %dma_start3A_2601 : memref<1x!tpu.dma_semaphore, #tpu.memory_space<semaphore_mem>> -> memref<!tpu.dma_semaphore, #tpu.memory_space<semaphore_mem>>
      tpu.enqueue_indirect_dma source(%dma_start3A_2600 : memref<10000x128xf32, #tpu.memory_space<hbm>>) target(%dma_start3A_2594 : memref<40x128xf32, #tpu.memory_space<vmem>>) offsets(%dma_start3A_2597 : memref<40xi32, #tpu.memory_space<vmem>>) semaphore(%dma_start3A_2602 : memref<!tpu.dma_semaphore, #tpu.memory_space<semaphore_mem>>)
      %dma_wait3A_2603 = arith.constant 0 : i32
      %dma_wait3A_2604 = arith.constant 0 : i32
      %dma_wait3A_2605 = arith.constant 0 : i32
      %dma_wait3A_2606 = arith.constant 0 : i32
      %dma_wait3A_2607 = tpu.memref_slice %arg7[%dma_wait3A_2603, %dma_wait3A_2605, %dma_wait3A_2606] : memref<5x40x128xf32, #tpu.memory_space<vmem>> -> memref<1x40x128xf32, #tpu.memory_space<vmem>>
      %dma_wait3A_2608 = tpu.memref_squeeze %dma_wait3A_2607 : memref<1x40x128xf32, #tpu.memory_space<vmem>> -> memref<40x128xf32, #tpu.memory_space<vmem>>
      %dma_wait3A_2609 = arith.constant 0 : i32
      %dma_wait3A_2610 = arith.constant 0 : i32
      %dma_wait3A_2611 = tpu.memref_slice %arg2[%dma_wait3A_2609, %dma_wait3A_2610] : memref<10000x128xf32, #tpu.memory_space<hbm>> -> memref<40x128xf32, #tpu.memory_space<hbm>>
      %dma_wait3A_2612 = tpu.memref_slice %arg9[%dma_wait3A_2604] : memref<5x!tpu.dma_semaphore, #tpu.memory_space<semaphore_mem>> -> memref<1x!tpu.dma_semaphore, #tpu.memory_space<semaphore_mem>>
      %dma_wait3A_2613 = tpu.memref_squeeze %dma_wait3A_2612 : memref<1x!tpu.dma_semaphore, #tpu.memory_space<semaphore_mem>> -> memref<!tpu.dma_semaphore, #tpu.memory_space<semaphore_mem>>
      %dma_wait3A_2614 = arith.constant 0 : i32
      %dma_wait3A_2615 = arith.constant 0 : i32
      %dma_wait3A_2616 = tpu.memref_slice %arg7[%dma_wait3A_2603, %dma_wait3A_2614, %dma_wait3A_2615] : memref<5x40x128xf32, #tpu.memory_space<vmem>> -> memref<1x40x128xf32, #tpu.memory_space<vmem>>
      %dma_wait3A_2617 = tpu.memref_squeeze %dma_wait3A_2616 : memref<1x40x128xf32, #tpu.memory_space<vmem>> -> memref<40x128xf32, #tpu.memory_space<vmem>>
      %dma_wait3A_2618 = arith.constant 0 : i32
      %dma_wait3A_2619 = arith.constant 0 : i32
      %dma_wait3A_2620 = tpu.memref_slice %arg2[%dma_wait3A_2618, %dma_wait3A_2619] : memref<10000x128xf32, #tpu.memory_space<hbm>> -> memref<40x128xf32, #tpu.memory_space<hbm>>
      tpu.wait_dma2 semaphore(%dma_wait3A_2613 : memref<!tpu.dma_semaphore, #tpu.memory_space<semaphore_mem>>) src(%dma_wait3A_2620 : memref<40x128xf32, #tpu.memory_space<hbm>>) dst(%dma_wait3A_2617 : memref<40x128xf32, #tpu.memory_space<vmem>>)
      %dma_start3A_2621 = arith.constant 0 : i32
      %dma_start3A_2622 = arith.constant 1 : i32
      %dma_start3A_2623 = arith.constant 0 : i32
      %dma_start3A_2624 = arith.constant 0 : i32
      %dma_start3A_2625 = arith.constant 0 : i32
      %dma_start3A_2626 = tpu.memref_slice %arg7[%dma_start3A_2621, %dma_start3A_2624, %dma_start3A_2625] : memref<5x40x128xf32, #tpu.memory_space<vmem>> -> memref<1x40x128xf32, #tpu.memory_space<vmem>>
      %dma_start3A_2627 = tpu.memref_squeeze %dma_start3A_2626 : memref<1x40x128xf32, #tpu.memory_space<vmem>> -> memref<40x128xf32, #tpu.memory_space<vmem>>
      %dma_start3A_2628 = arith.constant 0 : i32
      %dma_start3A_2629 = tpu.memref_slice %arg6[%dma_start3A_2622, %dma_start3A_2623, %dma_start3A_2628] : memref<3x5x40xi32, #tpu.memory_space<vmem>> -> memref<1x1x40xi32, #tpu.memory_space<vmem>>
      %dma_start3A_2630 = tpu.memref_squeeze %dma_start3A_2629 : memref<1x1x40xi32, #tpu.memory_space<vmem>> -> memref<40xi32, #tpu.memory_space<vmem>>
      %dma_start3A_2631 = arith.constant 0 : i32
      %dma_start3A_2632 = arith.constant 0 : i32
      %dma_start3A_2633 = tpu.memref_slice %arg8[%dma_start3A_2631, %dma_start3A_2632] : memref<10240x128xf32, #tpu.memory_space<vmem_shared>> -> memref<10240x128xf32, #tpu.memory_space<vmem_shared>>
      tpu.enqueue_indirect_dma source(%dma_start3A_2627 : memref<40x128xf32, #tpu.memory_space<vmem>>) target(%dma_start3A_2633 : memref<10240x128xf32, #tpu.memory_space<vmem_shared>>) offsets(%dma_start3A_2630 : memref<40xi32, #tpu.memory_space<vmem>>) semaphore(%arg10 : memref<!tpu.dma_semaphore, #tpu.memory_space<semaphore_mem>>) {add = true}
      %add3A_2634 = arith.constant 2 : i32
      %add3A_2635 = arith.addi %add3A_2531, %add3A_2634 : i32
      %dma_start3A_2636 = arith.constant 0 : i32
      %dma_start3A_2637 = arith.constant 0 : i32
      %dma_start3A_2638 = arith.constant 0 : i32
      %dma_start3A_2639 = arith.constant 0 : i32
      %dma_start3A_2640 = tpu.memref_slice %arg5[%dma_start3A_2637, %dma_start3A_2638, %dma_start3A_2639] : memref<3x5x40xi32, #tpu.memory_space<vmem>> -> memref<1x5x40xi32, #tpu.memory_space<vmem>>
      %dma_start3A_2641 = tpu.memref_squeeze %dma_start3A_2640 : memref<1x5x40xi32, #tpu.memory_space<vmem>> -> memref<5x40xi32, #tpu.memory_space<vmem>>
      %dma_start3A_2642 = arith.constant 0 : i32
      %dma_start3A_2643 = arith.constant 0 : i32
      %dma_start3A_2644 = tpu.memref_slice %arg3[%dma_start3A_2636, %add3A, %add3A_2635, %dma_start3A_2642, %dma_start3A_2643] : memref<2x32x50x5x40xi32, #tpu.memory_space<hbm>> -> memref<1x1x1x5x40xi32, #tpu.memory_space<hbm>>
      %dma_start3A_2645 = tpu.memref_squeeze %dma_start3A_2644 : memref<1x1x1x5x40xi32, #tpu.memory_space<hbm>> -> memref<5x40xi32, #tpu.memory_space<hbm>>
      %dma_start3A_2646 = arith.constant 0 : i32
      %dma_start3A_2647 = arith.constant 0 : i32
      %dma_start3A_2648 = tpu.memref_slice %arg5[%dma_start3A_2637, %dma_start3A_2646, %dma_start3A_2647] : memref<3x5x40xi32, #tpu.memory_space<vmem>> -> memref<1x5x40xi32, #tpu.memory_space<vmem>>
      %dma_start3A_2649 = tpu.memref_squeeze %dma_start3A_2648 : memref<1x5x40xi32, #tpu.memory_space<vmem>> -> memref<5x40xi32, #tpu.memory_space<vmem>>
      %dma_start3A_2650 = arith.constant 0 : i32
      %dma_start3A_2651 = arith.constant 0 : i32
      %dma_start3A_2652 = tpu.memref_slice %arg3[%dma_start3A_2636, %add3A, %add3A_2635, %dma_start3A_2650, %dma_start3A_2651] : memref<2x32x50x5x40xi32, #tpu.memory_space<hbm>> -> memref<1x1x1x5x40xi32, #tpu.memory_space<hbm>>
      %dma_start3A_2653 = tpu.memref_squeeze %dma_start3A_2652 : memref<1x1x1x5x40xi32, #tpu.memory_space<hbm>> -> memref<5x40xi32, #tpu.memory_space<hbm>>
      tpu.enqueue_dma source(%dma_start3A_2653 : memref<5x40xi32, #tpu.memory_space<hbm>>) target(%dma_start3A_2649 : memref<5x40xi32, #tpu.memory_space<vmem>>) target_semaphore(%arg11 : memref<!tpu.dma_semaphore, #tpu.memory_space<semaphore_mem>>)
      %add3A_2654 = arith.constant 2 : i32
      %add3A_2655 = arith.addi %add3A_2531, %add3A_2654 : i32
      %dma_start3A_2656 = arith.constant 1 : i32
      %dma_start3A_2657 = arith.constant 0 : i32
      %dma_start3A_2658 = arith.constant 0 : i32
      %dma_start3A_2659 = arith.constant 0 : i32
      %dma_start3A_2660 = tpu.memref_slice %arg6[%dma_start3A_2657, %dma_start3A_2658, %dma_start3A_2659] : memref<3x5x40xi32, #tpu.memory_space<vmem>> -> memref<1x5x40xi32, #tpu.memory_space<vmem>>
      %dma_start3A_2661 = tpu.memref_squeeze %dma_start3A_2660 : memref<1x5x40xi32, #tpu.memory_space<vmem>> -> memref<5x40xi32, #tpu.memory_space<vmem>>
      %dma_start3A_2662 = arith.constant 0 : i32
      %dma_start3A_2663 = arith.constant 0 : i32
      %dma_start3A_2664 = tpu.memref_slice %arg3[%dma_start3A_2656, %add3A, %add3A_2655, %dma_start3A_2662, %dma_start3A_2663] : memref<2x32x50x5x40xi32, #tpu.memory_space<hbm>> -> memref<1x1x1x5x40xi32, #tpu.memory_space<hbm>>
      %dma_start3A_2665 = tpu.memref_squeeze %dma_start3A_2664 : memref<1x1x1x5x40xi32, #tpu.memory_space<hbm>> -> memref<5x40xi32, #tpu.memory_space<hbm>>
      %dma_start3A_2666 = arith.constant 0 : i32
      %dma_start3A_2667 = arith.constant 0 : i32
      %dma_start3A_2668 = tpu.memref_slice %arg6[%dma_start3A_2657, %dma_start3A_2666, %dma_start3A_2667] : memref<3x5x40xi32, #tpu.memory_space<vmem>> -> memref<1x5x40xi32, #tpu.memory_space<vmem>>
      %dma_start3A_2669 = tpu.memref_squeeze %dma_start3A_2668 : memref<1x5x40xi32, #tpu.memory_space<vmem>> -> memref<5x40xi32, #tpu.memory_space<vmem>>
      %dma_start3A_2670 = arith.constant 0 : i32
      %dma_start3A_2671 = arith.constant 0 : i32
      %dma_start3A_2672 = tpu.memref_slice %arg3[%dma_start3A_2656, %add3A, %add3A_2655, %dma_start3A_2670, %dma_start3A_2671] : memref<2x32x50x5x40xi32, #tpu.memory_space<hbm>> -> memref<1x1x1x5x40xi32, #tpu.memory_space<hbm>>
      %dma_start3A_2673 = tpu.memref_squeeze %dma_start3A_2672 : memref<1x1x1x5x40xi32, #tpu.memory_space<hbm>> -> memref<5x40xi32, #tpu.memory_space<hbm>>
      tpu.enqueue_dma source(%dma_start3A_2673 : memref<5x40xi32, #tpu.memory_space<hbm>>) target(%dma_start3A_2669 : memref<5x40xi32, #tpu.memory_space<vmem>>) target_semaphore(%arg11 : memref<!tpu.dma_semaphore, #tpu.memory_space<semaphore_mem>>)
      %dma_wait3A_2674 = arith.constant 0 : i32
      %dma_wait3A_2675 = arith.constant 0 : i32
      %dma_wait3A_2676 = arith.constant 0 : i32
      %dma_wait3A_2677 = tpu.memref_slice %arg7[%dma_wait3A_2674, %dma_wait3A_2675, %dma_wait3A_2676] : memref<5x40x128xf32, #tpu.memory_space<vmem>> -> memref<1x40x128xf32, #tpu.memory_space<vmem>>
      %dma_wait3A_2678 = tpu.memref_squeeze %dma_wait3A_2677 : memref<1x40x128xf32, #tpu.memory_space<vmem>> -> memref<40x128xf32, #tpu.memory_space<vmem>>
      %dma_wait3A_2679 = arith.constant 0 : i32
      %dma_wait3A_2680 = arith.constant 0 : i32
      %dma_wait3A_2681 = tpu.memref_slice %arg2[%dma_wait3A_2679, %dma_wait3A_2680] : memref<10000x128xf32, #tpu.memory_space<hbm>> -> memref<40x128xf32, #tpu.memory_space<hbm>>
      %dma_wait3A_2682 = arith.constant 0 : i32
      %dma_wait3A_2683 = arith.constant 0 : i32
      %dma_wait3A_2684 = tpu.memref_slice %arg7[%dma_wait3A_2674, %dma_wait3A_2682, %dma_wait3A_2683] : memref<5x40x128xf32, #tpu.memory_space<vmem>> -> memref<1x40x128xf32, #tpu.memory_space<vmem>>
      %dma_wait3A_2685 = tpu.memref_squeeze %dma_wait3A_2684 : memref<1x40x128xf32, #tpu.memory_space<vmem>> -> memref<40x128xf32, #tpu.memory_space<vmem>>
      %dma_wait3A_2686 = arith.constant 0 : i32
      %dma_wait3A_2687 = arith.constant 0 : i32
      %dma_wait3A_2688 = tpu.memref_slice %arg2[%dma_wait3A_2686, %dma_wait3A_2687] : memref<10000x128xf32, #tpu.memory_space<hbm>> -> memref<40x128xf32, #tpu.memory_space<hbm>>
      tpu.wait_dma2 semaphore(%arg10 : memref<!tpu.dma_semaphore, #tpu.memory_space<semaphore_mem>>) src(%dma_wait3A_2688 : memref<40x128xf32, #tpu.memory_space<hbm>>) dst(%dma_wait3A_2685 : memref<40x128xf32, #tpu.memory_space<vmem>>)
      %dma_start3A_2689 = arith.constant 2 : i32
      %dma_start3A_2690 = arith.constant 0 : i32
      %dma_start3A_2691 = arith.constant 0 : i32
      %dma_start3A_2692 = arith.constant 0 : i32
      %dma_start3A_2693 = arith.constant 0 : i32
      %dma_start3A_2694 = arith.constant 0 : i32
      %dma_start3A_2695 = tpu.memref_slice %arg7[%dma_start3A_2691, %dma_start3A_2693, %dma_start3A_2694] : memref<5x40x128xf32, #tpu.memory_space<vmem>> -> memref<1x40x128xf32, #tpu.memory_space<vmem>>
      %dma_start3A_2696 = tpu.memref_squeeze %dma_start3A_2695 : memref<1x40x128xf32, #tpu.memory_space<vmem>> -> memref<40x128xf32, #tpu.memory_space<vmem>>
      %dma_start3A_2697 = arith.constant 0 : i32
      %dma_start3A_2698 = tpu.memref_slice %arg5[%dma_start3A_2689, %dma_start3A_2690, %dma_start3A_2697] : memref<3x5x40xi32, #tpu.memory_space<vmem>> -> memref<1x1x40xi32, #tpu.memory_space<vmem>>
      %dma_start3A_2699 = tpu.memref_squeeze %dma_start3A_2698 : memref<1x1x40xi32, #tpu.memory_space<vmem>> -> memref<40xi32, #tpu.memory_space<vmem>>
      %dma_start3A_2700 = arith.constant 0 : i32
      %dma_start3A_2701 = arith.constant 0 : i32
      %dma_start3A_2702 = tpu.memref_slice %arg2[%dma_start3A_2700, %dma_start3A_2701] : memref<10000x128xf32, #tpu.memory_space<hbm>> -> memref<10000x128xf32, #tpu.memory_space<hbm>>
      %dma_start3A_2703 = tpu.memref_slice %arg9[%dma_start3A_2692] : memref<5x!tpu.dma_semaphore, #tpu.memory_space<semaphore_mem>> -> memref<1x!tpu.dma_semaphore, #tpu.memory_space<semaphore_mem>>
      %dma_start3A_2704 = tpu.memref_squeeze %dma_start3A_2703 : memref<1x!tpu.dma_semaphore, #tpu.memory_space<semaphore_mem>> -> memref<!tpu.dma_semaphore, #tpu.memory_space<semaphore_mem>>
      tpu.enqueue_indirect_dma source(%dma_start3A_2702 : memref<10000x128xf32, #tpu.memory_space<hbm>>) target(%dma_start3A_2696 : memref<40x128xf32, #tpu.memory_space<vmem>>) offsets(%dma_start3A_2699 : memref<40xi32, #tpu.memory_space<vmem>>) semaphore(%dma_start3A_2704 : memref<!tpu.dma_semaphore, #tpu.memory_space<semaphore_mem>>)
      %dma_wait3A_2705 = arith.constant 1 : i32
      %dma_wait3A_2706 = arith.constant 1 : i32
      %dma_wait3A_2707 = arith.constant 0 : i32
      %dma_wait3A_2708 = arith.constant 0 : i32
      %dma_wait3A_2709 = tpu.memref_slice %arg7[%dma_wait3A_2705, %dma_wait3A_2707, %dma_wait3A_2708] : memref<5x40x128xf32, #tpu.memory_space<vmem>> -> memref<1x40x128xf32, #tpu.memory_space<vmem>>
      %dma_wait3A_2710 = tpu.memref_squeeze %dma_wait3A_2709 : memref<1x40x128xf32, #tpu.memory_space<vmem>> -> memref<40x128xf32, #tpu.memory_space<vmem>>
      %dma_wait3A_2711 = arith.constant 0 : i32
      %dma_wait3A_2712 = arith.constant 0 : i32
      %dma_wait3A_2713 = tpu.memref_slice %arg2[%dma_wait3A_2711, %dma_wait3A_2712] : memref<10000x128xf32, #tpu.memory_space<hbm>> -> memref<40x128xf32, #tpu.memory_space<hbm>>
      %dma_wait3A_2714 = tpu.memref_slice %arg9[%dma_wait3A_2706] : memref<5x!tpu.dma_semaphore, #tpu.memory_space<semaphore_mem>> -> memref<1x!tpu.dma_semaphore, #tpu.memory_space<semaphore_mem>>
      %dma_wait3A_2715 = tpu.memref_squeeze %dma_wait3A_2714 : memref<1x!tpu.dma_semaphore, #tpu.memory_space<semaphore_mem>> -> memref<!tpu.dma_semaphore, #tpu.memory_space<semaphore_mem>>
      %dma_wait3A_2716 = arith.constant 0 : i32
      %dma_wait3A_2717 = arith.constant 0 : i32
      %dma_wait3A_2718 = tpu.memref_slice %arg7[%dma_wait3A_2705, %dma_wait3A_2716, %dma_wait3A_2717] : memref<5x40x128xf32, #tpu.memory_space<vmem>> -> memref<1x40x128xf32, #tpu.memory_space<vmem>>
      %dma_wait3A_2719 = tpu.memref_squeeze %dma_wait3A_2718 : memref<1x40x128xf32, #tpu.memory_space<vmem>> -> memref<40x128xf32, #tpu.memory_space<vmem>>
      %dma_wait3A_2720 = arith.constant 0 : i32
      %dma_wait3A_2721 = arith.constant 0 : i32
      %dma_wait3A_2722 = tpu.memref_slice %arg2[%dma_wait3A_2720, %dma_wait3A_2721] : memref<10000x128xf32, #tpu.memory_space<hbm>> -> memref<40x128xf32, #tpu.memory_space<hbm>>
      tpu.wait_dma2 semaphore(%dma_wait3A_2715 : memref<!tpu.dma_semaphore, #tpu.memory_space<semaphore_mem>>) src(%dma_wait3A_2722 : memref<40x128xf32, #tpu.memory_space<hbm>>) dst(%dma_wait3A_2719 : memref<40x128xf32, #tpu.memory_space<vmem>>)
      %dma_start3A_2723 = arith.constant 1 : i32
      %dma_start3A_2724 = arith.constant 1 : i32
      %dma_start3A_2725 = arith.constant 1 : i32
      %dma_start3A_2726 = arith.constant 0 : i32
      %dma_start3A_2727 = arith.constant 0 : i32
      %dma_start3A_2728 = tpu.memref_slice %arg7[%dma_start3A_2723, %dma_start3A_2726, %dma_start3A_2727] : memref<5x40x128xf32, #tpu.memory_space<vmem>> -> memref<1x40x128xf32, #tpu.memory_space<vmem>>
      %dma_start3A_2729 = tpu.memref_squeeze %dma_start3A_2728 : memref<1x40x128xf32, #tpu.memory_space<vmem>> -> memref<40x128xf32, #tpu.memory_space<vmem>>
      %dma_start3A_2730 = arith.constant 0 : i32
      %dma_start3A_2731 = tpu.memref_slice %arg6[%dma_start3A_2724, %dma_start3A_2725, %dma_start3A_2730] : memref<3x5x40xi32, #tpu.memory_space<vmem>> -> memref<1x1x40xi32, #tpu.memory_space<vmem>>
      %dma_start3A_2732 = tpu.memref_squeeze %dma_start3A_2731 : memref<1x1x40xi32, #tpu.memory_space<vmem>> -> memref<40xi32, #tpu.memory_space<vmem>>
      %dma_start3A_2733 = arith.constant 0 : i32
      %dma_start3A_2734 = arith.constant 0 : i32
      %dma_start3A_2735 = tpu.memref_slice %arg8[%dma_start3A_2733, %dma_start3A_2734] : memref<10240x128xf32, #tpu.memory_space<vmem_shared>> -> memref<10240x128xf32, #tpu.memory_space<vmem_shared>>
      tpu.enqueue_indirect_dma source(%dma_start3A_2729 : memref<40x128xf32, #tpu.memory_space<vmem>>) target(%dma_start3A_2735 : memref<10240x128xf32, #tpu.memory_space<vmem_shared>>) offsets(%dma_start3A_2732 : memref<40xi32, #tpu.memory_space<vmem>>) semaphore(%arg10 : memref<!tpu.dma_semaphore, #tpu.memory_space<semaphore_mem>>) {add = true}
      %dma_wait3A_2736 = arith.constant 1 : i32
      %dma_wait3A_2737 = arith.constant 0 : i32
      %dma_wait3A_2738 = arith.constant 0 : i32
      %dma_wait3A_2739 = tpu.memref_slice %arg7[%dma_wait3A_2736, %dma_wait3A_2737, %dma_wait3A_2738] : memref<5x40x128xf32, #tpu.memory_space<vmem>> -> memref<1x40x128xf32, #tpu.memory_space<vmem>>
      %dma_wait3A_2740 = tpu.memref_squeeze %dma_wait3A_2739 : memref<1x40x128xf32, #tpu.memory_space<vmem>> -> memref<40x128xf32, #tpu.memory_space<vmem>>
      %dma_wait3A_2741 = arith.constant 0 : i32
      %dma_wait3A_2742 = arith.constant 0 : i32
      %dma_wait3A_2743 = tpu.memref_slice %arg2[%dma_wait3A_2741, %dma_wait3A_2742] : memref<10000x128xf32, #tpu.memory_space<hbm>> -> memref<40x128xf32, #tpu.memory_space<hbm>>
      %dma_wait3A_2744 = arith.constant 0 : i32
      %dma_wait3A_2745 = arith.constant 0 : i32
      %dma_wait3A_2746 = tpu.memref_slice %arg7[%dma_wait3A_2736, %dma_wait3A_2744, %dma_wait3A_2745] : memref<5x40x128xf32, #tpu.memory_space<vmem>> -> memref<1x40x128xf32, #tpu.memory_space<vmem>>
      %dma_wait3A_2747 = tpu.memref_squeeze %dma_wait3A_2746 : memref<1x40x128xf32, #tpu.memory_space<vmem>> -> memref<40x128xf32, #tpu.memory_space<vmem>>
      %dma_wait3A_2748 = arith.constant 0 : i32
      %dma_wait3A_2749 = arith.constant 0 : i32
      %dma_wait3A_2750 = tpu.memref_slice %arg2[%dma_wait3A_2748, %dma_wait3A_2749] : memref<10000x128xf32, #tpu.memory_space<hbm>> -> memref<40x128xf32, #tpu.memory_space<hbm>>
      tpu.wait_dma2 semaphore(%arg10 : memref<!tpu.dma_semaphore, #tpu.memory_space<semaphore_mem>>) src(%dma_wait3A_2750 : memref<40x128xf32, #tpu.memory_space<hbm>>) dst(%dma_wait3A_2747 : memref<40x128xf32, #tpu.memory_space<vmem>>)
      %dma_start3A_2751 = arith.constant 2 : i32
      %dma_start3A_2752 = arith.constant 1 : i32
      %dma_start3A_2753 = arith.constant 1 : i32
      %dma_start3A_2754 = arith.constant 1 : i32
      %dma_start3A_2755 = arith.constant 0 : i32
      %dma_start3A_2756 = arith.constant 0 : i32
      %dma_start3A_2757 = tpu.memref_slice %arg7[%dma_start3A_2753, %dma_start3A_2755, %dma_start3A_2756] : memref<5x40x128xf32, #tpu.memory_space<vmem>> -> memref<1x40x128xf32, #tpu.memory_space<vmem>>
      %dma_start3A_2758 = tpu.memref_squeeze %dma_start3A_2757 : memref<1x40x128xf32, #tpu.memory_space<vmem>> -> memref<40x128xf32, #tpu.memory_space<vmem>>
      %dma_start3A_2759 = arith.constant 0 : i32
      %dma_start3A_2760 = tpu.memref_slice %arg5[%dma_start3A_2751, %dma_start3A_2752, %dma_start3A_2759] : memref<3x5x40xi32, #tpu.memory_space<vmem>> -> memref<1x1x40xi32, #tpu.memory_space<vmem>>
      %dma_start3A_2761 = tpu.memref_squeeze %dma_start3A_2760 : memref<1x1x40xi32, #tpu.memory_space<vmem>> -> memref<40xi32, #tpu.memory_space<vmem>>
      %dma_start3A_2762 = arith.constant 0 : i32
      %dma_start3A_2763 = arith.constant 0 : i32
      %dma_start3A_2764 = tpu.memref_slice %arg2[%dma_start3A_2762, %dma_start3A_2763] : memref<10000x128xf32, #tpu.memory_space<hbm>> -> memref<10000x128xf32, #tpu.memory_space<hbm>>
      %dma_start3A_2765 = tpu.memref_slice %arg9[%dma_start3A_2754] : memref<5x!tpu.dma_semaphore, #tpu.memory_space<semaphore_mem>> -> memref<1x!tpu.dma_semaphore, #tpu.memory_space<semaphore_mem>>
      %dma_start3A_2766 = tpu.memref_squeeze %dma_start3A_2765 : memref<1x!tpu.dma_semaphore, #tpu.memory_space<semaphore_mem>> -> memref<!tpu.dma_semaphore, #tpu.memory_space<semaphore_mem>>
      tpu.enqueue_indirect_dma source(%dma_start3A_2764 : memref<10000x128xf32, #tpu.memory_space<hbm>>) target(%dma_start3A_2758 : memref<40x128xf32, #tpu.memory_space<vmem>>) offsets(%dma_start3A_2761 : memref<40xi32, #tpu.memory_space<vmem>>) semaphore(%dma_start3A_2766 : memref<!tpu.dma_semaphore, #tpu.memory_space<semaphore_mem>>)
      %dma_wait3A_2767 = arith.constant 2 : i32
      %dma_wait3A_2768 = arith.constant 2 : i32
      %dma_wait3A_2769 = arith.constant 0 : i32
      %dma_wait3A_2770 = arith.constant 0 : i32
      %dma_wait3A_2771 = tpu.memref_slice %arg7[%dma_wait3A_2767, %dma_wait3A_2769, %dma_wait3A_2770] : memref<5x40x128xf32, #tpu.memory_space<vmem>> -> memref<1x40x128xf32, #tpu.memory_space<vmem>>
      %dma_wait3A_2772 = tpu.memref_squeeze %dma_wait3A_2771 : memref<1x40x128xf32, #tpu.memory_space<vmem>> -> memref<40x128xf32, #tpu.memory_space<vmem>>
      %dma_wait3A_2773 = arith.constant 0 : i32
      %dma_wait3A_2774 = arith.constant 0 : i32
      %dma_wait3A_2775 = tpu.memref_slice %arg2[%dma_wait3A_2773, %dma_wait3A_2774] : memref<10000x128xf32, #tpu.memory_space<hbm>> -> memref<40x128xf32, #tpu.memory_space<hbm>>
      %dma_wait3A_2776 = tpu.memref_slice %arg9[%dma_wait3A_2768] : memref<5x!tpu.dma_semaphore, #tpu.memory_space<semaphore_mem>> -> memref<1x!tpu.dma_semaphore, #tpu.memory_space<semaphore_mem>>
      %dma_wait3A_2777 = tpu.memref_squeeze %dma_wait3A_2776 : memref<1x!tpu.dma_semaphore, #tpu.memory_space<semaphore_mem>> -> memref<!tpu.dma_semaphore, #tpu.memory_space<semaphore_mem>>
      %dma_wait3A_2778 = arith.constant 0 : i32
      %dma_wait3A_2779 = arith.constant 0 : i32
      %dma_wait3A_2780 = tpu.memref_slice %arg7[%dma_wait3A_2767, %dma_wait3A_2778, %dma_wait3A_2779] : memref<5x40x128xf32, #tpu.memory_space<vmem>> -> memref<1x40x128xf32, #tpu.memory_space<vmem>>
      %dma_wait3A_2781 = tpu.memref_squeeze %dma_wait3A_2780 : memref<1x40x128xf32, #tpu.memory_space<vmem>> -> memref<40x128xf32, #tpu.memory_space<vmem>>
      %dma_wait3A_2782 = arith.constant 0 : i32
      %dma_wait3A_2783 = arith.constant 0 : i32
      %dma_wait3A_2784 = tpu.memref_slice %arg2[%dma_wait3A_2782, %dma_wait3A_2783] : memref<10000x128xf32, #tpu.memory_space<hbm>> -> memref<40x128xf32, #tpu.memory_space<hbm>>
      tpu.wait_dma2 semaphore(%dma_wait3A_2777 : memref<!tpu.dma_semaphore, #tpu.memory_space<semaphore_mem>>) src(%dma_wait3A_2784 : memref<40x128xf32, #tpu.memory_space<hbm>>) dst(%dma_wait3A_2781 : memref<40x128xf32, #tpu.memory_space<vmem>>)
      %dma_start3A_2785 = arith.constant 2 : i32
      %dma_start3A_2786 = arith.constant 1 : i32
      %dma_start3A_2787 = arith.constant 2 : i32
      %dma_start3A_2788 = arith.constant 0 : i32
      %dma_start3A_2789 = arith.constant 0 : i32
      %dma_start3A_2790 = tpu.memref_slice %arg7[%dma_start3A_2785, %dma_start3A_2788, %dma_start3A_2789] : memref<5x40x128xf32, #tpu.memory_space<vmem>> -> memref<1x40x128xf32, #tpu.memory_space<vmem>>
      %dma_start3A_2791 = tpu.memref_squeeze %dma_start3A_2790 : memref<1x40x128xf32, #tpu.memory_space<vmem>> -> memref<40x128xf32, #tpu.memory_space<vmem>>
      %dma_start3A_2792 = arith.constant 0 : i32
      %dma_start3A_2793 = tpu.memref_slice %arg6[%dma_start3A_2786, %dma_start3A_2787, %dma_start3A_2792] : memref<3x5x40xi32, #tpu.memory_space<vmem>> -> memref<1x1x40xi32, #tpu.memory_space<vmem>>
      %dma_start3A_2794 = tpu.memref_squeeze %dma_start3A_2793 : memref<1x1x40xi32, #tpu.memory_space<vmem>> -> memref<40xi32, #tpu.memory_space<vmem>>
      %dma_start3A_2795 = arith.constant 0 : i32
      %dma_start3A_2796 = arith.constant 0 : i32
      %dma_start3A_2797 = tpu.memref_slice %arg8[%dma_start3A_2795, %dma_start3A_2796] : memref<10240x128xf32, #tpu.memory_space<vmem_shared>> -> memref<10240x128xf32, #tpu.memory_space<vmem_shared>>
      tpu.enqueue_indirect_dma source(%dma_start3A_2791 : memref<40x128xf32, #tpu.memory_space<vmem>>) target(%dma_start3A_2797 : memref<10240x128xf32, #tpu.memory_space<vmem_shared>>) offsets(%dma_start3A_2794 : memref<40xi32, #tpu.memory_space<vmem>>) semaphore(%arg10 : memref<!tpu.dma_semaphore, #tpu.memory_space<semaphore_mem>>) {add = true}
      %dma_wait3A_2798 = arith.constant 2 : i32
      %dma_wait3A_2799 = arith.constant 0 : i32
      %dma_wait3A_2800 = arith.constant 0 : i32
      %dma_wait3A_2801 = tpu.memref_slice %arg7[%dma_wait3A_2798, %dma_wait3A_2799, %dma_wait3A_2800] : memref<5x40x128xf32, #tpu.memory_space<vmem>> -> memref<1x40x128xf32, #tpu.memory_space<vmem>>
      %dma_wait3A_2802 = tpu.memref_squeeze %dma_wait3A_2801 : memref<1x40x128xf32, #tpu.memory_space<vmem>> -> memref<40x128xf32, #tpu.memory_space<vmem>>
      %dma_wait3A_2803 = arith.constant 0 : i32
      %dma_wait3A_2804 = arith.constant 0 : i32
      %dma_wait3A_2805 = tpu.memref_slice %arg2[%dma_wait3A_2803, %dma_wait3A_2804] : memref<10000x128xf32, #tpu.memory_space<hbm>> -> memref<40x128xf32, #tpu.memory_space<hbm>>
      %dma_wait3A_2806 = arith.constant 0 : i32
      %dma_wait3A_2807 = arith.constant 0 : i32
      %dma_wait3A_2808 = tpu.memref_slice %arg7[%dma_wait3A_2798, %dma_wait3A_2806, %dma_wait3A_2807] : memref<5x40x128xf32, #tpu.memory_space<vmem>> -> memref<1x40x128xf32, #tpu.memory_space<vmem>>
      %dma_wait3A_2809 = tpu.memref_squeeze %dma_wait3A_2808 : memref<1x40x128xf32, #tpu.memory_space<vmem>> -> memref<40x128xf32, #tpu.memory_space<vmem>>
      %dma_wait3A_2810 = arith.constant 0 : i32
      %dma_wait3A_2811 = arith.constant 0 : i32
      %dma_wait3A_2812 = tpu.memref_slice %arg2[%dma_wait3A_2810, %dma_wait3A_2811] : memref<10000x128xf32, #tpu.memory_space<hbm>> -> memref<40x128xf32, #tpu.memory_space<hbm>>
      tpu.wait_dma2 semaphore(%arg10 : memref<!tpu.dma_semaphore, #tpu.memory_space<semaphore_mem>>) src(%dma_wait3A_2812 : memref<40x128xf32, #tpu.memory_space<hbm>>) dst(%dma_wait3A_2809 : memref<40x128xf32, #tpu.memory_space<vmem>>)
      %dma_start3A_2813 = arith.constant 2 : i32
      %dma_start3A_2814 = arith.constant 2 : i32
      %dma_start3A_2815 = arith.constant 2 : i32
      %dma_start3A_2816 = arith.constant 2 : i32
      %dma_start3A_2817 = arith.constant 0 : i32
      %dma_start3A_2818 = arith.constant 0 : i32
      %dma_start3A_2819 = tpu.memref_slice %arg7[%dma_start3A_2815, %dma_start3A_2817, %dma_start3A_2818] : memref<5x40x128xf32, #tpu.memory_space<vmem>> -> memref<1x40x128xf32, #tpu.memory_space<vmem>>
      %dma_start3A_2820 = tpu.memref_squeeze %dma_start3A_2819 : memref<1x40x128xf32, #tpu.memory_space<vmem>> -> memref<40x128xf32, #tpu.memory_space<vmem>>
      %dma_start3A_2821 = arith.constant 0 : i32
      %dma_start3A_2822 = tpu.memref_slice %arg5[%dma_start3A_2813, %dma_start3A_2814, %dma_start3A_2821] : memref<3x5x40xi32, #tpu.memory_space<vmem>> -> memref<1x1x40xi32, #tpu.memory_space<vmem>>
      %dma_start3A_2823 = tpu.memref_squeeze %dma_start3A_2822 : memref<1x1x40xi32, #tpu.memory_space<vmem>> -> memref<40xi32, #tpu.memory_space<vmem>>
      %dma_start3A_2824 = arith.constant 0 : i32
      %dma_start3A_2825 = arith.constant 0 : i32
      %dma_start3A_2826 = tpu.memref_slice %arg2[%dma_start3A_2824, %dma_start3A_2825] : memref<10000x128xf32, #tpu.memory_space<hbm>> -> memref<10000x128xf32, #tpu.memory_space<hbm>>
      %dma_start3A_2827 = tpu.memref_slice %arg9[%dma_start3A_2816] : memref<5x!tpu.dma_semaphore, #tpu.memory_space<semaphore_mem>> -> memref<1x!tpu.dma_semaphore, #tpu.memory_space<semaphore_mem>>
      %dma_start3A_2828 = tpu.memref_squeeze %dma_start3A_2827 : memref<1x!tpu.dma_semaphore, #tpu.memory_space<semaphore_mem>> -> memref<!tpu.dma_semaphore, #tpu.memory_space<semaphore_mem>>
      tpu.enqueue_indirect_dma source(%dma_start3A_2826 : memref<10000x128xf32, #tpu.memory_space<hbm>>) target(%dma_start3A_2820 : memref<40x128xf32, #tpu.memory_space<vmem>>) offsets(%dma_start3A_2823 : memref<40xi32, #tpu.memory_space<vmem>>) semaphore(%dma_start3A_2828 : memref<!tpu.dma_semaphore, #tpu.memory_space<semaphore_mem>>)
      %dma_wait3A_2829 = arith.constant 3 : i32
      %dma_wait3A_2830 = arith.constant 3 : i32
      %dma_wait3A_2831 = arith.constant 0 : i32
      %dma_wait3A_2832 = arith.constant 0 : i32
      %dma_wait3A_2833 = tpu.memref_slice %arg7[%dma_wait3A_2829, %dma_wait3A_2831, %dma_wait3A_2832] : memref<5x40x128xf32, #tpu.memory_space<vmem>> -> memref<1x40x128xf32, #tpu.memory_space<vmem>>
      %dma_wait3A_2834 = tpu.memref_squeeze %dma_wait3A_2833 : memref<1x40x128xf32, #tpu.memory_space<vmem>> -> memref<40x128xf32, #tpu.memory_space<vmem>>
      %dma_wait3A_2835 = arith.constant 0 : i32
      %dma_wait3A_2836 = arith.constant 0 : i32
      %dma_wait3A_2837 = tpu.memref_slice %arg2[%dma_wait3A_2835, %dma_wait3A_2836] : memref<10000x128xf32, #tpu.memory_space<hbm>> -> memref<40x128xf32, #tpu.memory_space<hbm>>
      %dma_wait3A_2838 = tpu.memref_slice %arg9[%dma_wait3A_2830] : memref<5x!tpu.dma_semaphore, #tpu.memory_space<semaphore_mem>> -> memref<1x!tpu.dma_semaphore, #tpu.memory_space<semaphore_mem>>
      %dma_wait3A_2839 = tpu.memref_squeeze %dma_wait3A_2838 : memref<1x!tpu.dma_semaphore, #tpu.memory_space<semaphore_mem>> -> memref<!tpu.dma_semaphore, #tpu.memory_space<semaphore_mem>>
      %dma_wait3A_2840 = arith.constant 0 : i32
      %dma_wait3A_2841 = arith.constant 0 : i32
      %dma_wait3A_2842 = tpu.memref_slice %arg7[%dma_wait3A_2829, %dma_wait3A_2840, %dma_wait3A_2841] : memref<5x40x128xf32, #tpu.memory_space<vmem>> -> memref<1x40x128xf32, #tpu.memory_space<vmem>>
      %dma_wait3A_2843 = tpu.memref_squeeze %dma_wait3A_2842 : memref<1x40x128xf32, #tpu.memory_space<vmem>> -> memref<40x128xf32, #tpu.memory_space<vmem>>
      %dma_wait3A_2844 = arith.constant 0 : i32
      %dma_wait3A_2845 = arith.constant 0 : i32
      %dma_wait3A_2846 = tpu.memref_slice %arg2[%dma_wait3A_2844, %dma_wait3A_2845] : memref<10000x128xf32, #tpu.memory_space<hbm>> -> memref<40x128xf32, #tpu.memory_space<hbm>>
      tpu.wait_dma2 semaphore(%dma_wait3A_2839 : memref<!tpu.dma_semaphore, #tpu.memory_space<semaphore_mem>>) src(%dma_wait3A_2846 : memref<40x128xf32, #tpu.memory_space<hbm>>) dst(%dma_wait3A_2843 : memref<40x128xf32, #tpu.memory_space<vmem>>)
      %dma_start3A_2847 = arith.constant 3 : i32
      %dma_start3A_2848 = arith.constant 1 : i32
      %dma_start3A_2849 = arith.constant 3 : i32
      %dma_start3A_2850 = arith.constant 0 : i32
      %dma_start3A_2851 = arith.constant 0 : i32
      %dma_start3A_2852 = tpu.memref_slice %arg7[%dma_start3A_2847, %dma_start3A_2850, %dma_start3A_2851] : memref<5x40x128xf32, #tpu.memory_space<vmem>> -> memref<1x40x128xf32, #tpu.memory_space<vmem>>
      %dma_start3A_2853 = tpu.memref_squeeze %dma_start3A_2852 : memref<1x40x128xf32, #tpu.memory_space<vmem>> -> memref<40x128xf32, #tpu.memory_space<vmem>>
      %dma_start3A_2854 = arith.constant 0 : i32
      %dma_start3A_2855 = tpu.memref_slice %arg6[%dma_start3A_2848, %dma_start3A_2849, %dma_start3A_2854] : memref<3x5x40xi32, #tpu.memory_space<vmem>> -> memref<1x1x40xi32, #tpu.memory_space<vmem>>
      %dma_start3A_2856 = tpu.memref_squeeze %dma_start3A_2855 : memref<1x1x40xi32, #tpu.memory_space<vmem>> -> memref<40xi32, #tpu.memory_space<vmem>>
      %dma_start3A_2857 = arith.constant 0 : i32
      %dma_start3A_2858 = arith.constant 0 : i32
      %dma_start3A_2859 = tpu.memref_slice %arg8[%dma_start3A_2857, %dma_start3A_2858] : memref<10240x128xf32, #tpu.memory_space<vmem_shared>> -> memref<10240x128xf32, #tpu.memory_space<vmem_shared>>
      tpu.enqueue_indirect_dma source(%dma_start3A_2853 : memref<40x128xf32, #tpu.memory_space<vmem>>) target(%dma_start3A_2859 : memref<10240x128xf32, #tpu.memory_space<vmem_shared>>) offsets(%dma_start3A_2856 : memref<40xi32, #tpu.memory_space<vmem>>) semaphore(%arg10 : memref<!tpu.dma_semaphore, #tpu.memory_space<semaphore_mem>>) {add = true}
      %dma_wait3A_2860 = arith.constant 3 : i32
      %dma_wait3A_2861 = arith.constant 0 : i32
      %dma_wait3A_2862 = arith.constant 0 : i32
      %dma_wait3A_2863 = tpu.memref_slice %arg7[%dma_wait3A_2860, %dma_wait3A_2861, %dma_wait3A_2862] : memref<5x40x128xf32, #tpu.memory_space<vmem>> -> memref<1x40x128xf32, #tpu.memory_space<vmem>>
      %dma_wait3A_2864 = tpu.memref_squeeze %dma_wait3A_2863 : memref<1x40x128xf32, #tpu.memory_space<vmem>> -> memref<40x128xf32, #tpu.memory_space<vmem>>
      %dma_wait3A_2865 = arith.constant 0 : i32
      %dma_wait3A_2866 = arith.constant 0 : i32
      %dma_wait3A_2867 = tpu.memref_slice %arg2[%dma_wait3A_2865, %dma_wait3A_2866] : memref<10000x128xf32, #tpu.memory_space<hbm>> -> memref<40x128xf32, #tpu.memory_space<hbm>>
      %dma_wait3A_2868 = arith.constant 0 : i32
      %dma_wait3A_2869 = arith.constant 0 : i32
      %dma_wait3A_2870 = tpu.memref_slice %arg7[%dma_wait3A_2860, %dma_wait3A_2868, %dma_wait3A_2869] : memref<5x40x128xf32, #tpu.memory_space<vmem>> -> memref<1x40x128xf32, #tpu.memory_space<vmem>>
      %dma_wait3A_2871 = tpu.memref_squeeze %dma_wait3A_2870 : memref<1x40x128xf32, #tpu.memory_space<vmem>> -> memref<40x128xf32, #tpu.memory_space<vmem>>
      %dma_wait3A_2872 = arith.constant 0 : i32
      %dma_wait3A_2873 = arith.constant 0 : i32
      %dma_wait3A_2874 = tpu.memref_slice %arg2[%dma_wait3A_2872, %dma_wait3A_2873] : memref<10000x128xf32, #tpu.memory_space<hbm>> -> memref<40x128xf32, #tpu.memory_space<hbm>>
      tpu.wait_dma2 semaphore(%arg10 : memref<!tpu.dma_semaphore, #tpu.memory_space<semaphore_mem>>) src(%dma_wait3A_2874 : memref<40x128xf32, #tpu.memory_space<hbm>>) dst(%dma_wait3A_2871 : memref<40x128xf32, #tpu.memory_space<vmem>>)
      %dma_start3A_2875 = arith.constant 2 : i32
      %dma_start3A_2876 = arith.constant 3 : i32
      %dma_start3A_2877 = arith.constant 3 : i32
      %dma_start3A_2878 = arith.constant 3 : i32
      %dma_start3A_2879 = arith.constant 0 : i32
      %dma_start3A_2880 = arith.constant 0 : i32
      %dma_start3A_2881 = tpu.memref_slice %arg7[%dma_start3A_2877, %dma_start3A_2879, %dma_start3A_2880] : memref<5x40x128xf32, #tpu.memory_space<vmem>> -> memref<1x40x128xf32, #tpu.memory_space<vmem>>
      %dma_start3A_2882 = tpu.memref_squeeze %dma_start3A_2881 : memref<1x40x128xf32, #tpu.memory_space<vmem>> -> memref<40x128xf32, #tpu.memory_space<vmem>>
      %dma_start3A_2883 = arith.constant 0 : i32
      %dma_start3A_2884 = tpu.memref_slice %arg5[%dma_start3A_2875, %dma_start3A_2876, %dma_start3A_2883] : memref<3x5x40xi32, #tpu.memory_space<vmem>> -> memref<1x1x40xi32, #tpu.memory_space<vmem>>
      %dma_start3A_2885 = tpu.memref_squeeze %dma_start3A_2884 : memref<1x1x40xi32, #tpu.memory_space<vmem>> -> memref<40xi32, #tpu.memory_space<vmem>>
      %dma_start3A_2886 = arith.constant 0 : i32
      %dma_start3A_2887 = arith.constant 0 : i32
      %dma_start3A_2888 = tpu.memref_slice %arg2[%dma_start3A_2886, %dma_start3A_2887] : memref<10000x128xf32, #tpu.memory_space<hbm>> -> memref<10000x128xf32, #tpu.memory_space<hbm>>
      %dma_start3A_2889 = tpu.memref_slice %arg9[%dma_start3A_2878] : memref<5x!tpu.dma_semaphore, #tpu.memory_space<semaphore_mem>> -> memref<1x!tpu.dma_semaphore, #tpu.memory_space<semaphore_mem>>
      %dma_start3A_2890 = tpu.memref_squeeze %dma_start3A_2889 : memref<1x!tpu.dma_semaphore, #tpu.memory_space<semaphore_mem>> -> memref<!tpu.dma_semaphore, #tpu.memory_space<semaphore_mem>>
      tpu.enqueue_indirect_dma source(%dma_start3A_2888 : memref<10000x128xf32, #tpu.memory_space<hbm>>) target(%dma_start3A_2882 : memref<40x128xf32, #tpu.memory_space<vmem>>) offsets(%dma_start3A_2885 : memref<40xi32, #tpu.memory_space<vmem>>) semaphore(%dma_start3A_2890 : memref<!tpu.dma_semaphore, #tpu.memory_space<semaphore_mem>>)
      %dma_wait3A_2891 = arith.constant 4 : i32
      %dma_wait3A_2892 = arith.constant 4 : i32
      %dma_wait3A_2893 = arith.constant 0 : i32
      %dma_wait3A_2894 = arith.constant 0 : i32
      %dma_wait3A_2895 = tpu.memref_slice %arg7[%dma_wait3A_2891, %dma_wait3A_2893, %dma_wait3A_2894] : memref<5x40x128xf32, #tpu.memory_space<vmem>> -> memref<1x40x128xf32, #tpu.memory_space<vmem>>
      %dma_wait3A_2896 = tpu.memref_squeeze %dma_wait3A_2895 : memref<1x40x128xf32, #tpu.memory_space<vmem>> -> memref<40x128xf32, #tpu.memory_space<vmem>>
      %dma_wait3A_2897 = arith.constant 0 : i32
      %dma_wait3A_2898 = arith.constant 0 : i32
      %dma_wait3A_2899 = tpu.memref_slice %arg2[%dma_wait3A_2897, %dma_wait3A_2898] : memref<10000x128xf32, #tpu.memory_space<hbm>> -> memref<40x128xf32, #tpu.memory_space<hbm>>
      %dma_wait3A_2900 = tpu.memref_slice %arg9[%dma_wait3A_2892] : memref<5x!tpu.dma_semaphore, #tpu.memory_space<semaphore_mem>> -> memref<1x!tpu.dma_semaphore, #tpu.memory_space<semaphore_mem>>
      %dma_wait3A_2901 = tpu.memref_squeeze %dma_wait3A_2900 : memref<1x!tpu.dma_semaphore, #tpu.memory_space<semaphore_mem>> -> memref<!tpu.dma_semaphore, #tpu.memory_space<semaphore_mem>>
      %dma_wait3A_2902 = arith.constant 0 : i32
      %dma_wait3A_2903 = arith.constant 0 : i32
      %dma_wait3A_2904 = tpu.memref_slice %arg7[%dma_wait3A_2891, %dma_wait3A_2902, %dma_wait3A_2903] : memref<5x40x128xf32, #tpu.memory_space<vmem>> -> memref<1x40x128xf32, #tpu.memory_space<vmem>>
      %dma_wait3A_2905 = tpu.memref_squeeze %dma_wait3A_2904 : memref<1x40x128xf32, #tpu.memory_space<vmem>> -> memref<40x128xf32, #tpu.memory_space<vmem>>
      %dma_wait3A_2906 = arith.constant 0 : i32
      %dma_wait3A_2907 = arith.constant 0 : i32
      %dma_wait3A_2908 = tpu.memref_slice %arg2[%dma_wait3A_2906, %dma_wait3A_2907] : memref<10000x128xf32, #tpu.memory_space<hbm>> -> memref<40x128xf32, #tpu.memory_space<hbm>>
      tpu.wait_dma2 semaphore(%dma_wait3A_2901 : memref<!tpu.dma_semaphore, #tpu.memory_space<semaphore_mem>>) src(%dma_wait3A_2908 : memref<40x128xf32, #tpu.memory_space<hbm>>) dst(%dma_wait3A_2905 : memref<40x128xf32, #tpu.memory_space<vmem>>)
      %dma_start3A_2909 = arith.constant 4 : i32
      %dma_start3A_2910 = arith.constant 1 : i32
      %dma_start3A_2911 = arith.constant 4 : i32
      %dma_start3A_2912 = arith.constant 0 : i32
      %dma_start3A_2913 = arith.constant 0 : i32
      %dma_start3A_2914 = tpu.memref_slice %arg7[%dma_start3A_2909, %dma_start3A_2912, %dma_start3A_2913] : memref<5x40x128xf32, #tpu.memory_space<vmem>> -> memref<1x40x128xf32, #tpu.memory_space<vmem>>
      %dma_start3A_2915 = tpu.memref_squeeze %dma_start3A_2914 : memref<1x40x128xf32, #tpu.memory_space<vmem>> -> memref<40x128xf32, #tpu.memory_space<vmem>>
      %dma_start3A_2916 = arith.constant 0 : i32
      %dma_start3A_2917 = tpu.memref_slice %arg6[%dma_start3A_2910, %dma_start3A_2911, %dma_start3A_2916] : memref<3x5x40xi32, #tpu.memory_space<vmem>> -> memref<1x1x40xi32, #tpu.memory_space<vmem>>
      %dma_start3A_2918 = tpu.memref_squeeze %dma_start3A_2917 : memref<1x1x40xi32, #tpu.memory_space<vmem>> -> memref<40xi32, #tpu.memory_space<vmem>>
      %dma_start3A_2919 = arith.constant 0 : i32
      %dma_start3A_2920 = arith.constant 0 : i32
      %dma_start3A_2921 = tpu.memref_slice %arg8[%dma_start3A_2919, %dma_start3A_2920] : memref<10240x128xf32, #tpu.memory_space<vmem_shared>> -> memref<10240x128xf32, #tpu.memory_space<vmem_shared>>
      tpu.enqueue_indirect_dma source(%dma_start3A_2915 : memref<40x128xf32, #tpu.memory_space<vmem>>) target(%dma_start3A_2921 : memref<10240x128xf32, #tpu.memory_space<vmem_shared>>) offsets(%dma_start3A_2918 : memref<40xi32, #tpu.memory_space<vmem>>) semaphore(%arg10 : memref<!tpu.dma_semaphore, #tpu.memory_space<semaphore_mem>>) {add = true}
    }
    %scan3A_736 = arith.constant 15 : i32
    %dma_wait3A_737 = arith.constant 0 : i32
    %dma_wait3A_738 = arith.constant 0 : i32
    %dma_wait3A_739 = arith.constant 0 : i32
    %dma_wait3A_740 = arith.constant 2 : i32
    %dma_wait3A_741 = arith.constant 0 : i32
    %dma_wait3A_742 = arith.constant 0 : i32
    %dma_wait3A_743 = tpu.memref_slice %arg5[%dma_wait3A_740, %dma_wait3A_741, %dma_wait3A_742] : memref<3x5x40xi32, #tpu.memory_space<vmem>> -> memref<1x5x40xi32, #tpu.memory_space<vmem>>
    %dma_wait3A_744 = tpu.memref_squeeze %dma_wait3A_743 : memref<1x5x40xi32, #tpu.memory_space<vmem>> -> memref<5x40xi32, #tpu.memory_space<vmem>>
    %dma_wait3A_745 = arith.constant 0 : i32
    %dma_wait3A_746 = arith.constant 0 : i32
    %dma_wait3A_747 = tpu.memref_slice %arg3[%dma_wait3A_737, %dma_wait3A_738, %dma_wait3A_739, %dma_wait3A_745, %dma_wait3A_746] : memref<2x32x50x5x40xi32, #tpu.memory_space<hbm>> -> memref<1x1x1x5x40xi32, #tpu.memory_space<hbm>>
    %dma_wait3A_748 = tpu.memref_squeeze %dma_wait3A_747 : memref<1x1x1x5x40xi32, #tpu.memory_space<hbm>> -> memref<5x40xi32, #tpu.memory_space<hbm>>
    %dma_wait3A_749 = arith.constant 0 : i32
    %dma_wait3A_750 = arith.constant 0 : i32
    %dma_wait3A_751 = tpu.memref_slice %arg5[%dma_wait3A_740, %dma_wait3A_749, %dma_wait3A_750] : memref<3x5x40xi32, #tpu.memory_space<vmem>> -> memref<1x5x40xi32, #tpu.memory_space<vmem>>
    %dma_wait3A_752 = tpu.memref_squeeze %dma_wait3A_751 : memref<1x5x40xi32, #tpu.memory_space<vmem>> -> memref<5x40xi32, #tpu.memory_space<vmem>>
    %dma_wait3A_753 = arith.constant 0 : i32
    %dma_wait3A_754 = arith.constant 0 : i32
    %dma_wait3A_755 = tpu.memref_slice %arg3[%dma_wait3A_737, %dma_wait3A_738, %dma_wait3A_739, %dma_wait3A_753, %dma_wait3A_754] : memref<2x32x50x5x40xi32, #tpu.memory_space<hbm>> -> memref<1x1x1x5x40xi32, #tpu.memory_space<hbm>>
    %dma_wait3A_756 = tpu.memref_squeeze %dma_wait3A_755 : memref<1x1x1x5x40xi32, #tpu.memory_space<hbm>> -> memref<5x40xi32, #tpu.memory_space<hbm>>
    tpu.wait_dma2 semaphore(%arg11 : memref<!tpu.dma_semaphore, #tpu.memory_space<semaphore_mem>>) src(%dma_wait3A_756 : memref<5x40xi32, #tpu.memory_space<hbm>>) dst(%dma_wait3A_752 : memref<5x40xi32, #tpu.memory_space<vmem>>)
    %dma_wait3A_757 = arith.constant 0 : i32
    %dma_wait3A_758 = arith.constant 0 : i32
    %dma_wait3A_759 = arith.constant 0 : i32
    %dma_wait3A_760 = arith.constant 2 : i32
    %dma_wait3A_761 = arith.constant 0 : i32
    %dma_wait3A_762 = arith.constant 0 : i32
    %dma_wait3A_763 = tpu.memref_slice %arg6[%dma_wait3A_760, %dma_wait3A_761, %dma_wait3A_762] : memref<3x5x40xi32, #tpu.memory_space<vmem>> -> memref<1x5x40xi32, #tpu.memory_space<vmem>>
    %dma_wait3A_764 = tpu.memref_squeeze %dma_wait3A_763 : memref<1x5x40xi32, #tpu.memory_space<vmem>> -> memref<5x40xi32, #tpu.memory_space<vmem>>
    %dma_wait3A_765 = arith.constant 0 : i32
    %dma_wait3A_766 = arith.constant 0 : i32
    %dma_wait3A_767 = tpu.memref_slice %arg3[%dma_wait3A_757, %dma_wait3A_758, %dma_wait3A_759, %dma_wait3A_765, %dma_wait3A_766] : memref<2x32x50x5x40xi32, #tpu.memory_space<hbm>> -> memref<1x1x1x5x40xi32, #tpu.memory_space<hbm>>
    %dma_wait3A_768 = tpu.memref_squeeze %dma_wait3A_767 : memref<1x1x1x5x40xi32, #tpu.memory_space<hbm>> -> memref<5x40xi32, #tpu.memory_space<hbm>>
    %dma_wait3A_769 = arith.constant 0 : i32
    %dma_wait3A_770 = arith.constant 0 : i32
    %dma_wait3A_771 = tpu.memref_slice %arg6[%dma_wait3A_760, %dma_wait3A_769, %dma_wait3A_770] : memref<3x5x40xi32, #tpu.memory_space<vmem>> -> memref<1x5x40xi32, #tpu.memory_space<vmem>>
    %dma_wait3A_772 = tpu.memref_squeeze %dma_wait3A_771 : memref<1x5x40xi32, #tpu.memory_space<vmem>> -> memref<5x40xi32, #tpu.memory_space<vmem>>
    %dma_wait3A_773 = arith.constant 0 : i32
    %dma_wait3A_774 = arith.constant 0 : i32
    %dma_wait3A_775 = tpu.memref_slice %arg3[%dma_wait3A_757, %dma_wait3A_758, %dma_wait3A_759, %dma_wait3A_773, %dma_wait3A_774] : memref<2x32x50x5x40xi32, #tpu.memory_space<hbm>> -> memref<1x1x1x5x40xi32, #tpu.memory_space<hbm>>
    %dma_wait3A_776 = tpu.memref_squeeze %dma_wait3A_775 : memref<1x1x1x5x40xi32, #tpu.memory_space<hbm>> -> memref<5x40xi32, #tpu.memory_space<hbm>>
    tpu.wait_dma2 semaphore(%arg11 : memref<!tpu.dma_semaphore, #tpu.memory_space<semaphore_mem>>) src(%dma_wait3A_776 : memref<5x40xi32, #tpu.memory_space<hbm>>) dst(%dma_wait3A_772 : memref<5x40xi32, #tpu.memory_space<vmem>>)
    %dma_wait3A_777 = arith.constant 4 : i32
    %dma_wait3A_778 = arith.constant 0 : i32
    %dma_wait3A_779 = arith.constant 0 : i32
    %dma_wait3A_780 = tpu.memref_slice %arg7[%dma_wait3A_777, %dma_wait3A_778, %dma_wait3A_779] : memref<5x40x128xf32, #tpu.memory_space<vmem>> -> memref<1x40x128xf32, #tpu.memory_space<vmem>>
    %dma_wait3A_781 = tpu.memref_squeeze %dma_wait3A_780 : memref<1x40x128xf32, #tpu.memory_space<vmem>> -> memref<40x128xf32, #tpu.memory_space<vmem>>
    %dma_wait3A_782 = arith.constant 0 : i32
    %dma_wait3A_783 = arith.constant 0 : i32
    %dma_wait3A_784 = tpu.memref_slice %arg2[%dma_wait3A_782, %dma_wait3A_783] : memref<10000x128xf32, #tpu.memory_space<hbm>> -> memref<40x128xf32, #tpu.memory_space<hbm>>
    %dma_wait3A_785 = arith.constant 0 : i32
    %dma_wait3A_786 = arith.constant 0 : i32
    %dma_wait3A_787 = tpu.memref_slice %arg7[%dma_wait3A_777, %dma_wait3A_785, %dma_wait3A_786] : memref<5x40x128xf32, #tpu.memory_space<vmem>> -> memref<1x40x128xf32, #tpu.memory_space<vmem>>
    %dma_wait3A_788 = tpu.memref_squeeze %dma_wait3A_787 : memref<1x40x128xf32, #tpu.memory_space<vmem>> -> memref<40x128xf32, #tpu.memory_space<vmem>>
    %dma_wait3A_789 = arith.constant 0 : i32
    %dma_wait3A_790 = arith.constant 0 : i32
    %dma_wait3A_791 = tpu.memref_slice %arg2[%dma_wait3A_789, %dma_wait3A_790] : memref<10000x128xf32, #tpu.memory_space<hbm>> -> memref<40x128xf32, #tpu.memory_space<hbm>>
    tpu.wait_dma2 semaphore(%arg10 : memref<!tpu.dma_semaphore, #tpu.memory_space<semaphore_mem>>) src(%dma_wait3A_791 : memref<40x128xf32, #tpu.memory_space<hbm>>) dst(%dma_wait3A_788 : memref<40x128xf32, #tpu.memory_space<vmem>>)
    %dma_start3A_792 = arith.constant 2 : i32
    %dma_start3A_793 = arith.constant 4 : i32
    %dma_start3A_794 = arith.constant 4 : i32
    %dma_start3A_795 = arith.constant 4 : i32
    %dma_start3A_796 = arith.constant 0 : i32
    %dma_start3A_797 = arith.constant 0 : i32
    %dma_start3A_798 = tpu.memref_slice %arg7[%dma_start3A_794, %dma_start3A_796, %dma_start3A_797] : memref<5x40x128xf32, #tpu.memory_space<vmem>> -> memref<1x40x128xf32, #tpu.memory_space<vmem>>
    %dma_start3A_799 = tpu.memref_squeeze %dma_start3A_798 : memref<1x40x128xf32, #tpu.memory_space<vmem>> -> memref<40x128xf32, #tpu.memory_space<vmem>>
    %dma_start3A_800 = arith.constant 0 : i32
    %dma_start3A_801 = tpu.memref_slice %arg5[%dma_start3A_792, %dma_start3A_793, %dma_start3A_800] : memref<3x5x40xi32, #tpu.memory_space<vmem>> -> memref<1x1x40xi32, #tpu.memory_space<vmem>>
    %dma_start3A_802 = tpu.memref_squeeze %dma_start3A_801 : memref<1x1x40xi32, #tpu.memory_space<vmem>> -> memref<40xi32, #tpu.memory_space<vmem>>
    %dma_start3A_803 = arith.constant 0 : i32
    %dma_start3A_804 = arith.constant 0 : i32
    %dma_start3A_805 = tpu.memref_slice %arg2[%dma_start3A_803, %dma_start3A_804] : memref<10000x128xf32, #tpu.memory_space<hbm>> -> memref<10000x128xf32, #tpu.memory_space<hbm>>
    %dma_start3A_806 = tpu.memref_slice %arg9[%dma_start3A_795] : memref<5x!tpu.dma_semaphore, #tpu.memory_space<semaphore_mem>> -> memref<1x!tpu.dma_semaphore, #tpu.memory_space<semaphore_mem>>
    %dma_start3A_807 = tpu.memref_squeeze %dma_start3A_806 : memref<1x!tpu.dma_semaphore, #tpu.memory_space<semaphore_mem>> -> memref<!tpu.dma_semaphore, #tpu.memory_space<semaphore_mem>>
    tpu.enqueue_indirect_dma source(%dma_start3A_805 : memref<10000x128xf32, #tpu.memory_space<hbm>>) target(%dma_start3A_799 : memref<40x128xf32, #tpu.memory_space<vmem>>) offsets(%dma_start3A_802 : memref<40xi32, #tpu.memory_space<vmem>>) semaphore(%dma_start3A_807 : memref<!tpu.dma_semaphore, #tpu.memory_space<semaphore_mem>>)
    %dma_wait3A_808 = arith.constant 0 : i32
    %dma_wait3A_809 = arith.constant 0 : i32
    %dma_wait3A_810 = arith.constant 0 : i32
    %dma_wait3A_811 = arith.constant 0 : i32
    %dma_wait3A_812 = tpu.memref_slice %arg7[%dma_wait3A_808, %dma_wait3A_810, %dma_wait3A_811] : memref<5x40x128xf32, #tpu.memory_space<vmem>> -> memref<1x40x128xf32, #tpu.memory_space<vmem>>
    %dma_wait3A_813 = tpu.memref_squeeze %dma_wait3A_812 : memref<1x40x128xf32, #tpu.memory_space<vmem>> -> memref<40x128xf32, #tpu.memory_space<vmem>>
    %dma_wait3A_814 = arith.constant 0 : i32
    %dma_wait3A_815 = arith.constant 0 : i32
    %dma_wait3A_816 = tpu.memref_slice %arg2[%dma_wait3A_814, %dma_wait3A_815] : memref<10000x128xf32, #tpu.memory_space<hbm>> -> memref<40x128xf32, #tpu.memory_space<hbm>>
    %dma_wait3A_817 = tpu.memref_slice %arg9[%dma_wait3A_809] : memref<5x!tpu.dma_semaphore, #tpu.memory_space<semaphore_mem>> -> memref<1x!tpu.dma_semaphore, #tpu.memory_space<semaphore_mem>>
    %dma_wait3A_818 = tpu.memref_squeeze %dma_wait3A_817 : memref<1x!tpu.dma_semaphore, #tpu.memory_space<semaphore_mem>> -> memref<!tpu.dma_semaphore, #tpu.memory_space<semaphore_mem>>
    %dma_wait3A_819 = arith.constant 0 : i32
    %dma_wait3A_820 = arith.constant 0 : i32
    %dma_wait3A_821 = tpu.memref_slice %arg7[%dma_wait3A_808, %dma_wait3A_819, %dma_wait3A_820] : memref<5x40x128xf32, #tpu.memory_space<vmem>> -> memref<1x40x128xf32, #tpu.memory_space<vmem>>
    %dma_wait3A_822 = tpu.memref_squeeze %dma_wait3A_821 : memref<1x40x128xf32, #tpu.memory_space<vmem>> -> memref<40x128xf32, #tpu.memory_space<vmem>>
    %dma_wait3A_823 = arith.constant 0 : i32
    %dma_wait3A_824 = arith.constant 0 : i32
    %dma_wait3A_825 = tpu.memref_slice %arg2[%dma_wait3A_823, %dma_wait3A_824] : memref<10000x128xf32, #tpu.memory_space<hbm>> -> memref<40x128xf32, #tpu.memory_space<hbm>>
    tpu.wait_dma2 semaphore(%dma_wait3A_818 : memref<!tpu.dma_semaphore, #tpu.memory_space<semaphore_mem>>) src(%dma_wait3A_825 : memref<40x128xf32, #tpu.memory_space<hbm>>) dst(%dma_wait3A_822 : memref<40x128xf32, #tpu.memory_space<vmem>>)
    %dma_start3A_826 = arith.constant 0 : i32
    %dma_start3A_827 = arith.constant 2 : i32
    %dma_start3A_828 = arith.constant 0 : i32
    %dma_start3A_829 = arith.constant 0 : i32
    %dma_start3A_830 = arith.constant 0 : i32
    %dma_start3A_831 = tpu.memref_slice %arg7[%dma_start3A_826, %dma_start3A_829, %dma_start3A_830] : memref<5x40x128xf32, #tpu.memory_space<vmem>> -> memref<1x40x128xf32, #tpu.memory_space<vmem>>
    %dma_start3A_832 = tpu.memref_squeeze %dma_start3A_831 : memref<1x40x128xf32, #tpu.memory_space<vmem>> -> memref<40x128xf32, #tpu.memory_space<vmem>>
    %dma_start3A_833 = arith.constant 0 : i32
    %dma_start3A_834 = tpu.memref_slice %arg6[%dma_start3A_827, %dma_start3A_828, %dma_start3A_833] : memref<3x5x40xi32, #tpu.memory_space<vmem>> -> memref<1x1x40xi32, #tpu.memory_space<vmem>>
    %dma_start3A_835 = tpu.memref_squeeze %dma_start3A_834 : memref<1x1x40xi32, #tpu.memory_space<vmem>> -> memref<40xi32, #tpu.memory_space<vmem>>
    %dma_start3A_836 = arith.constant 0 : i32
    %dma_start3A_837 = arith.constant 0 : i32
    %dma_start3A_838 = tpu.memref_slice %arg8[%dma_start3A_836, %dma_start3A_837] : memref<10240x128xf32, #tpu.memory_space<vmem_shared>> -> memref<10240x128xf32, #tpu.memory_space<vmem_shared>>
    tpu.enqueue_indirect_dma source(%dma_start3A_832 : memref<40x128xf32, #tpu.memory_space<vmem>>) target(%dma_start3A_838 : memref<10240x128xf32, #tpu.memory_space<vmem_shared>>) offsets(%dma_start3A_835 : memref<40xi32, #tpu.memory_space<vmem>>) semaphore(%arg10 : memref<!tpu.dma_semaphore, #tpu.memory_space<semaphore_mem>>) {add = true}
    %dma_start3A_839 = arith.constant 0 : i32
    %dma_start3A_840 = arith.constant 49 : i32
    %dma_start3A_841 = arith.constant 1 : i32
    %dma_start3A_842 = arith.constant 0 : i32
    %dma_start3A_843 = arith.constant 0 : i32
    %dma_start3A_844 = tpu.memref_slice %arg5[%dma_start3A_841, %dma_start3A_842, %dma_start3A_843] : memref<3x5x40xi32, #tpu.memory_space<vmem>> -> memref<1x5x40xi32, #tpu.memory_space<vmem>>
    %dma_start3A_845 = tpu.memref_squeeze %dma_start3A_844 : memref<1x5x40xi32, #tpu.memory_space<vmem>> -> memref<5x40xi32, #tpu.memory_space<vmem>>
    %dma_start3A_846 = arith.constant 0 : i32
    %dma_start3A_847 = arith.constant 0 : i32
    %dma_start3A_848 = tpu.memref_slice %arg3[%dma_start3A_839, %add3A, %dma_start3A_840, %dma_start3A_846, %dma_start3A_847] : memref<2x32x50x5x40xi32, #tpu.memory_space<hbm>> -> memref<1x1x1x5x40xi32, #tpu.memory_space<hbm>>
    %dma_start3A_849 = tpu.memref_squeeze %dma_start3A_848 : memref<1x1x1x5x40xi32, #tpu.memory_space<hbm>> -> memref<5x40xi32, #tpu.memory_space<hbm>>
    %dma_start3A_850 = arith.constant 0 : i32
    %dma_start3A_851 = arith.constant 0 : i32
    %dma_start3A_852 = tpu.memref_slice %arg5[%dma_start3A_841, %dma_start3A_850, %dma_start3A_851] : memref<3x5x40xi32, #tpu.memory_space<vmem>> -> memref<1x5x40xi32, #tpu.memory_space<vmem>>
    %dma_start3A_853 = tpu.memref_squeeze %dma_start3A_852 : memref<1x5x40xi32, #tpu.memory_space<vmem>> -> memref<5x40xi32, #tpu.memory_space<vmem>>
    %dma_start3A_854 = arith.constant 0 : i32
    %dma_start3A_855 = arith.constant 0 : i32
    %dma_start3A_856 = tpu.memref_slice %arg3[%dma_start3A_839, %add3A, %dma_start3A_840, %dma_start3A_854, %dma_start3A_855] : memref<2x32x50x5x40xi32, #tpu.memory_space<hbm>> -> memref<1x1x1x5x40xi32, #tpu.memory_space<hbm>>
    %dma_start3A_857 = tpu.memref_squeeze %dma_start3A_856 : memref<1x1x1x5x40xi32, #tpu.memory_space<hbm>> -> memref<5x40xi32, #tpu.memory_space<hbm>>
    tpu.enqueue_dma source(%dma_start3A_857 : memref<5x40xi32, #tpu.memory_space<hbm>>) target(%dma_start3A_853 : memref<5x40xi32, #tpu.memory_space<vmem>>) target_semaphore(%arg11 : memref<!tpu.dma_semaphore, #tpu.memory_space<semaphore_mem>>)
    %dma_start3A_858 = arith.constant 1 : i32
    %dma_start3A_859 = arith.constant 49 : i32
    %dma_start3A_860 = arith.constant 1 : i32
    %dma_start3A_861 = arith.constant 0 : i32
    %dma_start3A_862 = arith.constant 0 : i32
    %dma_start3A_863 = tpu.memref_slice %arg6[%dma_start3A_860, %dma_start3A_861, %dma_start3A_862] : memref<3x5x40xi32, #tpu.memory_space<vmem>> -> memref<1x5x40xi32, #tpu.memory_space<vmem>>
    %dma_start3A_864 = tpu.memref_squeeze %dma_start3A_863 : memref<1x5x40xi32, #tpu.memory_space<vmem>> -> memref<5x40xi32, #tpu.memory_space<vmem>>
    %dma_start3A_865 = arith.constant 0 : i32
    %dma_start3A_866 = arith.constant 0 : i32
    %dma_start3A_867 = tpu.memref_slice %arg3[%dma_start3A_858, %add3A, %dma_start3A_859, %dma_start3A_865, %dma_start3A_866] : memref<2x32x50x5x40xi32, #tpu.memory_space<hbm>> -> memref<1x1x1x5x40xi32, #tpu.memory_space<hbm>>
    %dma_start3A_868 = tpu.memref_squeeze %dma_start3A_867 : memref<1x1x1x5x40xi32, #tpu.memory_space<hbm>> -> memref<5x40xi32, #tpu.memory_space<hbm>>
    %dma_start3A_869 = arith.constant 0 : i32
    %dma_start3A_870 = arith.constant 0 : i32
    %dma_start3A_871 = tpu.memref_slice %arg6[%dma_start3A_860, %dma_start3A_869, %dma_start3A_870] : memref<3x5x40xi32, #tpu.memory_space<vmem>> -> memref<1x5x40xi32, #tpu.memory_space<vmem>>
    %dma_start3A_872 = tpu.memref_squeeze %dma_start3A_871 : memref<1x5x40xi32, #tpu.memory_space<vmem>> -> memref<5x40xi32, #tpu.memory_space<vmem>>
    %dma_start3A_873 = arith.constant 0 : i32
    %dma_start3A_874 = arith.constant 0 : i32
    %dma_start3A_875 = tpu.memref_slice %arg3[%dma_start3A_858, %add3A, %dma_start3A_859, %dma_start3A_873, %dma_start3A_874] : memref<2x32x50x5x40xi32, #tpu.memory_space<hbm>> -> memref<1x1x1x5x40xi32, #tpu.memory_space<hbm>>
    %dma_start3A_876 = tpu.memref_squeeze %dma_start3A_875 : memref<1x1x1x5x40xi32, #tpu.memory_space<hbm>> -> memref<5x40xi32, #tpu.memory_space<hbm>>
    tpu.enqueue_dma source(%dma_start3A_876 : memref<5x40xi32, #tpu.memory_space<hbm>>) target(%dma_start3A_872 : memref<5x40xi32, #tpu.memory_space<vmem>>) target_semaphore(%arg11 : memref<!tpu.dma_semaphore, #tpu.memory_space<semaphore_mem>>)
    %dma_wait3A_877 = arith.constant 0 : i32
    %dma_wait3A_878 = arith.constant 0 : i32
    %dma_wait3A_879 = arith.constant 0 : i32
    %dma_wait3A_880 = tpu.memref_slice %arg7[%dma_wait3A_877, %dma_wait3A_878, %dma_wait3A_879] : memref<5x40x128xf32, #tpu.memory_space<vmem>> -> memref<1x40x128xf32, #tpu.memory_space<vmem>>
    %dma_wait3A_881 = tpu.memref_squeeze %dma_wait3A_880 : memref<1x40x128xf32, #tpu.memory_space<vmem>> -> memref<40x128xf32, #tpu.memory_space<vmem>>
    %dma_wait3A_882 = arith.constant 0 : i32
    %dma_wait3A_883 = arith.constant 0 : i32
    %dma_wait3A_884 = tpu.memref_slice %arg2[%dma_wait3A_882, %dma_wait3A_883] : memref<10000x128xf32, #tpu.memory_space<hbm>> -> memref<40x128xf32, #tpu.memory_space<hbm>>
    %dma_wait3A_885 = arith.constant 0 : i32
    %dma_wait3A_886 = arith.constant 0 : i32
    %dma_wait3A_887 = tpu.memref_slice %arg7[%dma_wait3A_877, %dma_wait3A_885, %dma_wait3A_886] : memref<5x40x128xf32, #tpu.memory_space<vmem>> -> memref<1x40x128xf32, #tpu.memory_space<vmem>>
    %dma_wait3A_888 = tpu.memref_squeeze %dma_wait3A_887 : memref<1x40x128xf32, #tpu.memory_space<vmem>> -> memref<40x128xf32, #tpu.memory_space<vmem>>
    %dma_wait3A_889 = arith.constant 0 : i32
    %dma_wait3A_890 = arith.constant 0 : i32
    %dma_wait3A_891 = tpu.memref_slice %arg2[%dma_wait3A_889, %dma_wait3A_890] : memref<10000x128xf32, #tpu.memory_space<hbm>> -> memref<40x128xf32, #tpu.memory_space<hbm>>
    tpu.wait_dma2 semaphore(%arg10 : memref<!tpu.dma_semaphore, #tpu.memory_space<semaphore_mem>>) src(%dma_wait3A_891 : memref<40x128xf32, #tpu.memory_space<hbm>>) dst(%dma_wait3A_888 : memref<40x128xf32, #tpu.memory_space<vmem>>)
    %dma_start3A_892 = arith.constant 0 : i32
    %dma_start3A_893 = arith.constant 0 : i32
    %dma_start3A_894 = arith.constant 0 : i32
    %dma_start3A_895 = arith.constant 0 : i32
    %dma_start3A_896 = arith.constant 0 : i32
    %dma_start3A_897 = arith.constant 0 : i32
    %dma_start3A_898 = tpu.memref_slice %arg7[%dma_start3A_894, %dma_start3A_896, %dma_start3A_897] : memref<5x40x128xf32, #tpu.memory_space<vmem>> -> memref<1x40x128xf32, #tpu.memory_space<vmem>>
    %dma_start3A_899 = tpu.memref_squeeze %dma_start3A_898 : memref<1x40x128xf32, #tpu.memory_space<vmem>> -> memref<40x128xf32, #tpu.memory_space<vmem>>
    %dma_start3A_900 = arith.constant 0 : i32
    %dma_start3A_901 = tpu.memref_slice %arg5[%dma_start3A_892, %dma_start3A_893, %dma_start3A_900] : memref<3x5x40xi32, #tpu.memory_space<vmem>> -> memref<1x1x40xi32, #tpu.memory_space<vmem>>
    %dma_start3A_902 = tpu.memref_squeeze %dma_start3A_901 : memref<1x1x40xi32, #tpu.memory_space<vmem>> -> memref<40xi32, #tpu.memory_space<vmem>>
    %dma_start3A_903 = arith.constant 0 : i32
    %dma_start3A_904 = arith.constant 0 : i32
    %dma_start3A_905 = tpu.memref_slice %arg2[%dma_start3A_903, %dma_start3A_904] : memref<10000x128xf32, #tpu.memory_space<hbm>> -> memref<10000x128xf32, #tpu.memory_space<hbm>>
    %dma_start3A_906 = tpu.memref_slice %arg9[%dma_start3A_895] : memref<5x!tpu.dma_semaphore, #tpu.memory_space<semaphore_mem>> -> memref<1x!tpu.dma_semaphore, #tpu.memory_space<semaphore_mem>>
    %dma_start3A_907 = tpu.memref_squeeze %dma_start3A_906 : memref<1x!tpu.dma_semaphore, #tpu.memory_space<semaphore_mem>> -> memref<!tpu.dma_semaphore, #tpu.memory_space<semaphore_mem>>
    tpu.enqueue_indirect_dma source(%dma_start3A_905 : memref<10000x128xf32, #tpu.memory_space<hbm>>) target(%dma_start3A_899 : memref<40x128xf32, #tpu.memory_space<vmem>>) offsets(%dma_start3A_902 : memref<40xi32, #tpu.memory_space<vmem>>) semaphore(%dma_start3A_907 : memref<!tpu.dma_semaphore, #tpu.memory_space<semaphore_mem>>)
    %dma_wait3A_908 = arith.constant 1 : i32
    %dma_wait3A_909 = arith.constant 1 : i32
    %dma_wait3A_910 = arith.constant 0 : i32
    %dma_wait3A_911 = arith.constant 0 : i32
    %dma_wait3A_912 = tpu.memref_slice %arg7[%dma_wait3A_908, %dma_wait3A_910, %dma_wait3A_911] : memref<5x40x128xf32, #tpu.memory_space<vmem>> -> memref<1x40x128xf32, #tpu.memory_space<vmem>>
    %dma_wait3A_913 = tpu.memref_squeeze %dma_wait3A_912 : memref<1x40x128xf32, #tpu.memory_space<vmem>> -> memref<40x128xf32, #tpu.memory_space<vmem>>
    %dma_wait3A_914 = arith.constant 0 : i32
    %dma_wait3A_915 = arith.constant 0 : i32
    %dma_wait3A_916 = tpu.memref_slice %arg2[%dma_wait3A_914, %dma_wait3A_915] : memref<10000x128xf32, #tpu.memory_space<hbm>> -> memref<40x128xf32, #tpu.memory_space<hbm>>
    %dma_wait3A_917 = tpu.memref_slice %arg9[%dma_wait3A_909] : memref<5x!tpu.dma_semaphore, #tpu.memory_space<semaphore_mem>> -> memref<1x!tpu.dma_semaphore, #tpu.memory_space<semaphore_mem>>
    %dma_wait3A_918 = tpu.memref_squeeze %dma_wait3A_917 : memref<1x!tpu.dma_semaphore, #tpu.memory_space<semaphore_mem>> -> memref<!tpu.dma_semaphore, #tpu.memory_space<semaphore_mem>>
    %dma_wait3A_919 = arith.constant 0 : i32
    %dma_wait3A_920 = arith.constant 0 : i32
    %dma_wait3A_921 = tpu.memref_slice %arg7[%dma_wait3A_908, %dma_wait3A_919, %dma_wait3A_920] : memref<5x40x128xf32, #tpu.memory_space<vmem>> -> memref<1x40x128xf32, #tpu.memory_space<vmem>>
    %dma_wait3A_922 = tpu.memref_squeeze %dma_wait3A_921 : memref<1x40x128xf32, #tpu.memory_space<vmem>> -> memref<40x128xf32, #tpu.memory_space<vmem>>
    %dma_wait3A_923 = arith.constant 0 : i32
    %dma_wait3A_924 = arith.constant 0 : i32
    %dma_wait3A_925 = tpu.memref_slice %arg2[%dma_wait3A_923, %dma_wait3A_924] : memref<10000x128xf32, #tpu.memory_space<hbm>> -> memref<40x128xf32, #tpu.memory_space<hbm>>
    tpu.wait_dma2 semaphore(%dma_wait3A_918 : memref<!tpu.dma_semaphore, #tpu.memory_space<semaphore_mem>>) src(%dma_wait3A_925 : memref<40x128xf32, #tpu.memory_space<hbm>>) dst(%dma_wait3A_922 : memref<40x128xf32, #tpu.memory_space<vmem>>)
    %dma_start3A_926 = arith.constant 1 : i32
    %dma_start3A_927 = arith.constant 2 : i32
    %dma_start3A_928 = arith.constant 1 : i32
    %dma_start3A_929 = arith.constant 0 : i32
    %dma_start3A_930 = arith.constant 0 : i32
    %dma_start3A_931 = tpu.memref_slice %arg7[%dma_start3A_926, %dma_start3A_929, %dma_start3A_930] : memref<5x40x128xf32, #tpu.memory_space<vmem>> -> memref<1x40x128xf32, #tpu.memory_space<vmem>>
    %dma_start3A_932 = tpu.memref_squeeze %dma_start3A_931 : memref<1x40x128xf32, #tpu.memory_space<vmem>> -> memref<40x128xf32, #tpu.memory_space<vmem>>
    %dma_start3A_933 = arith.constant 0 : i32
    %dma_start3A_934 = tpu.memref_slice %arg6[%dma_start3A_927, %dma_start3A_928, %dma_start3A_933] : memref<3x5x40xi32, #tpu.memory_space<vmem>> -> memref<1x1x40xi32, #tpu.memory_space<vmem>>
    %dma_start3A_935 = tpu.memref_squeeze %dma_start3A_934 : memref<1x1x40xi32, #tpu.memory_space<vmem>> -> memref<40xi32, #tpu.memory_space<vmem>>
    %dma_start3A_936 = arith.constant 0 : i32
    %dma_start3A_937 = arith.constant 0 : i32
    %dma_start3A_938 = tpu.memref_slice %arg8[%dma_start3A_936, %dma_start3A_937] : memref<10240x128xf32, #tpu.memory_space<vmem_shared>> -> memref<10240x128xf32, #tpu.memory_space<vmem_shared>>
    tpu.enqueue_indirect_dma source(%dma_start3A_932 : memref<40x128xf32, #tpu.memory_space<vmem>>) target(%dma_start3A_938 : memref<10240x128xf32, #tpu.memory_space<vmem_shared>>) offsets(%dma_start3A_935 : memref<40xi32, #tpu.memory_space<vmem>>) semaphore(%arg10 : memref<!tpu.dma_semaphore, #tpu.memory_space<semaphore_mem>>) {add = true}
    %dma_wait3A_939 = arith.constant 1 : i32
    %dma_wait3A_940 = arith.constant 0 : i32
    %dma_wait3A_941 = arith.constant 0 : i32
    %dma_wait3A_942 = tpu.memref_slice %arg7[%dma_wait3A_939, %dma_wait3A_940, %dma_wait3A_941] : memref<5x40x128xf32, #tpu.memory_space<vmem>> -> memref<1x40x128xf32, #tpu.memory_space<vmem>>
    %dma_wait3A_943 = tpu.memref_squeeze %dma_wait3A_942 : memref<1x40x128xf32, #tpu.memory_space<vmem>> -> memref<40x128xf32, #tpu.memory_space<vmem>>
    %dma_wait3A_944 = arith.constant 0 : i32
    %dma_wait3A_945 = arith.constant 0 : i32
    %dma_wait3A_946 = tpu.memref_slice %arg2[%dma_wait3A_944, %dma_wait3A_945] : memref<10000x128xf32, #tpu.memory_space<hbm>> -> memref<40x128xf32, #tpu.memory_space<hbm>>
    %dma_wait3A_947 = arith.constant 0 : i32
    %dma_wait3A_948 = arith.constant 0 : i32
    %dma_wait3A_949 = tpu.memref_slice %arg7[%dma_wait3A_939, %dma_wait3A_947, %dma_wait3A_948] : memref<5x40x128xf32, #tpu.memory_space<vmem>> -> memref<1x40x128xf32, #tpu.memory_space<vmem>>
    %dma_wait3A_950 = tpu.memref_squeeze %dma_wait3A_949 : memref<1x40x128xf32, #tpu.memory_space<vmem>> -> memref<40x128xf32, #tpu.memory_space<vmem>>
    %dma_wait3A_951 = arith.constant 0 : i32
    %dma_wait3A_952 = arith.constant 0 : i32
    %dma_wait3A_953 = tpu.memref_slice %arg2[%dma_wait3A_951, %dma_wait3A_952] : memref<10000x128xf32, #tpu.memory_space<hbm>> -> memref<40x128xf32, #tpu.memory_space<hbm>>
    tpu.wait_dma2 semaphore(%arg10 : memref<!tpu.dma_semaphore, #tpu.memory_space<semaphore_mem>>) src(%dma_wait3A_953 : memref<40x128xf32, #tpu.memory_space<hbm>>) dst(%dma_wait3A_950 : memref<40x128xf32, #tpu.memory_space<vmem>>)
    %dma_start3A_954 = arith.constant 0 : i32
    %dma_start3A_955 = arith.constant 1 : i32
    %dma_start3A_956 = arith.constant 1 : i32
    %dma_start3A_957 = arith.constant 1 : i32
    %dma_start3A_958 = arith.constant 0 : i32
    %dma_start3A_959 = arith.constant 0 : i32
    %dma_start3A_960 = tpu.memref_slice %arg7[%dma_start3A_956, %dma_start3A_958, %dma_start3A_959] : memref<5x40x128xf32, #tpu.memory_space<vmem>> -> memref<1x40x128xf32, #tpu.memory_space<vmem>>
    %dma_start3A_961 = tpu.memref_squeeze %dma_start3A_960 : memref<1x40x128xf32, #tpu.memory_space<vmem>> -> memref<40x128xf32, #tpu.memory_space<vmem>>
    %dma_start3A_962 = arith.constant 0 : i32
    %dma_start3A_963 = tpu.memref_slice %arg5[%dma_start3A_954, %dma_start3A_955, %dma_start3A_962] : memref<3x5x40xi32, #tpu.memory_space<vmem>> -> memref<1x1x40xi32, #tpu.memory_space<vmem>>
    %dma_start3A_964 = tpu.memref_squeeze %dma_start3A_963 : memref<1x1x40xi32, #tpu.memory_space<vmem>> -> memref<40xi32, #tpu.memory_space<vmem>>
    %dma_start3A_965 = arith.constant 0 : i32
    %dma_start3A_966 = arith.constant 0 : i32
    %dma_start3A_967 = tpu.memref_slice %arg2[%dma_start3A_965, %dma_start3A_966] : memref<10000x128xf32, #tpu.memory_space<hbm>> -> memref<10000x128xf32, #tpu.memory_space<hbm>>
    %dma_start3A_968 = tpu.memref_slice %arg9[%dma_start3A_957] : memref<5x!tpu.dma_semaphore, #tpu.memory_space<semaphore_mem>> -> memref<1x!tpu.dma_semaphore, #tpu.memory_space<semaphore_mem>>
    %dma_start3A_969 = tpu.memref_squeeze %dma_start3A_968 : memref<1x!tpu.dma_semaphore, #tpu.memory_space<semaphore_mem>> -> memref<!tpu.dma_semaphore, #tpu.memory_space<semaphore_mem>>
    tpu.enqueue_indirect_dma source(%dma_start3A_967 : memref<10000x128xf32, #tpu.memory_space<hbm>>) target(%dma_start3A_961 : memref<40x128xf32, #tpu.memory_space<vmem>>) offsets(%dma_start3A_964 : memref<40xi32, #tpu.memory_space<vmem>>) semaphore(%dma_start3A_969 : memref<!tpu.dma_semaphore, #tpu.memory_space<semaphore_mem>>)
    %dma_wait3A_970 = arith.constant 2 : i32
    %dma_wait3A_971 = arith.constant 2 : i32
    %dma_wait3A_972 = arith.constant 0 : i32
    %dma_wait3A_973 = arith.constant 0 : i32
    %dma_wait3A_974 = tpu.memref_slice %arg7[%dma_wait3A_970, %dma_wait3A_972, %dma_wait3A_973] : memref<5x40x128xf32, #tpu.memory_space<vmem>> -> memref<1x40x128xf32, #tpu.memory_space<vmem>>
    %dma_wait3A_975 = tpu.memref_squeeze %dma_wait3A_974 : memref<1x40x128xf32, #tpu.memory_space<vmem>> -> memref<40x128xf32, #tpu.memory_space<vmem>>
    %dma_wait3A_976 = arith.constant 0 : i32
    %dma_wait3A_977 = arith.constant 0 : i32
    %dma_wait3A_978 = tpu.memref_slice %arg2[%dma_wait3A_976, %dma_wait3A_977] : memref<10000x128xf32, #tpu.memory_space<hbm>> -> memref<40x128xf32, #tpu.memory_space<hbm>>
    %dma_wait3A_979 = tpu.memref_slice %arg9[%dma_wait3A_971] : memref<5x!tpu.dma_semaphore, #tpu.memory_space<semaphore_mem>> -> memref<1x!tpu.dma_semaphore, #tpu.memory_space<semaphore_mem>>
    %dma_wait3A_980 = tpu.memref_squeeze %dma_wait3A_979 : memref<1x!tpu.dma_semaphore, #tpu.memory_space<semaphore_mem>> -> memref<!tpu.dma_semaphore, #tpu.memory_space<semaphore_mem>>
    %dma_wait3A_981 = arith.constant 0 : i32
    %dma_wait3A_982 = arith.constant 0 : i32
    %dma_wait3A_983 = tpu.memref_slice %arg7[%dma_wait3A_970, %dma_wait3A_981, %dma_wait3A_982] : memref<5x40x128xf32, #tpu.memory_space<vmem>> -> memref<1x40x128xf32, #tpu.memory_space<vmem>>
    %dma_wait3A_984 = tpu.memref_squeeze %dma_wait3A_983 : memref<1x40x128xf32, #tpu.memory_space<vmem>> -> memref<40x128xf32, #tpu.memory_space<vmem>>
    %dma_wait3A_985 = arith.constant 0 : i32
    %dma_wait3A_986 = arith.constant 0 : i32
    %dma_wait3A_987 = tpu.memref_slice %arg2[%dma_wait3A_985, %dma_wait3A_986] : memref<10000x128xf32, #tpu.memory_space<hbm>> -> memref<40x128xf32, #tpu.memory_space<hbm>>
    tpu.wait_dma2 semaphore(%dma_wait3A_980 : memref<!tpu.dma_semaphore, #tpu.memory_space<semaphore_mem>>) src(%dma_wait3A_987 : memref<40x128xf32, #tpu.memory_space<hbm>>) dst(%dma_wait3A_984 : memref<40x128xf32, #tpu.memory_space<vmem>>)
    %dma_start3A_988 = arith.constant 2 : i32
    %dma_start3A_989 = arith.constant 2 : i32
    %dma_start3A_990 = arith.constant 2 : i32
    %dma_start3A_991 = arith.constant 0 : i32
    %dma_start3A_992 = arith.constant 0 : i32
    %dma_start3A_993 = tpu.memref_slice %arg7[%dma_start3A_988, %dma_start3A_991, %dma_start3A_992] : memref<5x40x128xf32, #tpu.memory_space<vmem>> -> memref<1x40x128xf32, #tpu.memory_space<vmem>>
    %dma_start3A_994 = tpu.memref_squeeze %dma_start3A_993 : memref<1x40x128xf32, #tpu.memory_space<vmem>> -> memref<40x128xf32, #tpu.memory_space<vmem>>
    %dma_start3A_995 = arith.constant 0 : i32
    %dma_start3A_996 = tpu.memref_slice %arg6[%dma_start3A_989, %dma_start3A_990, %dma_start3A_995] : memref<3x5x40xi32, #tpu.memory_space<vmem>> -> memref<1x1x40xi32, #tpu.memory_space<vmem>>
    %dma_start3A_997 = tpu.memref_squeeze %dma_start3A_996 : memref<1x1x40xi32, #tpu.memory_space<vmem>> -> memref<40xi32, #tpu.memory_space<vmem>>
    %dma_start3A_998 = arith.constant 0 : i32
    %dma_start3A_999 = arith.constant 0 : i32
    %dma_start3A_1000 = tpu.memref_slice %arg8[%dma_start3A_998, %dma_start3A_999] : memref<10240x128xf32, #tpu.memory_space<vmem_shared>> -> memref<10240x128xf32, #tpu.memory_space<vmem_shared>>
    tpu.enqueue_indirect_dma source(%dma_start3A_994 : memref<40x128xf32, #tpu.memory_space<vmem>>) target(%dma_start3A_1000 : memref<10240x128xf32, #tpu.memory_space<vmem_shared>>) offsets(%dma_start3A_997 : memref<40xi32, #tpu.memory_space<vmem>>) semaphore(%arg10 : memref<!tpu.dma_semaphore, #tpu.memory_space<semaphore_mem>>) {add = true}
    %dma_wait3A_1001 = arith.constant 2 : i32
    %dma_wait3A_1002 = arith.constant 0 : i32
    %dma_wait3A_1003 = arith.constant 0 : i32
    %dma_wait3A_1004 = tpu.memref_slice %arg7[%dma_wait3A_1001, %dma_wait3A_1002, %dma_wait3A_1003] : memref<5x40x128xf32, #tpu.memory_space<vmem>> -> memref<1x40x128xf32, #tpu.memory_space<vmem>>
    %dma_wait3A_1005 = tpu.memref_squeeze %dma_wait3A_1004 : memref<1x40x128xf32, #tpu.memory_space<vmem>> -> memref<40x128xf32, #tpu.memory_space<vmem>>
    %dma_wait3A_1006 = arith.constant 0 : i32
    %dma_wait3A_1007 = arith.constant 0 : i32
    %dma_wait3A_1008 = tpu.memref_slice %arg2[%dma_wait3A_1006, %dma_wait3A_1007] : memref<10000x128xf32, #tpu.memory_space<hbm>> -> memref<40x128xf32, #tpu.memory_space<hbm>>
    %dma_wait3A_1009 = arith.constant 0 : i32
    %dma_wait3A_1010 = arith.constant 0 : i32
    %dma_wait3A_1011 = tpu.memref_slice %arg7[%dma_wait3A_1001, %dma_wait3A_1009, %dma_wait3A_1010] : memref<5x40x128xf32, #tpu.memory_space<vmem>> -> memref<1x40x128xf32, #tpu.memory_space<vmem>>
    %dma_wait3A_1012 = tpu.memref_squeeze %dma_wait3A_1011 : memref<1x40x128xf32, #tpu.memory_space<vmem>> -> memref<40x128xf32, #tpu.memory_space<vmem>>
    %dma_wait3A_1013 = arith.constant 0 : i32
    %dma_wait3A_1014 = arith.constant 0 : i32
    %dma_wait3A_1015 = tpu.memref_slice %arg2[%dma_wait3A_1013, %dma_wait3A_1014] : memref<10000x128xf32, #tpu.memory_space<hbm>> -> memref<40x128xf32, #tpu.memory_space<hbm>>
    tpu.wait_dma2 semaphore(%arg10 : memref<!tpu.dma_semaphore, #tpu.memory_space<semaphore_mem>>) src(%dma_wait3A_1015 : memref<40x128xf32, #tpu.memory_space<hbm>>) dst(%dma_wait3A_1012 : memref<40x128xf32, #tpu.memory_space<vmem>>)
    %dma_start3A_1016 = arith.constant 0 : i32
    %dma_start3A_1017 = arith.constant 2 : i32
    %dma_start3A_1018 = arith.constant 2 : i32
    %dma_start3A_1019 = arith.constant 2 : i32
    %dma_start3A_1020 = arith.constant 0 : i32
    %dma_start3A_1021 = arith.constant 0 : i32
    %dma_start3A_1022 = tpu.memref_slice %arg7[%dma_start3A_1018, %dma_start3A_1020, %dma_start3A_1021] : memref<5x40x128xf32, #tpu.memory_space<vmem>> -> memref<1x40x128xf32, #tpu.memory_space<vmem>>
    %dma_start3A_1023 = tpu.memref_squeeze %dma_start3A_1022 : memref<1x40x128xf32, #tpu.memory_space<vmem>> -> memref<40x128xf32, #tpu.memory_space<vmem>>
    %dma_start3A_1024 = arith.constant 0 : i32
    %dma_start3A_1025 = tpu.memref_slice %arg5[%dma_start3A_1016, %dma_start3A_1017, %dma_start3A_1024] : memref<3x5x40xi32, #tpu.memory_space<vmem>> -> memref<1x1x40xi32, #tpu.memory_space<vmem>>
    %dma_start3A_1026 = tpu.memref_squeeze %dma_start3A_1025 : memref<1x1x40xi32, #tpu.memory_space<vmem>> -> memref<40xi32, #tpu.memory_space<vmem>>
    %dma_start3A_1027 = arith.constant 0 : i32
    %dma_start3A_1028 = arith.constant 0 : i32
    %dma_start3A_1029 = tpu.memref_slice %arg2[%dma_start3A_1027, %dma_start3A_1028] : memref<10000x128xf32, #tpu.memory_space<hbm>> -> memref<10000x128xf32, #tpu.memory_space<hbm>>
    %dma_start3A_1030 = tpu.memref_slice %arg9[%dma_start3A_1019] : memref<5x!tpu.dma_semaphore, #tpu.memory_space<semaphore_mem>> -> memref<1x!tpu.dma_semaphore, #tpu.memory_space<semaphore_mem>>
    %dma_start3A_1031 = tpu.memref_squeeze %dma_start3A_1030 : memref<1x!tpu.dma_semaphore, #tpu.memory_space<semaphore_mem>> -> memref<!tpu.dma_semaphore, #tpu.memory_space<semaphore_mem>>
    tpu.enqueue_indirect_dma source(%dma_start3A_1029 : memref<10000x128xf32, #tpu.memory_space<hbm>>) target(%dma_start3A_1023 : memref<40x128xf32, #tpu.memory_space<vmem>>) offsets(%dma_start3A_1026 : memref<40xi32, #tpu.memory_space<vmem>>) semaphore(%dma_start3A_1031 : memref<!tpu.dma_semaphore, #tpu.memory_space<semaphore_mem>>)
    %dma_wait3A_1032 = arith.constant 3 : i32
    %dma_wait3A_1033 = arith.constant 3 : i32
    %dma_wait3A_1034 = arith.constant 0 : i32
    %dma_wait3A_1035 = arith.constant 0 : i32
    %dma_wait3A_1036 = tpu.memref_slice %arg7[%dma_wait3A_1032, %dma_wait3A_1034, %dma_wait3A_1035] : memref<5x40x128xf32, #tpu.memory_space<vmem>> -> memref<1x40x128xf32, #tpu.memory_space<vmem>>
    %dma_wait3A_1037 = tpu.memref_squeeze %dma_wait3A_1036 : memref<1x40x128xf32, #tpu.memory_space<vmem>> -> memref<40x128xf32, #tpu.memory_space<vmem>>
    %dma_wait3A_1038 = arith.constant 0 : i32
    %dma_wait3A_1039 = arith.constant 0 : i32
    %dma_wait3A_1040 = tpu.memref_slice %arg2[%dma_wait3A_1038, %dma_wait3A_1039] : memref<10000x128xf32, #tpu.memory_space<hbm>> -> memref<40x128xf32, #tpu.memory_space<hbm>>
    %dma_wait3A_1041 = tpu.memref_slice %arg9[%dma_wait3A_1033] : memref<5x!tpu.dma_semaphore, #tpu.memory_space<semaphore_mem>> -> memref<1x!tpu.dma_semaphore, #tpu.memory_space<semaphore_mem>>
    %dma_wait3A_1042 = tpu.memref_squeeze %dma_wait3A_1041 : memref<1x!tpu.dma_semaphore, #tpu.memory_space<semaphore_mem>> -> memref<!tpu.dma_semaphore, #tpu.memory_space<semaphore_mem>>
    %dma_wait3A_1043 = arith.constant 0 : i32
    %dma_wait3A_1044 = arith.constant 0 : i32
    %dma_wait3A_1045 = tpu.memref_slice %arg7[%dma_wait3A_1032, %dma_wait3A_1043, %dma_wait3A_1044] : memref<5x40x128xf32, #tpu.memory_space<vmem>> -> memref<1x40x128xf32, #tpu.memory_space<vmem>>
    %dma_wait3A_1046 = tpu.memref_squeeze %dma_wait3A_1045 : memref<1x40x128xf32, #tpu.memory_space<vmem>> -> memref<40x128xf32, #tpu.memory_space<vmem>>
    %dma_wait3A_1047 = arith.constant 0 : i32
    %dma_wait3A_1048 = arith.constant 0 : i32
    %dma_wait3A_1049 = tpu.memref_slice %arg2[%dma_wait3A_1047, %dma_wait3A_1048] : memref<10000x128xf32, #tpu.memory_space<hbm>> -> memref<40x128xf32, #tpu.memory_space<hbm>>
    tpu.wait_dma2 semaphore(%dma_wait3A_1042 : memref<!tpu.dma_semaphore, #tpu.memory_space<semaphore_mem>>) src(%dma_wait3A_1049 : memref<40x128xf32, #tpu.memory_space<hbm>>) dst(%dma_wait3A_1046 : memref<40x128xf32, #tpu.memory_space<vmem>>)
    %dma_start3A_1050 = arith.constant 3 : i32
    %dma_start3A_1051 = arith.constant 2 : i32
    %dma_start3A_1052 = arith.constant 3 : i32
    %dma_start3A_1053 = arith.constant 0 : i32
    %dma_start3A_1054 = arith.constant 0 : i32
    %dma_start3A_1055 = tpu.memref_slice %arg7[%dma_start3A_1050, %dma_start3A_1053, %dma_start3A_1054] : memref<5x40x128xf32, #tpu.memory_space<vmem>> -> memref<1x40x128xf32, #tpu.memory_space<vmem>>
    %dma_start3A_1056 = tpu.memref_squeeze %dma_start3A_1055 : memref<1x40x128xf32, #tpu.memory_space<vmem>> -> memref<40x128xf32, #tpu.memory_space<vmem>>
    %dma_start3A_1057 = arith.constant 0 : i32
    %dma_start3A_1058 = tpu.memref_slice %arg6[%dma_start3A_1051, %dma_start3A_1052, %dma_start3A_1057] : memref<3x5x40xi32, #tpu.memory_space<vmem>> -> memref<1x1x40xi32, #tpu.memory_space<vmem>>
    %dma_start3A_1059 = tpu.memref_squeeze %dma_start3A_1058 : memref<1x1x40xi32, #tpu.memory_space<vmem>> -> memref<40xi32, #tpu.memory_space<vmem>>
    %dma_start3A_1060 = arith.constant 0 : i32
    %dma_start3A_1061 = arith.constant 0 : i32
    %dma_start3A_1062 = tpu.memref_slice %arg8[%dma_start3A_1060, %dma_start3A_1061] : memref<10240x128xf32, #tpu.memory_space<vmem_shared>> -> memref<10240x128xf32, #tpu.memory_space<vmem_shared>>
    tpu.enqueue_indirect_dma source(%dma_start3A_1056 : memref<40x128xf32, #tpu.memory_space<vmem>>) target(%dma_start3A_1062 : memref<10240x128xf32, #tpu.memory_space<vmem_shared>>) offsets(%dma_start3A_1059 : memref<40xi32, #tpu.memory_space<vmem>>) semaphore(%arg10 : memref<!tpu.dma_semaphore, #tpu.memory_space<semaphore_mem>>) {add = true}
    %dma_wait3A_1063 = arith.constant 3 : i32
    %dma_wait3A_1064 = arith.constant 0 : i32
    %dma_wait3A_1065 = arith.constant 0 : i32
    %dma_wait3A_1066 = tpu.memref_slice %arg7[%dma_wait3A_1063, %dma_wait3A_1064, %dma_wait3A_1065] : memref<5x40x128xf32, #tpu.memory_space<vmem>> -> memref<1x40x128xf32, #tpu.memory_space<vmem>>
    %dma_wait3A_1067 = tpu.memref_squeeze %dma_wait3A_1066 : memref<1x40x128xf32, #tpu.memory_space<vmem>> -> memref<40x128xf32, #tpu.memory_space<vmem>>
    %dma_wait3A_1068 = arith.constant 0 : i32
    %dma_wait3A_1069 = arith.constant 0 : i32
    %dma_wait3A_1070 = tpu.memref_slice %arg2[%dma_wait3A_1068, %dma_wait3A_1069] : memref<10000x128xf32, #tpu.memory_space<hbm>> -> memref<40x128xf32, #tpu.memory_space<hbm>>
    %dma_wait3A_1071 = arith.constant 0 : i32
    %dma_wait3A_1072 = arith.constant 0 : i32
    %dma_wait3A_1073 = tpu.memref_slice %arg7[%dma_wait3A_1063, %dma_wait3A_1071, %dma_wait3A_1072] : memref<5x40x128xf32, #tpu.memory_space<vmem>> -> memref<1x40x128xf32, #tpu.memory_space<vmem>>
    %dma_wait3A_1074 = tpu.memref_squeeze %dma_wait3A_1073 : memref<1x40x128xf32, #tpu.memory_space<vmem>> -> memref<40x128xf32, #tpu.memory_space<vmem>>
    %dma_wait3A_1075 = arith.constant 0 : i32
    %dma_wait3A_1076 = arith.constant 0 : i32
    %dma_wait3A_1077 = tpu.memref_slice %arg2[%dma_wait3A_1075, %dma_wait3A_1076] : memref<10000x128xf32, #tpu.memory_space<hbm>> -> memref<40x128xf32, #tpu.memory_space<hbm>>
    tpu.wait_dma2 semaphore(%arg10 : memref<!tpu.dma_semaphore, #tpu.memory_space<semaphore_mem>>) src(%dma_wait3A_1077 : memref<40x128xf32, #tpu.memory_space<hbm>>) dst(%dma_wait3A_1074 : memref<40x128xf32, #tpu.memory_space<vmem>>)
    %dma_start3A_1078 = arith.constant 0 : i32
    %dma_start3A_1079 = arith.constant 3 : i32
    %dma_start3A_1080 = arith.constant 3 : i32
    %dma_start3A_1081 = arith.constant 3 : i32
    %dma_start3A_1082 = arith.constant 0 : i32
    %dma_start3A_1083 = arith.constant 0 : i32
    %dma_start3A_1084 = tpu.memref_slice %arg7[%dma_start3A_1080, %dma_start3A_1082, %dma_start3A_1083] : memref<5x40x128xf32, #tpu.memory_space<vmem>> -> memref<1x40x128xf32, #tpu.memory_space<vmem>>
    %dma_start3A_1085 = tpu.memref_squeeze %dma_start3A_1084 : memref<1x40x128xf32, #tpu.memory_space<vmem>> -> memref<40x128xf32, #tpu.memory_space<vmem>>
    %dma_start3A_1086 = arith.constant 0 : i32
    %dma_start3A_1087 = tpu.memref_slice %arg5[%dma_start3A_1078, %dma_start3A_1079, %dma_start3A_1086] : memref<3x5x40xi32, #tpu.memory_space<vmem>> -> memref<1x1x40xi32, #tpu.memory_space<vmem>>
    %dma_start3A_1088 = tpu.memref_squeeze %dma_start3A_1087 : memref<1x1x40xi32, #tpu.memory_space<vmem>> -> memref<40xi32, #tpu.memory_space<vmem>>
    %dma_start3A_1089 = arith.constant 0 : i32
    %dma_start3A_1090 = arith.constant 0 : i32
    %dma_start3A_1091 = tpu.memref_slice %arg2[%dma_start3A_1089, %dma_start3A_1090] : memref<10000x128xf32, #tpu.memory_space<hbm>> -> memref<10000x128xf32, #tpu.memory_space<hbm>>
    %dma_start3A_1092 = tpu.memref_slice %arg9[%dma_start3A_1081] : memref<5x!tpu.dma_semaphore, #tpu.memory_space<semaphore_mem>> -> memref<1x!tpu.dma_semaphore, #tpu.memory_space<semaphore_mem>>
    %dma_start3A_1093 = tpu.memref_squeeze %dma_start3A_1092 : memref<1x!tpu.dma_semaphore, #tpu.memory_space<semaphore_mem>> -> memref<!tpu.dma_semaphore, #tpu.memory_space<semaphore_mem>>
    tpu.enqueue_indirect_dma source(%dma_start3A_1091 : memref<10000x128xf32, #tpu.memory_space<hbm>>) target(%dma_start3A_1085 : memref<40x128xf32, #tpu.memory_space<vmem>>) offsets(%dma_start3A_1088 : memref<40xi32, #tpu.memory_space<vmem>>) semaphore(%dma_start3A_1093 : memref<!tpu.dma_semaphore, #tpu.memory_space<semaphore_mem>>)
    %dma_wait3A_1094 = arith.constant 4 : i32
    %dma_wait3A_1095 = arith.constant 4 : i32
    %dma_wait3A_1096 = arith.constant 0 : i32
    %dma_wait3A_1097 = arith.constant 0 : i32
    %dma_wait3A_1098 = tpu.memref_slice %arg7[%dma_wait3A_1094, %dma_wait3A_1096, %dma_wait3A_1097] : memref<5x40x128xf32, #tpu.memory_space<vmem>> -> memref<1x40x128xf32, #tpu.memory_space<vmem>>
    %dma_wait3A_1099 = tpu.memref_squeeze %dma_wait3A_1098 : memref<1x40x128xf32, #tpu.memory_space<vmem>> -> memref<40x128xf32, #tpu.memory_space<vmem>>
    %dma_wait3A_1100 = arith.constant 0 : i32
    %dma_wait3A_1101 = arith.constant 0 : i32
    %dma_wait3A_1102 = tpu.memref_slice %arg2[%dma_wait3A_1100, %dma_wait3A_1101] : memref<10000x128xf32, #tpu.memory_space<hbm>> -> memref<40x128xf32, #tpu.memory_space<hbm>>
    %dma_wait3A_1103 = tpu.memref_slice %arg9[%dma_wait3A_1095] : memref<5x!tpu.dma_semaphore, #tpu.memory_space<semaphore_mem>> -> memref<1x!tpu.dma_semaphore, #tpu.memory_space<semaphore_mem>>
    %dma_wait3A_1104 = tpu.memref_squeeze %dma_wait3A_1103 : memref<1x!tpu.dma_semaphore, #tpu.memory_space<semaphore_mem>> -> memref<!tpu.dma_semaphore, #tpu.memory_space<semaphore_mem>>
    %dma_wait3A_1105 = arith.constant 0 : i32
    %dma_wait3A_1106 = arith.constant 0 : i32
    %dma_wait3A_1107 = tpu.memref_slice %arg7[%dma_wait3A_1094, %dma_wait3A_1105, %dma_wait3A_1106] : memref<5x40x128xf32, #tpu.memory_space<vmem>> -> memref<1x40x128xf32, #tpu.memory_space<vmem>>
    %dma_wait3A_1108 = tpu.memref_squeeze %dma_wait3A_1107 : memref<1x40x128xf32, #tpu.memory_space<vmem>> -> memref<40x128xf32, #tpu.memory_space<vmem>>
    %dma_wait3A_1109 = arith.constant 0 : i32
    %dma_wait3A_1110 = arith.constant 0 : i32
    %dma_wait3A_1111 = tpu.memref_slice %arg2[%dma_wait3A_1109, %dma_wait3A_1110] : memref<10000x128xf32, #tpu.memory_space<hbm>> -> memref<40x128xf32, #tpu.memory_space<hbm>>
    tpu.wait_dma2 semaphore(%dma_wait3A_1104 : memref<!tpu.dma_semaphore, #tpu.memory_space<semaphore_mem>>) src(%dma_wait3A_1111 : memref<40x128xf32, #tpu.memory_space<hbm>>) dst(%dma_wait3A_1108 : memref<40x128xf32, #tpu.memory_space<vmem>>)
    %dma_start3A_1112 = arith.constant 4 : i32
    %dma_start3A_1113 = arith.constant 2 : i32
    %dma_start3A_1114 = arith.constant 4 : i32
    %dma_start3A_1115 = arith.constant 0 : i32
    %dma_start3A_1116 = arith.constant 0 : i32
    %dma_start3A_1117 = tpu.memref_slice %arg7[%dma_start3A_1112, %dma_start3A_1115, %dma_start3A_1116] : memref<5x40x128xf32, #tpu.memory_space<vmem>> -> memref<1x40x128xf32, #tpu.memory_space<vmem>>
    %dma_start3A_1118 = tpu.memref_squeeze %dma_start3A_1117 : memref<1x40x128xf32, #tpu.memory_space<vmem>> -> memref<40x128xf32, #tpu.memory_space<vmem>>
    %dma_start3A_1119 = arith.constant 0 : i32
    %dma_start3A_1120 = tpu.memref_slice %arg6[%dma_start3A_1113, %dma_start3A_1114, %dma_start3A_1119] : memref<3x5x40xi32, #tpu.memory_space<vmem>> -> memref<1x1x40xi32, #tpu.memory_space<vmem>>
    %dma_start3A_1121 = tpu.memref_squeeze %dma_start3A_1120 : memref<1x1x40xi32, #tpu.memory_space<vmem>> -> memref<40xi32, #tpu.memory_space<vmem>>
    %dma_start3A_1122 = arith.constant 0 : i32
    %dma_start3A_1123 = arith.constant 0 : i32
    %dma_start3A_1124 = tpu.memref_slice %arg8[%dma_start3A_1122, %dma_start3A_1123] : memref<10240x128xf32, #tpu.memory_space<vmem_shared>> -> memref<10240x128xf32, #tpu.memory_space<vmem_shared>>
    tpu.enqueue_indirect_dma source(%dma_start3A_1118 : memref<40x128xf32, #tpu.memory_space<vmem>>) target(%dma_start3A_1124 : memref<10240x128xf32, #tpu.memory_space<vmem_shared>>) offsets(%dma_start3A_1121 : memref<40xi32, #tpu.memory_space<vmem>>) semaphore(%arg10 : memref<!tpu.dma_semaphore, #tpu.memory_space<semaphore_mem>>) {add = true}
    %dma_wait3A_1125 = arith.constant 0 : i32
    %dma_wait3A_1126 = arith.constant 0 : i32
    %dma_wait3A_1127 = arith.constant 0 : i32
    %dma_wait3A_1128 = arith.constant 0 : i32
    %dma_wait3A_1129 = arith.constant 0 : i32
    %dma_wait3A_1130 = arith.constant 0 : i32
    %dma_wait3A_1131 = tpu.memref_slice %arg5[%dma_wait3A_1128, %dma_wait3A_1129, %dma_wait3A_1130] : memref<3x5x40xi32, #tpu.memory_space<vmem>> -> memref<1x5x40xi32, #tpu.memory_space<vmem>>
    %dma_wait3A_1132 = tpu.memref_squeeze %dma_wait3A_1131 : memref<1x5x40xi32, #tpu.memory_space<vmem>> -> memref<5x40xi32, #tpu.memory_space<vmem>>
    %dma_wait3A_1133 = arith.constant 0 : i32
    %dma_wait3A_1134 = arith.constant 0 : i32
    %dma_wait3A_1135 = tpu.memref_slice %arg3[%dma_wait3A_1125, %dma_wait3A_1126, %dma_wait3A_1127, %dma_wait3A_1133, %dma_wait3A_1134] : memref<2x32x50x5x40xi32, #tpu.memory_space<hbm>> -> memref<1x1x1x5x40xi32, #tpu.memory_space<hbm>>
    %dma_wait3A_1136 = tpu.memref_squeeze %dma_wait3A_1135 : memref<1x1x1x5x40xi32, #tpu.memory_space<hbm>> -> memref<5x40xi32, #tpu.memory_space<hbm>>
    %dma_wait3A_1137 = arith.constant 0 : i32
    %dma_wait3A_1138 = arith.constant 0 : i32
    %dma_wait3A_1139 = tpu.memref_slice %arg5[%dma_wait3A_1128, %dma_wait3A_1137, %dma_wait3A_1138] : memref<3x5x40xi32, #tpu.memory_space<vmem>> -> memref<1x5x40xi32, #tpu.memory_space<vmem>>
    %dma_wait3A_1140 = tpu.memref_squeeze %dma_wait3A_1139 : memref<1x5x40xi32, #tpu.memory_space<vmem>> -> memref<5x40xi32, #tpu.memory_space<vmem>>
    %dma_wait3A_1141 = arith.constant 0 : i32
    %dma_wait3A_1142 = arith.constant 0 : i32
    %dma_wait3A_1143 = tpu.memref_slice %arg3[%dma_wait3A_1125, %dma_wait3A_1126, %dma_wait3A_1127, %dma_wait3A_1141, %dma_wait3A_1142] : memref<2x32x50x5x40xi32, #tpu.memory_space<hbm>> -> memref<1x1x1x5x40xi32, #tpu.memory_space<hbm>>
    %dma_wait3A_1144 = tpu.memref_squeeze %dma_wait3A_1143 : memref<1x1x1x5x40xi32, #tpu.memory_space<hbm>> -> memref<5x40xi32, #tpu.memory_space<hbm>>
    tpu.wait_dma2 semaphore(%arg11 : memref<!tpu.dma_semaphore, #tpu.memory_space<semaphore_mem>>) src(%dma_wait3A_1144 : memref<5x40xi32, #tpu.memory_space<hbm>>) dst(%dma_wait3A_1140 : memref<5x40xi32, #tpu.memory_space<vmem>>)
    %dma_wait3A_1145 = arith.constant 0 : i32
    %dma_wait3A_1146 = arith.constant 0 : i32
    %dma_wait3A_1147 = arith.constant 0 : i32
    %dma_wait3A_1148 = arith.constant 0 : i32
    %dma_wait3A_1149 = arith.constant 0 : i32
    %dma_wait3A_1150 = arith.constant 0 : i32
    %dma_wait3A_1151 = tpu.memref_slice %arg6[%dma_wait3A_1148, %dma_wait3A_1149, %dma_wait3A_1150] : memref<3x5x40xi32, #tpu.memory_space<vmem>> -> memref<1x5x40xi32, #tpu.memory_space<vmem>>
    %dma_wait3A_1152 = tpu.memref_squeeze %dma_wait3A_1151 : memref<1x5x40xi32, #tpu.memory_space<vmem>> -> memref<5x40xi32, #tpu.memory_space<vmem>>
    %dma_wait3A_1153 = arith.constant 0 : i32
    %dma_wait3A_1154 = arith.constant 0 : i32
    %dma_wait3A_1155 = tpu.memref_slice %arg3[%dma_wait3A_1145, %dma_wait3A_1146, %dma_wait3A_1147, %dma_wait3A_1153, %dma_wait3A_1154] : memref<2x32x50x5x40xi32, #tpu.memory_space<hbm>> -> memref<1x1x1x5x40xi32, #tpu.memory_space<hbm>>
    %dma_wait3A_1156 = tpu.memref_squeeze %dma_wait3A_1155 : memref<1x1x1x5x40xi32, #tpu.memory_space<hbm>> -> memref<5x40xi32, #tpu.memory_space<hbm>>
    %dma_wait3A_1157 = arith.constant 0 : i32
    %dma_wait3A_1158 = arith.constant 0 : i32
    %dma_wait3A_1159 = tpu.memref_slice %arg6[%dma_wait3A_1148, %dma_wait3A_1157, %dma_wait3A_1158] : memref<3x5x40xi32, #tpu.memory_space<vmem>> -> memref<1x5x40xi32, #tpu.memory_space<vmem>>
    %dma_wait3A_1160 = tpu.memref_squeeze %dma_wait3A_1159 : memref<1x5x40xi32, #tpu.memory_space<vmem>> -> memref<5x40xi32, #tpu.memory_space<vmem>>
    %dma_wait3A_1161 = arith.constant 0 : i32
    %dma_wait3A_1162 = arith.constant 0 : i32
    %dma_wait3A_1163 = tpu.memref_slice %arg3[%dma_wait3A_1145, %dma_wait3A_1146, %dma_wait3A_1147, %dma_wait3A_1161, %dma_wait3A_1162] : memref<2x32x50x5x40xi32, #tpu.memory_space<hbm>> -> memref<1x1x1x5x40xi32, #tpu.memory_space<hbm>>
    %dma_wait3A_1164 = tpu.memref_squeeze %dma_wait3A_1163 : memref<1x1x1x5x40xi32, #tpu.memory_space<hbm>> -> memref<5x40xi32, #tpu.memory_space<hbm>>
    tpu.wait_dma2 semaphore(%arg11 : memref<!tpu.dma_semaphore, #tpu.memory_space<semaphore_mem>>) src(%dma_wait3A_1164 : memref<5x40xi32, #tpu.memory_space<hbm>>) dst(%dma_wait3A_1160 : memref<5x40xi32, #tpu.memory_space<vmem>>)
    %dma_wait3A_1165 = arith.constant 4 : i32
    %dma_wait3A_1166 = arith.constant 0 : i32
    %dma_wait3A_1167 = arith.constant 0 : i32
    %dma_wait3A_1168 = tpu.memref_slice %arg7[%dma_wait3A_1165, %dma_wait3A_1166, %dma_wait3A_1167] : memref<5x40x128xf32, #tpu.memory_space<vmem>> -> memref<1x40x128xf32, #tpu.memory_space<vmem>>
    %dma_wait3A_1169 = tpu.memref_squeeze %dma_wait3A_1168 : memref<1x40x128xf32, #tpu.memory_space<vmem>> -> memref<40x128xf32, #tpu.memory_space<vmem>>
    %dma_wait3A_1170 = arith.constant 0 : i32
    %dma_wait3A_1171 = arith.constant 0 : i32
    %dma_wait3A_1172 = tpu.memref_slice %arg2[%dma_wait3A_1170, %dma_wait3A_1171] : memref<10000x128xf32, #tpu.memory_space<hbm>> -> memref<40x128xf32, #tpu.memory_space<hbm>>
    %dma_wait3A_1173 = arith.constant 0 : i32
    %dma_wait3A_1174 = arith.constant 0 : i32
    %dma_wait3A_1175 = tpu.memref_slice %arg7[%dma_wait3A_1165, %dma_wait3A_1173, %dma_wait3A_1174] : memref<5x40x128xf32, #tpu.memory_space<vmem>> -> memref<1x40x128xf32, #tpu.memory_space<vmem>>
    %dma_wait3A_1176 = tpu.memref_squeeze %dma_wait3A_1175 : memref<1x40x128xf32, #tpu.memory_space<vmem>> -> memref<40x128xf32, #tpu.memory_space<vmem>>
    %dma_wait3A_1177 = arith.constant 0 : i32
    %dma_wait3A_1178 = arith.constant 0 : i32
    %dma_wait3A_1179 = tpu.memref_slice %arg2[%dma_wait3A_1177, %dma_wait3A_1178] : memref<10000x128xf32, #tpu.memory_space<hbm>> -> memref<40x128xf32, #tpu.memory_space<hbm>>
    tpu.wait_dma2 semaphore(%arg10 : memref<!tpu.dma_semaphore, #tpu.memory_space<semaphore_mem>>) src(%dma_wait3A_1179 : memref<40x128xf32, #tpu.memory_space<hbm>>) dst(%dma_wait3A_1176 : memref<40x128xf32, #tpu.memory_space<vmem>>)
    %dma_start3A_1180 = arith.constant 0 : i32
    %dma_start3A_1181 = arith.constant 4 : i32
    %dma_start3A_1182 = arith.constant 4 : i32
    %dma_start3A_1183 = arith.constant 4 : i32
    %dma_start3A_1184 = arith.constant 0 : i32
    %dma_start3A_1185 = arith.constant 0 : i32
    %dma_start3A_1186 = tpu.memref_slice %arg7[%dma_start3A_1182, %dma_start3A_1184, %dma_start3A_1185] : memref<5x40x128xf32, #tpu.memory_space<vmem>> -> memref<1x40x128xf32, #tpu.memory_space<vmem>>
    %dma_start3A_1187 = tpu.memref_squeeze %dma_start3A_1186 : memref<1x40x128xf32, #tpu.memory_space<vmem>> -> memref<40x128xf32, #tpu.memory_space<vmem>>
    %dma_start3A_1188 = arith.constant 0 : i32
    %dma_start3A_1189 = tpu.memref_slice %arg5[%dma_start3A_1180, %dma_start3A_1181, %dma_start3A_1188] : memref<3x5x40xi32, #tpu.memory_space<vmem>> -> memref<1x1x40xi32, #tpu.memory_space<vmem>>
    %dma_start3A_1190 = tpu.memref_squeeze %dma_start3A_1189 : memref<1x1x40xi32, #tpu.memory_space<vmem>> -> memref<40xi32, #tpu.memory_space<vmem>>
    %dma_start3A_1191 = arith.constant 0 : i32
    %dma_start3A_1192 = arith.constant 0 : i32
    %dma_start3A_1193 = tpu.memref_slice %arg2[%dma_start3A_1191, %dma_start3A_1192] : memref<10000x128xf32, #tpu.memory_space<hbm>> -> memref<10000x128xf32, #tpu.memory_space<hbm>>
    %dma_start3A_1194 = tpu.memref_slice %arg9[%dma_start3A_1183] : memref<5x!tpu.dma_semaphore, #tpu.memory_space<semaphore_mem>> -> memref<1x!tpu.dma_semaphore, #tpu.memory_space<semaphore_mem>>
    %dma_start3A_1195 = tpu.memref_squeeze %dma_start3A_1194 : memref<1x!tpu.dma_semaphore, #tpu.memory_space<semaphore_mem>> -> memref<!tpu.dma_semaphore, #tpu.memory_space<semaphore_mem>>
    tpu.enqueue_indirect_dma source(%dma_start3A_1193 : memref<10000x128xf32, #tpu.memory_space<hbm>>) target(%dma_start3A_1187 : memref<40x128xf32, #tpu.memory_space<vmem>>) offsets(%dma_start3A_1190 : memref<40xi32, #tpu.memory_space<vmem>>) semaphore(%dma_start3A_1195 : memref<!tpu.dma_semaphore, #tpu.memory_space<semaphore_mem>>)
    %dma_wait3A_1196 = arith.constant 0 : i32
    %dma_wait3A_1197 = arith.constant 0 : i32
    %dma_wait3A_1198 = arith.constant 0 : i32
    %dma_wait3A_1199 = arith.constant 0 : i32
    %dma_wait3A_1200 = tpu.memref_slice %arg7[%dma_wait3A_1196, %dma_wait3A_1198, %dma_wait3A_1199] : memref<5x40x128xf32, #tpu.memory_space<vmem>> -> memref<1x40x128xf32, #tpu.memory_space<vmem>>
    %dma_wait3A_1201 = tpu.memref_squeeze %dma_wait3A_1200 : memref<1x40x128xf32, #tpu.memory_space<vmem>> -> memref<40x128xf32, #tpu.memory_space<vmem>>
    %dma_wait3A_1202 = arith.constant 0 : i32
    %dma_wait3A_1203 = arith.constant 0 : i32
    %dma_wait3A_1204 = tpu.memref_slice %arg2[%dma_wait3A_1202, %dma_wait3A_1203] : memref<10000x128xf32, #tpu.memory_space<hbm>> -> memref<40x128xf32, #tpu.memory_space<hbm>>
    %dma_wait3A_1205 = tpu.memref_slice %arg9[%dma_wait3A_1197] : memref<5x!tpu.dma_semaphore, #tpu.memory_space<semaphore_mem>> -> memref<1x!tpu.dma_semaphore, #tpu.memory_space<semaphore_mem>>
    %dma_wait3A_1206 = tpu.memref_squeeze %dma_wait3A_1205 : memref<1x!tpu.dma_semaphore, #tpu.memory_space<semaphore_mem>> -> memref<!tpu.dma_semaphore, #tpu.memory_space<semaphore_mem>>
    %dma_wait3A_1207 = arith.constant 0 : i32
    %dma_wait3A_1208 = arith.constant 0 : i32
    %dma_wait3A_1209 = tpu.memref_slice %arg7[%dma_wait3A_1196, %dma_wait3A_1207, %dma_wait3A_1208] : memref<5x40x128xf32, #tpu.memory_space<vmem>> -> memref<1x40x128xf32, #tpu.memory_space<vmem>>
    %dma_wait3A_1210 = tpu.memref_squeeze %dma_wait3A_1209 : memref<1x40x128xf32, #tpu.memory_space<vmem>> -> memref<40x128xf32, #tpu.memory_space<vmem>>
    %dma_wait3A_1211 = arith.constant 0 : i32
    %dma_wait3A_1212 = arith.constant 0 : i32
    %dma_wait3A_1213 = tpu.memref_slice %arg2[%dma_wait3A_1211, %dma_wait3A_1212] : memref<10000x128xf32, #tpu.memory_space<hbm>> -> memref<40x128xf32, #tpu.memory_space<hbm>>
    tpu.wait_dma2 semaphore(%dma_wait3A_1206 : memref<!tpu.dma_semaphore, #tpu.memory_space<semaphore_mem>>) src(%dma_wait3A_1213 : memref<40x128xf32, #tpu.memory_space<hbm>>) dst(%dma_wait3A_1210 : memref<40x128xf32, #tpu.memory_space<vmem>>)
    %dma_start3A_1214 = arith.constant 0 : i32
    %dma_start3A_1215 = arith.constant 0 : i32
    %dma_start3A_1216 = arith.constant 0 : i32
    %dma_start3A_1217 = arith.constant 0 : i32
    %dma_start3A_1218 = arith.constant 0 : i32
    %dma_start3A_1219 = tpu.memref_slice %arg7[%dma_start3A_1214, %dma_start3A_1217, %dma_start3A_1218] : memref<5x40x128xf32, #tpu.memory_space<vmem>> -> memref<1x40x128xf32, #tpu.memory_space<vmem>>
    %dma_start3A_1220 = tpu.memref_squeeze %dma_start3A_1219 : memref<1x40x128xf32, #tpu.memory_space<vmem>> -> memref<40x128xf32, #tpu.memory_space<vmem>>
    %dma_start3A_1221 = arith.constant 0 : i32
    %dma_start3A_1222 = tpu.memref_slice %arg6[%dma_start3A_1215, %dma_start3A_1216, %dma_start3A_1221] : memref<3x5x40xi32, #tpu.memory_space<vmem>> -> memref<1x1x40xi32, #tpu.memory_space<vmem>>
    %dma_start3A_1223 = tpu.memref_squeeze %dma_start3A_1222 : memref<1x1x40xi32, #tpu.memory_space<vmem>> -> memref<40xi32, #tpu.memory_space<vmem>>
    %dma_start3A_1224 = arith.constant 0 : i32
    %dma_start3A_1225 = arith.constant 0 : i32
    %dma_start3A_1226 = tpu.memref_slice %arg8[%dma_start3A_1224, %dma_start3A_1225] : memref<10240x128xf32, #tpu.memory_space<vmem_shared>> -> memref<10240x128xf32, #tpu.memory_space<vmem_shared>>
    tpu.enqueue_indirect_dma source(%dma_start3A_1220 : memref<40x128xf32, #tpu.memory_space<vmem>>) target(%dma_start3A_1226 : memref<10240x128xf32, #tpu.memory_space<vmem_shared>>) offsets(%dma_start3A_1223 : memref<40xi32, #tpu.memory_space<vmem>>) semaphore(%arg10 : memref<!tpu.dma_semaphore, #tpu.memory_space<semaphore_mem>>) {add = true}
    %dma_wait3A_1227 = arith.constant 0 : i32
    %dma_wait3A_1228 = arith.constant 0 : i32
    %dma_wait3A_1229 = arith.constant 0 : i32
    %dma_wait3A_1230 = tpu.memref_slice %arg7[%dma_wait3A_1227, %dma_wait3A_1228, %dma_wait3A_1229] : memref<5x40x128xf32, #tpu.memory_space<vmem>> -> memref<1x40x128xf32, #tpu.memory_space<vmem>>
    %dma_wait3A_1231 = tpu.memref_squeeze %dma_wait3A_1230 : memref<1x40x128xf32, #tpu.memory_space<vmem>> -> memref<40x128xf32, #tpu.memory_space<vmem>>
    %dma_wait3A_1232 = arith.constant 0 : i32
    %dma_wait3A_1233 = arith.constant 0 : i32
    %dma_wait3A_1234 = tpu.memref_slice %arg2[%dma_wait3A_1232, %dma_wait3A_1233] : memref<10000x128xf32, #tpu.memory_space<hbm>> -> memref<40x128xf32, #tpu.memory_space<hbm>>
    %dma_wait3A_1235 = arith.constant 0 : i32
    %dma_wait3A_1236 = arith.constant 0 : i32
    %dma_wait3A_1237 = tpu.memref_slice %arg7[%dma_wait3A_1227, %dma_wait3A_1235, %dma_wait3A_1236] : memref<5x40x128xf32, #tpu.memory_space<vmem>> -> memref<1x40x128xf32, #tpu.memory_space<vmem>>
    %dma_wait3A_1238 = tpu.memref_squeeze %dma_wait3A_1237 : memref<1x40x128xf32, #tpu.memory_space<vmem>> -> memref<40x128xf32, #tpu.memory_space<vmem>>
    %dma_wait3A_1239 = arith.constant 0 : i32
    %dma_wait3A_1240 = arith.constant 0 : i32
    %dma_wait3A_1241 = tpu.memref_slice %arg2[%dma_wait3A_1239, %dma_wait3A_1240] : memref<10000x128xf32, #tpu.memory_space<hbm>> -> memref<40x128xf32, #tpu.memory_space<hbm>>
    tpu.wait_dma2 semaphore(%arg10 : memref<!tpu.dma_semaphore, #tpu.memory_space<semaphore_mem>>) src(%dma_wait3A_1241 : memref<40x128xf32, #tpu.memory_space<hbm>>) dst(%dma_wait3A_1238 : memref<40x128xf32, #tpu.memory_space<vmem>>)
    %dma_start3A_1242 = arith.constant 1 : i32
    %dma_start3A_1243 = arith.constant 0 : i32
    %dma_start3A_1244 = arith.constant 0 : i32
    %dma_start3A_1245 = arith.constant 0 : i32
    %dma_start3A_1246 = arith.constant 0 : i32
    %dma_start3A_1247 = arith.constant 0 : i32
    %dma_start3A_1248 = tpu.memref_slice %arg7[%dma_start3A_1244, %dma_start3A_1246, %dma_start3A_1247] : memref<5x40x128xf32, #tpu.memory_space<vmem>> -> memref<1x40x128xf32, #tpu.memory_space<vmem>>
    %dma_start3A_1249 = tpu.memref_squeeze %dma_start3A_1248 : memref<1x40x128xf32, #tpu.memory_space<vmem>> -> memref<40x128xf32, #tpu.memory_space<vmem>>
    %dma_start3A_1250 = arith.constant 0 : i32
    %dma_start3A_1251 = tpu.memref_slice %arg5[%dma_start3A_1242, %dma_start3A_1243, %dma_start3A_1250] : memref<3x5x40xi32, #tpu.memory_space<vmem>> -> memref<1x1x40xi32, #tpu.memory_space<vmem>>
    %dma_start3A_1252 = tpu.memref_squeeze %dma_start3A_1251 : memref<1x1x40xi32, #tpu.memory_space<vmem>> -> memref<40xi32, #tpu.memory_space<vmem>>
    %dma_start3A_1253 = arith.constant 0 : i32
    %dma_start3A_1254 = arith.constant 0 : i32
    %dma_start3A_1255 = tpu.memref_slice %arg2[%dma_start3A_1253, %dma_start3A_1254] : memref<10000x128xf32, #tpu.memory_space<hbm>> -> memref<10000x128xf32, #tpu.memory_space<hbm>>
    %dma_start3A_1256 = tpu.memref_slice %arg9[%dma_start3A_1245] : memref<5x!tpu.dma_semaphore, #tpu.memory_space<semaphore_mem>> -> memref<1x!tpu.dma_semaphore, #tpu.memory_space<semaphore_mem>>
    %dma_start3A_1257 = tpu.memref_squeeze %dma_start3A_1256 : memref<1x!tpu.dma_semaphore, #tpu.memory_space<semaphore_mem>> -> memref<!tpu.dma_semaphore, #tpu.memory_space<semaphore_mem>>
    tpu.enqueue_indirect_dma source(%dma_start3A_1255 : memref<10000x128xf32, #tpu.memory_space<hbm>>) target(%dma_start3A_1249 : memref<40x128xf32, #tpu.memory_space<vmem>>) offsets(%dma_start3A_1252 : memref<40xi32, #tpu.memory_space<vmem>>) semaphore(%dma_start3A_1257 : memref<!tpu.dma_semaphore, #tpu.memory_space<semaphore_mem>>)
    %dma_wait3A_1258 = arith.constant 1 : i32
    %dma_wait3A_1259 = arith.constant 1 : i32
    %dma_wait3A_1260 = arith.constant 0 : i32
    %dma_wait3A_1261 = arith.constant 0 : i32
    %dma_wait3A_1262 = tpu.memref_slice %arg7[%dma_wait3A_1258, %dma_wait3A_1260, %dma_wait3A_1261] : memref<5x40x128xf32, #tpu.memory_space<vmem>> -> memref<1x40x128xf32, #tpu.memory_space<vmem>>
    %dma_wait3A_1263 = tpu.memref_squeeze %dma_wait3A_1262 : memref<1x40x128xf32, #tpu.memory_space<vmem>> -> memref<40x128xf32, #tpu.memory_space<vmem>>
    %dma_wait3A_1264 = arith.constant 0 : i32
    %dma_wait3A_1265 = arith.constant 0 : i32
    %dma_wait3A_1266 = tpu.memref_slice %arg2[%dma_wait3A_1264, %dma_wait3A_1265] : memref<10000x128xf32, #tpu.memory_space<hbm>> -> memref<40x128xf32, #tpu.memory_space<hbm>>
    %dma_wait3A_1267 = tpu.memref_slice %arg9[%dma_wait3A_1259] : memref<5x!tpu.dma_semaphore, #tpu.memory_space<semaphore_mem>> -> memref<1x!tpu.dma_semaphore, #tpu.memory_space<semaphore_mem>>
    %dma_wait3A_1268 = tpu.memref_squeeze %dma_wait3A_1267 : memref<1x!tpu.dma_semaphore, #tpu.memory_space<semaphore_mem>> -> memref<!tpu.dma_semaphore, #tpu.memory_space<semaphore_mem>>
    %dma_wait3A_1269 = arith.constant 0 : i32
    %dma_wait3A_1270 = arith.constant 0 : i32
    %dma_wait3A_1271 = tpu.memref_slice %arg7[%dma_wait3A_1258, %dma_wait3A_1269, %dma_wait3A_1270] : memref<5x40x128xf32, #tpu.memory_space<vmem>> -> memref<1x40x128xf32, #tpu.memory_space<vmem>>
    %dma_wait3A_1272 = tpu.memref_squeeze %dma_wait3A_1271 : memref<1x40x128xf32, #tpu.memory_space<vmem>> -> memref<40x128xf32, #tpu.memory_space<vmem>>
    %dma_wait3A_1273 = arith.constant 0 : i32
    %dma_wait3A_1274 = arith.constant 0 : i32
    %dma_wait3A_1275 = tpu.memref_slice %arg2[%dma_wait3A_1273, %dma_wait3A_1274] : memref<10000x128xf32, #tpu.memory_space<hbm>> -> memref<40x128xf32, #tpu.memory_space<hbm>>
    tpu.wait_dma2 semaphore(%dma_wait3A_1268 : memref<!tpu.dma_semaphore, #tpu.memory_space<semaphore_mem>>) src(%dma_wait3A_1275 : memref<40x128xf32, #tpu.memory_space<hbm>>) dst(%dma_wait3A_1272 : memref<40x128xf32, #tpu.memory_space<vmem>>)
    %dma_start3A_1276 = arith.constant 1 : i32
    %dma_start3A_1277 = arith.constant 0 : i32
    %dma_start3A_1278 = arith.constant 1 : i32
    %dma_start3A_1279 = arith.constant 0 : i32
    %dma_start3A_1280 = arith.constant 0 : i32
    %dma_start3A_1281 = tpu.memref_slice %arg7[%dma_start3A_1276, %dma_start3A_1279, %dma_start3A_1280] : memref<5x40x128xf32, #tpu.memory_space<vmem>> -> memref<1x40x128xf32, #tpu.memory_space<vmem>>
    %dma_start3A_1282 = tpu.memref_squeeze %dma_start3A_1281 : memref<1x40x128xf32, #tpu.memory_space<vmem>> -> memref<40x128xf32, #tpu.memory_space<vmem>>
    %dma_start3A_1283 = arith.constant 0 : i32
    %dma_start3A_1284 = tpu.memref_slice %arg6[%dma_start3A_1277, %dma_start3A_1278, %dma_start3A_1283] : memref<3x5x40xi32, #tpu.memory_space<vmem>> -> memref<1x1x40xi32, #tpu.memory_space<vmem>>
    %dma_start3A_1285 = tpu.memref_squeeze %dma_start3A_1284 : memref<1x1x40xi32, #tpu.memory_space<vmem>> -> memref<40xi32, #tpu.memory_space<vmem>>
    %dma_start3A_1286 = arith.constant 0 : i32
    %dma_start3A_1287 = arith.constant 0 : i32
    %dma_start3A_1288 = tpu.memref_slice %arg8[%dma_start3A_1286, %dma_start3A_1287] : memref<10240x128xf32, #tpu.memory_space<vmem_shared>> -> memref<10240x128xf32, #tpu.memory_space<vmem_shared>>
    tpu.enqueue_indirect_dma source(%dma_start3A_1282 : memref<40x128xf32, #tpu.memory_space<vmem>>) target(%dma_start3A_1288 : memref<10240x128xf32, #tpu.memory_space<vmem_shared>>) offsets(%dma_start3A_1285 : memref<40xi32, #tpu.memory_space<vmem>>) semaphore(%arg10 : memref<!tpu.dma_semaphore, #tpu.memory_space<semaphore_mem>>) {add = true}
    %dma_wait3A_1289 = arith.constant 1 : i32
    %dma_wait3A_1290 = arith.constant 0 : i32
    %dma_wait3A_1291 = arith.constant 0 : i32
    %dma_wait3A_1292 = tpu.memref_slice %arg7[%dma_wait3A_1289, %dma_wait3A_1290, %dma_wait3A_1291] : memref<5x40x128xf32, #tpu.memory_space<vmem>> -> memref<1x40x128xf32, #tpu.memory_space<vmem>>
    %dma_wait3A_1293 = tpu.memref_squeeze %dma_wait3A_1292 : memref<1x40x128xf32, #tpu.memory_space<vmem>> -> memref<40x128xf32, #tpu.memory_space<vmem>>
    %dma_wait3A_1294 = arith.constant 0 : i32
    %dma_wait3A_1295 = arith.constant 0 : i32
    %dma_wait3A_1296 = tpu.memref_slice %arg2[%dma_wait3A_1294, %dma_wait3A_1295] : memref<10000x128xf32, #tpu.memory_space<hbm>> -> memref<40x128xf32, #tpu.memory_space<hbm>>
    %dma_wait3A_1297 = arith.constant 0 : i32
    %dma_wait3A_1298 = arith.constant 0 : i32
    %dma_wait3A_1299 = tpu.memref_slice %arg7[%dma_wait3A_1289, %dma_wait3A_1297, %dma_wait3A_1298] : memref<5x40x128xf32, #tpu.memory_space<vmem>> -> memref<1x40x128xf32, #tpu.memory_space<vmem>>
    %dma_wait3A_1300 = tpu.memref_squeeze %dma_wait3A_1299 : memref<1x40x128xf32, #tpu.memory_space<vmem>> -> memref<40x128xf32, #tpu.memory_space<vmem>>
    %dma_wait3A_1301 = arith.constant 0 : i32
    %dma_wait3A_1302 = arith.constant 0 : i32
    %dma_wait3A_1303 = tpu.memref_slice %arg2[%dma_wait3A_1301, %dma_wait3A_1302] : memref<10000x128xf32, #tpu.memory_space<hbm>> -> memref<40x128xf32, #tpu.memory_space<hbm>>
    tpu.wait_dma2 semaphore(%arg10 : memref<!tpu.dma_semaphore, #tpu.memory_space<semaphore_mem>>) src(%dma_wait3A_1303 : memref<40x128xf32, #tpu.memory_space<hbm>>) dst(%dma_wait3A_1300 : memref<40x128xf32, #tpu.memory_space<vmem>>)
    %dma_start3A_1304 = arith.constant 1 : i32
    %dma_start3A_1305 = arith.constant 1 : i32
    %dma_start3A_1306 = arith.constant 1 : i32
    %dma_start3A_1307 = arith.constant 1 : i32
    %dma_start3A_1308 = arith.constant 0 : i32
    %dma_start3A_1309 = arith.constant 0 : i32
    %dma_start3A_1310 = tpu.memref_slice %arg7[%dma_start3A_1306, %dma_start3A_1308, %dma_start3A_1309] : memref<5x40x128xf32, #tpu.memory_space<vmem>> -> memref<1x40x128xf32, #tpu.memory_space<vmem>>
    %dma_start3A_1311 = tpu.memref_squeeze %dma_start3A_1310 : memref<1x40x128xf32, #tpu.memory_space<vmem>> -> memref<40x128xf32, #tpu.memory_space<vmem>>
    %dma_start3A_1312 = arith.constant 0 : i32
    %dma_start3A_1313 = tpu.memref_slice %arg5[%dma_start3A_1304, %dma_start3A_1305, %dma_start3A_1312] : memref<3x5x40xi32, #tpu.memory_space<vmem>> -> memref<1x1x40xi32, #tpu.memory_space<vmem>>
    %dma_start3A_1314 = tpu.memref_squeeze %dma_start3A_1313 : memref<1x1x40xi32, #tpu.memory_space<vmem>> -> memref<40xi32, #tpu.memory_space<vmem>>
    %dma_start3A_1315 = arith.constant 0 : i32
    %dma_start3A_1316 = arith.constant 0 : i32
    %dma_start3A_1317 = tpu.memref_slice %arg2[%dma_start3A_1315, %dma_start3A_1316] : memref<10000x128xf32, #tpu.memory_space<hbm>> -> memref<10000x128xf32, #tpu.memory_space<hbm>>
    %dma_start3A_1318 = tpu.memref_slice %arg9[%dma_start3A_1307] : memref<5x!tpu.dma_semaphore, #tpu.memory_space<semaphore_mem>> -> memref<1x!tpu.dma_semaphore, #tpu.memory_space<semaphore_mem>>
    %dma_start3A_1319 = tpu.memref_squeeze %dma_start3A_1318 : memref<1x!tpu.dma_semaphore, #tpu.memory_space<semaphore_mem>> -> memref<!tpu.dma_semaphore, #tpu.memory_space<semaphore_mem>>
    tpu.enqueue_indirect_dma source(%dma_start3A_1317 : memref<10000x128xf32, #tpu.memory_space<hbm>>) target(%dma_start3A_1311 : memref<40x128xf32, #tpu.memory_space<vmem>>) offsets(%dma_start3A_1314 : memref<40xi32, #tpu.memory_space<vmem>>) semaphore(%dma_start3A_1319 : memref<!tpu.dma_semaphore, #tpu.memory_space<semaphore_mem>>)
    %dma_wait3A_1320 = arith.constant 2 : i32
    %dma_wait3A_1321 = arith.constant 2 : i32
    %dma_wait3A_1322 = arith.constant 0 : i32
    %dma_wait3A_1323 = arith.constant 0 : i32
    %dma_wait3A_1324 = tpu.memref_slice %arg7[%dma_wait3A_1320, %dma_wait3A_1322, %dma_wait3A_1323] : memref<5x40x128xf32, #tpu.memory_space<vmem>> -> memref<1x40x128xf32, #tpu.memory_space<vmem>>
    %dma_wait3A_1325 = tpu.memref_squeeze %dma_wait3A_1324 : memref<1x40x128xf32, #tpu.memory_space<vmem>> -> memref<40x128xf32, #tpu.memory_space<vmem>>
    %dma_wait3A_1326 = arith.constant 0 : i32
    %dma_wait3A_1327 = arith.constant 0 : i32
    %dma_wait3A_1328 = tpu.memref_slice %arg2[%dma_wait3A_1326, %dma_wait3A_1327] : memref<10000x128xf32, #tpu.memory_space<hbm>> -> memref<40x128xf32, #tpu.memory_space<hbm>>
    %dma_wait3A_1329 = tpu.memref_slice %arg9[%dma_wait3A_1321] : memref<5x!tpu.dma_semaphore, #tpu.memory_space<semaphore_mem>> -> memref<1x!tpu.dma_semaphore, #tpu.memory_space<semaphore_mem>>
    %dma_wait3A_1330 = tpu.memref_squeeze %dma_wait3A_1329 : memref<1x!tpu.dma_semaphore, #tpu.memory_space<semaphore_mem>> -> memref<!tpu.dma_semaphore, #tpu.memory_space<semaphore_mem>>
    %dma_wait3A_1331 = arith.constant 0 : i32
    %dma_wait3A_1332 = arith.constant 0 : i32
    %dma_wait3A_1333 = tpu.memref_slice %arg7[%dma_wait3A_1320, %dma_wait3A_1331, %dma_wait3A_1332] : memref<5x40x128xf32, #tpu.memory_space<vmem>> -> memref<1x40x128xf32, #tpu.memory_space<vmem>>
    %dma_wait3A_1334 = tpu.memref_squeeze %dma_wait3A_1333 : memref<1x40x128xf32, #tpu.memory_space<vmem>> -> memref<40x128xf32, #tpu.memory_space<vmem>>
    %dma_wait3A_1335 = arith.constant 0 : i32
    %dma_wait3A_1336 = arith.constant 0 : i32
    %dma_wait3A_1337 = tpu.memref_slice %arg2[%dma_wait3A_1335, %dma_wait3A_1336] : memref<10000x128xf32, #tpu.memory_space<hbm>> -> memref<40x128xf32, #tpu.memory_space<hbm>>
    tpu.wait_dma2 semaphore(%dma_wait3A_1330 : memref<!tpu.dma_semaphore, #tpu.memory_space<semaphore_mem>>) src(%dma_wait3A_1337 : memref<40x128xf32, #tpu.memory_space<hbm>>) dst(%dma_wait3A_1334 : memref<40x128xf32, #tpu.memory_space<vmem>>)
    %dma_start3A_1338 = arith.constant 2 : i32
    %dma_start3A_1339 = arith.constant 0 : i32
    %dma_start3A_1340 = arith.constant 2 : i32
    %dma_start3A_1341 = arith.constant 0 : i32
    %dma_start3A_1342 = arith.constant 0 : i32
    %dma_start3A_1343 = tpu.memref_slice %arg7[%dma_start3A_1338, %dma_start3A_1341, %dma_start3A_1342] : memref<5x40x128xf32, #tpu.memory_space<vmem>> -> memref<1x40x128xf32, #tpu.memory_space<vmem>>
    %dma_start3A_1344 = tpu.memref_squeeze %dma_start3A_1343 : memref<1x40x128xf32, #tpu.memory_space<vmem>> -> memref<40x128xf32, #tpu.memory_space<vmem>>
    %dma_start3A_1345 = arith.constant 0 : i32
    %dma_start3A_1346 = tpu.memref_slice %arg6[%dma_start3A_1339, %dma_start3A_1340, %dma_start3A_1345] : memref<3x5x40xi32, #tpu.memory_space<vmem>> -> memref<1x1x40xi32, #tpu.memory_space<vmem>>
    %dma_start3A_1347 = tpu.memref_squeeze %dma_start3A_1346 : memref<1x1x40xi32, #tpu.memory_space<vmem>> -> memref<40xi32, #tpu.memory_space<vmem>>
    %dma_start3A_1348 = arith.constant 0 : i32
    %dma_start3A_1349 = arith.constant 0 : i32
    %dma_start3A_1350 = tpu.memref_slice %arg8[%dma_start3A_1348, %dma_start3A_1349] : memref<10240x128xf32, #tpu.memory_space<vmem_shared>> -> memref<10240x128xf32, #tpu.memory_space<vmem_shared>>
    tpu.enqueue_indirect_dma source(%dma_start3A_1344 : memref<40x128xf32, #tpu.memory_space<vmem>>) target(%dma_start3A_1350 : memref<10240x128xf32, #tpu.memory_space<vmem_shared>>) offsets(%dma_start3A_1347 : memref<40xi32, #tpu.memory_space<vmem>>) semaphore(%arg10 : memref<!tpu.dma_semaphore, #tpu.memory_space<semaphore_mem>>) {add = true}
    %dma_wait3A_1351 = arith.constant 2 : i32
    %dma_wait3A_1352 = arith.constant 0 : i32
    %dma_wait3A_1353 = arith.constant 0 : i32
    %dma_wait3A_1354 = tpu.memref_slice %arg7[%dma_wait3A_1351, %dma_wait3A_1352, %dma_wait3A_1353] : memref<5x40x128xf32, #tpu.memory_space<vmem>> -> memref<1x40x128xf32, #tpu.memory_space<vmem>>
    %dma_wait3A_1355 = tpu.memref_squeeze %dma_wait3A_1354 : memref<1x40x128xf32, #tpu.memory_space<vmem>> -> memref<40x128xf32, #tpu.memory_space<vmem>>
    %dma_wait3A_1356 = arith.constant 0 : i32
    %dma_wait3A_1357 = arith.constant 0 : i32
    %dma_wait3A_1358 = tpu.memref_slice %arg2[%dma_wait3A_1356, %dma_wait3A_1357] : memref<10000x128xf32, #tpu.memory_space<hbm>> -> memref<40x128xf32, #tpu.memory_space<hbm>>
    %dma_wait3A_1359 = arith.constant 0 : i32
    %dma_wait3A_1360 = arith.constant 0 : i32
    %dma_wait3A_1361 = tpu.memref_slice %arg7[%dma_wait3A_1351, %dma_wait3A_1359, %dma_wait3A_1360] : memref<5x40x128xf32, #tpu.memory_space<vmem>> -> memref<1x40x128xf32, #tpu.memory_space<vmem>>
    %dma_wait3A_1362 = tpu.memref_squeeze %dma_wait3A_1361 : memref<1x40x128xf32, #tpu.memory_space<vmem>> -> memref<40x128xf32, #tpu.memory_space<vmem>>
    %dma_wait3A_1363 = arith.constant 0 : i32
    %dma_wait3A_1364 = arith.constant 0 : i32
    %dma_wait3A_1365 = tpu.memref_slice %arg2[%dma_wait3A_1363, %dma_wait3A_1364] : memref<10000x128xf32, #tpu.memory_space<hbm>> -> memref<40x128xf32, #tpu.memory_space<hbm>>
    tpu.wait_dma2 semaphore(%arg10 : memref<!tpu.dma_semaphore, #tpu.memory_space<semaphore_mem>>) src(%dma_wait3A_1365 : memref<40x128xf32, #tpu.memory_space<hbm>>) dst(%dma_wait3A_1362 : memref<40x128xf32, #tpu.memory_space<vmem>>)
    %dma_start3A_1366 = arith.constant 1 : i32
    %dma_start3A_1367 = arith.constant 2 : i32
    %dma_start3A_1368 = arith.constant 2 : i32
    %dma_start3A_1369 = arith.constant 2 : i32
    %dma_start3A_1370 = arith.constant 0 : i32
    %dma_start3A_1371 = arith.constant 0 : i32
    %dma_start3A_1372 = tpu.memref_slice %arg7[%dma_start3A_1368, %dma_start3A_1370, %dma_start3A_1371] : memref<5x40x128xf32, #tpu.memory_space<vmem>> -> memref<1x40x128xf32, #tpu.memory_space<vmem>>
    %dma_start3A_1373 = tpu.memref_squeeze %dma_start3A_1372 : memref<1x40x128xf32, #tpu.memory_space<vmem>> -> memref<40x128xf32, #tpu.memory_space<vmem>>
    %dma_start3A_1374 = arith.constant 0 : i32
    %dma_start3A_1375 = tpu.memref_slice %arg5[%dma_start3A_1366, %dma_start3A_1367, %dma_start3A_1374] : memref<3x5x40xi32, #tpu.memory_space<vmem>> -> memref<1x1x40xi32, #tpu.memory_space<vmem>>
    %dma_start3A_1376 = tpu.memref_squeeze %dma_start3A_1375 : memref<1x1x40xi32, #tpu.memory_space<vmem>> -> memref<40xi32, #tpu.memory_space<vmem>>
    %dma_start3A_1377 = arith.constant 0 : i32
    %dma_start3A_1378 = arith.constant 0 : i32
    %dma_start3A_1379 = tpu.memref_slice %arg2[%dma_start3A_1377, %dma_start3A_1378] : memref<10000x128xf32, #tpu.memory_space<hbm>> -> memref<10000x128xf32, #tpu.memory_space<hbm>>
    %dma_start3A_1380 = tpu.memref_slice %arg9[%dma_start3A_1369] : memref<5x!tpu.dma_semaphore, #tpu.memory_space<semaphore_mem>> -> memref<1x!tpu.dma_semaphore, #tpu.memory_space<semaphore_mem>>
    %dma_start3A_1381 = tpu.memref_squeeze %dma_start3A_1380 : memref<1x!tpu.dma_semaphore, #tpu.memory_space<semaphore_mem>> -> memref<!tpu.dma_semaphore, #tpu.memory_space<semaphore_mem>>
    tpu.enqueue_indirect_dma source(%dma_start3A_1379 : memref<10000x128xf32, #tpu.memory_space<hbm>>) target(%dma_start3A_1373 : memref<40x128xf32, #tpu.memory_space<vmem>>) offsets(%dma_start3A_1376 : memref<40xi32, #tpu.memory_space<vmem>>) semaphore(%dma_start3A_1381 : memref<!tpu.dma_semaphore, #tpu.memory_space<semaphore_mem>>)
    %dma_wait3A_1382 = arith.constant 3 : i32
    %dma_wait3A_1383 = arith.constant 3 : i32
    %dma_wait3A_1384 = arith.constant 0 : i32
    %dma_wait3A_1385 = arith.constant 0 : i32
    %dma_wait3A_1386 = tpu.memref_slice %arg7[%dma_wait3A_1382, %dma_wait3A_1384, %dma_wait3A_1385] : memref<5x40x128xf32, #tpu.memory_space<vmem>> -> memref<1x40x128xf32, #tpu.memory_space<vmem>>
    %dma_wait3A_1387 = tpu.memref_squeeze %dma_wait3A_1386 : memref<1x40x128xf32, #tpu.memory_space<vmem>> -> memref<40x128xf32, #tpu.memory_space<vmem>>
    %dma_wait3A_1388 = arith.constant 0 : i32
    %dma_wait3A_1389 = arith.constant 0 : i32
    %dma_wait3A_1390 = tpu.memref_slice %arg2[%dma_wait3A_1388, %dma_wait3A_1389] : memref<10000x128xf32, #tpu.memory_space<hbm>> -> memref<40x128xf32, #tpu.memory_space<hbm>>
    %dma_wait3A_1391 = tpu.memref_slice %arg9[%dma_wait3A_1383] : memref<5x!tpu.dma_semaphore, #tpu.memory_space<semaphore_mem>> -> memref<1x!tpu.dma_semaphore, #tpu.memory_space<semaphore_mem>>
    %dma_wait3A_1392 = tpu.memref_squeeze %dma_wait3A_1391 : memref<1x!tpu.dma_semaphore, #tpu.memory_space<semaphore_mem>> -> memref<!tpu.dma_semaphore, #tpu.memory_space<semaphore_mem>>
    %dma_wait3A_1393 = arith.constant 0 : i32
    %dma_wait3A_1394 = arith.constant 0 : i32
    %dma_wait3A_1395 = tpu.memref_slice %arg7[%dma_wait3A_1382, %dma_wait3A_1393, %dma_wait3A_1394] : memref<5x40x128xf32, #tpu.memory_space<vmem>> -> memref<1x40x128xf32, #tpu.memory_space<vmem>>
    %dma_wait3A_1396 = tpu.memref_squeeze %dma_wait3A_1395 : memref<1x40x128xf32, #tpu.memory_space<vmem>> -> memref<40x128xf32, #tpu.memory_space<vmem>>
    %dma_wait3A_1397 = arith.constant 0 : i32
    %dma_wait3A_1398 = arith.constant 0 : i32
    %dma_wait3A_1399 = tpu.memref_slice %arg2[%dma_wait3A_1397, %dma_wait3A_1398] : memref<10000x128xf32, #tpu.memory_space<hbm>> -> memref<40x128xf32, #tpu.memory_space<hbm>>
    tpu.wait_dma2 semaphore(%dma_wait3A_1392 : memref<!tpu.dma_semaphore, #tpu.memory_space<semaphore_mem>>) src(%dma_wait3A_1399 : memref<40x128xf32, #tpu.memory_space<hbm>>) dst(%dma_wait3A_1396 : memref<40x128xf32, #tpu.memory_space<vmem>>)
    %dma_start3A_1400 = arith.constant 3 : i32
    %dma_start3A_1401 = arith.constant 0 : i32
    %dma_start3A_1402 = arith.constant 3 : i32
    %dma_start3A_1403 = arith.constant 0 : i32
    %dma_start3A_1404 = arith.constant 0 : i32
    %dma_start3A_1405 = tpu.memref_slice %arg7[%dma_start3A_1400, %dma_start3A_1403, %dma_start3A_1404] : memref<5x40x128xf32, #tpu.memory_space<vmem>> -> memref<1x40x128xf32, #tpu.memory_space<vmem>>
    %dma_start3A_1406 = tpu.memref_squeeze %dma_start3A_1405 : memref<1x40x128xf32, #tpu.memory_space<vmem>> -> memref<40x128xf32, #tpu.memory_space<vmem>>
    %dma_start3A_1407 = arith.constant 0 : i32
    %dma_start3A_1408 = tpu.memref_slice %arg6[%dma_start3A_1401, %dma_start3A_1402, %dma_start3A_1407] : memref<3x5x40xi32, #tpu.memory_space<vmem>> -> memref<1x1x40xi32, #tpu.memory_space<vmem>>
    %dma_start3A_1409 = tpu.memref_squeeze %dma_start3A_1408 : memref<1x1x40xi32, #tpu.memory_space<vmem>> -> memref<40xi32, #tpu.memory_space<vmem>>
    %dma_start3A_1410 = arith.constant 0 : i32
    %dma_start3A_1411 = arith.constant 0 : i32
    %dma_start3A_1412 = tpu.memref_slice %arg8[%dma_start3A_1410, %dma_start3A_1411] : memref<10240x128xf32, #tpu.memory_space<vmem_shared>> -> memref<10240x128xf32, #tpu.memory_space<vmem_shared>>
    tpu.enqueue_indirect_dma source(%dma_start3A_1406 : memref<40x128xf32, #tpu.memory_space<vmem>>) target(%dma_start3A_1412 : memref<10240x128xf32, #tpu.memory_space<vmem_shared>>) offsets(%dma_start3A_1409 : memref<40xi32, #tpu.memory_space<vmem>>) semaphore(%arg10 : memref<!tpu.dma_semaphore, #tpu.memory_space<semaphore_mem>>) {add = true}
    %dma_wait3A_1413 = arith.constant 3 : i32
    %dma_wait3A_1414 = arith.constant 0 : i32
    %dma_wait3A_1415 = arith.constant 0 : i32
    %dma_wait3A_1416 = tpu.memref_slice %arg7[%dma_wait3A_1413, %dma_wait3A_1414, %dma_wait3A_1415] : memref<5x40x128xf32, #tpu.memory_space<vmem>> -> memref<1x40x128xf32, #tpu.memory_space<vmem>>
    %dma_wait3A_1417 = tpu.memref_squeeze %dma_wait3A_1416 : memref<1x40x128xf32, #tpu.memory_space<vmem>> -> memref<40x128xf32, #tpu.memory_space<vmem>>
    %dma_wait3A_1418 = arith.constant 0 : i32
    %dma_wait3A_1419 = arith.constant 0 : i32
    %dma_wait3A_1420 = tpu.memref_slice %arg2[%dma_wait3A_1418, %dma_wait3A_1419] : memref<10000x128xf32, #tpu.memory_space<hbm>> -> memref<40x128xf32, #tpu.memory_space<hbm>>
    %dma_wait3A_1421 = arith.constant 0 : i32
    %dma_wait3A_1422 = arith.constant 0 : i32
    %dma_wait3A_1423 = tpu.memref_slice %arg7[%dma_wait3A_1413, %dma_wait3A_1421, %dma_wait3A_1422] : memref<5x40x128xf32, #tpu.memory_space<vmem>> -> memref<1x40x128xf32, #tpu.memory_space<vmem>>
    %dma_wait3A_1424 = tpu.memref_squeeze %dma_wait3A_1423 : memref<1x40x128xf32, #tpu.memory_space<vmem>> -> memref<40x128xf32, #tpu.memory_space<vmem>>
    %dma_wait3A_1425 = arith.constant 0 : i32
    %dma_wait3A_1426 = arith.constant 0 : i32
    %dma_wait3A_1427 = tpu.memref_slice %arg2[%dma_wait3A_1425, %dma_wait3A_1426] : memref<10000x128xf32, #tpu.memory_space<hbm>> -> memref<40x128xf32, #tpu.memory_space<hbm>>
    tpu.wait_dma2 semaphore(%arg10 : memref<!tpu.dma_semaphore, #tpu.memory_space<semaphore_mem>>) src(%dma_wait3A_1427 : memref<40x128xf32, #tpu.memory_space<hbm>>) dst(%dma_wait3A_1424 : memref<40x128xf32, #tpu.memory_space<vmem>>)
    %dma_start3A_1428 = arith.constant 1 : i32
    %dma_start3A_1429 = arith.constant 3 : i32
    %dma_start3A_1430 = arith.constant 3 : i32
    %dma_start3A_1431 = arith.constant 3 : i32
    %dma_start3A_1432 = arith.constant 0 : i32
    %dma_start3A_1433 = arith.constant 0 : i32
    %dma_start3A_1434 = tpu.memref_slice %arg7[%dma_start3A_1430, %dma_start3A_1432, %dma_start3A_1433] : memref<5x40x128xf32, #tpu.memory_space<vmem>> -> memref<1x40x128xf32, #tpu.memory_space<vmem>>
    %dma_start3A_1435 = tpu.memref_squeeze %dma_start3A_1434 : memref<1x40x128xf32, #tpu.memory_space<vmem>> -> memref<40x128xf32, #tpu.memory_space<vmem>>
    %dma_start3A_1436 = arith.constant 0 : i32
    %dma_start3A_1437 = tpu.memref_slice %arg5[%dma_start3A_1428, %dma_start3A_1429, %dma_start3A_1436] : memref<3x5x40xi32, #tpu.memory_space<vmem>> -> memref<1x1x40xi32, #tpu.memory_space<vmem>>
    %dma_start3A_1438 = tpu.memref_squeeze %dma_start3A_1437 : memref<1x1x40xi32, #tpu.memory_space<vmem>> -> memref<40xi32, #tpu.memory_space<vmem>>
    %dma_start3A_1439 = arith.constant 0 : i32
    %dma_start3A_1440 = arith.constant 0 : i32
    %dma_start3A_1441 = tpu.memref_slice %arg2[%dma_start3A_1439, %dma_start3A_1440] : memref<10000x128xf32, #tpu.memory_space<hbm>> -> memref<10000x128xf32, #tpu.memory_space<hbm>>
    %dma_start3A_1442 = tpu.memref_slice %arg9[%dma_start3A_1431] : memref<5x!tpu.dma_semaphore, #tpu.memory_space<semaphore_mem>> -> memref<1x!tpu.dma_semaphore, #tpu.memory_space<semaphore_mem>>
    %dma_start3A_1443 = tpu.memref_squeeze %dma_start3A_1442 : memref<1x!tpu.dma_semaphore, #tpu.memory_space<semaphore_mem>> -> memref<!tpu.dma_semaphore, #tpu.memory_space<semaphore_mem>>
    tpu.enqueue_indirect_dma source(%dma_start3A_1441 : memref<10000x128xf32, #tpu.memory_space<hbm>>) target(%dma_start3A_1435 : memref<40x128xf32, #tpu.memory_space<vmem>>) offsets(%dma_start3A_1438 : memref<40xi32, #tpu.memory_space<vmem>>) semaphore(%dma_start3A_1443 : memref<!tpu.dma_semaphore, #tpu.memory_space<semaphore_mem>>)
    %dma_wait3A_1444 = arith.constant 4 : i32
    %dma_wait3A_1445 = arith.constant 4 : i32
    %dma_wait3A_1446 = arith.constant 0 : i32
    %dma_wait3A_1447 = arith.constant 0 : i32
    %dma_wait3A_1448 = tpu.memref_slice %arg7[%dma_wait3A_1444, %dma_wait3A_1446, %dma_wait3A_1447] : memref<5x40x128xf32, #tpu.memory_space<vmem>> -> memref<1x40x128xf32, #tpu.memory_space<vmem>>
    %dma_wait3A_1449 = tpu.memref_squeeze %dma_wait3A_1448 : memref<1x40x128xf32, #tpu.memory_space<vmem>> -> memref<40x128xf32, #tpu.memory_space<vmem>>
    %dma_wait3A_1450 = arith.constant 0 : i32
    %dma_wait3A_1451 = arith.constant 0 : i32
    %dma_wait3A_1452 = tpu.memref_slice %arg2[%dma_wait3A_1450, %dma_wait3A_1451] : memref<10000x128xf32, #tpu.memory_space<hbm>> -> memref<40x128xf32, #tpu.memory_space<hbm>>
    %dma_wait3A_1453 = tpu.memref_slice %arg9[%dma_wait3A_1445] : memref<5x!tpu.dma_semaphore, #tpu.memory_space<semaphore_mem>> -> memref<1x!tpu.dma_semaphore, #tpu.memory_space<semaphore_mem>>
    %dma_wait3A_1454 = tpu.memref_squeeze %dma_wait3A_1453 : memref<1x!tpu.dma_semaphore, #tpu.memory_space<semaphore_mem>> -> memref<!tpu.dma_semaphore, #tpu.memory_space<semaphore_mem>>
    %dma_wait3A_1455 = arith.constant 0 : i32
    %dma_wait3A_1456 = arith.constant 0 : i32
    %dma_wait3A_1457 = tpu.memref_slice %arg7[%dma_wait3A_1444, %dma_wait3A_1455, %dma_wait3A_1456] : memref<5x40x128xf32, #tpu.memory_space<vmem>> -> memref<1x40x128xf32, #tpu.memory_space<vmem>>
    %dma_wait3A_1458 = tpu.memref_squeeze %dma_wait3A_1457 : memref<1x40x128xf32, #tpu.memory_space<vmem>> -> memref<40x128xf32, #tpu.memory_space<vmem>>
    %dma_wait3A_1459 = arith.constant 0 : i32
    %dma_wait3A_1460 = arith.constant 0 : i32
    %dma_wait3A_1461 = tpu.memref_slice %arg2[%dma_wait3A_1459, %dma_wait3A_1460] : memref<10000x128xf32, #tpu.memory_space<hbm>> -> memref<40x128xf32, #tpu.memory_space<hbm>>
    tpu.wait_dma2 semaphore(%dma_wait3A_1454 : memref<!tpu.dma_semaphore, #tpu.memory_space<semaphore_mem>>) src(%dma_wait3A_1461 : memref<40x128xf32, #tpu.memory_space<hbm>>) dst(%dma_wait3A_1458 : memref<40x128xf32, #tpu.memory_space<vmem>>)
    %dma_start3A_1462 = arith.constant 4 : i32
    %dma_start3A_1463 = arith.constant 0 : i32
    %dma_start3A_1464 = arith.constant 4 : i32
    %dma_start3A_1465 = arith.constant 0 : i32
    %dma_start3A_1466 = arith.constant 0 : i32
    %dma_start3A_1467 = tpu.memref_slice %arg7[%dma_start3A_1462, %dma_start3A_1465, %dma_start3A_1466] : memref<5x40x128xf32, #tpu.memory_space<vmem>> -> memref<1x40x128xf32, #tpu.memory_space<vmem>>
    %dma_start3A_1468 = tpu.memref_squeeze %dma_start3A_1467 : memref<1x40x128xf32, #tpu.memory_space<vmem>> -> memref<40x128xf32, #tpu.memory_space<vmem>>
    %dma_start3A_1469 = arith.constant 0 : i32
    %dma_start3A_1470 = tpu.memref_slice %arg6[%dma_start3A_1463, %dma_start3A_1464, %dma_start3A_1469] : memref<3x5x40xi32, #tpu.memory_space<vmem>> -> memref<1x1x40xi32, #tpu.memory_space<vmem>>
    %dma_start3A_1471 = tpu.memref_squeeze %dma_start3A_1470 : memref<1x1x40xi32, #tpu.memory_space<vmem>> -> memref<40xi32, #tpu.memory_space<vmem>>
    %dma_start3A_1472 = arith.constant 0 : i32
    %dma_start3A_1473 = arith.constant 0 : i32
    %dma_start3A_1474 = tpu.memref_slice %arg8[%dma_start3A_1472, %dma_start3A_1473] : memref<10240x128xf32, #tpu.memory_space<vmem_shared>> -> memref<10240x128xf32, #tpu.memory_space<vmem_shared>>
    tpu.enqueue_indirect_dma source(%dma_start3A_1468 : memref<40x128xf32, #tpu.memory_space<vmem>>) target(%dma_start3A_1474 : memref<10240x128xf32, #tpu.memory_space<vmem_shared>>) offsets(%dma_start3A_1471 : memref<40xi32, #tpu.memory_space<vmem>>) semaphore(%arg10 : memref<!tpu.dma_semaphore, #tpu.memory_space<semaphore_mem>>) {add = true}
    %dma_wait3A_1475 = arith.constant 4 : i32
    %dma_wait3A_1476 = arith.constant 0 : i32
    %dma_wait3A_1477 = arith.constant 0 : i32
    %dma_wait3A_1478 = tpu.memref_slice %arg7[%dma_wait3A_1475, %dma_wait3A_1476, %dma_wait3A_1477] : memref<5x40x128xf32, #tpu.memory_space<vmem>> -> memref<1x40x128xf32, #tpu.memory_space<vmem>>
    %dma_wait3A_1479 = tpu.memref_squeeze %dma_wait3A_1478 : memref<1x40x128xf32, #tpu.memory_space<vmem>> -> memref<40x128xf32, #tpu.memory_space<vmem>>
    %dma_wait3A_1480 = arith.constant 0 : i32
    %dma_wait3A_1481 = arith.constant 0 : i32
    %dma_wait3A_1482 = tpu.memref_slice %arg2[%dma_wait3A_1480, %dma_wait3A_1481] : memref<10000x128xf32, #tpu.memory_space<hbm>> -> memref<40x128xf32, #tpu.memory_space<hbm>>
    %dma_wait3A_1483 = arith.constant 0 : i32
    %dma_wait3A_1484 = arith.constant 0 : i32
    %dma_wait3A_1485 = tpu.memref_slice %arg7[%dma_wait3A_1475, %dma_wait3A_1483, %dma_wait3A_1484] : memref<5x40x128xf32, #tpu.memory_space<vmem>> -> memref<1x40x128xf32, #tpu.memory_space<vmem>>
    %dma_wait3A_1486 = tpu.memref_squeeze %dma_wait3A_1485 : memref<1x40x128xf32, #tpu.memory_space<vmem>> -> memref<40x128xf32, #tpu.memory_space<vmem>>
    %dma_wait3A_1487 = arith.constant 0 : i32
    %dma_wait3A_1488 = arith.constant 0 : i32
    %dma_wait3A_1489 = tpu.memref_slice %arg2[%dma_wait3A_1487, %dma_wait3A_1488] : memref<10000x128xf32, #tpu.memory_space<hbm>> -> memref<40x128xf32, #tpu.memory_space<hbm>>
    tpu.wait_dma2 semaphore(%arg10 : memref<!tpu.dma_semaphore, #tpu.memory_space<semaphore_mem>>) src(%dma_wait3A_1489 : memref<40x128xf32, #tpu.memory_space<hbm>>) dst(%dma_wait3A_1486 : memref<40x128xf32, #tpu.memory_space<vmem>>)
    %dma_start3A_1490 = arith.constant 1 : i32
    %dma_start3A_1491 = arith.constant 4 : i32
    %dma_start3A_1492 = arith.constant 4 : i32
    %dma_start3A_1493 = arith.constant 4 : i32
    %dma_start3A_1494 = arith.constant 0 : i32
    %dma_start3A_1495 = arith.constant 0 : i32
    %dma_start3A_1496 = tpu.memref_slice %arg7[%dma_start3A_1492, %dma_start3A_1494, %dma_start3A_1495] : memref<5x40x128xf32, #tpu.memory_space<vmem>> -> memref<1x40x128xf32, #tpu.memory_space<vmem>>
    %dma_start3A_1497 = tpu.memref_squeeze %dma_start3A_1496 : memref<1x40x128xf32, #tpu.memory_space<vmem>> -> memref<40x128xf32, #tpu.memory_space<vmem>>
    %dma_start3A_1498 = arith.constant 0 : i32
    %dma_start3A_1499 = tpu.memref_slice %arg5[%dma_start3A_1490, %dma_start3A_1491, %dma_start3A_1498] : memref<3x5x40xi32, #tpu.memory_space<vmem>> -> memref<1x1x40xi32, #tpu.memory_space<vmem>>
    %dma_start3A_1500 = tpu.memref_squeeze %dma_start3A_1499 : memref<1x1x40xi32, #tpu.memory_space<vmem>> -> memref<40xi32, #tpu.memory_space<vmem>>
    %dma_start3A_1501 = arith.constant 0 : i32
    %dma_start3A_1502 = arith.constant 0 : i32
    %dma_start3A_1503 = tpu.memref_slice %arg2[%dma_start3A_1501, %dma_start3A_1502] : memref<10000x128xf32, #tpu.memory_space<hbm>> -> memref<10000x128xf32, #tpu.memory_space<hbm>>
    %dma_start3A_1504 = tpu.memref_slice %arg9[%dma_start3A_1493] : memref<5x!tpu.dma_semaphore, #tpu.memory_space<semaphore_mem>> -> memref<1x!tpu.dma_semaphore, #tpu.memory_space<semaphore_mem>>
    %dma_start3A_1505 = tpu.memref_squeeze %dma_start3A_1504 : memref<1x!tpu.dma_semaphore, #tpu.memory_space<semaphore_mem>> -> memref<!tpu.dma_semaphore, #tpu.memory_space<semaphore_mem>>
    tpu.enqueue_indirect_dma source(%dma_start3A_1503 : memref<10000x128xf32, #tpu.memory_space<hbm>>) target(%dma_start3A_1497 : memref<40x128xf32, #tpu.memory_space<vmem>>) offsets(%dma_start3A_1500 : memref<40xi32, #tpu.memory_space<vmem>>) semaphore(%dma_start3A_1505 : memref<!tpu.dma_semaphore, #tpu.memory_space<semaphore_mem>>)
    %dma_wait3A_1506 = arith.constant 0 : i32
    %dma_wait3A_1507 = arith.constant 0 : i32
    %dma_wait3A_1508 = arith.constant 0 : i32
    %dma_wait3A_1509 = arith.constant 0 : i32
    %dma_wait3A_1510 = tpu.memref_slice %arg7[%dma_wait3A_1506, %dma_wait3A_1508, %dma_wait3A_1509] : memref<5x40x128xf32, #tpu.memory_space<vmem>> -> memref<1x40x128xf32, #tpu.memory_space<vmem>>
    %dma_wait3A_1511 = tpu.memref_squeeze %dma_wait3A_1510 : memref<1x40x128xf32, #tpu.memory_space<vmem>> -> memref<40x128xf32, #tpu.memory_space<vmem>>
    %dma_wait3A_1512 = arith.constant 0 : i32
    %dma_wait3A_1513 = arith.constant 0 : i32
    %dma_wait3A_1514 = tpu.memref_slice %arg2[%dma_wait3A_1512, %dma_wait3A_1513] : memref<10000x128xf32, #tpu.memory_space<hbm>> -> memref<40x128xf32, #tpu.memory_space<hbm>>
    %dma_wait3A_1515 = tpu.memref_slice %arg9[%dma_wait3A_1507] : memref<5x!tpu.dma_semaphore, #tpu.memory_space<semaphore_mem>> -> memref<1x!tpu.dma_semaphore, #tpu.memory_space<semaphore_mem>>
    %dma_wait3A_1516 = tpu.memref_squeeze %dma_wait3A_1515 : memref<1x!tpu.dma_semaphore, #tpu.memory_space<semaphore_mem>> -> memref<!tpu.dma_semaphore, #tpu.memory_space<semaphore_mem>>
    %dma_wait3A_1517 = arith.constant 0 : i32
    %dma_wait3A_1518 = arith.constant 0 : i32
    %dma_wait3A_1519 = tpu.memref_slice %arg7[%dma_wait3A_1506, %dma_wait3A_1517, %dma_wait3A_1518] : memref<5x40x128xf32, #tpu.memory_space<vmem>> -> memref<1x40x128xf32, #tpu.memory_space<vmem>>
    %dma_wait3A_1520 = tpu.memref_squeeze %dma_wait3A_1519 : memref<1x40x128xf32, #tpu.memory_space<vmem>> -> memref<40x128xf32, #tpu.memory_space<vmem>>
    %dma_wait3A_1521 = arith.constant 0 : i32
    %dma_wait3A_1522 = arith.constant 0 : i32
    %dma_wait3A_1523 = tpu.memref_slice %arg2[%dma_wait3A_1521, %dma_wait3A_1522] : memref<10000x128xf32, #tpu.memory_space<hbm>> -> memref<40x128xf32, #tpu.memory_space<hbm>>
    tpu.wait_dma2 semaphore(%dma_wait3A_1516 : memref<!tpu.dma_semaphore, #tpu.memory_space<semaphore_mem>>) src(%dma_wait3A_1523 : memref<40x128xf32, #tpu.memory_space<hbm>>) dst(%dma_wait3A_1520 : memref<40x128xf32, #tpu.memory_space<vmem>>)
    %dma_start3A_1524 = arith.constant 0 : i32
    %dma_start3A_1525 = arith.constant 1 : i32
    %dma_start3A_1526 = arith.constant 0 : i32
    %dma_start3A_1527 = arith.constant 0 : i32
    %dma_start3A_1528 = arith.constant 0 : i32
    %dma_start3A_1529 = tpu.memref_slice %arg7[%dma_start3A_1524, %dma_start3A_1527, %dma_start3A_1528] : memref<5x40x128xf32, #tpu.memory_space<vmem>> -> memref<1x40x128xf32, #tpu.memory_space<vmem>>
    %dma_start3A_1530 = tpu.memref_squeeze %dma_start3A_1529 : memref<1x40x128xf32, #tpu.memory_space<vmem>> -> memref<40x128xf32, #tpu.memory_space<vmem>>
    %dma_start3A_1531 = arith.constant 0 : i32
    %dma_start3A_1532 = tpu.memref_slice %arg6[%dma_start3A_1525, %dma_start3A_1526, %dma_start3A_1531] : memref<3x5x40xi32, #tpu.memory_space<vmem>> -> memref<1x1x40xi32, #tpu.memory_space<vmem>>
    %dma_start3A_1533 = tpu.memref_squeeze %dma_start3A_1532 : memref<1x1x40xi32, #tpu.memory_space<vmem>> -> memref<40xi32, #tpu.memory_space<vmem>>
    %dma_start3A_1534 = arith.constant 0 : i32
    %dma_start3A_1535 = arith.constant 0 : i32
    %dma_start3A_1536 = tpu.memref_slice %arg8[%dma_start3A_1534, %dma_start3A_1535] : memref<10240x128xf32, #tpu.memory_space<vmem_shared>> -> memref<10240x128xf32, #tpu.memory_space<vmem_shared>>
    tpu.enqueue_indirect_dma source(%dma_start3A_1530 : memref<40x128xf32, #tpu.memory_space<vmem>>) target(%dma_start3A_1536 : memref<10240x128xf32, #tpu.memory_space<vmem_shared>>) offsets(%dma_start3A_1533 : memref<40xi32, #tpu.memory_space<vmem>>) semaphore(%arg10 : memref<!tpu.dma_semaphore, #tpu.memory_space<semaphore_mem>>) {add = true}
    %dma_wait3A_1537 = arith.constant 0 : i32
    %dma_wait3A_1538 = arith.constant 0 : i32
    %dma_wait3A_1539 = arith.constant 0 : i32
    %dma_wait3A_1540 = tpu.memref_slice %arg7[%dma_wait3A_1537, %dma_wait3A_1538, %dma_wait3A_1539] : memref<5x40x128xf32, #tpu.memory_space<vmem>> -> memref<1x40x128xf32, #tpu.memory_space<vmem>>
    %dma_wait3A_1541 = tpu.memref_squeeze %dma_wait3A_1540 : memref<1x40x128xf32, #tpu.memory_space<vmem>> -> memref<40x128xf32, #tpu.memory_space<vmem>>
    %dma_wait3A_1542 = arith.constant 0 : i32
    %dma_wait3A_1543 = arith.constant 0 : i32
    %dma_wait3A_1544 = tpu.memref_slice %arg2[%dma_wait3A_1542, %dma_wait3A_1543] : memref<10000x128xf32, #tpu.memory_space<hbm>> -> memref<40x128xf32, #tpu.memory_space<hbm>>
    %dma_wait3A_1545 = arith.constant 0 : i32
    %dma_wait3A_1546 = arith.constant 0 : i32
    %dma_wait3A_1547 = tpu.memref_slice %arg7[%dma_wait3A_1537, %dma_wait3A_1545, %dma_wait3A_1546] : memref<5x40x128xf32, #tpu.memory_space<vmem>> -> memref<1x40x128xf32, #tpu.memory_space<vmem>>
    %dma_wait3A_1548 = tpu.memref_squeeze %dma_wait3A_1547 : memref<1x40x128xf32, #tpu.memory_space<vmem>> -> memref<40x128xf32, #tpu.memory_space<vmem>>
    %dma_wait3A_1549 = arith.constant 0 : i32
    %dma_wait3A_1550 = arith.constant 0 : i32
    %dma_wait3A_1551 = tpu.memref_slice %arg2[%dma_wait3A_1549, %dma_wait3A_1550] : memref<10000x128xf32, #tpu.memory_space<hbm>> -> memref<40x128xf32, #tpu.memory_space<hbm>>
    tpu.wait_dma2 semaphore(%arg10 : memref<!tpu.dma_semaphore, #tpu.memory_space<semaphore_mem>>) src(%dma_wait3A_1551 : memref<40x128xf32, #tpu.memory_space<hbm>>) dst(%dma_wait3A_1548 : memref<40x128xf32, #tpu.memory_space<vmem>>)
    %dma_wait3A_1552 = arith.constant 1 : i32
    %dma_wait3A_1553 = arith.constant 1 : i32
    %dma_wait3A_1554 = arith.constant 0 : i32
    %dma_wait3A_1555 = arith.constant 0 : i32
    %dma_wait3A_1556 = tpu.memref_slice %arg7[%dma_wait3A_1552, %dma_wait3A_1554, %dma_wait3A_1555] : memref<5x40x128xf32, #tpu.memory_space<vmem>> -> memref<1x40x128xf32, #tpu.memory_space<vmem>>
    %dma_wait3A_1557 = tpu.memref_squeeze %dma_wait3A_1556 : memref<1x40x128xf32, #tpu.memory_space<vmem>> -> memref<40x128xf32, #tpu.memory_space<vmem>>
    %dma_wait3A_1558 = arith.constant 0 : i32
    %dma_wait3A_1559 = arith.constant 0 : i32
    %dma_wait3A_1560 = tpu.memref_slice %arg2[%dma_wait3A_1558, %dma_wait3A_1559] : memref<10000x128xf32, #tpu.memory_space<hbm>> -> memref<40x128xf32, #tpu.memory_space<hbm>>
    %dma_wait3A_1561 = tpu.memref_slice %arg9[%dma_wait3A_1553] : memref<5x!tpu.dma_semaphore, #tpu.memory_space<semaphore_mem>> -> memref<1x!tpu.dma_semaphore, #tpu.memory_space<semaphore_mem>>
    %dma_wait3A_1562 = tpu.memref_squeeze %dma_wait3A_1561 : memref<1x!tpu.dma_semaphore, #tpu.memory_space<semaphore_mem>> -> memref<!tpu.dma_semaphore, #tpu.memory_space<semaphore_mem>>
    %dma_wait3A_1563 = arith.constant 0 : i32
    %dma_wait3A_1564 = arith.constant 0 : i32
    %dma_wait3A_1565 = tpu.memref_slice %arg7[%dma_wait3A_1552, %dma_wait3A_1563, %dma_wait3A_1564] : memref<5x40x128xf32, #tpu.memory_space<vmem>> -> memref<1x40x128xf32, #tpu.memory_space<vmem>>
    %dma_wait3A_1566 = tpu.memref_squeeze %dma_wait3A_1565 : memref<1x40x128xf32, #tpu.memory_space<vmem>> -> memref<40x128xf32, #tpu.memory_space<vmem>>
    %dma_wait3A_1567 = arith.constant 0 : i32
    %dma_wait3A_1568 = arith.constant 0 : i32
    %dma_wait3A_1569 = tpu.memref_slice %arg2[%dma_wait3A_1567, %dma_wait3A_1568] : memref<10000x128xf32, #tpu.memory_space<hbm>> -> memref<40x128xf32, #tpu.memory_space<hbm>>
    tpu.wait_dma2 semaphore(%dma_wait3A_1562 : memref<!tpu.dma_semaphore, #tpu.memory_space<semaphore_mem>>) src(%dma_wait3A_1569 : memref<40x128xf32, #tpu.memory_space<hbm>>) dst(%dma_wait3A_1566 : memref<40x128xf32, #tpu.memory_space<vmem>>)
    %dma_start3A_1570 = arith.constant 1 : i32
    %dma_start3A_1571 = arith.constant 1 : i32
    %dma_start3A_1572 = arith.constant 1 : i32
    %dma_start3A_1573 = arith.constant 0 : i32
    %dma_start3A_1574 = arith.constant 0 : i32
    %dma_start3A_1575 = tpu.memref_slice %arg7[%dma_start3A_1570, %dma_start3A_1573, %dma_start3A_1574] : memref<5x40x128xf32, #tpu.memory_space<vmem>> -> memref<1x40x128xf32, #tpu.memory_space<vmem>>
    %dma_start3A_1576 = tpu.memref_squeeze %dma_start3A_1575 : memref<1x40x128xf32, #tpu.memory_space<vmem>> -> memref<40x128xf32, #tpu.memory_space<vmem>>
    %dma_start3A_1577 = arith.constant 0 : i32
    %dma_start3A_1578 = tpu.memref_slice %arg6[%dma_start3A_1571, %dma_start3A_1572, %dma_start3A_1577] : memref<3x5x40xi32, #tpu.memory_space<vmem>> -> memref<1x1x40xi32, #tpu.memory_space<vmem>>
    %dma_start3A_1579 = tpu.memref_squeeze %dma_start3A_1578 : memref<1x1x40xi32, #tpu.memory_space<vmem>> -> memref<40xi32, #tpu.memory_space<vmem>>
    %dma_start3A_1580 = arith.constant 0 : i32
    %dma_start3A_1581 = arith.constant 0 : i32
    %dma_start3A_1582 = tpu.memref_slice %arg8[%dma_start3A_1580, %dma_start3A_1581] : memref<10240x128xf32, #tpu.memory_space<vmem_shared>> -> memref<10240x128xf32, #tpu.memory_space<vmem_shared>>
    tpu.enqueue_indirect_dma source(%dma_start3A_1576 : memref<40x128xf32, #tpu.memory_space<vmem>>) target(%dma_start3A_1582 : memref<10240x128xf32, #tpu.memory_space<vmem_shared>>) offsets(%dma_start3A_1579 : memref<40xi32, #tpu.memory_space<vmem>>) semaphore(%arg10 : memref<!tpu.dma_semaphore, #tpu.memory_space<semaphore_mem>>) {add = true}
    %dma_wait3A_1583 = arith.constant 1 : i32
    %dma_wait3A_1584 = arith.constant 0 : i32
    %dma_wait3A_1585 = arith.constant 0 : i32
    %dma_wait3A_1586 = tpu.memref_slice %arg7[%dma_wait3A_1583, %dma_wait3A_1584, %dma_wait3A_1585] : memref<5x40x128xf32, #tpu.memory_space<vmem>> -> memref<1x40x128xf32, #tpu.memory_space<vmem>>
    %dma_wait3A_1587 = tpu.memref_squeeze %dma_wait3A_1586 : memref<1x40x128xf32, #tpu.memory_space<vmem>> -> memref<40x128xf32, #tpu.memory_space<vmem>>
    %dma_wait3A_1588 = arith.constant 0 : i32
    %dma_wait3A_1589 = arith.constant 0 : i32
    %dma_wait3A_1590 = tpu.memref_slice %arg2[%dma_wait3A_1588, %dma_wait3A_1589] : memref<10000x128xf32, #tpu.memory_space<hbm>> -> memref<40x128xf32, #tpu.memory_space<hbm>>
    %dma_wait3A_1591 = arith.constant 0 : i32
    %dma_wait3A_1592 = arith.constant 0 : i32
    %dma_wait3A_1593 = tpu.memref_slice %arg7[%dma_wait3A_1583, %dma_wait3A_1591, %dma_wait3A_1592] : memref<5x40x128xf32, #tpu.memory_space<vmem>> -> memref<1x40x128xf32, #tpu.memory_space<vmem>>
    %dma_wait3A_1594 = tpu.memref_squeeze %dma_wait3A_1593 : memref<1x40x128xf32, #tpu.memory_space<vmem>> -> memref<40x128xf32, #tpu.memory_space<vmem>>
    %dma_wait3A_1595 = arith.constant 0 : i32
    %dma_wait3A_1596 = arith.constant 0 : i32
    %dma_wait3A_1597 = tpu.memref_slice %arg2[%dma_wait3A_1595, %dma_wait3A_1596] : memref<10000x128xf32, #tpu.memory_space<hbm>> -> memref<40x128xf32, #tpu.memory_space<hbm>>
    tpu.wait_dma2 semaphore(%arg10 : memref<!tpu.dma_semaphore, #tpu.memory_space<semaphore_mem>>) src(%dma_wait3A_1597 : memref<40x128xf32, #tpu.memory_space<hbm>>) dst(%dma_wait3A_1594 : memref<40x128xf32, #tpu.memory_space<vmem>>)
    %dma_wait3A_1598 = arith.constant 2 : i32
    %dma_wait3A_1599 = arith.constant 2 : i32
    %dma_wait3A_1600 = arith.constant 0 : i32
    %dma_wait3A_1601 = arith.constant 0 : i32
    %dma_wait3A_1602 = tpu.memref_slice %arg7[%dma_wait3A_1598, %dma_wait3A_1600, %dma_wait3A_1601] : memref<5x40x128xf32, #tpu.memory_space<vmem>> -> memref<1x40x128xf32, #tpu.memory_space<vmem>>
    %dma_wait3A_1603 = tpu.memref_squeeze %dma_wait3A_1602 : memref<1x40x128xf32, #tpu.memory_space<vmem>> -> memref<40x128xf32, #tpu.memory_space<vmem>>
    %dma_wait3A_1604 = arith.constant 0 : i32
    %dma_wait3A_1605 = arith.constant 0 : i32
    %dma_wait3A_1606 = tpu.memref_slice %arg2[%dma_wait3A_1604, %dma_wait3A_1605] : memref<10000x128xf32, #tpu.memory_space<hbm>> -> memref<40x128xf32, #tpu.memory_space<hbm>>
    %dma_wait3A_1607 = tpu.memref_slice %arg9[%dma_wait3A_1599] : memref<5x!tpu.dma_semaphore, #tpu.memory_space<semaphore_mem>> -> memref<1x!tpu.dma_semaphore, #tpu.memory_space<semaphore_mem>>
    %dma_wait3A_1608 = tpu.memref_squeeze %dma_wait3A_1607 : memref<1x!tpu.dma_semaphore, #tpu.memory_space<semaphore_mem>> -> memref<!tpu.dma_semaphore, #tpu.memory_space<semaphore_mem>>
    %dma_wait3A_1609 = arith.constant 0 : i32
    %dma_wait3A_1610 = arith.constant 0 : i32
    %dma_wait3A_1611 = tpu.memref_slice %arg7[%dma_wait3A_1598, %dma_wait3A_1609, %dma_wait3A_1610] : memref<5x40x128xf32, #tpu.memory_space<vmem>> -> memref<1x40x128xf32, #tpu.memory_space<vmem>>
    %dma_wait3A_1612 = tpu.memref_squeeze %dma_wait3A_1611 : memref<1x40x128xf32, #tpu.memory_space<vmem>> -> memref<40x128xf32, #tpu.memory_space<vmem>>
    %dma_wait3A_1613 = arith.constant 0 : i32
    %dma_wait3A_1614 = arith.constant 0 : i32
    %dma_wait3A_1615 = tpu.memref_slice %arg2[%dma_wait3A_1613, %dma_wait3A_1614] : memref<10000x128xf32, #tpu.memory_space<hbm>> -> memref<40x128xf32, #tpu.memory_space<hbm>>
    tpu.wait_dma2 semaphore(%dma_wait3A_1608 : memref<!tpu.dma_semaphore, #tpu.memory_space<semaphore_mem>>) src(%dma_wait3A_1615 : memref<40x128xf32, #tpu.memory_space<hbm>>) dst(%dma_wait3A_1612 : memref<40x128xf32, #tpu.memory_space<vmem>>)
    %dma_start3A_1616 = arith.constant 2 : i32
    %dma_start3A_1617 = arith.constant 1 : i32
    %dma_start3A_1618 = arith.constant 2 : i32
    %dma_start3A_1619 = arith.constant 0 : i32
    %dma_start3A_1620 = arith.constant 0 : i32
    %dma_start3A_1621 = tpu.memref_slice %arg7[%dma_start3A_1616, %dma_start3A_1619, %dma_start3A_1620] : memref<5x40x128xf32, #tpu.memory_space<vmem>> -> memref<1x40x128xf32, #tpu.memory_space<vmem>>
    %dma_start3A_1622 = tpu.memref_squeeze %dma_start3A_1621 : memref<1x40x128xf32, #tpu.memory_space<vmem>> -> memref<40x128xf32, #tpu.memory_space<vmem>>
    %dma_start3A_1623 = arith.constant 0 : i32
    %dma_start3A_1624 = tpu.memref_slice %arg6[%dma_start3A_1617, %dma_start3A_1618, %dma_start3A_1623] : memref<3x5x40xi32, #tpu.memory_space<vmem>> -> memref<1x1x40xi32, #tpu.memory_space<vmem>>
    %dma_start3A_1625 = tpu.memref_squeeze %dma_start3A_1624 : memref<1x1x40xi32, #tpu.memory_space<vmem>> -> memref<40xi32, #tpu.memory_space<vmem>>
    %dma_start3A_1626 = arith.constant 0 : i32
    %dma_start3A_1627 = arith.constant 0 : i32
    %dma_start3A_1628 = tpu.memref_slice %arg8[%dma_start3A_1626, %dma_start3A_1627] : memref<10240x128xf32, #tpu.memory_space<vmem_shared>> -> memref<10240x128xf32, #tpu.memory_space<vmem_shared>>
    tpu.enqueue_indirect_dma source(%dma_start3A_1622 : memref<40x128xf32, #tpu.memory_space<vmem>>) target(%dma_start3A_1628 : memref<10240x128xf32, #tpu.memory_space<vmem_shared>>) offsets(%dma_start3A_1625 : memref<40xi32, #tpu.memory_space<vmem>>) semaphore(%arg10 : memref<!tpu.dma_semaphore, #tpu.memory_space<semaphore_mem>>) {add = true}
    %dma_wait3A_1629 = arith.constant 2 : i32
    %dma_wait3A_1630 = arith.constant 0 : i32
    %dma_wait3A_1631 = arith.constant 0 : i32
    %dma_wait3A_1632 = tpu.memref_slice %arg7[%dma_wait3A_1629, %dma_wait3A_1630, %dma_wait3A_1631] : memref<5x40x128xf32, #tpu.memory_space<vmem>> -> memref<1x40x128xf32, #tpu.memory_space<vmem>>
    %dma_wait3A_1633 = tpu.memref_squeeze %dma_wait3A_1632 : memref<1x40x128xf32, #tpu.memory_space<vmem>> -> memref<40x128xf32, #tpu.memory_space<vmem>>
    %dma_wait3A_1634 = arith.constant 0 : i32
    %dma_wait3A_1635 = arith.constant 0 : i32
    %dma_wait3A_1636 = tpu.memref_slice %arg2[%dma_wait3A_1634, %dma_wait3A_1635] : memref<10000x128xf32, #tpu.memory_space<hbm>> -> memref<40x128xf32, #tpu.memory_space<hbm>>
    %dma_wait3A_1637 = arith.constant 0 : i32
    %dma_wait3A_1638 = arith.constant 0 : i32
    %dma_wait3A_1639 = tpu.memref_slice %arg7[%dma_wait3A_1629, %dma_wait3A_1637, %dma_wait3A_1638] : memref<5x40x128xf32, #tpu.memory_space<vmem>> -> memref<1x40x128xf32, #tpu.memory_space<vmem>>
    %dma_wait3A_1640 = tpu.memref_squeeze %dma_wait3A_1639 : memref<1x40x128xf32, #tpu.memory_space<vmem>> -> memref<40x128xf32, #tpu.memory_space<vmem>>
    %dma_wait3A_1641 = arith.constant 0 : i32
    %dma_wait3A_1642 = arith.constant 0 : i32
    %dma_wait3A_1643 = tpu.memref_slice %arg2[%dma_wait3A_1641, %dma_wait3A_1642] : memref<10000x128xf32, #tpu.memory_space<hbm>> -> memref<40x128xf32, #tpu.memory_space<hbm>>
    tpu.wait_dma2 semaphore(%arg10 : memref<!tpu.dma_semaphore, #tpu.memory_space<semaphore_mem>>) src(%dma_wait3A_1643 : memref<40x128xf32, #tpu.memory_space<hbm>>) dst(%dma_wait3A_1640 : memref<40x128xf32, #tpu.memory_space<vmem>>)
    %dma_wait3A_1644 = arith.constant 3 : i32
    %dma_wait3A_1645 = arith.constant 3 : i32
    %dma_wait3A_1646 = arith.constant 0 : i32
    %dma_wait3A_1647 = arith.constant 0 : i32
    %dma_wait3A_1648 = tpu.memref_slice %arg7[%dma_wait3A_1644, %dma_wait3A_1646, %dma_wait3A_1647] : memref<5x40x128xf32, #tpu.memory_space<vmem>> -> memref<1x40x128xf32, #tpu.memory_space<vmem>>
    %dma_wait3A_1649 = tpu.memref_squeeze %dma_wait3A_1648 : memref<1x40x128xf32, #tpu.memory_space<vmem>> -> memref<40x128xf32, #tpu.memory_space<vmem>>
    %dma_wait3A_1650 = arith.constant 0 : i32
    %dma_wait3A_1651 = arith.constant 0 : i32
    %dma_wait3A_1652 = tpu.memref_slice %arg2[%dma_wait3A_1650, %dma_wait3A_1651] : memref<10000x128xf32, #tpu.memory_space<hbm>> -> memref<40x128xf32, #tpu.memory_space<hbm>>
    %dma_wait3A_1653 = tpu.memref_slice %arg9[%dma_wait3A_1645] : memref<5x!tpu.dma_semaphore, #tpu.memory_space<semaphore_mem>> -> memref<1x!tpu.dma_semaphore, #tpu.memory_space<semaphore_mem>>
    %dma_wait3A_1654 = tpu.memref_squeeze %dma_wait3A_1653 : memref<1x!tpu.dma_semaphore, #tpu.memory_space<semaphore_mem>> -> memref<!tpu.dma_semaphore, #tpu.memory_space<semaphore_mem>>
    %dma_wait3A_1655 = arith.constant 0 : i32
    %dma_wait3A_1656 = arith.constant 0 : i32
    %dma_wait3A_1657 = tpu.memref_slice %arg7[%dma_wait3A_1644, %dma_wait3A_1655, %dma_wait3A_1656] : memref<5x40x128xf32, #tpu.memory_space<vmem>> -> memref<1x40x128xf32, #tpu.memory_space<vmem>>
    %dma_wait3A_1658 = tpu.memref_squeeze %dma_wait3A_1657 : memref<1x40x128xf32, #tpu.memory_space<vmem>> -> memref<40x128xf32, #tpu.memory_space<vmem>>
    %dma_wait3A_1659 = arith.constant 0 : i32
    %dma_wait3A_1660 = arith.constant 0 : i32
    %dma_wait3A_1661 = tpu.memref_slice %arg2[%dma_wait3A_1659, %dma_wait3A_1660] : memref<10000x128xf32, #tpu.memory_space<hbm>> -> memref<40x128xf32, #tpu.memory_space<hbm>>
    tpu.wait_dma2 semaphore(%dma_wait3A_1654 : memref<!tpu.dma_semaphore, #tpu.memory_space<semaphore_mem>>) src(%dma_wait3A_1661 : memref<40x128xf32, #tpu.memory_space<hbm>>) dst(%dma_wait3A_1658 : memref<40x128xf32, #tpu.memory_space<vmem>>)
    %dma_start3A_1662 = arith.constant 3 : i32
    %dma_start3A_1663 = arith.constant 1 : i32
    %dma_start3A_1664 = arith.constant 3 : i32
    %dma_start3A_1665 = arith.constant 0 : i32
    %dma_start3A_1666 = arith.constant 0 : i32
    %dma_start3A_1667 = tpu.memref_slice %arg7[%dma_start3A_1662, %dma_start3A_1665, %dma_start3A_1666] : memref<5x40x128xf32, #tpu.memory_space<vmem>> -> memref<1x40x128xf32, #tpu.memory_space<vmem>>
    %dma_start3A_1668 = tpu.memref_squeeze %dma_start3A_1667 : memref<1x40x128xf32, #tpu.memory_space<vmem>> -> memref<40x128xf32, #tpu.memory_space<vmem>>
    %dma_start3A_1669 = arith.constant 0 : i32
    %dma_start3A_1670 = tpu.memref_slice %arg6[%dma_start3A_1663, %dma_start3A_1664, %dma_start3A_1669] : memref<3x5x40xi32, #tpu.memory_space<vmem>> -> memref<1x1x40xi32, #tpu.memory_space<vmem>>
    %dma_start3A_1671 = tpu.memref_squeeze %dma_start3A_1670 : memref<1x1x40xi32, #tpu.memory_space<vmem>> -> memref<40xi32, #tpu.memory_space<vmem>>
    %dma_start3A_1672 = arith.constant 0 : i32
    %dma_start3A_1673 = arith.constant 0 : i32
    %dma_start3A_1674 = tpu.memref_slice %arg8[%dma_start3A_1672, %dma_start3A_1673] : memref<10240x128xf32, #tpu.memory_space<vmem_shared>> -> memref<10240x128xf32, #tpu.memory_space<vmem_shared>>
    tpu.enqueue_indirect_dma source(%dma_start3A_1668 : memref<40x128xf32, #tpu.memory_space<vmem>>) target(%dma_start3A_1674 : memref<10240x128xf32, #tpu.memory_space<vmem_shared>>) offsets(%dma_start3A_1671 : memref<40xi32, #tpu.memory_space<vmem>>) semaphore(%arg10 : memref<!tpu.dma_semaphore, #tpu.memory_space<semaphore_mem>>) {add = true}
    %dma_wait3A_1675 = arith.constant 3 : i32
    %dma_wait3A_1676 = arith.constant 0 : i32
    %dma_wait3A_1677 = arith.constant 0 : i32
    %dma_wait3A_1678 = tpu.memref_slice %arg7[%dma_wait3A_1675, %dma_wait3A_1676, %dma_wait3A_1677] : memref<5x40x128xf32, #tpu.memory_space<vmem>> -> memref<1x40x128xf32, #tpu.memory_space<vmem>>
    %dma_wait3A_1679 = tpu.memref_squeeze %dma_wait3A_1678 : memref<1x40x128xf32, #tpu.memory_space<vmem>> -> memref<40x128xf32, #tpu.memory_space<vmem>>
    %dma_wait3A_1680 = arith.constant 0 : i32
    %dma_wait3A_1681 = arith.constant 0 : i32
    %dma_wait3A_1682 = tpu.memref_slice %arg2[%dma_wait3A_1680, %dma_wait3A_1681] : memref<10000x128xf32, #tpu.memory_space<hbm>> -> memref<40x128xf32, #tpu.memory_space<hbm>>
    %dma_wait3A_1683 = arith.constant 0 : i32
    %dma_wait3A_1684 = arith.constant 0 : i32
    %dma_wait3A_1685 = tpu.memref_slice %arg7[%dma_wait3A_1675, %dma_wait3A_1683, %dma_wait3A_1684] : memref<5x40x128xf32, #tpu.memory_space<vmem>> -> memref<1x40x128xf32, #tpu.memory_space<vmem>>
    %dma_wait3A_1686 = tpu.memref_squeeze %dma_wait3A_1685 : memref<1x40x128xf32, #tpu.memory_space<vmem>> -> memref<40x128xf32, #tpu.memory_space<vmem>>
    %dma_wait3A_1687 = arith.constant 0 : i32
    %dma_wait3A_1688 = arith.constant 0 : i32
    %dma_wait3A_1689 = tpu.memref_slice %arg2[%dma_wait3A_1687, %dma_wait3A_1688] : memref<10000x128xf32, #tpu.memory_space<hbm>> -> memref<40x128xf32, #tpu.memory_space<hbm>>
    tpu.wait_dma2 semaphore(%arg10 : memref<!tpu.dma_semaphore, #tpu.memory_space<semaphore_mem>>) src(%dma_wait3A_1689 : memref<40x128xf32, #tpu.memory_space<hbm>>) dst(%dma_wait3A_1686 : memref<40x128xf32, #tpu.memory_space<vmem>>)
    %dma_wait3A_1690 = arith.constant 4 : i32
    %dma_wait3A_1691 = arith.constant 4 : i32
    %dma_wait3A_1692 = arith.constant 0 : i32
    %dma_wait3A_1693 = arith.constant 0 : i32
    %dma_wait3A_1694 = tpu.memref_slice %arg7[%dma_wait3A_1690, %dma_wait3A_1692, %dma_wait3A_1693] : memref<5x40x128xf32, #tpu.memory_space<vmem>> -> memref<1x40x128xf32, #tpu.memory_space<vmem>>
    %dma_wait3A_1695 = tpu.memref_squeeze %dma_wait3A_1694 : memref<1x40x128xf32, #tpu.memory_space<vmem>> -> memref<40x128xf32, #tpu.memory_space<vmem>>
    %dma_wait3A_1696 = arith.constant 0 : i32
    %dma_wait3A_1697 = arith.constant 0 : i32
    %dma_wait3A_1698 = tpu.memref_slice %arg2[%dma_wait3A_1696, %dma_wait3A_1697] : memref<10000x128xf32, #tpu.memory_space<hbm>> -> memref<40x128xf32, #tpu.memory_space<hbm>>
    %dma_wait3A_1699 = tpu.memref_slice %arg9[%dma_wait3A_1691] : memref<5x!tpu.dma_semaphore, #tpu.memory_space<semaphore_mem>> -> memref<1x!tpu.dma_semaphore, #tpu.memory_space<semaphore_mem>>
    %dma_wait3A_1700 = tpu.memref_squeeze %dma_wait3A_1699 : memref<1x!tpu.dma_semaphore, #tpu.memory_space<semaphore_mem>> -> memref<!tpu.dma_semaphore, #tpu.memory_space<semaphore_mem>>
    %dma_wait3A_1701 = arith.constant 0 : i32
    %dma_wait3A_1702 = arith.constant 0 : i32
    %dma_wait3A_1703 = tpu.memref_slice %arg7[%dma_wait3A_1690, %dma_wait3A_1701, %dma_wait3A_1702] : memref<5x40x128xf32, #tpu.memory_space<vmem>> -> memref<1x40x128xf32, #tpu.memory_space<vmem>>
    %dma_wait3A_1704 = tpu.memref_squeeze %dma_wait3A_1703 : memref<1x40x128xf32, #tpu.memory_space<vmem>> -> memref<40x128xf32, #tpu.memory_space<vmem>>
    %dma_wait3A_1705 = arith.constant 0 : i32
    %dma_wait3A_1706 = arith.constant 0 : i32
    %dma_wait3A_1707 = tpu.memref_slice %arg2[%dma_wait3A_1705, %dma_wait3A_1706] : memref<10000x128xf32, #tpu.memory_space<hbm>> -> memref<40x128xf32, #tpu.memory_space<hbm>>
    tpu.wait_dma2 semaphore(%dma_wait3A_1700 : memref<!tpu.dma_semaphore, #tpu.memory_space<semaphore_mem>>) src(%dma_wait3A_1707 : memref<40x128xf32, #tpu.memory_space<hbm>>) dst(%dma_wait3A_1704 : memref<40x128xf32, #tpu.memory_space<vmem>>)
    %dma_start3A_1708 = arith.constant 4 : i32
    %dma_start3A_1709 = arith.constant 1 : i32
    %dma_start3A_1710 = arith.constant 4 : i32
    %dma_start3A_1711 = arith.constant 0 : i32
    %dma_start3A_1712 = arith.constant 0 : i32
    %dma_start3A_1713 = tpu.memref_slice %arg7[%dma_start3A_1708, %dma_start3A_1711, %dma_start3A_1712] : memref<5x40x128xf32, #tpu.memory_space<vmem>> -> memref<1x40x128xf32, #tpu.memory_space<vmem>>
    %dma_start3A_1714 = tpu.memref_squeeze %dma_start3A_1713 : memref<1x40x128xf32, #tpu.memory_space<vmem>> -> memref<40x128xf32, #tpu.memory_space<vmem>>
    %dma_start3A_1715 = arith.constant 0 : i32
    %dma_start3A_1716 = tpu.memref_slice %arg6[%dma_start3A_1709, %dma_start3A_1710, %dma_start3A_1715] : memref<3x5x40xi32, #tpu.memory_space<vmem>> -> memref<1x1x40xi32, #tpu.memory_space<vmem>>
    %dma_start3A_1717 = tpu.memref_squeeze %dma_start3A_1716 : memref<1x1x40xi32, #tpu.memory_space<vmem>> -> memref<40xi32, #tpu.memory_space<vmem>>
    %dma_start3A_1718 = arith.constant 0 : i32
    %dma_start3A_1719 = arith.constant 0 : i32
    %dma_start3A_1720 = tpu.memref_slice %arg8[%dma_start3A_1718, %dma_start3A_1719] : memref<10240x128xf32, #tpu.memory_space<vmem_shared>> -> memref<10240x128xf32, #tpu.memory_space<vmem_shared>>
    tpu.enqueue_indirect_dma source(%dma_start3A_1714 : memref<40x128xf32, #tpu.memory_space<vmem>>) target(%dma_start3A_1720 : memref<10240x128xf32, #tpu.memory_space<vmem_shared>>) offsets(%dma_start3A_1717 : memref<40xi32, #tpu.memory_space<vmem>>) semaphore(%arg10 : memref<!tpu.dma_semaphore, #tpu.memory_space<semaphore_mem>>) {add = true}
    %dma_wait3A_1721 = arith.constant 4 : i32
    %dma_wait3A_1722 = arith.constant 0 : i32
    %dma_wait3A_1723 = arith.constant 0 : i32
    %dma_wait3A_1724 = tpu.memref_slice %arg7[%dma_wait3A_1721, %dma_wait3A_1722, %dma_wait3A_1723] : memref<5x40x128xf32, #tpu.memory_space<vmem>> -> memref<1x40x128xf32, #tpu.memory_space<vmem>>
    %dma_wait3A_1725 = tpu.memref_squeeze %dma_wait3A_1724 : memref<1x40x128xf32, #tpu.memory_space<vmem>> -> memref<40x128xf32, #tpu.memory_space<vmem>>
    %dma_wait3A_1726 = arith.constant 0 : i32
    %dma_wait3A_1727 = arith.constant 0 : i32
    %dma_wait3A_1728 = tpu.memref_slice %arg2[%dma_wait3A_1726, %dma_wait3A_1727] : memref<10000x128xf32, #tpu.memory_space<hbm>> -> memref<40x128xf32, #tpu.memory_space<hbm>>
    %dma_wait3A_1729 = arith.constant 0 : i32
    %dma_wait3A_1730 = arith.constant 0 : i32
    %dma_wait3A_1731 = tpu.memref_slice %arg7[%dma_wait3A_1721, %dma_wait3A_1729, %dma_wait3A_1730] : memref<5x40x128xf32, #tpu.memory_space<vmem>> -> memref<1x40x128xf32, #tpu.memory_space<vmem>>
    %dma_wait3A_1732 = tpu.memref_squeeze %dma_wait3A_1731 : memref<1x40x128xf32, #tpu.memory_space<vmem>> -> memref<40x128xf32, #tpu.memory_space<vmem>>
    %dma_wait3A_1733 = arith.constant 0 : i32
    %dma_wait3A_1734 = arith.constant 0 : i32
    %dma_wait3A_1735 = tpu.memref_slice %arg2[%dma_wait3A_1733, %dma_wait3A_1734] : memref<10000x128xf32, #tpu.memory_space<hbm>> -> memref<40x128xf32, #tpu.memory_space<hbm>>
    tpu.wait_dma2 semaphore(%arg10 : memref<!tpu.dma_semaphore, #tpu.memory_space<semaphore_mem>>) src(%dma_wait3A_1735 : memref<40x128xf32, #tpu.memory_space<hbm>>) dst(%dma_wait3A_1732 : memref<40x128xf32, #tpu.memory_space<vmem>>)
    %barrier3A_1736 = arith.constant 0 : index
    tpu.barrier barrier_id(%barrier3A_1736)
    %mul3A_1737 = arith.constant 640 : i32
    %mul3A_1738 = arith.muli %arg1, %mul3A_1737 : i32
    %mul3A_1739 = arith.constant 640 : i32
    %mul3A_1740 = arith.muli %arg1, %mul3A_1739 : i32
    "tpu.region"() ({
      %run_scoped3A_1741 = tpu.sem_alloc : memref<!tpu.dma_semaphore, #tpu.memory_space<semaphore_mem>>
      %dma_start3A_1742 = arith.constant 0 : i32
      %dma_start3A_1743 = tpu.memref_slice %arg4[%arg0, %mul3A_1740, %dma_start3A_1742] : memref<2x10240x128xf32, #tpu.memory_space<hbm>> -> memref<1x640x128xf32, #tpu.memory_space<hbm>>
      %dma_start3A_1744 = tpu.memref_squeeze %dma_start3A_1743 : memref<1x640x128xf32, #tpu.memory_space<hbm>> -> memref<640x128xf32, #tpu.memory_space<hbm>>
      %dma_start3A_1745 = arith.constant 0 : i32
      %dma_start3A_1746 = tpu.memref_slice %arg8[%mul3A_1738, %dma_start3A_1745] : memref<10240x128xf32, #tpu.memory_space<vmem_shared>> -> memref<640x128xf32, #tpu.memory_space<vmem_shared>>
      tpu.enqueue_dma source(%dma_start3A_1746 : memref<640x128xf32, #tpu.memory_space<vmem_shared>>) target(%dma_start3A_1744 : memref<640x128xf32, #tpu.memory_space<hbm>>) target_semaphore(%run_scoped3A_1741 : memref<!tpu.dma_semaphore, #tpu.memory_space<semaphore_mem>>)
      %dma_wait3A_1747 = arith.constant 0 : i32
      %dma_wait3A_1748 = tpu.memref_slice %arg4[%arg0, %mul3A_1740, %dma_wait3A_1747] : memref<2x10240x128xf32, #tpu.memory_space<hbm>> -> memref<1x640x128xf32, #tpu.memory_space<hbm>>
      %dma_wait3A_1749 = tpu.memref_squeeze %dma_wait3A_1748 : memref<1x640x128xf32, #tpu.memory_space<hbm>> -> memref<640x128xf32, #tpu.memory_space<hbm>>
      %dma_wait3A_1750 = arith.constant 0 : i32
      %dma_wait3A_1751 = tpu.memref_slice %arg8[%mul3A_1738, %dma_wait3A_1750] : memref<10240x128xf32, #tpu.memory_space<vmem_shared>> -> memref<640x128xf32, #tpu.memory_space<vmem_shared>>
      tpu.wait_dma2 semaphore(%run_scoped3A_1741 : memref<!tpu.dma_semaphore, #tpu.memory_space<semaphore_mem>>) src(%dma_wait3A_1751 : memref<640x128xf32, #tpu.memory_space<vmem_shared>>) dst(%dma_wait3A_1749 : memref<640x128xf32, #tpu.memory_space<hbm>>)
      tpu.yield
    }) : () -> ()
    return
  }
}

#map = affine_map<(d0, d1) -> (0, 0, 0, 0)>
#map1 = affine_map<(d0, d1) -> (0, 0, 0)>
module attributes {stable_mosaic.version = 14 : i64} {
  func.func @_deg_body(%arg0: i32, %arg1: i32, %arg2: memref<2x32x78x128xi32, #tpu.memory_space<hbm>>, %arg3: memref<2x32x16xi32, #tpu.memory_space<hbm>>, %arg4: memref<2x2x10240xf32, #tpu.memory_space<hbm>>, %arg5: memref<78x128xi32, #tpu.memory_space<vmem>>, %arg6: memref<78x128xi32, #tpu.memory_space<vmem>>, %arg7: memref<2x16xi32, #tpu.memory_space<vmem>>, %arg8: memref<128xf32, #tpu.memory_space<vmem>>, %arg9: memref<640xf32, #tpu.memory_space<vmem>>, %arg10: memref<10240xf32, #tpu.memory_space<vmem_shared>>, %arg11: memref<10240xf32, #tpu.memory_space<vmem_shared>>, %arg12: memref<2x!tpu.dma_semaphore, #tpu.memory_space<semaphore_mem>>) attributes {dimension_semantics = [#tpu.dimension_semantics<core_parallel>, #tpu.dimension_semantics<subcore_parallel>], iteration_bounds = array<i64: 2, 16>, scalar_prefetch = 0 : i64, scratch_operands = 8 : i64, tpu.core_type = #tpu.core_type<sc_vector_subcore>, window_params = [{transform_indices = #map}, {transform_indices = #map1}, {transform_indices = #map1}]} {
    %mul3A = arith.constant 16 : i32
    %mul3A_0 = arith.muli %arg0, %mul3A : i32
    %add3A = arith.addi %mul3A_0, %arg1 : i32
    %scan3A = arith.constant 0 : i32
    %scan3A_1 = arith.constant 8 : i32
    %scan3A_2 = arith.addi %scan3A, %scan3A_1 : i32
    %scan3A_3 = arith.constant 1 : i32
    scf.for %scan3A_37 = %scan3A to %scan3A_2 step %scan3A_3  : i32 {
      %mul3A_38 = arith.constant 16 : i32
      %mul3A_39 = arith.muli %scan3A_37, %mul3A_38 : i32
      %add3A_40 = arith.constant 0 : i32
      %add3A_41 = arith.addi %add3A_40, %mul3A_39 : i32
      %broadcast_in_dim3A = arith.constant 1.000000e+00 : f32
      %broadcast_in_dim3A_42 = vector.broadcast %broadcast_in_dim3A : f32 to vector<16xf32>
      %swap3A = arith.index_cast %add3A_41 : i32 to index
      %swap3A_43 = tpu.vector_load %arg8[%swap3A] {strides = array<i32>} : memref<128xf32, #tpu.memory_space<vmem>>, vector<16xf32>,
      %swap3A_44 = vector.shape_cast %swap3A_43 : vector<16xf32> to vector<16xf32>
      %swap3A_45 = vector.shape_cast %broadcast_in_dim3A_42 : vector<16xf32> to vector<16xf32>
      tpu.vector_store %arg8[%swap3A], %swap3A_45 {strides = array<i32>} : memref<128xf32, #tpu.memory_space<vmem>>, vector<16xf32>,
    }
    %scan3A_4 = arith.constant 8 : i32
    %scan3A_5 = arith.constant 0 : i32
    %scan3A_6 = arith.constant 40 : i32
    %scan3A_7 = arith.addi %scan3A_5, %scan3A_6 : i32
    %scan3A_8 = arith.constant 1 : i32
    scf.for %scan3A_37 = %scan3A_5 to %scan3A_7 step %scan3A_8  : i32 {
      %mul3A_38 = arith.constant 16 : i32
      %mul3A_39 = arith.muli %scan3A_37, %mul3A_38 : i32
      %add3A_40 = arith.constant 0 : i32
      %add3A_41 = arith.addi %add3A_40, %mul3A_39 : i32
      %broadcast_in_dim3A = arith.constant 0.000000e+00 : f32
      %broadcast_in_dim3A_42 = vector.broadcast %broadcast_in_dim3A : f32 to vector<16xf32>
      %swap3A = arith.index_cast %add3A_41 : i32 to index
      %swap3A_43 = tpu.vector_load %arg9[%swap3A] {strides = array<i32>} : memref<640xf32, #tpu.memory_space<vmem>>, vector<16xf32>,
      %swap3A_44 = vector.shape_cast %swap3A_43 : vector<16xf32> to vector<16xf32>
      %swap3A_45 = vector.shape_cast %broadcast_in_dim3A_42 : vector<16xf32> to vector<16xf32>
      tpu.vector_store %arg9[%swap3A], %swap3A_45 {strides = array<i32>} : memref<640xf32, #tpu.memory_space<vmem>>, vector<16xf32>,
    }
    %scan3A_9 = arith.constant 40 : i32
    %mul3A_10 = arith.constant 640 : i32
    %mul3A_11 = arith.muli %arg1, %mul3A_10 : i32
    "tpu.region"() ({
      %run_scoped3A_37 = tpu.sem_alloc : memref<!tpu.dma_semaphore, #tpu.memory_space<semaphore_mem>>
      %dma_start3A = tpu.memref_slice %arg10[%mul3A_11] : memref<10240xf32, #tpu.memory_space<vmem_shared>> -> memref<640xf32, #tpu.memory_space<vmem_shared>>
      %dma_start3A_38 = tpu.memref_slice %arg10[%mul3A_11] : memref<10240xf32, #tpu.memory_space<vmem_shared>> -> memref<640xf32, #tpu.memory_space<vmem_shared>>
      tpu.enqueue_dma source(%arg9 : memref<640xf32, #tpu.memory_space<vmem>>) target(%dma_start3A_38 : memref<640xf32, #tpu.memory_space<vmem_shared>>) target_semaphore(%run_scoped3A_37 : memref<!tpu.dma_semaphore, #tpu.memory_space<semaphore_mem>>)
      %dma_wait3A = tpu.memref_slice %arg10[%mul3A_11] : memref<10240xf32, #tpu.memory_space<vmem_shared>> -> memref<640xf32, #tpu.memory_space<vmem_shared>>
      %dma_wait3A_39 = tpu.memref_slice %arg10[%mul3A_11] : memref<10240xf32, #tpu.memory_space<vmem_shared>> -> memref<640xf32, #tpu.memory_space<vmem_shared>>
      tpu.wait_dma2 semaphore(%run_scoped3A_37 : memref<!tpu.dma_semaphore, #tpu.memory_space<semaphore_mem>>) src(%arg9 : memref<640xf32, #tpu.memory_space<vmem>>) dst(%dma_wait3A_39 : memref<640xf32, #tpu.memory_space<vmem_shared>>)
      tpu.yield
    }) : () -> ()
    %mul3A_12 = arith.constant 640 : i32
    %mul3A_13 = arith.muli %arg1, %mul3A_12 : i32
    "tpu.region"() ({
      %run_scoped3A_37 = tpu.sem_alloc : memref<!tpu.dma_semaphore, #tpu.memory_space<semaphore_mem>>
      %dma_start3A = tpu.memref_slice %arg11[%mul3A_13] : memref<10240xf32, #tpu.memory_space<vmem_shared>> -> memref<640xf32, #tpu.memory_space<vmem_shared>>
      %dma_start3A_38 = tpu.memref_slice %arg11[%mul3A_13] : memref<10240xf32, #tpu.memory_space<vmem_shared>> -> memref<640xf32, #tpu.memory_space<vmem_shared>>
      tpu.enqueue_dma source(%arg9 : memref<640xf32, #tpu.memory_space<vmem>>) target(%dma_start3A_38 : memref<640xf32, #tpu.memory_space<vmem_shared>>) target_semaphore(%run_scoped3A_37 : memref<!tpu.dma_semaphore, #tpu.memory_space<semaphore_mem>>)
      %dma_wait3A = tpu.memref_slice %arg11[%mul3A_13] : memref<10240xf32, #tpu.memory_space<vmem_shared>> -> memref<640xf32, #tpu.memory_space<vmem_shared>>
      %dma_wait3A_39 = tpu.memref_slice %arg11[%mul3A_13] : memref<10240xf32, #tpu.memory_space<vmem_shared>> -> memref<640xf32, #tpu.memory_space<vmem_shared>>
      tpu.wait_dma2 semaphore(%run_scoped3A_37 : memref<!tpu.dma_semaphore, #tpu.memory_space<semaphore_mem>>) src(%arg9 : memref<640xf32, #tpu.memory_space<vmem>>) dst(%dma_wait3A_39 : memref<640xf32, #tpu.memory_space<vmem_shared>>)
      tpu.yield
    }) : () -> ()
    %barrier3A = arith.constant 0 : index
    tpu.barrier barrier_id(%barrier3A)
    %run_scoped3A = arith.constant 0 : i32
    "tpu.region"() ({
      %run_scoped3A_37 = tpu.sem_alloc : memref<!tpu.dma_semaphore, #tpu.memory_space<semaphore_mem>>
      %dma_start3A = arith.constant 0 : i32
      %dma_start3A_38 = arith.constant 0 : i32
      %dma_start3A_39 = tpu.memref_slice %arg2[%run_scoped3A, %add3A, %dma_start3A, %dma_start3A_38] : memref<2x32x78x128xi32, #tpu.memory_space<hbm>> -> memref<1x1x78x128xi32, #tpu.memory_space<hbm>>
      %dma_start3A_40 = tpu.memref_squeeze %dma_start3A_39 : memref<1x1x78x128xi32, #tpu.memory_space<hbm>> -> memref<78x128xi32, #tpu.memory_space<hbm>>
      %dma_start3A_41 = arith.constant 0 : i32
      %dma_start3A_42 = arith.constant 0 : i32
      %dma_start3A_43 = tpu.memref_slice %arg2[%run_scoped3A, %add3A, %dma_start3A_41, %dma_start3A_42] : memref<2x32x78x128xi32, #tpu.memory_space<hbm>> -> memref<1x1x78x128xi32, #tpu.memory_space<hbm>>
      %dma_start3A_44 = tpu.memref_squeeze %dma_start3A_43 : memref<1x1x78x128xi32, #tpu.memory_space<hbm>> -> memref<78x128xi32, #tpu.memory_space<hbm>>
      tpu.enqueue_dma source(%dma_start3A_44 : memref<78x128xi32, #tpu.memory_space<hbm>>) target(%arg5 : memref<78x128xi32, #tpu.memory_space<vmem>>) target_semaphore(%run_scoped3A_37 : memref<!tpu.dma_semaphore, #tpu.memory_space<semaphore_mem>>)
      %dma_wait3A = arith.constant 0 : i32
      %dma_wait3A_45 = arith.constant 0 : i32
      %dma_wait3A_46 = tpu.memref_slice %arg2[%run_scoped3A, %add3A, %dma_wait3A, %dma_wait3A_45] : memref<2x32x78x128xi32, #tpu.memory_space<hbm>> -> memref<1x1x78x128xi32, #tpu.memory_space<hbm>>
      %dma_wait3A_47 = tpu.memref_squeeze %dma_wait3A_46 : memref<1x1x78x128xi32, #tpu.memory_space<hbm>> -> memref<78x128xi32, #tpu.memory_space<hbm>>
      %dma_wait3A_48 = arith.constant 0 : i32
      %dma_wait3A_49 = arith.constant 0 : i32
      %dma_wait3A_50 = tpu.memref_slice %arg2[%run_scoped3A, %add3A, %dma_wait3A_48, %dma_wait3A_49] : memref<2x32x78x128xi32, #tpu.memory_space<hbm>> -> memref<1x1x78x128xi32, #tpu.memory_space<hbm>>
      %dma_wait3A_51 = tpu.memref_squeeze %dma_wait3A_50 : memref<1x1x78x128xi32, #tpu.memory_space<hbm>> -> memref<78x128xi32, #tpu.memory_space<hbm>>
      tpu.wait_dma2 semaphore(%run_scoped3A_37 : memref<!tpu.dma_semaphore, #tpu.memory_space<semaphore_mem>>) src(%dma_wait3A_51 : memref<78x128xi32, #tpu.memory_space<hbm>>) dst(%arg5 : memref<78x128xi32, #tpu.memory_space<vmem>>)
      tpu.yield
    }) : () -> ()
    %run_scoped3A_14 = arith.constant 1 : i32
    "tpu.region"() ({
      %run_scoped3A_37 = tpu.sem_alloc : memref<!tpu.dma_semaphore, #tpu.memory_space<semaphore_mem>>
      %dma_start3A = arith.constant 0 : i32
      %dma_start3A_38 = arith.constant 0 : i32
      %dma_start3A_39 = tpu.memref_slice %arg2[%run_scoped3A_14, %add3A, %dma_start3A, %dma_start3A_38] : memref<2x32x78x128xi32, #tpu.memory_space<hbm>> -> memref<1x1x78x128xi32, #tpu.memory_space<hbm>>
      %dma_start3A_40 = tpu.memref_squeeze %dma_start3A_39 : memref<1x1x78x128xi32, #tpu.memory_space<hbm>> -> memref<78x128xi32, #tpu.memory_space<hbm>>
      %dma_start3A_41 = arith.constant 0 : i32
      %dma_start3A_42 = arith.constant 0 : i32
      %dma_start3A_43 = tpu.memref_slice %arg2[%run_scoped3A_14, %add3A, %dma_start3A_41, %dma_start3A_42] : memref<2x32x78x128xi32, #tpu.memory_space<hbm>> -> memref<1x1x78x128xi32, #tpu.memory_space<hbm>>
      %dma_start3A_44 = tpu.memref_squeeze %dma_start3A_43 : memref<1x1x78x128xi32, #tpu.memory_space<hbm>> -> memref<78x128xi32, #tpu.memory_space<hbm>>
      tpu.enqueue_dma source(%dma_start3A_44 : memref<78x128xi32, #tpu.memory_space<hbm>>) target(%arg6 : memref<78x128xi32, #tpu.memory_space<vmem>>) target_semaphore(%run_scoped3A_37 : memref<!tpu.dma_semaphore, #tpu.memory_space<semaphore_mem>>)
      %dma_wait3A = arith.constant 0 : i32
      %dma_wait3A_45 = arith.constant 0 : i32
      %dma_wait3A_46 = tpu.memref_slice %arg2[%run_scoped3A_14, %add3A, %dma_wait3A, %dma_wait3A_45] : memref<2x32x78x128xi32, #tpu.memory_space<hbm>> -> memref<1x1x78x128xi32, #tpu.memory_space<hbm>>
      %dma_wait3A_47 = tpu.memref_squeeze %dma_wait3A_46 : memref<1x1x78x128xi32, #tpu.memory_space<hbm>> -> memref<78x128xi32, #tpu.memory_space<hbm>>
      %dma_wait3A_48 = arith.constant 0 : i32
      %dma_wait3A_49 = arith.constant 0 : i32
      %dma_wait3A_50 = tpu.memref_slice %arg2[%run_scoped3A_14, %add3A, %dma_wait3A_48, %dma_wait3A_49] : memref<2x32x78x128xi32, #tpu.memory_space<hbm>> -> memref<1x1x78x128xi32, #tpu.memory_space<hbm>>
      %dma_wait3A_51 = tpu.memref_squeeze %dma_wait3A_50 : memref<1x1x78x128xi32, #tpu.memory_space<hbm>> -> memref<78x128xi32, #tpu.memory_space<hbm>>
      tpu.wait_dma2 semaphore(%run_scoped3A_37 : memref<!tpu.dma_semaphore, #tpu.memory_space<semaphore_mem>>) src(%dma_wait3A_51 : memref<78x128xi32, #tpu.memory_space<hbm>>) dst(%arg6 : memref<78x128xi32, #tpu.memory_space<vmem>>)
      tpu.yield
    }) : () -> ()
    %run_scoped3A_15 = arith.constant 0 : i32
    %run_scoped3A_16 = arith.constant 0 : i32
    "tpu.region"() ({
      %run_scoped3A_37 = tpu.sem_alloc : memref<!tpu.dma_semaphore, #tpu.memory_space<semaphore_mem>>
      %dma_start3A = arith.constant 0 : i32
      %dma_start3A_38 = tpu.memref_slice %arg7[%run_scoped3A_16, %dma_start3A] : memref<2x16xi32, #tpu.memory_space<vmem>> -> memref<1x16xi32, #tpu.memory_space<vmem>>
      %dma_start3A_39 = tpu.memref_squeeze %dma_start3A_38 : memref<1x16xi32, #tpu.memory_space<vmem>> -> memref<16xi32, #tpu.memory_space<vmem>>
      %dma_start3A_40 = arith.constant 0 : i32
      %dma_start3A_41 = tpu.memref_slice %arg3[%run_scoped3A_15, %add3A, %dma_start3A_40] : memref<2x32x16xi32, #tpu.memory_space<hbm>> -> memref<1x1x16xi32, #tpu.memory_space<hbm>>
      %dma_start3A_42 = tpu.memref_squeeze %dma_start3A_41 : memref<1x1x16xi32, #tpu.memory_space<hbm>> -> memref<16xi32, #tpu.memory_space<hbm>>
      %dma_start3A_43 = arith.constant 0 : i32
      %dma_start3A_44 = tpu.memref_slice %arg7[%run_scoped3A_16, %dma_start3A_43] : memref<2x16xi32, #tpu.memory_space<vmem>> -> memref<1x16xi32, #tpu.memory_space<vmem>>
      %dma_start3A_45 = tpu.memref_squeeze %dma_start3A_44 : memref<1x16xi32, #tpu.memory_space<vmem>> -> memref<16xi32, #tpu.memory_space<vmem>>
      %dma_start3A_46 = arith.constant 0 : i32
      %dma_start3A_47 = tpu.memref_slice %arg3[%run_scoped3A_15, %add3A, %dma_start3A_46] : memref<2x32x16xi32, #tpu.memory_space<hbm>> -> memref<1x1x16xi32, #tpu.memory_space<hbm>>
      %dma_start3A_48 = tpu.memref_squeeze %dma_start3A_47 : memref<1x1x16xi32, #tpu.memory_space<hbm>> -> memref<16xi32, #tpu.memory_space<hbm>>
      tpu.enqueue_dma source(%dma_start3A_48 : memref<16xi32, #tpu.memory_space<hbm>>) target(%dma_start3A_45 : memref<16xi32, #tpu.memory_space<vmem>>) target_semaphore(%run_scoped3A_37 : memref<!tpu.dma_semaphore, #tpu.memory_space<semaphore_mem>>)
      %dma_wait3A = arith.constant 0 : i32
      %dma_wait3A_49 = tpu.memref_slice %arg7[%run_scoped3A_16, %dma_wait3A] : memref<2x16xi32, #tpu.memory_space<vmem>> -> memref<1x16xi32, #tpu.memory_space<vmem>>
      %dma_wait3A_50 = tpu.memref_squeeze %dma_wait3A_49 : memref<1x16xi32, #tpu.memory_space<vmem>> -> memref<16xi32, #tpu.memory_space<vmem>>
      %dma_wait3A_51 = arith.constant 0 : i32
      %dma_wait3A_52 = tpu.memref_slice %arg3[%run_scoped3A_15, %add3A, %dma_wait3A_51] : memref<2x32x16xi32, #tpu.memory_space<hbm>> -> memref<1x1x16xi32, #tpu.memory_space<hbm>>
      %dma_wait3A_53 = tpu.memref_squeeze %dma_wait3A_52 : memref<1x1x16xi32, #tpu.memory_space<hbm>> -> memref<16xi32, #tpu.memory_space<hbm>>
      %dma_wait3A_54 = arith.constant 0 : i32
      %dma_wait3A_55 = tpu.memref_slice %arg7[%run_scoped3A_16, %dma_wait3A_54] : memref<2x16xi32, #tpu.memory_space<vmem>> -> memref<1x16xi32, #tpu.memory_space<vmem>>
      %dma_wait3A_56 = tpu.memref_squeeze %dma_wait3A_55 : memref<1x16xi32, #tpu.memory_space<vmem>> -> memref<16xi32, #tpu.memory_space<vmem>>
      %dma_wait3A_57 = arith.constant 0 : i32
      %dma_wait3A_58 = tpu.memref_slice %arg3[%run_scoped3A_15, %add3A, %dma_wait3A_57] : memref<2x32x16xi32, #tpu.memory_space<hbm>> -> memref<1x1x16xi32, #tpu.memory_space<hbm>>
      %dma_wait3A_59 = tpu.memref_squeeze %dma_wait3A_58 : memref<1x1x16xi32, #tpu.memory_space<hbm>> -> memref<16xi32, #tpu.memory_space<hbm>>
      tpu.wait_dma2 semaphore(%run_scoped3A_37 : memref<!tpu.dma_semaphore, #tpu.memory_space<semaphore_mem>>) src(%dma_wait3A_59 : memref<16xi32, #tpu.memory_space<hbm>>) dst(%dma_wait3A_56 : memref<16xi32, #tpu.memory_space<vmem>>)
      tpu.yield
    }) : () -> ()
    %run_scoped3A_17 = arith.constant 1 : i32
    %run_scoped3A_18 = arith.constant 1 : i32
    "tpu.region"() ({
      %run_scoped3A_37 = tpu.sem_alloc : memref<!tpu.dma_semaphore, #tpu.memory_space<semaphore_mem>>
      %dma_start3A = arith.constant 0 : i32
      %dma_start3A_38 = tpu.memref_slice %arg7[%run_scoped3A_18, %dma_start3A] : memref<2x16xi32, #tpu.memory_space<vmem>> -> memref<1x16xi32, #tpu.memory_space<vmem>>
      %dma_start3A_39 = tpu.memref_squeeze %dma_start3A_38 : memref<1x16xi32, #tpu.memory_space<vmem>> -> memref<16xi32, #tpu.memory_space<vmem>>
      %dma_start3A_40 = arith.constant 0 : i32
      %dma_start3A_41 = tpu.memref_slice %arg3[%run_scoped3A_17, %add3A, %dma_start3A_40] : memref<2x32x16xi32, #tpu.memory_space<hbm>> -> memref<1x1x16xi32, #tpu.memory_space<hbm>>
      %dma_start3A_42 = tpu.memref_squeeze %dma_start3A_41 : memref<1x1x16xi32, #tpu.memory_space<hbm>> -> memref<16xi32, #tpu.memory_space<hbm>>
      %dma_start3A_43 = arith.constant 0 : i32
      %dma_start3A_44 = tpu.memref_slice %arg7[%run_scoped3A_18, %dma_start3A_43] : memref<2x16xi32, #tpu.memory_space<vmem>> -> memref<1x16xi32, #tpu.memory_space<vmem>>
      %dma_start3A_45 = tpu.memref_squeeze %dma_start3A_44 : memref<1x16xi32, #tpu.memory_space<vmem>> -> memref<16xi32, #tpu.memory_space<vmem>>
      %dma_start3A_46 = arith.constant 0 : i32
      %dma_start3A_47 = tpu.memref_slice %arg3[%run_scoped3A_17, %add3A, %dma_start3A_46] : memref<2x32x16xi32, #tpu.memory_space<hbm>> -> memref<1x1x16xi32, #tpu.memory_space<hbm>>
      %dma_start3A_48 = tpu.memref_squeeze %dma_start3A_47 : memref<1x1x16xi32, #tpu.memory_space<hbm>> -> memref<16xi32, #tpu.memory_space<hbm>>
      tpu.enqueue_dma source(%dma_start3A_48 : memref<16xi32, #tpu.memory_space<hbm>>) target(%dma_start3A_45 : memref<16xi32, #tpu.memory_space<vmem>>) target_semaphore(%run_scoped3A_37 : memref<!tpu.dma_semaphore, #tpu.memory_space<semaphore_mem>>)
      %dma_wait3A = arith.constant 0 : i32
      %dma_wait3A_49 = tpu.memref_slice %arg7[%run_scoped3A_18, %dma_wait3A] : memref<2x16xi32, #tpu.memory_space<vmem>> -> memref<1x16xi32, #tpu.memory_space<vmem>>
      %dma_wait3A_50 = tpu.memref_squeeze %dma_wait3A_49 : memref<1x16xi32, #tpu.memory_space<vmem>> -> memref<16xi32, #tpu.memory_space<vmem>>
      %dma_wait3A_51 = arith.constant 0 : i32
      %dma_wait3A_52 = tpu.memref_slice %arg3[%run_scoped3A_17, %add3A, %dma_wait3A_51] : memref<2x32x16xi32, #tpu.memory_space<hbm>> -> memref<1x1x16xi32, #tpu.memory_space<hbm>>
      %dma_wait3A_53 = tpu.memref_squeeze %dma_wait3A_52 : memref<1x1x16xi32, #tpu.memory_space<hbm>> -> memref<16xi32, #tpu.memory_space<hbm>>
      %dma_wait3A_54 = arith.constant 0 : i32
      %dma_wait3A_55 = tpu.memref_slice %arg7[%run_scoped3A_18, %dma_wait3A_54] : memref<2x16xi32, #tpu.memory_space<vmem>> -> memref<1x16xi32, #tpu.memory_space<vmem>>
      %dma_wait3A_56 = tpu.memref_squeeze %dma_wait3A_55 : memref<1x16xi32, #tpu.memory_space<vmem>> -> memref<16xi32, #tpu.memory_space<vmem>>
      %dma_wait3A_57 = arith.constant 0 : i32
      %dma_wait3A_58 = tpu.memref_slice %arg3[%run_scoped3A_17, %add3A, %dma_wait3A_57] : memref<2x32x16xi32, #tpu.memory_space<hbm>> -> memref<1x1x16xi32, #tpu.memory_space<hbm>>
      %dma_wait3A_59 = tpu.memref_squeeze %dma_wait3A_58 : memref<1x1x16xi32, #tpu.memory_space<hbm>> -> memref<16xi32, #tpu.memory_space<hbm>>
      tpu.wait_dma2 semaphore(%run_scoped3A_37 : memref<!tpu.dma_semaphore, #tpu.memory_space<semaphore_mem>>) src(%dma_wait3A_59 : memref<16xi32, #tpu.memory_space<hbm>>) dst(%dma_wait3A_56 : memref<16xi32, #tpu.memory_space<vmem>>)
      tpu.yield
    }) : () -> ()
    %scan3A_19 = arith.constant 0 : i32
    %scan3A_20 = arith.constant 78 : i32
    %scan3A_21 = arith.addi %scan3A_19, %scan3A_20 : i32
    %scan3A_22 = arith.constant 1 : i32
    scf.for %scan3A_37 = %scan3A_19 to %scan3A_21 step %scan3A_22  : i32 {
      %mul3A_38 = arith.constant 1 : i32
      %mul3A_39 = arith.muli %scan3A_37, %mul3A_38 : i32
      %add3A_40 = arith.constant 0 : i32
      %add3A_41 = arith.addi %add3A_40, %mul3A_39 : i32
      "tpu.region"() ({
        %run_scoped3A_42 = tpu.sem_alloc : memref<!tpu.dma_semaphore, #tpu.memory_space<semaphore_mem>>
        %dma_start3A = arith.constant 0 : i32
        %dma_start3A_43 = tpu.memref_slice %arg5[%add3A_41, %dma_start3A] : memref<78x128xi32, #tpu.memory_space<vmem>> -> memref<1x128xi32, #tpu.memory_space<vmem>>
        %dma_start3A_44 = tpu.memref_squeeze %dma_start3A_43 : memref<1x128xi32, #tpu.memory_space<vmem>> -> memref<128xi32, #tpu.memory_space<vmem>>
        %dma_start3A_45 = arith.constant 0 : i32
        %dma_start3A_46 = tpu.memref_slice %arg10[%dma_start3A_45] : memref<10240xf32, #tpu.memory_space<vmem_shared>> -> memref<10240xf32, #tpu.memory_space<vmem_shared>>
        tpu.enqueue_indirect_dma source(%arg8 : memref<128xf32, #tpu.memory_space<vmem>>) target(%dma_start3A_46 : memref<10240xf32, #tpu.memory_space<vmem_shared>>) offsets(%dma_start3A_44 : memref<128xi32, #tpu.memory_space<vmem>>) semaphore(%run_scoped3A_42 : memref<!tpu.dma_semaphore, #tpu.memory_space<semaphore_mem>>) {add = true}
        %dma_wait3A = arith.constant 0 : i32
        %dma_wait3A_47 = tpu.memref_slice %arg5[%add3A_41, %dma_wait3A] : memref<78x128xi32, #tpu.memory_space<vmem>> -> memref<1x128xi32, #tpu.memory_space<vmem>>
        %dma_wait3A_48 = tpu.memref_squeeze %dma_wait3A_47 : memref<1x128xi32, #tpu.memory_space<vmem>> -> memref<128xi32, #tpu.memory_space<vmem>>
        %dma_wait3A_49 = arith.constant 0 : i32
        %dma_wait3A_50 = tpu.memref_slice %arg10[%dma_wait3A_49] : memref<10240xf32, #tpu.memory_space<vmem_shared>> -> memref<10240xf32, #tpu.memory_space<vmem_shared>>
        tpu.wait_indirect_dma semaphore(%run_scoped3A_42 : memref<!tpu.dma_semaphore, #tpu.memory_space<semaphore_mem>>) src(%arg8 : memref<128xf32, #tpu.memory_space<vmem>>) dst(%dma_wait3A_50 : memref<10240xf32, #tpu.memory_space<vmem_shared>>)
        tpu.yield
      }) : () -> ()
      "tpu.region"() ({
        %run_scoped3A_42 = tpu.sem_alloc : memref<!tpu.dma_semaphore, #tpu.memory_space<semaphore_mem>>
        %dma_start3A = arith.constant 0 : i32
        %dma_start3A_43 = tpu.memref_slice %arg6[%add3A_41, %dma_start3A] : memref<78x128xi32, #tpu.memory_space<vmem>> -> memref<1x128xi32, #tpu.memory_space<vmem>>
        %dma_start3A_44 = tpu.memref_squeeze %dma_start3A_43 : memref<1x128xi32, #tpu.memory_space<vmem>> -> memref<128xi32, #tpu.memory_space<vmem>>
        %dma_start3A_45 = arith.constant 0 : i32
        %dma_start3A_46 = tpu.memref_slice %arg11[%dma_start3A_45] : memref<10240xf32, #tpu.memory_space<vmem_shared>> -> memref<10240xf32, #tpu.memory_space<vmem_shared>>
        tpu.enqueue_indirect_dma source(%arg8 : memref<128xf32, #tpu.memory_space<vmem>>) target(%dma_start3A_46 : memref<10240xf32, #tpu.memory_space<vmem_shared>>) offsets(%dma_start3A_44 : memref<128xi32, #tpu.memory_space<vmem>>) semaphore(%run_scoped3A_42 : memref<!tpu.dma_semaphore, #tpu.memory_space<semaphore_mem>>) {add = true}
        %dma_wait3A = arith.constant 0 : i32
        %dma_wait3A_47 = tpu.memref_slice %arg6[%add3A_41, %dma_wait3A] : memref<78x128xi32, #tpu.memory_space<vmem>> -> memref<1x128xi32, #tpu.memory_space<vmem>>
        %dma_wait3A_48 = tpu.memref_squeeze %dma_wait3A_47 : memref<1x128xi32, #tpu.memory_space<vmem>> -> memref<128xi32, #tpu.memory_space<vmem>>
        %dma_wait3A_49 = arith.constant 0 : i32
        %dma_wait3A_50 = tpu.memref_slice %arg11[%dma_wait3A_49] : memref<10240xf32, #tpu.memory_space<vmem_shared>> -> memref<10240xf32, #tpu.memory_space<vmem_shared>>
        tpu.wait_indirect_dma semaphore(%run_scoped3A_42 : memref<!tpu.dma_semaphore, #tpu.memory_space<semaphore_mem>>) src(%arg8 : memref<128xf32, #tpu.memory_space<vmem>>) dst(%dma_wait3A_50 : memref<10240xf32, #tpu.memory_space<vmem_shared>>)
        tpu.yield
      }) : () -> ()
    }
    %scan3A_23 = arith.constant 78 : i32
    %run_scoped3A_24 = arith.constant 0 : i32
    "tpu.region"() ({
      %run_scoped3A_37 = tpu.sem_alloc : memref<!tpu.dma_semaphore, #tpu.memory_space<semaphore_mem>>
      %dma_start3A = arith.constant 0 : i32
      %dma_start3A_38 = tpu.memref_slice %arg8[%dma_start3A] : memref<128xf32, #tpu.memory_space<vmem>> -> memref<16xf32, #tpu.memory_space<vmem>>
      %dma_start3A_39 = arith.constant 0 : i32
      %dma_start3A_40 = tpu.memref_slice %arg7[%run_scoped3A_24, %dma_start3A_39] : memref<2x16xi32, #tpu.memory_space<vmem>> -> memref<1x16xi32, #tpu.memory_space<vmem>>
      %dma_start3A_41 = tpu.memref_squeeze %dma_start3A_40 : memref<1x16xi32, #tpu.memory_space<vmem>> -> memref<16xi32, #tpu.memory_space<vmem>>
      %dma_start3A_42 = arith.constant 0 : i32
      %dma_start3A_43 = tpu.memref_slice %arg10[%dma_start3A_42] : memref<10240xf32, #tpu.memory_space<vmem_shared>> -> memref<10240xf32, #tpu.memory_space<vmem_shared>>
      tpu.enqueue_indirect_dma source(%dma_start3A_38 : memref<16xf32, #tpu.memory_space<vmem>>) target(%dma_start3A_43 : memref<10240xf32, #tpu.memory_space<vmem_shared>>) offsets(%dma_start3A_41 : memref<16xi32, #tpu.memory_space<vmem>>) semaphore(%run_scoped3A_37 : memref<!tpu.dma_semaphore, #tpu.memory_space<semaphore_mem>>) {add = true}
      %dma_wait3A = arith.constant 0 : i32
      %dma_wait3A_44 = tpu.memref_slice %arg8[%dma_wait3A] : memref<128xf32, #tpu.memory_space<vmem>> -> memref<16xf32, #tpu.memory_space<vmem>>
      %dma_wait3A_45 = arith.constant 0 : i32
      %dma_wait3A_46 = tpu.memref_slice %arg7[%run_scoped3A_24, %dma_wait3A_45] : memref<2x16xi32, #tpu.memory_space<vmem>> -> memref<1x16xi32, #tpu.memory_space<vmem>>
      %dma_wait3A_47 = tpu.memref_squeeze %dma_wait3A_46 : memref<1x16xi32, #tpu.memory_space<vmem>> -> memref<16xi32, #tpu.memory_space<vmem>>
      %dma_wait3A_48 = arith.constant 0 : i32
      %dma_wait3A_49 = tpu.memref_slice %arg10[%dma_wait3A_48] : memref<10240xf32, #tpu.memory_space<vmem_shared>> -> memref<10240xf32, #tpu.memory_space<vmem_shared>>
      tpu.wait_indirect_dma semaphore(%run_scoped3A_37 : memref<!tpu.dma_semaphore, #tpu.memory_space<semaphore_mem>>) src(%dma_wait3A_44 : memref<16xf32, #tpu.memory_space<vmem>>) dst(%dma_wait3A_49 : memref<10240xf32, #tpu.memory_space<vmem_shared>>)
      tpu.yield
    }) : () -> ()
    %run_scoped3A_25 = arith.constant 1 : i32
    "tpu.region"() ({
      %run_scoped3A_37 = tpu.sem_alloc : memref<!tpu.dma_semaphore, #tpu.memory_space<semaphore_mem>>
      %dma_start3A = arith.constant 0 : i32
      %dma_start3A_38 = tpu.memref_slice %arg8[%dma_start3A] : memref<128xf32, #tpu.memory_space<vmem>> -> memref<16xf32, #tpu.memory_space<vmem>>
      %dma_start3A_39 = arith.constant 0 : i32
      %dma_start3A_40 = tpu.memref_slice %arg7[%run_scoped3A_25, %dma_start3A_39] : memref<2x16xi32, #tpu.memory_space<vmem>> -> memref<1x16xi32, #tpu.memory_space<vmem>>
      %dma_start3A_41 = tpu.memref_squeeze %dma_start3A_40 : memref<1x16xi32, #tpu.memory_space<vmem>> -> memref<16xi32, #tpu.memory_space<vmem>>
      %dma_start3A_42 = arith.constant 0 : i32
      %dma_start3A_43 = tpu.memref_slice %arg11[%dma_start3A_42] : memref<10240xf32, #tpu.memory_space<vmem_shared>> -> memref<10240xf32, #tpu.memory_space<vmem_shared>>
      tpu.enqueue_indirect_dma source(%dma_start3A_38 : memref<16xf32, #tpu.memory_space<vmem>>) target(%dma_start3A_43 : memref<10240xf32, #tpu.memory_space<vmem_shared>>) offsets(%dma_start3A_41 : memref<16xi32, #tpu.memory_space<vmem>>) semaphore(%run_scoped3A_37 : memref<!tpu.dma_semaphore, #tpu.memory_space<semaphore_mem>>) {add = true}
      %dma_wait3A = arith.constant 0 : i32
      %dma_wait3A_44 = tpu.memref_slice %arg8[%dma_wait3A] : memref<128xf32, #tpu.memory_space<vmem>> -> memref<16xf32, #tpu.memory_space<vmem>>
      %dma_wait3A_45 = arith.constant 0 : i32
      %dma_wait3A_46 = tpu.memref_slice %arg7[%run_scoped3A_25, %dma_wait3A_45] : memref<2x16xi32, #tpu.memory_space<vmem>> -> memref<1x16xi32, #tpu.memory_space<vmem>>
      %dma_wait3A_47 = tpu.memref_squeeze %dma_wait3A_46 : memref<1x16xi32, #tpu.memory_space<vmem>> -> memref<16xi32, #tpu.memory_space<vmem>>
      %dma_wait3A_48 = arith.constant 0 : i32
      %dma_wait3A_49 = tpu.memref_slice %arg11[%dma_wait3A_48] : memref<10240xf32, #tpu.memory_space<vmem_shared>> -> memref<10240xf32, #tpu.memory_space<vmem_shared>>
      tpu.wait_indirect_dma semaphore(%run_scoped3A_37 : memref<!tpu.dma_semaphore, #tpu.memory_space<semaphore_mem>>) src(%dma_wait3A_44 : memref<16xf32, #tpu.memory_space<vmem>>) dst(%dma_wait3A_49 : memref<10240xf32, #tpu.memory_space<vmem_shared>>)
      tpu.yield
    }) : () -> ()
    %barrier3A_26 = arith.constant 0 : index
    tpu.barrier barrier_id(%barrier3A_26)
    %mul3A_27 = arith.constant 640 : i32
    %mul3A_28 = arith.muli %arg1, %mul3A_27 : i32
    %mul3A_29 = arith.constant 640 : i32
    %mul3A_30 = arith.muli %arg1, %mul3A_29 : i32
    %run_scoped3A_31 = arith.constant 0 : i32
    "tpu.region"() ({
      %run_scoped3A_37 = tpu.sem_alloc : memref<!tpu.dma_semaphore, #tpu.memory_space<semaphore_mem>>
      %dma_start3A = tpu.memref_slice %arg4[%arg0, %run_scoped3A_31, %mul3A_30] : memref<2x2x10240xf32, #tpu.memory_space<hbm>> -> memref<1x1x640xf32, #tpu.memory_space<hbm>>
      %dma_start3A_38 = tpu.memref_squeeze %dma_start3A : memref<1x1x640xf32, #tpu.memory_space<hbm>> -> memref<640xf32, #tpu.memory_space<hbm>>
      %dma_start3A_39 = tpu.memref_slice %arg10[%mul3A_28] : memref<10240xf32, #tpu.memory_space<vmem_shared>> -> memref<640xf32, #tpu.memory_space<vmem_shared>>
      tpu.enqueue_dma source(%dma_start3A_39 : memref<640xf32, #tpu.memory_space<vmem_shared>>) target(%dma_start3A_38 : memref<640xf32, #tpu.memory_space<hbm>>) target_semaphore(%run_scoped3A_37 : memref<!tpu.dma_semaphore, #tpu.memory_space<semaphore_mem>>)
      %dma_wait3A = tpu.memref_slice %arg4[%arg0, %run_scoped3A_31, %mul3A_30] : memref<2x2x10240xf32, #tpu.memory_space<hbm>> -> memref<1x1x640xf32, #tpu.memory_space<hbm>>
      %dma_wait3A_40 = tpu.memref_squeeze %dma_wait3A : memref<1x1x640xf32, #tpu.memory_space<hbm>> -> memref<640xf32, #tpu.memory_space<hbm>>
      %dma_wait3A_41 = tpu.memref_slice %arg10[%mul3A_28] : memref<10240xf32, #tpu.memory_space<vmem_shared>> -> memref<640xf32, #tpu.memory_space<vmem_shared>>
      tpu.wait_dma2 semaphore(%run_scoped3A_37 : memref<!tpu.dma_semaphore, #tpu.memory_space<semaphore_mem>>) src(%dma_wait3A_41 : memref<640xf32, #tpu.memory_space<vmem_shared>>) dst(%dma_wait3A_40 : memref<640xf32, #tpu.memory_space<hbm>>)
      tpu.yield
    }) : () -> ()
    %mul3A_32 = arith.constant 640 : i32
    %mul3A_33 = arith.muli %arg1, %mul3A_32 : i32
    %mul3A_34 = arith.constant 640 : i32
    %mul3A_35 = arith.muli %arg1, %mul3A_34 : i32
    %run_scoped3A_36 = arith.constant 1 : i32
    "tpu.region"() ({
      %run_scoped3A_37 = tpu.sem_alloc : memref<!tpu.dma_semaphore, #tpu.memory_space<semaphore_mem>>
      %dma_start3A = tpu.memref_slice %arg4[%arg0, %run_scoped3A_36, %mul3A_35] : memref<2x2x10240xf32, #tpu.memory_space<hbm>> -> memref<1x1x640xf32, #tpu.memory_space<hbm>>
      %dma_start3A_38 = tpu.memref_squeeze %dma_start3A : memref<1x1x640xf32, #tpu.memory_space<hbm>> -> memref<640xf32, #tpu.memory_space<hbm>>
      %dma_start3A_39 = tpu.memref_slice %arg11[%mul3A_33] : memref<10240xf32, #tpu.memory_space<vmem_shared>> -> memref<640xf32, #tpu.memory_space<vmem_shared>>
      tpu.enqueue_dma source(%dma_start3A_39 : memref<640xf32, #tpu.memory_space<vmem_shared>>) target(%dma_start3A_38 : memref<640xf32, #tpu.memory_space<hbm>>) target_semaphore(%run_scoped3A_37 : memref<!tpu.dma_semaphore, #tpu.memory_space<semaphore_mem>>)
      %dma_wait3A = tpu.memref_slice %arg4[%arg0, %run_scoped3A_36, %mul3A_35] : memref<2x2x10240xf32, #tpu.memory_space<hbm>> -> memref<1x1x640xf32, #tpu.memory_space<hbm>>
      %dma_wait3A_40 = tpu.memref_squeeze %dma_wait3A : memref<1x1x640xf32, #tpu.memory_space<hbm>> -> memref<640xf32, #tpu.memory_space<hbm>>
      %dma_wait3A_41 = tpu.memref_slice %arg11[%mul3A_33] : memref<10240xf32, #tpu.memory_space<vmem_shared>> -> memref<640xf32, #tpu.memory_space<vmem_shared>>
      tpu.wait_dma2 semaphore(%run_scoped3A_37 : memref<!tpu.dma_semaphore, #tpu.memory_space<semaphore_mem>>) src(%dma_wait3A_41 : memref<640xf32, #tpu.memory_space<vmem_shared>>) dst(%dma_wait3A_40 : memref<640xf32, #tpu.memory_space<hbm>>)
      tpu.yield
    }) : () -> ()
    return
  }
}

module attributes {stable_mosaic.version = 14 : i64} {
  func.func @_scale_body(%arg0: i32, %arg1: memref<400x128xf32, #tpu.memory_space<vmem>>, %arg2: memref<128x128xf32, #tpu.memory_space<vmem>>, %arg3: memref<2x2x1x1x400xf32, #tpu.memory_space<vmem>>, %arg4: memref<400x128xf32, #tpu.memory_space<vmem>>) attributes {dimension_semantics = [#tpu.dimension_semantics<arbitrary>], iteration_bounds = array<i64: 25>, scalar_prefetch = 0 : i64, scratch_operands = 0 : i64, tpu.core_type = #tpu.core_type<tc>, window_params = [{transform_indices = @transform_0, window_bounds = array<i64: 400, 128>}, {pipeline_mode = #tpu.pipeline_mode<synchronous>, transform_indices = @transform_1, window_bounds = array<i64: 128, 128>}, {transform_indices = @transform_2, window_bounds = array<i64: 2, 2, 1, 1, 400>}, {transform_indices = @transform_3, window_bounds = array<i64: 400, 128>}]} {
    %get3A = arith.constant 0 : index
    %get3A_0 = arith.constant 0 : index
    %get3A_1 = arith.constant 0 : index
    %get3A_2 = arith.constant 0 : index
    %get3A_3 = arith.constant 0 : index
    %get3A_4 = vector.load %arg3[%get3A, %get3A_0, %get3A_1, %get3A_2, %get3A_3] : memref<2x2x1x1x400xf32, #tpu.memory_space<vmem>>, vector<1x1x1x1x400xf32>
    %get3A_5 = vector.shape_cast %get3A_4 : vector<1x1x1x1x400xf32> to vector<400xf32>
    %get3A_6 = arith.constant 1 : index
    %get3A_7 = arith.constant 0 : index
    %get3A_8 = arith.constant 0 : index
    %get3A_9 = arith.constant 0 : index
    %get3A_10 = arith.constant 0 : index
    %get3A_11 = vector.load %arg3[%get3A_6, %get3A_7, %get3A_8, %get3A_9, %get3A_10] : memref<2x2x1x1x400xf32, #tpu.memory_space<vmem>>, vector<1x1x1x1x400xf32>
    %get3A_12 = vector.shape_cast %get3A_11 : vector<1x1x1x1x400xf32> to vector<400xf32>
    %add3A = arith.addf %get3A_5, %get3A_12 : vector<400xf32>
    %jit3A = arith.constant 1.000000e+00 : f32
    %max3A = vector.broadcast %jit3A : f32 to vector<400xf32>
    %max3A_13 = arith.maximumf %max3A, %add3A : vector<400xf32>
    %rsqrt3A = math.rsqrt %max3A_13 : vector<400xf32>
    %get3A_14 = arith.constant 0 : index
    %get3A_15 = arith.constant 0 : index
    %get3A_16 = vector.load %arg1[%get3A_14, %get3A_15] : memref<400x128xf32, #tpu.memory_space<vmem>>, vector<400x128xf32>
    %get3A_17 = arith.constant 0 : index
    %get3A_18 = arith.constant 0 : index
    %get3A_19 = vector.load %arg2[%get3A_17, %get3A_18] : memref<128x128xf32, #tpu.memory_space<vmem>>, vector<128x128xf32>
    %dot_general3A = arith.constant dense<0.000000e+00> : vector<400x128xf32>
    %dot_general3A_20 = tpu.matmul %get3A_16, %get3A_19, %dot_general3A {dimension_numbers = #tpu.dot_dimension_numbers<[1], [0], [0], [1], [0, 0, 1, 1], [], []>, precision = #tpu.contract_precision<fp32>, transpose_lhs_hint = false} : vector<400x128xf32>, vector<128x128xf32>, vector<400x128xf32> -> vector<400x128xf32>
    %broadcast_in_dim3A = vector.shape_cast %rsqrt3A : vector<400xf32> to vector<400x1xf32>
    %mul3A = vector.broadcast %broadcast_in_dim3A : vector<400x1xf32> to vector<400x128xf32>
    %mul3A_21 = arith.mulf %dot_general3A_20, %mul3A : vector<400x128xf32>
    %swap3A = arith.constant 0 : index
    %swap3A_22 = arith.constant 0 : index
    %swap3A_23 = vector.load %arg4[%swap3A, %swap3A_22] : memref<400x128xf32, #tpu.memory_space<vmem>>, vector<400x128xf32>
    tpu.vector_store %arg4[%swap3A, %swap3A_22], %mul3A_21 {strides = array<i32>} : memref<400x128xf32, #tpu.memory_space<vmem>>, vector<400x128xf32>,
    return
  }
  func.func @transform_0(%arg0: i32) -> (i32, i32) {
    %c0_i32 = arith.constant 0 : i32
    %c0_i32_0 = arith.constant 0 : i32
    return %arg0, %c0_i32 : i32, i32
  }
  func.func @transform_1(%arg0: i32) -> (i32, i32) {
    %c0_i32 = arith.constant 0 : i32
    %c0_i32_0 = arith.constant 0 : i32
    %c0_i32_1 = arith.constant 0 : i32
    return %c0_i32, %c0_i32_0 : i32, i32
  }
  func.func @transform_2(%arg0: i32) -> (i32, i32, i32, i32, i32) {
    %c0_i32 = arith.constant 0 : i32
    %c0_i32_0 = arith.constant 0 : i32
    %c0_i32_1 = arith.constant 0 : i32
    %c0_i32_2 = arith.constant 0 : i32
    %c0_i32_3 = arith.constant 0 : i32
    return %c0_i32, %c0_i32_0, %arg0, %c0_i32_1, %c0_i32_2 : i32, i32, i32, i32, i32
  }
  func.func @transform_3(%arg0: i32) -> (i32, i32) {
    %c0_i32 = arith.constant 0 : i32
    %c0_i32_0 = arith.constant 0 : i32
    return %arg0, %c0_i32 : i32, i32
  }
}

module attributes {stable_mosaic.version = 14 : i64} {
  func.func @_out_body(%arg0: i32, %arg1: memref<2x400x128xf32, #tpu.memory_space<vmem>>, %arg2: memref<2x2x1x1x400xf32, #tpu.memory_space<vmem>>, %arg3: memref<1x128xf32, #tpu.memory_space<vmem>>, %arg4: memref<400x128xf32, #tpu.memory_space<vmem>>) attributes {dimension_semantics = [#tpu.dimension_semantics<arbitrary>], iteration_bounds = array<i64: 25>, scalar_prefetch = 0 : i64, scratch_operands = 0 : i64, tpu.core_type = #tpu.core_type<tc>, window_params = [{transform_indices = @transform_0, window_bounds = array<i64: 2, 400, 128>}, {transform_indices = @transform_1, window_bounds = array<i64: 2, 2, 1, 1, 400>}, {pipeline_mode = #tpu.pipeline_mode<synchronous>, transform_indices = @transform_2, window_bounds = array<i64: 1, 128>}, {transform_indices = @transform_3, window_bounds = array<i64: 400, 128>}]} {
    %get3A = arith.constant 0 : index
    %get3A_0 = arith.constant 0 : index
    %get3A_1 = arith.constant 0 : index
    %get3A_2 = vector.load %arg1[%get3A, %get3A_0, %get3A_1] : memref<2x400x128xf32, #tpu.memory_space<vmem>>, vector<1x400x128xf32>
    %get3A_3 = vector.shape_cast %get3A_2 : vector<1x400x128xf32> to vector<400x128xf32>
    %get3A_4 = arith.constant 1 : index
    %get3A_5 = arith.constant 0 : index
    %get3A_6 = arith.constant 0 : index
    %get3A_7 = vector.load %arg1[%get3A_4, %get3A_5, %get3A_6] : memref<2x400x128xf32, #tpu.memory_space<vmem>>, vector<1x400x128xf32>
    %get3A_8 = vector.shape_cast %get3A_7 : vector<1x400x128xf32> to vector<400x128xf32>
    %add3A = arith.addf %get3A_3, %get3A_8 : vector<400x128xf32>
    %get3A_9 = arith.constant 0 : index
    %get3A_10 = arith.constant 1 : index
    %get3A_11 = arith.constant 0 : index
    %get3A_12 = arith.constant 0 : index
    %get3A_13 = arith.constant 0 : index
    %get3A_14 = vector.load %arg2[%get3A_9, %get3A_10, %get3A_11, %get3A_12, %get3A_13] : memref<2x2x1x1x400xf32, #tpu.memory_space<vmem>>, vector<1x1x1x1x400xf32>
    %get3A_15 = vector.shape_cast %get3A_14 : vector<1x1x1x1x400xf32> to vector<400xf32>
    %get3A_16 = arith.constant 1 : index
    %get3A_17 = arith.constant 1 : index
    %get3A_18 = arith.constant 0 : index
    %get3A_19 = arith.constant 0 : index
    %get3A_20 = arith.constant 0 : index
    %get3A_21 = vector.load %arg2[%get3A_16, %get3A_17, %get3A_18, %get3A_19, %get3A_20] : memref<2x2x1x1x400xf32, #tpu.memory_space<vmem>>, vector<1x1x1x1x400xf32>
    %get3A_22 = vector.shape_cast %get3A_21 : vector<1x1x1x1x400xf32> to vector<400xf32>
    %add3A_23 = arith.addf %get3A_15, %get3A_22 : vector<400xf32>
    %jit3A = arith.constant 1.000000e+00 : f32
    %max3A = vector.broadcast %jit3A : f32 to vector<400xf32>
    %max3A_24 = arith.maximumf %max3A, %add3A_23 : vector<400xf32>
    %rsqrt3A = math.rsqrt %max3A_24 : vector<400xf32>
    %broadcast_in_dim3A = vector.shape_cast %rsqrt3A : vector<400xf32> to vector<400x1xf32>
    %mul3A = vector.broadcast %broadcast_in_dim3A : vector<400x1xf32> to vector<400x128xf32>
    %mul3A_25 = arith.mulf %add3A, %mul3A : vector<400x128xf32>
    %get3A_26 = arith.constant 0 : index
    %get3A_27 = arith.constant 0 : index
    %get3A_28 = vector.load %arg3[%get3A_26, %get3A_27] : memref<1x128xf32, #tpu.memory_space<vmem>>, vector<1x128xf32>
    %add3A_29 = vector.broadcast %get3A_28 : vector<1x128xf32> to vector<400x128xf32>
    %add3A_30 = arith.addf %mul3A_25, %add3A_29 : vector<400x128xf32>
    %max3A_31 = arith.constant 0.000000e+00 : f32
    %max3A_32 = vector.broadcast %max3A_31 : f32 to vector<400x128xf32>
    %max3A_33 = arith.maximumf %add3A_30, %max3A_32 : vector<400x128xf32>
    %swap3A = arith.constant 0 : index
    %swap3A_34 = arith.constant 0 : index
    %swap3A_35 = vector.load %arg4[%swap3A, %swap3A_34] : memref<400x128xf32, #tpu.memory_space<vmem>>, vector<400x128xf32>
    tpu.vector_store %arg4[%swap3A, %swap3A_34], %max3A_33 {strides = array<i32>} : memref<400x128xf32, #tpu.memory_space<vmem>>, vector<400x128xf32>,
    return
  }
  func.func @transform_0(%arg0: i32) -> (i32, i32, i32) {
    %c0_i32 = arith.constant 0 : i32
    %c0_i32_0 = arith.constant 0 : i32
    %c0_i32_1 = arith.constant 0 : i32
    return %c0_i32, %arg0, %c0_i32_0 : i32, i32, i32
  }
  func.func @transform_1(%arg0: i32) -> (i32, i32, i32, i32, i32) {
    %c0_i32 = arith.constant 0 : i32
    %c0_i32_0 = arith.constant 0 : i32
    %c0_i32_1 = arith.constant 0 : i32
    %c0_i32_2 = arith.constant 0 : i32
    %c0_i32_3 = arith.constant 0 : i32
    return %c0_i32, %c0_i32_0, %arg0, %c0_i32_1, %c0_i32_2 : i32, i32, i32, i32, i32
  }
  func.func @transform_2(%arg0: i32) -> (i32, i32) {
    %c0_i32 = arith.constant 0 : i32
    %c0_i32_0 = arith.constant 0 : i32
    %c0_i32_1 = arith.constant 0 : i32
    return %c0_i32, %c0_i32_0 : i32, i32
  }
  func.func @transform_3(%arg0: i32) -> (i32, i32) {
    %c0_i32 = arith.constant 0 : i32
    %c0_i32_0 = arith.constant 0 : i32
    return %arg0, %c0_i32 : i32, i32
  }
}

</mosaic_0001>

<sc_bundles>
// kernel: kernel.6.cloned.1.call-start
scs
__scs_entry_jumppad:
0x0: {  	(pc) =	sbr.rel $0x88, $3  }
0x1: {  	(tag) =	ssettag $0x0;
	lr =	simm.s32 $0x1  }
0x2: {  	[smem:$0x3F9D] =	sst lr;
	_ =	strace $0xD0000000  }
0x3: {  	_ = 	snop  }
0x4: {  	_ = 	snop  }
0x5: {  	_ = 	snop  }
0x6: {  	_ = 	snop  }
0x7: {  	_ = 	snop  }
__scs_overlays_trampoline_lowered:
0x8: {  	[smem:$0x3FAC] =	sst s0  }
0x9: {  	[smem:$0x3FAD] =	sst s1  }
0xa: {  	[smem:$0x3FAE] =	sst s2  }
0xb: {  	[smem:$0x3FAF] =	sst s3  }
0xc: {  	[smem:$0x3FB0] =	sst s4  }
0xd: {  	[smem:$0x3FB1] =	sst s5  }
0xe: {  	[smem:$0x3FB2] =	sst s6  }
0xf: {  	[smem:$0x3FB3] =	sst s7  }
0x10: {  	[smem:$0x3FB4] =	sst s8  }
0x11: {  	[smem:$0x3FB5] =	sst s9;
	s0 =	simm.s32 @!p0 $0x0  }
0x12: {  	s1 =	sld [smem:$0x3F9B];
	s0 =	simm.s32 @p0 $0x1  }
0x13: {  	[smem:$0x3FB6] =	sst s0;
	s0 =	simm.s32 @!p1 $0x0  }
0x14: {  	s2 =	sld [smem:$0x3F9A];
	s0 =	simm.s32 @p1 $0x1  }
0x15: {  	[smem:$0x3FB7] =	sst s0;
	s0 =	simm.s32 @!p2 $0x0  }
0x16: {  	s3 =	sld [smem:$0x3FDB];
	s0 =	simm.s32 @p2 $0x1  }
0x17: {  	s4 =	simm.s32 $0x1BF5;
	[smem:$0x3FB9] =	sst s0  }
0x18: {  	s0 =	sld [smem:$0x3F9C];
	_ =	swait.ge [sflag:s4], $0x0  }
0x19: {  	s7 =	sld [smem:$0x3F9D]  }
0x1a: {  	s8 =	sadd.s32 $0xFFFFE003, lr  }
0x1b: {  	s9 =	sadd.s32 $0xFFFFFEF7, lr;
	s5 =	simm.s32 $0xFFFFFFFF;
	p2 =	slt.u32 s8, $0xFFFFF086  }
0x1c: {  	p1 =	slt.u32 s9, $0xF7A;
	s5 =	simm.s32 @!p2 $0x0  }
0x1d: {  	s5 =	simm.s32 @p1 $0x1;
	p0 =	seq.s32 s7, s2  }
0x1e: {  	s7 =	smul.u32 @!p0 $0xF7A, s2;
	p2 =	seq.s32 @!p0 s5, $0x0  }
0x1f: {  	s9 =	smul.u32 $0xF7A, s1;
	s8 =	simm.s32 @!p0 $0x1BF5;
	p2 =	por !p2, p0  }
0x20: {  	[sflag:s8] =	ssyncset.s32 @!p0 $0xFFFFF086;
	s6 =	sadd.s32 @!p0 s3, s7;
	s7 =	simm.s32 @!p0 $0x108  }
0x21: {  	s3 =	sadd.s32 s3, s9;
	s6 =	sadd.s32 @!p0 $0x88, s6;
	s7 =	simm.s32 @p2 $0x1082  }
0x22: {  	[simem:s7], [sflag:s8] =	dma.local @!p0 [hbm:s6], $0xF7A  }
0x23: {  	s9 =	sor.u32 $0xD0000000, s2;
	s6 =	simm.s32 $0x108;
	_ =	swait.ge @!p0 [sflag:s8], $0x0  }
0x24: {  	s3 =	sadd.s32 $0x88, s3;
	s6 =	simm.s32 @!p1 $0x1082;
	[sflag:s4] =	ssyncset.s32 $0xFFFFF086  }
0x25: {  	[simem:s6], [sflag:s4] =	dma.local [hbm:s3], $0xF7A  }
0x26: {  	[smem:$0x3F9D] =	sst s1;
	(tag) =	ssettag s2;
	_ =	strace s9  }
0x27: {  	s1 =	sld [smem:$0x3FAD]  }
0x28: {  	s2 =	sld [smem:$0x3FAE]  }
0x29: {  	s4 =	sld [smem:$0x3FB0]  }
0x2a: {  	p0 =	seq.s32 s5, $0x0;
	s5 =	sld [smem:$0x3FB1]  }
0x2b: {  	s6 =	sld [smem:$0x3FB2]  }
0x2c: {  	s7 =	sld [smem:$0x3FB3]  }
0x2d: {  	s3 =	simm.s32 $0x108;
	s8 =	sld [smem:$0x3FB4]  }
0x2e: {  	s3 =	simm.s32 @!p0 $0x1082;
	s9 =	sld [smem:$0x3FB5]  }
0x2f: {  	lr =	sadd.s32 s0, s3;
	s0 =	sld [smem:$0x3FAC]  }
0x30: {  	s3 =	sld [smem:$0x3FAF]  }
0x31: {  	[smem:$0x3FB8] =	sst s10  }
0x32: {  	s10 =	sld [smem:$0x3FB6];
	_ =	sdelay $0x3  }
0x33: {  	p0 =	seq.s32 s10, $0x1;
	s10 =	sld [smem:$0x3FB8];
	_ =	sdelay $0x3  }
0x34: {  	[smem:$0x3FB8] =	sst s10  }
0x35: {  	s10 =	sld [smem:$0x3FB7];
	_ =	sdelay $0x3  }
0x36: {  	p1 =	seq.s32 s10, $0x1;
	s10 =	sld [smem:$0x3FB8];
	_ =	sdelay $0x3  }
0x37: {  	[smem:$0x3FB8] =	sst s10  }
0x38: {  	s10 =	sld [smem:$0x3FB9]  }
0x39: {  	_ = 	snop;
	(pc) =	sbr.ind lr, $3  }
0x3a: {  	_ = 	snop  }
0x3b: {  	_ = 	snop  }
0x3c: {  	p2 =	seq.s32 s10, $0x1;
	s10 =	sld [smem:$0x3FB8]  }
0x3d: {  	_ =	shalt  }
0x3e: {  	_ =	shalt  }
0x3f: {  	_ =	shalt  }
0x40: {  	_ =	shalt  }
0x41: {  	_ =	shalt  }
0x42: {  	_ =	shalt  }
0x43: {  	_ =	shalt  }
0x44: {  	_ =	shalt  }
0x45: {  	_ =	shalt  }
0x46: {  	_ =	shalt  }
0x47: {  	_ =	shalt  }
0x48: {  	_ =	shalt  }
0x49: {  	_ =	shalt  }
0x4a: {  	_ =	shalt  }
0x4b: {  	_ =	shalt  }
0x4c: {  	_ =	shalt  }
0x4d: {  	_ =	shalt  }
0x4e: {  	_ =	shalt  }
0x4f: {  	_ =	shalt  }
0x50: {  	_ =	shalt  }
0x51: {  	_ =	shalt  }
0x52: {  	_ =	shalt  }
0x53: {  	_ =	shalt  }
0x54: {  	_ =	shalt  }
0x55: {  	_ =	shalt  }
0x56: {  	_ =	shalt  }
0x57: {  	_ =	shalt  }
0x58: {  	_ =	shalt  }
0x59: {  	_ =	shalt  }
0x5a: {  	_ =	shalt  }
0x5b: {  	_ =	shalt  }
0x5c: {  	_ =	shalt  }
0x5d: {  	_ =	shalt  }
0x5e: {  	_ =	shalt  }
0x5f: {  	_ =	shalt  }
0x60: {  	_ =	shalt  }
0x61: {  	_ =	shalt  }
0x62: {  	_ =	shalt  }
0x63: {  	_ =	shalt  }
0x64: {  	_ =	shalt  }
0x65: {  	_ =	shalt  }
0x66: {  	_ =	shalt  }
0x67: {  	_ =	shalt  }
0x68: {  	_ =	shalt  }
0x69: {  	_ =	shalt  }
0x6a: {  	_ =	shalt  }
0x6b: {  	_ =	shalt  }
0x6c: {  	_ =	shalt  }
0x6d: {  	_ =	shalt  }
0x6e: {  	_ =	shalt  }
0x6f: {  	_ =	shalt  }
0x70: {  	_ =	shalt  }
0x71: {  	_ =	shalt  }
0x72: {  	_ =	shalt  }
0x73: {  	_ =	shalt  }
0x74: {  	_ =	shalt  }
0x75: {  	_ =	shalt  }
0x76: {  	_ =	shalt  }
0x77: {  	_ =	shalt  }
0x78: {  	_ =	shalt  }
0x79: {  	_ =	shalt  }
0x7a: {  	_ =	shalt  }
0x7b: {  	_ =	shalt  }
0x7c: {  	_ =	shalt  }
0x7d: {  	_ =	shalt  }
0x7e: {  	_ =	shalt  }
0x7f: {  	_ =	shalt  }
0x80: {  	_ =	shalt  }
0x81: {  	_ =	shalt  }
0x82: {  	_ =	shalt  }
0x83: {  	_ =	shalt  }
0x84: {  	_ =	shalt  }
0x85: {  	_ =	shalt  }
0x86: {  	_ =	shalt  }
0x87: {  	_ =	shalt  }
.Lfunc_end0:
.L_simem_size_0:
called_computation_lowered:
.L_overlay_start_0:
0x88: {  	s2 =	sld [smem:$0x3FD9]  }
0x89: {  	s3 =	sld [smem:$0x3FFE];
	_ =	sdelay $0x1  }
0x8a: {  	s1 =	srdreg.scid  }
0x8b: {  	s0 =	sand.u32 $0x1, s1  }
0x8c: {  	s17 =	sshll.u32 s0, $0xA;
	s2 =	sadd.s32 s3, s2  }
0x8d: {  	s2 =	sadd.s32 s2, s17  }
0x8e: {  	[smem:$0x3FC4] =	sst s2  }
0x8f: {  	_ = 	snop  }
0x90: {  	s2 =	sld [smem:$0x3FD0];
	(tm) =	ssettm $0x1  }
0x91: {  	s18 =	sld [smem:$0x3FFB];
	_ =	sdelay $0x3  }
0x92: {  	_ =	strace s18  }
0x93: {  	s3 =	sld [smem:$0x3FFC];
	_ =	sdelay $0x3  }
0x94: {  	_ =	strace s3  }
0x95: {  	s3 =	sld [smem:$0x3FFD];
	_ =	sdelay $0x3  }
0x96: {  	_ =	strace s3  }
0x97: {  	_ =	strace $0x8FFFFFFF  }
0x98: {  	s19 =	sld [smem:$0x3FDB];
	_ =	sdelay $0x1  }
0x99: {  	s4 =	simm.s32 $_scs_section_size  }
0x9a: {  	s5 =	simm.s32 $_size__tile_overlayer_lowered;
	s6 =	simm.s32 $_tile_overlayer_lowered  }
0x9b: {  	s22 =	simm.s32 $0x1BFF;
	s21 =	sshll.u32 s6, $0x1;
	s3 =	sadd.s32 s4, s19  }
0x9c: {  	s7 =	simm.s32 $0x0;
	s20 =	sshll.u32 s5, $0x1;
	s5 =	sadd.s32 s21, s3  }
0x9d: {  	[timem:s7], [sflag:s22] =	dma.local [hbm:s5], s20  }
0x9e: {  	_ =	swait.ge [sflag:s22], s20  }
0x9f: {  	s4 =	ssub.s32 $0x0, s20;
	[sflag:s22] =	ssyncset.done $0x0  }
0xa0: {  	[sflag:s22] =	ssyncadd.s32 s4;
	_ =	sdelay $0x1  }
0xa1: {  	s23 =	simm.s32 $0x1B8B  }
0xa2: {  	_ =	swait.ge [sflag:s23], $0x1  }
0xa3: {  	[sflag:s23] =	ssyncset.done $0x0  }
0xa4: {  	s25 =	simm.s32 $0x1B8E;
	s24 =	sld [smem:$0x3FFE];
	[sflag:s23] =	ssyncadd.s32 $0xFFFFFFFF  }
0xa5: {  	s26 =	simm.s32 $execute0_lowered;
	[smem:$0x3FD2] =	sst s25  }
0xa6: {  	s5 =	sshll.u32 s26, $0x1;
	_ =	strace $0x80000046;
	[dreg:$0x1] =	wrdreg $0xFFFFFFFF  }
0xa7: {  	s28 =	simm.s32 $_size_execute0_lowered;
	s3 =	sadd.s32 s3, s5;
	[dreg:$0x0] =	wrdreg $0x0  }
0xa8: {  	s5 =	sshll.u32 s28, $0x1;
	[dreg:$0x2] =	wrdreg s3  }
0xa9: {  	[dreg:$0x3] =	wrdreg s5  }
0xaa: {  	[dreg:$0x4] =	wrdreg $0xC0  }
0xab: {  	_ =	task [dreg:s7], $0x5FFFF  }
0xac: {  	[dreg:$0x1] =	wrdreg $0xFFFFFFFF  }
0xad: {  	[dreg:$0x0] =	wrdreg $0x60  }
0xae: {  	[dreg:$0x2] =	wrdreg s2  }
0xaf: {  	[dreg:$0x3] =	wrdreg s24  }
0xb0: {  	[dreg:$0x4] =	wrdreg $0x54000  }
0xb1: {  	[dreg:$0x5] =	wrdreg $0x56800  }
0xb2: {  	[dreg:$0x6] =	wrdreg $0x9  }
0xb3: {  	_ =	task.clear_ibuf [dreg:s7], $0x7FFFF;
	_ =	strace $0x90000046  }
0xb4: {  	s29 =	simm.s32 $0x9;
	_ =	strace $0x80000048  }
0xb5: {  	_ =	swait.ge [sflag:s29], $0x1  }
0xb6: {  	[sflag:s29] =	ssyncadd.s32 $0xFFFFFFFF  }
0xb7: {  	_ =	strace $0x90000048  }
0xb8: {  	_ =	sfence  }
0xb9: {  	s30 =	sld [smem:$0x0];
	_ =	sdelay $0x2  }
0xba: {  	s31 =	sshll.u32 s1, $0xD;
	s1 =	sshrl.u32 s1, $0x2  }
0xbb: {  	s3 =	sand.u32 $0x4000, s31;
	s1 =	sadd.s32 s1, s30  }
0xbc: {  	s0 =	sor.u32 s3, s0;
	s1 =	sshll.u32 s1, $0x11  }
0xbd: {  	s0 =	sor.u32 s1, s0  }
0xbe: {  	s0 =	sadd.s32 $0x8F2B, s0  }
0xbf: {  	[sflag:s0] =	ssyncadd.remote.s32 $0x1  }
0xc0: {  	_ =	sfence.sel $0xFFFF  }
0xc1: {  	[dreg:$0x0] =	wrdreg $0xFFFFFFFF;
	(pc) =	sbr.abs _section_cstart, $3  }
0xc2: {  	[dreg:$0x1] =	wrdreg $0xFFFFFFFF  }
0xc3: {  	_ =	task.clear_ibuf [dreg:s7], $0x2FFFF;
	_ =	strace $0x9FFFFFFF  }
0xc4: {  	(tm) =	ssettm $0x7FFFFFFF  }
0xc5: {  	_ =	shalt  }
tec
execute0_lowered:
.L_overlay_start_1:
0x0: {  	(tag) =	ssettag $0x1  }
0x1: {  	s5 =	rddreg [dreg:$0x0]  }
0x2: {  	s6 =	rddreg [dreg:$0x1]  }
0x3: {  	s1 =	rddreg [dreg:$0x2]  }
0x4: {  	s2 =	rddreg [dreg:$0x3]  }
0x5: {  	s3 =	srdreg.scid;
	s0 =	rddreg [dreg:$0x4];
	s4 =	simm.s32 $0x0  }
0x6: {  	s15 =	simm.s32 $0x1;
	s16 =	simm.s32 $0x2800;
	s17 =	simm.s32 $0x5000  }
0x7: {  	s18 =	simm.s32 $0x5080;
	s19 =	simm.s32 $0x80;
	s20 =	simm.s32 $0x5100  }
0x8: {  	s21 =	simm.s32 $0x10;
	s24 =	simm.s32 $0x20;
	s25 =	simm.s32 $0x0  }
0x9: {  	s7 =	sand.u32 $0x1, s3;
	s3 =	stileid.u32;
	[smem:$0x7FF] =	sst s4  }
0xa: {  	s8 =	sshll.u32 s7, $0x4;
	s9 =	smul.u32 $0x5000, s7;
	s11 =	sshll.u32 s3, $0x4  }
0xb: {  	s12 =	smul.u32 $0x500, s3;
	_ =	strace $0x80000047;
	s7 =	ssub.s32 $0x2, s7  }
0xc: {  	s31 =	smul.u32 $0x280, s3;
	s22 =	sshll.u32 s3, $0x6;
	s8 =	sor.u32 s3, s8  }
0xd: {  	s11 =	sand.u32 $0x70, s11;
	s30 =	sshrl.u32 s7, $0x1;
	s22 =	sor.u32 $0x1C01, s22  }
0xe: {  	s10 =	sshll.u32 s8, $0x4;
	s9 =	sadd.s32 s12, s9;
	s8 =	smul.u32 $0x2800, s8  }
0xf: {  	s14 =	ssub.s32 s7, s30;
	s7 =	sadd.s32 s31, s2;
	s10 =	sand.u32 $0x180, s10  }
0x10: {  	s9 =	sshrl.u32 s9, $0x3;
	s10 =	sor.u32 s11, s10;
	s8 =	sshrl.u32 s8, $0x3  }
0x11: {  	s13 =	sadd.s32 s9, s6;
	s10 =	sadd.s32 s10, s6;
	s5 =	sadd.s32 s5, s8  }
0x12: {  	s6 =	sadd.s32 s31, s1;
	s11 =	sadd.s32 $0x1E00, s13;
	s12 =	sadd.s32 $0x1E10, s13  }
0x13: {  	s13 =	smax.u32 s14, $0x1;
	s14 =	simm.s32 $0x5180;
	s8 =	sadd.s32 $0xA000, s5  }
0x14: {  	v0 =	vimm.f32 $1.000000000e+00;
	v1 =	vimm.f32 $0.0e+00;
	s9 =	sadd.s32 $0x1A00, s10;
	s10 =	sadd.s32 $0x1C00, s10;
	s23 =	sshrl.u32 s6, $0x3  }
.LBB2_1:
0x15: {  	[tilespmem:$0x5100] =	vst v0  }
0x16: {  	[tilespmem:$0x5110] =	vst v0  }
0x17: {  	[tilespmem:$0x5120] =	vst v0  }
0x18: {  	[tilespmem:$0x5130] =	vst v0  }
0x19: {  	[tilespmem:$0x5140] =	vst v0  }
0x1a: {  	[tilespmem:$0x5150] =	vst v0  }
0x1b: {  	[tilespmem:$0x5160] =	vst v0  }
0x1c: {  	[tilespmem:$0x5170] =	vst v0  }
0x1d: {  	[tilespmem:$0x5180] =	vst v1  }
0x1e: {  	[tilespmem:$0x5190] =	vst v1  }
0x1f: {  	[tilespmem:$0x51A0] =	vst v1  }
0x20: {  	[tilespmem:$0x51B0] =	vst v1  }
0x21: {  	[tilespmem:$0x51C0] =	vst v1  }
0x22: {  	[tilespmem:$0x51D0] =	vst v1  }
0x23: {  	[tilespmem:$0x51E0] =	vst v1  }
0x24: {  	[tilespmem:$0x51F0] =	vst v1  }
0x25: {  	[tilespmem:$0x5200] =	vst v1  }
0x26: {  	[tilespmem:$0x5210] =	vst v1  }
0x27: {  	[tilespmem:$0x5220] =	vst v1  }
0x28: {  	[tilespmem:$0x5230] =	vst v1  }
0x29: {  	[tilespmem:$0x5240] =	vst v1  }
0x2a: {  	[tilespmem:$0x5250] =	vst v1  }
0x2b: {  	[tilespmem:$0x5260] =	vst v1  }
0x2c: {  	[tilespmem:$0x5270] =	vst v1  }
0x2d: {  	[tilespmem:$0x5280] =	vst v1  }
0x2e: {  	[tilespmem:$0x5290] =	vst v1  }
0x2f: {  	[tilespmem:$0x52A0] =	vst v1  }
0x30: {  	[tilespmem:$0x52B0] =	vst v1  }
0x31: {  	[tilespmem:$0x52C0] =	vst v1  }
0x32: {  	[tilespmem:$0x52D0] =	vst v1  }
0x33: {  	[tilespmem:$0x52E0] =	vst v1  }
0x34: {  	[tilespmem:$0x52F0] =	vst v1  }
0x35: {  	[tilespmem:$0x5300] =	vst v1  }
0x36: {  	[tilespmem:$0x5310] =	vst v1  }
0x37: {  	[tilespmem:$0x5320] =	vst v1  }
0x38: {  	[tilespmem:$0x5330] =	vst v1  }
0x39: {  	[tilespmem:$0x5340] =	vst v1  }
0x3a: {  	[tilespmem:$0x5350] =	vst v1  }
0x3b: {  	[tilespmem:$0x5360] =	vst v1  }
0x3c: {  	[tilespmem:$0x5370] =	vst v1  }
0x3d: {  	[tilespmem:$0x5380] =	vst v1  }
0x3e: {  	[tilespmem:$0x5390] =	vst v1  }
0x3f: {  	[tilespmem:$0x53A0] =	vst v1  }
0x40: {  	[tilespmem:$0x53B0] =	vst v1  }
0x41: {  	[tilespmem:$0x53C0] =	vst v1  }
0x42: {  	[tilespmem:$0x53D0] =	vst v1  }
0x43: {  	[tilespmem:$0x53E0] =	vst v1  }
0x44: {  	[tilespmem:$0x53F0] =	vst v1  }
0x45: {  	[spmem:s6] =	stream.linear.scatter [tilespmem:s14], [sflag:$0x1], $0x280, $0x38;
	[tilespmem:$0x5900] =	vst v63  }
0x46: {  	_ =	swait.ge [sflag:s15], $0x280  }
0x47: {  	[sflag:s15] =	ssyncset.done $0x0  }
0x48: {  	[sflag:s15] =	ssyncadd.s32 $0xFFFFFD80  }
0x49: {  	[spmem:s7] =	stream.linear.scatter [tilespmem:s14], [sflag:$0x1], $0x280, $0x38;
	[tilespmem:$0x5900] =	vst v63  }
0x4a: {  	_ =	swait.ge [sflag:s15], $0x280  }
0x4b: {  	[sflag:s15] =	ssyncset.done $0x0  }
0x4c: {  	[sflag:s15] =	ssyncadd.s32 $0xFFFFFD80  }
0x4d: {  	[bflag:$0x0] =	sbarrier.arrive $0xFFFF  }
0x4e: {  	[tilespmem:s4], [sflag:$0x1] =	stream.linear.gather [hbm4b:s5+s4], $0x2700, $0x38;
	[tilespmem:$0x5900] =	vst v63  }
0x4f: {  	_ =	swait.ge [sflag:s15], $0x2700  }
0x50: {  	[sflag:s15] =	ssyncset.done $0x0  }
0x51: {  	[sflag:s15] =	ssyncadd.s32 $0xFFFFD900  }
0x52: {  	[tilespmem:s16], [sflag:$0x1] =	stream.linear.gather [hbm4b:s8+s4], $0x2700, $0x38;
	[tilespmem:$0x5900] =	vst v63  }
0x53: {  	_ =	swait.ge [sflag:s15], $0x2700  }
0x54: {  	[sflag:s15] =	ssyncset.done $0x0  }
0x55: {  	[sflag:s15] =	ssyncadd.s32 $0xFFFFD900  }
0x56: {  	[tilespmem:s17], [sflag:$0x1] =	stream.linear.gather [hbm4b:s9+s4], $0x80, $0x38;
	[tilespmem:$0x5900] =	vst v63  }
0x57: {  	_ =	swait.ge [sflag:s15], $0x80  }
0x58: {  	[sflag:s15] =	ssyncset.done $0x0  }
0x59: {  	[sflag:s15] =	ssyncadd.s32 $0xFFFFFF80  }
0x5a: {  	[tilespmem:s18], [sflag:$0x1] =	stream.linear.gather [hbm4b:s10+s4], $0x80, $0x38;
	[tilespmem:$0x5900] =	vst v63  }
0x5b: {  	_ =	swait.ge [sflag:s15], $0x80  }
0x5c: {  	[sflag:s15] =	ssyncset.done $0x0  }
0x5d: {  	s26 =	simm.s32 $0x0;
	[sflag:s15] =	ssyncadd.s32 $0xFFFFFF80  }
0x5e: {  	[spmem:s1] =	stream.indirect.scatter.add.f32 [tilespmem:s20], [sflag:$0x1], $0x1, s26, s19, $0xb8;
	[tilespmem:$0x5900] =	vst v63  }
0x5f: {  	_ =	swait.ge [sflag:s15], $0x80  }
0x60: {  	[sflag:s15] =	ssyncset.done $0x0  }
0x61: {  	s31 =	simm.s32 $0x2800;
	[sflag:s15] =	ssyncadd.s32 $0xFFFFFF80  }
0x62: {  	[spmem:s2] =	stream.indirect.scatter.add.f32 [tilespmem:s20], [sflag:$0x1], $0x1, s31, s19, $0xb8;
	[tilespmem:$0x5900] =	vst v63  }
0x63: {  	_ =	swait.ge [sflag:s15], $0x80  }
0x64: {  	s28 =	simm.s32 $0x400;
	s26 =	simm.s32 $0x200;
	[sflag:s15] =	ssyncset.done $0x0  }
.LBB2_2:
0x65: {  	s29 =	sshra.s32 s26, $0x2  }
0x66: {  	[sflag:s15] =	ssyncadd.s32 $0xFFFFFF80;
	s26 =	smov.u32 s28;
	s30 =	sadd.s32 $0x200, s28  }
0x67: {  	[spmem:s1] =	stream.indirect.scatter.add.f32 [tilespmem:s20], [sflag:$0x1], $0x1, s29, s19, $0xb8;
	[tilespmem:$0x5900] =	vst v63  }
0x68: {  	p0 =	sne.s32 s28, $0x9A00;
	_ =	swait.ge [sflag:s15], $0x80  }
.Ltmp0:
0x69: {  	[sflag:s15] =	ssyncset.done $0x0;
	(pc) =	sbr.rel @p0 .LBB2_2-.Ltmp0, $4  }
0x6a: {  	s28 =	sadd.s32 $0x2800, s29;
	[sflag:s15] =	ssyncadd.s32 $0xFFFFFF80  }
0x6b: {  	[spmem:s2] =	stream.indirect.scatter.add.f32 [tilespmem:s20], [sflag:$0x1], $0x1, s28, s19, $0xb8;
	[tilespmem:$0x5900] =	vst v63  }
0x6c: {  	_ =	swait.ge [sflag:s15], $0x80  }
0x6d: {  	s28 =	smov.u32 s30;
	[sflag:s15] =	ssyncset.done $0x0  }
0x6e: {  	s26 =	sshra.s32 s26, $0x2;
	[sflag:s15] =	ssyncadd.s32 $0xFFFFFF80  }
0x6f: {  	[spmem:s1] =	stream.indirect.scatter.add.f32 [tilespmem:s20], [sflag:$0x1], $0x1, s26, s19, $0xb8;
	[tilespmem:$0x5900] =	vst v63  }
0x70: {  	_ =	swait.ge [sflag:s15], $0x80  }
0x71: {  	[sflag:s15] =	ssyncset.done $0x0  }
0x72: {  	s26 =	sadd.s32 $0x2800, s26;
	[sflag:s15] =	ssyncadd.s32 $0xFFFFFF80  }
0x73: {  	[spmem:s2] =	stream.indirect.scatter.add.f32 [tilespmem:s20], [sflag:$0x1], $0x1, s26, s19, $0xb8;
	[tilespmem:$0x5900] =	vst v63  }
0x74: {  	_ =	swait.ge [sflag:s15], $0x80  }
0x75: {  	[sflag:s15] =	ssyncset.done $0x0  }
0x76: {  	[sflag:s15] =	ssyncadd.s32 $0xFFFFFF80  }
0x77: {  	[spmem:s1] =	stream.indirect.scatter.add.f32 [tilespmem:s20], [sflag:$0x1], $0x1, s17, s21, $0xb8;
	[tilespmem:$0x5900] =	vst v63  }
0x78: {  	_ =	swait.ge [sflag:s15], $0x10  }
0x79: {  	[sflag:s15] =	ssyncset.done $0x0  }
0x7a: {  	[sflag:s15] =	ssyncadd.s32 $0xFFFFFFF0  }
0x7b: {  	[spmem:s2] =	stream.indirect.scatter.add.f32 [tilespmem:s20], [sflag:$0x1], $0x1, s18, s21, $0xb8;
	[tilespmem:$0x5900] =	vst v63  }
0x7c: {  	_ =	swait.ge [sflag:s15], $0x10  }
0x7d: {  	[sflag:s15] =	ssyncset.done $0x0  }
0x7e: {  	[sflag:s15] =	ssyncadd.s32 $0xFFFFFFF0  }
0x7f: {  	[bflag:$0x0] =	sbarrier.arrive $0xFFFF  }
0x80: {  	[hbm:s11@s24], [sflag:s22] =	dma.strided [spmem:s23@s21], $0x50, s15, $0x10   }
0x81: {  	s25 =	sadd.s32 $0x1, s25;
	_ =	swait.ge [sflag:s15], $0x50  }
0x82: {  	p0 =	sne.s32 s25, s13;
	[sflag:s15] =	ssyncset.done $0x0  }
.Ltmp1:
0x83: {  	s31 =	sshrl.u32 s7, $0x3;
	[sflag:s15] =	ssyncadd.s32 $0xFFFFFFB0;
	(pc) =	sbr.rel @p0 .LBB2_1-.Ltmp1, $4  }
0x84: {  	[hbm:s12@s24], [sflag:s22] =	dma.strided [spmem:s31@s21], $0x50, s15, $0x10   }
0x85: {  	_ =	swait.ge [sflag:s15], $0x50  }
0x86: {  	[sflag:s15] =	ssyncset.done $0x0  }
0x87: {  	[sflag:s15] =	ssyncadd.s32 $0xFFFFFFB0  }
0x88: {  	_ =	sfence.sel $0x180000  }
0x89: {  	[bflag:$0x0] =	sbarrier.arrive $0xFFFF  }
0x8a: {  	p0 =	sne.s32 s3, $0x0;
	_ =	strace $0x90000047  }
0x8b: {  	s0 =	sadd.s32 @!p0 $0x100000, s0;
	[bflag:$0x2] =	sbarrier.arrive $0xFFFF  }
0x8c: {  	[sflag:s0] =	ssyncadd.tile.s32 @!p0 $0x1;
	_ =	shalt  }
.Lfunc_end2:
_tile_overlayer_lowered:
.L_overlay_start_2:
0x8d: {  	(tag) =	ssettag $0x2  }
0x8e: {  	s0 =	rddreg [dreg:$0x0];
	s2 =	stileid.u32  }
0x8f: {  	s1 =	rddreg [dreg:$0x1];
	p0 =	sne.s32 s2, $0x0  }
0x90: {  	s3 =	rddreg [dreg:$0x2];
	[bflag:$0x3] =	sbarrier.arrive $0xFFFF;
	s2 =	simm.s32 @!p0 $0x1C01  }
0x91: {  	[timem:s3], [sflag:s2] =	dma.local @!p0 [hbm:s0], s1  }
0x92: {  	s0 =	simm.s32 @!p0 $0x1  }
0x93: {  	_ =	swait.ge @!p0 [sflag:s0], s1  }
0x94: {  	s1 =	ssub.s32 @!p0 $0x0, s1;
	[sflag:s0] =	ssyncset.done @!p0 $0x0  }
0x95: {  	[sflag:s0] =	ssyncadd.s32 @!p0 s1  }
0x96: {  	[bflag:$0x3] =	sbarrier.arrive $0xFFFF  }
0x97: {  	_ =	shalt  }

// kernel: kernel.9.cloned.1.call-start
scs
__scs_entry_jumppad:
0x0: {  	(pc) =	sbr.rel $0x88, $3  }
0x1: {  	(tag) =	ssettag $0x0;
	lr =	simm.s32 $0x1  }
0x2: {  	[smem:$0x3F9D] =	sst lr;
	_ =	strace $0xD0000000  }
0x3: {  	_ = 	snop  }
0x4: {  	_ = 	snop  }
0x5: {  	_ = 	snop  }
0x6: {  	_ = 	snop  }
0x7: {  	_ = 	snop  }
__scs_overlays_trampoline_lowered:
0x8: {  	[smem:$0x3FAC] =	sst s0  }
0x9: {  	[smem:$0x3FAD] =	sst s1  }
0xa: {  	[smem:$0x3FAE] =	sst s2  }
0xb: {  	[smem:$0x3FAF] =	sst s3  }
0xc: {  	[smem:$0x3FB0] =	sst s4  }
0xd: {  	[smem:$0x3FB1] =	sst s5  }
0xe: {  	[smem:$0x3FB2] =	sst s6  }
0xf: {  	[smem:$0x3FB3] =	sst s7  }
0x10: {  	[smem:$0x3FB4] =	sst s8  }
0x11: {  	[smem:$0x3FB5] =	sst s9;
	s0 =	simm.s32 @!p0 $0x0  }
0x12: {  	s1 =	sld [smem:$0x3F9B];
	s0 =	simm.s32 @p0 $0x1  }
0x13: {  	[smem:$0x3FB6] =	sst s0;
	s0 =	simm.s32 @!p1 $0x0  }
0x14: {  	s2 =	sld [smem:$0x3F9A];
	s0 =	simm.s32 @p1 $0x1  }
0x15: {  	[smem:$0x3FB7] =	sst s0;
	s0 =	simm.s32 @!p2 $0x0  }
0x16: {  	s3 =	sld [smem:$0x3FDB];
	s0 =	simm.s32 @p2 $0x1  }
0x17: {  	s4 =	simm.s32 $0x1BF5;
	[smem:$0x3FB9] =	sst s0  }
0x18: {  	s0 =	sld [smem:$0x3F9C];
	_ =	swait.ge [sflag:s4], $0x0  }
0x19: {  	s7 =	sld [smem:$0x3F9D]  }
0x1a: {  	s8 =	sadd.s32 $0xFFFFE003, lr  }
0x1b: {  	s9 =	sadd.s32 $0xFFFFFEF7, lr;
	s5 =	simm.s32 $0xFFFFFFFF;
	p2 =	slt.u32 s8, $0xFFFFF086  }
0x1c: {  	p1 =	slt.u32 s9, $0xF7A;
	s5 =	simm.s32 @!p2 $0x0  }
0x1d: {  	s5 =	simm.s32 @p1 $0x1;
	p0 =	seq.s32 s7, s2  }
0x1e: {  	s7 =	smul.u32 @!p0 $0xF7A, s2;
	p2 =	seq.s32 @!p0 s5, $0x0  }
0x1f: {  	s9 =	smul.u32 $0xF7A, s1;
	s8 =	simm.s32 @!p0 $0x1BF5;
	p2 =	por !p2, p0  }
0x20: {  	[sflag:s8] =	ssyncset.s32 @!p0 $0xFFFFF086;
	s6 =	sadd.s32 @!p0 s3, s7;
	s7 =	simm.s32 @!p0 $0x108  }
0x21: {  	s3 =	sadd.s32 s3, s9;
	s6 =	sadd.s32 @!p0 $0x88, s6;
	s7 =	simm.s32 @p2 $0x1082  }
0x22: {  	[simem:s7], [sflag:s8] =	dma.local @!p0 [hbm:s6], $0xF7A  }
0x23: {  	s9 =	sor.u32 $0xD0000000, s2;
	s6 =	simm.s32 $0x108;
	_ =	swait.ge @!p0 [sflag:s8], $0x0  }
0x24: {  	s3 =	sadd.s32 $0x88, s3;
	s6 =	simm.s32 @!p1 $0x1082;
	[sflag:s4] =	ssyncset.s32 $0xFFFFF086  }
0x25: {  	[simem:s6], [sflag:s4] =	dma.local [hbm:s3], $0xF7A  }
0x26: {  	[smem:$0x3F9D] =	sst s1;
	(tag) =	ssettag s2;
	_ =	strace s9  }
0x27: {  	s1 =	sld [smem:$0x3FAD]  }
0x28: {  	s2 =	sld [smem:$0x3FAE]  }
0x29: {  	s4 =	sld [smem:$0x3FB0]  }
0x2a: {  	p0 =	seq.s32 s5, $0x0;
	s5 =	sld [smem:$0x3FB1]  }
0x2b: {  	s6 =	sld [smem:$0x3FB2]  }
0x2c: {  	s7 =	sld [smem:$0x3FB3]  }
0x2d: {  	s3 =	simm.s32 $0x108;
	s8 =	sld [smem:$0x3FB4]  }
0x2e: {  	s3 =	simm.s32 @!p0 $0x1082;
	s9 =	sld [smem:$0x3FB5]  }
0x2f: {  	lr =	sadd.s32 s0, s3;
	s0 =	sld [smem:$0x3FAC]  }
0x30: {  	s3 =	sld [smem:$0x3FAF]  }
0x31: {  	[smem:$0x3FB8] =	sst s10  }
0x32: {  	s10 =	sld [smem:$0x3FB6];
	_ =	sdelay $0x3  }
0x33: {  	p0 =	seq.s32 s10, $0x1;
	s10 =	sld [smem:$0x3FB8];
	_ =	sdelay $0x3  }
0x34: {  	[smem:$0x3FB8] =	sst s10  }
0x35: {  	s10 =	sld [smem:$0x3FB7];
	_ =	sdelay $0x3  }
0x36: {  	p1 =	seq.s32 s10, $0x1;
	s10 =	sld [smem:$0x3FB8];
	_ =	sdelay $0x3  }
0x37: {  	[smem:$0x3FB8] =	sst s10  }
0x38: {  	s10 =	sld [smem:$0x3FB9]  }
0x39: {  	_ = 	snop;
	(pc) =	sbr.ind lr, $3  }
0x3a: {  	_ = 	snop  }
0x3b: {  	_ = 	snop  }
0x3c: {  	p2 =	seq.s32 s10, $0x1;
	s10 =	sld [smem:$0x3FB8]  }
0x3d: {  	_ =	shalt  }
0x3e: {  	_ =	shalt  }
0x3f: {  	_ =	shalt  }
0x40: {  	_ =	shalt  }
0x41: {  	_ =	shalt  }
0x42: {  	_ =	shalt  }
0x43: {  	_ =	shalt  }
0x44: {  	_ =	shalt  }
0x45: {  	_ =	shalt  }
0x46: {  	_ =	shalt  }
0x47: {  	_ =	shalt  }
0x48: {  	_ =	shalt  }
0x49: {  	_ =	shalt  }
0x4a: {  	_ =	shalt  }
0x4b: {  	_ =	shalt  }
0x4c: {  	_ =	shalt  }
0x4d: {  	_ =	shalt  }
0x4e: {  	_ =	shalt  }
0x4f: {  	_ =	shalt  }
0x50: {  	_ =	shalt  }
0x51: {  	_ =	shalt  }
0x52: {  	_ =	shalt  }
0x53: {  	_ =	shalt  }
0x54: {  	_ =	shalt  }
0x55: {  	_ =	shalt  }
0x56: {  	_ =	shalt  }
0x57: {  	_ =	shalt  }
0x58: {  	_ =	shalt  }
0x59: {  	_ =	shalt  }
0x5a: {  	_ =	shalt  }
0x5b: {  	_ =	shalt  }
0x5c: {  	_ =	shalt  }
0x5d: {  	_ =	shalt  }
0x5e: {  	_ =	shalt  }
0x5f: {  	_ =	shalt  }
0x60: {  	_ =	shalt  }
0x61: {  	_ =	shalt  }
0x62: {  	_ =	shalt  }
0x63: {  	_ =	shalt  }
0x64: {  	_ =	shalt  }
0x65: {  	_ =	shalt  }
0x66: {  	_ =	shalt  }
0x67: {  	_ =	shalt  }
0x68: {  	_ =	shalt  }
0x69: {  	_ =	shalt  }
0x6a: {  	_ =	shalt  }
0x6b: {  	_ =	shalt  }
0x6c: {  	_ =	shalt  }
0x6d: {  	_ =	shalt  }
0x6e: {  	_ =	shalt  }
0x6f: {  	_ =	shalt  }
0x70: {  	_ =	shalt  }
0x71: {  	_ =	shalt  }
0x72: {  	_ =	shalt  }
0x73: {  	_ =	shalt  }
0x74: {  	_ =	shalt  }
0x75: {  	_ =	shalt  }
0x76: {  	_ =	shalt  }
0x77: {  	_ =	shalt  }
0x78: {  	_ =	shalt  }
0x79: {  	_ =	shalt  }
0x7a: {  	_ =	shalt  }
0x7b: {  	_ =	shalt  }
0x7c: {  	_ =	shalt  }
0x7d: {  	_ =	shalt  }
0x7e: {  	_ =	shalt  }
0x7f: {  	_ =	shalt  }
0x80: {  	_ =	shalt  }
0x81: {  	_ =	shalt  }
0x82: {  	_ =	shalt  }
0x83: {  	_ =	shalt  }
0x84: {  	_ =	shalt  }
0x85: {  	_ =	shalt  }
0x86: {  	_ =	shalt  }
0x87: {  	_ =	shalt  }
.Lfunc_end0:
.L_simem_size_0:
called_computation.1_lowered:
.L_overlay_start_0:
0x88: {  	s2 =	sld [smem:$0x3FD9]  }
0x89: {  	s3 =	sld [smem:$0x3FFE];
	_ =	sdelay $0x1  }
0x8a: {  	s1 =	srdreg.scid  }
0x8b: {  	s0 =	sand.u32 $0x1, s1  }
0x8c: {  	s17 =	sshll.u32 s0, $0xA;
	s2 =	sadd.s32 s3, s2  }
0x8d: {  	s2 =	sadd.s32 s2, s17  }
0x8e: {  	[smem:$0x3FC4] =	sst s2  }
0x8f: {  	_ = 	snop  }
0x90: {  	s2 =	sld [smem:$0x3FD0];
	(tm) =	ssettm $0x1  }
0x91: {  	s18 =	sld [smem:$0x3FFB];
	_ =	sdelay $0x3  }
0x92: {  	_ =	strace s18  }
0x93: {  	s3 =	sld [smem:$0x3FFC];
	_ =	sdelay $0x3  }
0x94: {  	_ =	strace s3  }
0x95: {  	s3 =	sld [smem:$0x3FFD];
	_ =	sdelay $0x3  }
0x96: {  	_ =	strace s3  }
0x97: {  	_ =	strace $0x8FFFFFFF  }
0x98: {  	s19 =	sld [smem:$0x3FDB];
	_ =	sdelay $0x1  }
0x99: {  	s4 =	simm.s32 $_scs_section_size  }
0x9a: {  	s5 =	simm.s32 $_size__tile_overlayer_lowered;
	s6 =	simm.s32 $_tile_overlayer_lowered  }
0x9b: {  	s22 =	simm.s32 $0x1BFF;
	s21 =	sshll.u32 s6, $0x1;
	s3 =	sadd.s32 s4, s19  }
0x9c: {  	s7 =	simm.s32 $0x0;
	s20 =	sshll.u32 s5, $0x1;
	s5 =	sadd.s32 s21, s3  }
0x9d: {  	[timem:s7], [sflag:s22] =	dma.local [hbm:s5], s20  }
0x9e: {  	_ =	swait.ge [sflag:s22], s20  }
0x9f: {  	s4 =	ssub.s32 $0x0, s20;
	[sflag:s22] =	ssyncset.done $0x0  }
0xa0: {  	[sflag:s22] =	ssyncadd.s32 s4;
	_ =	sdelay $0x1  }
0xa1: {  	s23 =	simm.s32 $0x1B8B  }
0xa2: {  	_ =	swait.ge [sflag:s23], $0x1  }
0xa3: {  	[sflag:s23] =	ssyncset.done $0x0  }
0xa4: {  	s25 =	simm.s32 $0x1B8E;
	s24 =	sld [smem:$0x3FFE];
	[sflag:s23] =	ssyncadd.s32 $0xFFFFFFFF  }
0xa5: {  	s26 =	simm.s32 $execute0_lowered;
	[smem:$0x3FD2] =	sst s25  }
0xa6: {  	s5 =	sshll.u32 s26, $0x1;
	_ =	strace $0x80000049;
	[dreg:$0x1] =	wrdreg $0xFFFFFFFF  }
0xa7: {  	s28 =	simm.s32 $_size_execute0_lowered;
	s3 =	sadd.s32 s3, s5;
	[dreg:$0x0] =	wrdreg $0x0  }
0xa8: {  	s5 =	sshll.u32 s28, $0x1;
	[dreg:$0x2] =	wrdreg s3  }
0xa9: {  	[dreg:$0x3] =	wrdreg s5  }
0xaa: {  	[dreg:$0x4] =	wrdreg $0xC0  }
0xab: {  	_ =	task [dreg:s7], $0x5FFFF  }
0xac: {  	[dreg:$0x1] =	wrdreg $0xFFFFFFFF  }
0xad: {  	[dreg:$0x0] =	wrdreg $0x60  }
0xae: {  	[dreg:$0x2] =	wrdreg s2  }
0xaf: {  	[dreg:$0x3] =	wrdreg s24  }
0xb0: {  	[dreg:$0x4] =	wrdreg $0x7C000  }
0xb1: {  	[dreg:$0x5] =	wrdreg $0x9  }
0xb2: {  	_ =	task.clear_ibuf [dreg:s7], $0x6FFFF;
	_ =	strace $0x90000049  }
0xb3: {  	s29 =	simm.s32 $0x9;
	_ =	strace $0x8000004B  }
0xb4: {  	_ =	swait.ge [sflag:s29], $0x1  }
0xb5: {  	[sflag:s29] =	ssyncadd.s32 $0xFFFFFFFF  }
0xb6: {  	_ =	strace $0x9000004B  }
0xb7: {  	_ =	sfence  }
0xb8: {  	s30 =	sld [smem:$0x0];
	_ =	sdelay $0x2  }
0xb9: {  	s31 =	sshll.u32 s1, $0xD;
	s1 =	sshrl.u32 s1, $0x2  }
0xba: {  	s3 =	sand.u32 $0x4000, s31;
	s1 =	sadd.s32 s1, s30  }
0xbb: {  	s0 =	sor.u32 s3, s0;
	s1 =	sshll.u32 s1, $0x11  }
0xbc: {  	s0 =	sor.u32 s1, s0  }
0xbd: {  	s0 =	sadd.s32 $0x8F2B, s0  }
0xbe: {  	[sflag:s0] =	ssyncadd.remote.s32 $0x1  }
0xbf: {  	_ =	sfence.sel $0xFFFF  }
0xc0: {  	[dreg:$0x0] =	wrdreg $0xFFFFFFFF;
	(pc) =	sbr.abs _section_cstart, $3  }
0xc1: {  	[dreg:$0x1] =	wrdreg $0xFFFFFFFF  }
0xc2: {  	_ =	task.clear_ibuf [dreg:s7], $0x2FFFF;
	_ =	strace $0x9FFFFFFF  }
0xc3: {  	(tm) =	ssettm $0x7FFFFFFF  }
tec
execute0_lowered:
.L_overlay_start_1:
0x0: {  	(tag) =	ssettag $0x1  }
0x1: {  	s1 =	rddreg [dreg:$0x0]  }
0x2: {  	s0 =	rddreg [dreg:$0x1]  }
0x3: {  	s3 =	rddreg [dreg:$0x2];
	s10 =	stileid.u32  }
0x4: {  	s2 =	srdreg.scid;
	s7 =	smul.u32 $0x14000, s10  }
0x5: {  	s4 =	simm.s32 $0x0;
	s2 =	sand.u32 $0x1, s2;
	s21 =	smul.u32 $0xC800, s10  }
0x6: {  	[smem:$0x7FF] =	sst s4;
	s8 =	sadd.s32 $0x3200, s0;
	s5 =	smul.u32 $0x140000, s2  }
0x7: {  	s6 =	sshll.u32 s2, $0x4;
	_ =	strace $0x8000004A;
	s12 =	ssub.s32 $0x2, s2  }
0x8: {  	s2 =	smul.u32 $0xC8000, s2;
	s6 =	sor.u32 s10, s6;
	s9 =	sshrl.u32 s12, $0x1  }
0x9: {  	s6 =	smul.u32 $0xC800, s6;
	s5 =	sadd.s32 s7, s5;
	s13 =	ssub.s32 s12, s9  }
0xa: {  	s24 =	sadd.s32 s21, s2;
	s5 =	sshrl.u32 s5, $0x3;
	s25 =	smax.u32 s13, $0x1  }
0xb: {  	s31 =	sadd.s32 $0x191800, s24;
	s7 =	sadd.s32 $0x1800, s24;
	s6 =	sshrl.u32 s6, $0x3  }
0xc: {  	s0 =	sadd.s32 s5, s0;
	[dreg:$0x16] =	wrdreg s25;
	s11 =	sadd.s32 s8, s6  }
0xd: {  	s2 =	sshrl.u32 s31, $0x3;
	s0 =	sadd.s32 $0x67200, s0;
	[dreg:$0xa] =	wrdreg s11  }
0xe: {  	s5 =	sshrl.u32 s7, $0x3;
	s2 =	sadd.s32 s2, s8;
	[dreg:$0x14] =	wrdreg s0  }
0xf: {  	s9 =	sadd.s32 s5, s8;
	[dreg:$0x4] =	wrdreg s2  }
0x10: {  	s6 =	sadd.s32 $0x32000, s11;
	[dreg:$0x5] =	wrdreg s9  }
0x11: {  	s14 =	sadd.s32 $0x80, s11;
	[dreg:$0xb] =	wrdreg s6  }
0x12: {  	s15 =	sadd.s32 $0x32080, s11;
	[dreg:$0xc] =	wrdreg s14  }
0x13: {  	s17 =	sadd.s32 $0x100, s11;
	[dreg:$0xd] =	wrdreg s15  }
0x14: {  	s16 =	smul.u32 $0x50000, s10;
	s18 =	sadd.s32 $0x32100, s11;
	[dreg:$0xe] =	wrdreg s17  }
0x15: {  	s10 =	sadd.s32 $0x191400, s24;
	s19 =	sadd.s32 $0x180, s11;
	[dreg:$0xf] =	wrdreg s18  }
0x16: {  	s12 =	sadd.s32 $0x1400, s24;
	s20 =	sadd.s32 $0x32180, s11;
	[dreg:$0x10] =	wrdreg s19  }
0x17: {  	s5 =	sshrl.u32 s12, $0x3;
	s22 =	sadd.s32 $0x1880, s11;
	[dreg:$0x11] =	wrdreg s20  }
0x18: {  	s23 =	sadd.s32 $0x33880, s11;
	s11 =	sshrl.u32 s10, $0x3;
	[dreg:$0x12] =	wrdreg s22  }
0x19: {  	s0 =	sadd.s32 $0x1000, s24;
	[dreg:$0x13] =	wrdreg s23;
	s2 =	sadd.s32 s11, s8  }
0x1a: {  	s14 =	sadd.s32 s5, s8;
	s0 =	sshrl.u32 s0, $0x3;
	[dreg:$0x6] =	wrdreg s2  }
0x1b: {  	s6 =	sshrl.u32 s16, $0x2;
	[dreg:$0x7] =	wrdreg s14;
	s0 =	sadd.s32 s0, s8  }
0x1c: {  	s30 =	sadd.s32 s6, s3;
	[dreg:$0x9] =	wrdreg s0  }
0x1d: {  	s26 =	sadd.s32 $0x1400, s30;
	[dreg:$0x15] =	wrdreg s30  }
0x1e: {  	s28 =	simm.s32 $0x8;
	s6 =	sadd.s32 $0x2800, s30;
	[dreg:$0x17] =	wrdreg s26  }
0x1f: {  	s15 =	sadd.s32 $0x191000, s24;
	s13 =	sadd.s32 $0x5000, s30;
	[dreg:$0x18] =	wrdreg s6  }
0x20: {  	s16 =	sshrl.u32 s15, $0x3;
	s17 =	sadd.s32 $0x6400, s30;
	[dreg:$0x1a] =	wrdreg s13  }
0x21: {  	s29 =	simm.s32 $0x3;
	s2 =	sadd.s32 s16, s8;
	[dreg:$0x1b] =	wrdreg s17  }
0x22: {  	s12 =	simm.s32 $0x1400;
	s18 =	sadd.s32 $0x7800, s30;
	[dreg:$0x8] =	wrdreg s2  }
0x23: {  	s9 =	simm.s32 $0x400;
	s19 =	sadd.s32 $0x8C00, s30;
	[dreg:$0x1c] =	wrdreg s18  }
0x24: {  	s10 =	simm.s32 $0x1000;
	s20 =	sadd.s32 $0xA000, s30;
	[dreg:$0x1d] =	wrdreg s19  }
0x25: {  	s11 =	simm.s32 $0x800;
	s21 =	sadd.s32 $0xB400, s30;
	[dreg:$0x1e] =	wrdreg s20  }
0x26: {  	s5 =	simm.s32 $0x0;
	s22 =	sadd.s32 $0xC800, s30;
	[dreg:$0x1f] =	wrdreg s21  }
0x27: {  	s15 =	simm.s32 $0x2C00;
	s23 =	sadd.s32 $0xDC00, s30;
	[smem:$0x7F8] =	sst s22  }
0x28: {  	s24 =	sadd.s32 $0xF000, s30;
	s25 =	sadd.s32 $0x10400, s30;
	[smem:$0x7F9] =	sst s23  }
0x29: {  	s31 =	sadd.s32 $0x12C00, s30;
	s8 =	simm.s32 $0xC00;
	[smem:$0x7FA] =	sst s24  }
0x2a: {  	s0 =	simm.s32 $0x4;
	s16 =	simm.s32 $0x5;
	[smem:$0x7FB] =	sst s25  }
0x2b: {  	s6 =	sadd.s32 $0x3C00, s30;
	s26 =	sadd.s32 $0x11800, s30;
	[smem:$0x7FD] =	sst s31  }
0x2c: {  	s13 =	simm.s32 $0x28;
	s18 =	simm.s32 $0x4000;
	s20 =	simm.s32 $0x5400  }
0x2d: {  	s22 =	simm.s32 $0x6800;
	s23 =	simm.s32 $0x1;
	s24 =	simm.s32 $0x6  }
0x2e: {  	s25 =	simm.s32 $0x2;
	s2 =	simm.s32 $0x7;
	[dreg:$0x19] =	wrdreg s6  }
0x2f: {  	v0 =	vimm.f32 $0.0e+00;
	s19 =	simm.s32 $0x480;
	[smem:$0x7FC] =	sst s26;
	s6 =	simm.s32 $0x1800  }
.LBB2_1:
0x30: {  	[smem:$0x7F7] =	sst s5;
	s21 =	simm.s32 $0x70;
	s26 =	simm.s32 $0x3C0  }
.LBB2_2:
0x31: {  	p0 =	sne.s32 s26, $0x4FC0;
	[tilespmem:s21+$0x1800] =	vst v0  }
0x32: {  	[tilespmem:s21+$0x1790] =	vst v0  }
0x33: {  	[tilespmem:s21+$0x17A0] =	vst v0  }
.Ltmp0:
0x34: {  	[tilespmem:s21+$0x17B0] =	vst v0;
	(pc) =	sbr.rel @p0 .LBB2_2-.Ltmp0, $4  }
0x35: {  	[tilespmem:s21+$0x17C0] =	vst v0  }
0x36: {  	[tilespmem:s21+$0x17D0] =	vst v0  }
0x37: {  	[tilespmem:s21+$0x17E0] =	vst v0  }
0x38: {  	[tilespmem:s21+$0x17F0] =	vst v0;
	s21 =	sshra.s32 s26, $0x2;
	s26 =	sadd.s32 $0x200, s26  }
0x39: {  	[tilespmem:s21+$0x1800] =	vst v0  }
0x3a: {  	[tilespmem:s21+$0x1790] =	vst v0  }
0x3b: {  	[tilespmem:s21+$0x17A0] =	vst v0  }
0x3c: {  	[tilespmem:s21+$0x17B0] =	vst v0  }
0x3d: {  	[tilespmem:s21+$0x17C0] =	vst v0  }
0x3e: {  	[tilespmem:s21+$0x17D0] =	vst v0  }
0x3f: {  	[tilespmem:s21+$0x17E0] =	vst v0  }
0x40: {  	[tilespmem:s21+$0x17F0] =	vst v0  }
0x41: {  	[spmem:s30] =	stream.linear.scatter [tilespmem:s6], [sflag:$0x8], $0x1400, $0x38;
	[tilespmem:$0x1BC00] =	vst v63  }
0x42: {  	_ =	swait.ge [sflag:s28], $0x1400  }
0x43: {  	[sflag:s28] =	ssyncset.done $0x0  }
0x44: {  	s14 =	rddreg [dreg:$0x17];
	[sflag:s28] =	ssyncadd.s32 $0xFFFFEC00  }
0x45: {  	[spmem:s14] =	stream.linear.scatter [tilespmem:s6], [sflag:$0x8], $0x1400, $0x38;
	[tilespmem:$0x1BC00] =	vst v63  }
0x46: {  	_ =	swait.ge [sflag:s28], $0x1400  }
0x47: {  	[sflag:s28] =	ssyncset.done $0x0  }
0x48: {  	s17 =	rddreg [dreg:$0x18];
	[sflag:s28] =	ssyncadd.s32 $0xFFFFEC00  }
0x49: {  	[spmem:s17] =	stream.linear.scatter [tilespmem:s6], [sflag:$0x8], $0x1400, $0x38;
	[tilespmem:$0x1BC00] =	vst v63  }
0x4a: {  	_ =	swait.ge [sflag:s28], $0x1400  }
0x4b: {  	[sflag:s28] =	ssyncset.done $0x0  }
0x4c: {  	s26 =	rddreg [dreg:$0x19];
	[sflag:s28] =	ssyncadd.s32 $0xFFFFEC00  }
0x4d: {  	[spmem:s26] =	stream.linear.scatter [tilespmem:s6], [sflag:$0x8], $0x1400, $0x38;
	[tilespmem:$0x1BC00] =	vst v63  }
0x4e: {  	_ =	swait.ge [sflag:s28], $0x1400  }
0x4f: {  	[sflag:s28] =	ssyncset.done $0x0  }
0x50: {  	s30 =	rddreg [dreg:$0x1a];
	[sflag:s28] =	ssyncadd.s32 $0xFFFFEC00  }
0x51: {  	[spmem:s30] =	stream.linear.scatter [tilespmem:s6], [sflag:$0x8], $0x1400, $0x38;
	[tilespmem:$0x1BC00] =	vst v63  }
0x52: {  	_ =	swait.ge [sflag:s28], $0x1400  }
0x53: {  	[sflag:s28] =	ssyncset.done $0x0  }
0x54: {  	s5 =	rddreg [dreg:$0x1b];
	[sflag:s28] =	ssyncadd.s32 $0xFFFFEC00  }
0x55: {  	[spmem:s5] =	stream.linear.scatter [tilespmem:s6], [sflag:$0x8], $0x1400, $0x38;
	[tilespmem:$0x1BC00] =	vst v63  }
0x56: {  	_ =	swait.ge [sflag:s28], $0x1400  }
0x57: {  	[sflag:s28] =	ssyncset.done $0x0  }
0x58: {  	s7 =	rddreg [dreg:$0x1c];
	[sflag:s28] =	ssyncadd.s32 $0xFFFFEC00  }
0x59: {  	[spmem:s7] =	stream.linear.scatter [tilespmem:s6], [sflag:$0x8], $0x1400, $0x38;
	[tilespmem:$0x1BC00] =	vst v63  }
0x5a: {  	_ =	swait.ge [sflag:s28], $0x1400  }
0x5b: {  	[sflag:s28] =	ssyncset.done $0x0  }
0x5c: {  	s14 =	rddreg [dreg:$0x1d];
	[sflag:s28] =	ssyncadd.s32 $0xFFFFEC00  }
0x5d: {  	[spmem:s14] =	stream.linear.scatter [tilespmem:s6], [sflag:$0x8], $0x1400, $0x38;
	[tilespmem:$0x1BC00] =	vst v63  }
0x5e: {  	_ =	swait.ge [sflag:s28], $0x1400  }
0x5f: {  	[sflag:s28] =	ssyncset.done $0x0  }
0x60: {  	s17 =	rddreg [dreg:$0x1e];
	[sflag:s28] =	ssyncadd.s32 $0xFFFFEC00  }
0x61: {  	[spmem:s17] =	stream.linear.scatter [tilespmem:s6], [sflag:$0x8], $0x1400, $0x38;
	[tilespmem:$0x1BC00] =	vst v63  }
0x62: {  	_ =	swait.ge [sflag:s28], $0x1400  }
0x63: {  	[sflag:s28] =	ssyncset.done $0x0  }
0x64: {  	s26 =	rddreg [dreg:$0x1f];
	[sflag:s28] =	ssyncadd.s32 $0xFFFFEC00  }
0x65: {  	[spmem:s26] =	stream.linear.scatter [tilespmem:s6], [sflag:$0x8], $0x1400, $0x38;
	[tilespmem:$0x1BC00] =	vst v63  }
0x66: {  	_ =	swait.ge [sflag:s28], $0x1400  }
0x67: {  	s30 =	sld [smem:$0x7F8]  }
0x68: {  	[sflag:s28] =	ssyncset.done $0x0  }
0x69: {  	[sflag:s28] =	ssyncadd.s32 $0xFFFFEC00  }
0x6a: {  	[spmem:s30] =	stream.linear.scatter [tilespmem:s6], [sflag:$0x8], $0x1400, $0x38;
	[tilespmem:$0x1BC00] =	vst v63  }
0x6b: {  	_ =	swait.ge [sflag:s28], $0x1400  }
0x6c: {  	s5 =	sld [smem:$0x7F9]  }
0x6d: {  	[sflag:s28] =	ssyncset.done $0x0  }
0x6e: {  	[sflag:s28] =	ssyncadd.s32 $0xFFFFEC00  }
0x6f: {  	[spmem:s5] =	stream.linear.scatter [tilespmem:s6], [sflag:$0x8], $0x1400, $0x38;
	[tilespmem:$0x1BC00] =	vst v63  }
0x70: {  	_ =	swait.ge [sflag:s28], $0x1400  }
0x71: {  	s7 =	sld [smem:$0x7FA]  }
0x72: {  	[sflag:s28] =	ssyncset.done $0x0  }
0x73: {  	[sflag:s28] =	ssyncadd.s32 $0xFFFFEC00  }
0x74: {  	[spmem:s7] =	stream.linear.scatter [tilespmem:s6], [sflag:$0x8], $0x1400, $0x38;
	[tilespmem:$0x1BC00] =	vst v63  }
0x75: {  	_ =	swait.ge [sflag:s28], $0x1400  }
0x76: {  	s14 =	sld [smem:$0x7FB]  }
0x77: {  	[sflag:s28] =	ssyncset.done $0x0  }
0x78: {  	[sflag:s28] =	ssyncadd.s32 $0xFFFFEC00  }
0x79: {  	[spmem:s14] =	stream.linear.scatter [tilespmem:s6], [sflag:$0x8], $0x1400, $0x38;
	[tilespmem:$0x1BC00] =	vst v63  }
0x7a: {  	_ =	swait.ge [sflag:s28], $0x1400  }
0x7b: {  	s17 =	sld [smem:$0x7FC]  }
0x7c: {  	[sflag:s28] =	ssyncset.done $0x0  }
0x7d: {  	[sflag:s28] =	ssyncadd.s32 $0xFFFFEC00  }
0x7e: {  	[spmem:s17] =	stream.linear.scatter [tilespmem:s6], [sflag:$0x8], $0x1400, $0x38;
	[tilespmem:$0x1BC00] =	vst v63  }
0x7f: {  	_ =	swait.ge [sflag:s28], $0x1400  }
0x80: {  	s26 =	sld [smem:$0x7FD]  }
0x81: {  	[sflag:s28] =	ssyncset.done $0x0  }
0x82: {  	[sflag:s28] =	ssyncadd.s32 $0xFFFFEC00  }
0x83: {  	[spmem:s26] =	stream.linear.scatter [tilespmem:s6], [sflag:$0x8], $0x1400, $0x38;
	[tilespmem:$0x1BC00] =	vst v63  }
0x84: {  	_ =	swait.ge [sflag:s28], $0x1400  }
0x85: {  	[sflag:s28] =	ssyncset.done $0x0  }
0x86: {  	[sflag:s28] =	ssyncadd.s32 $0xFFFFEC00  }
0x87: {  	[bflag:$0x0] =	sbarrier.arrive $0xFFFF  }
0x88: {  	s21 =	simm.s32 $0x0;
	s26 =	rddreg [dreg:$0xa]  }
0x89: {  	[tilespmem:s21], [sflag:$0x8] =	stream.linear.gather [hbm4b:s26+s21], $0x280, $0x38;
	[tilespmem:$0x1BC00] =	vst v63  }
0x8a: {  	_ =	swait.ge [sflag:s28], $0x280  }
0x8b: {  	[sflag:s28] =	ssyncset.done $0x0  }
0x8c: {  	s30 =	rddreg [dreg:$0xb];
	[sflag:s28] =	ssyncadd.s32 $0xFFFFFD80  }
0x8d: {  	[tilespmem:s8], [sflag:$0x8] =	stream.linear.gather [hbm4b:s30+s21], $0x280, $0x38;
	[tilespmem:$0x1BC00] =	vst v63  }
0x8e: {  	_ =	swait.ge [sflag:s28], $0x280  }
0x8f: {  	[sflag:s28] =	ssyncset.done $0x0  }
0x90: {  	s5 =	rddreg [dreg:$0xc];
	[sflag:s28] =	ssyncadd.s32 $0xFFFFFD80  }
0x91: {  	[tilespmem:s9], [sflag:$0x8] =	stream.linear.gather [hbm4b:s5+s21], $0x280, $0x38;
	[tilespmem:$0x1BC00] =	vst v63  }
0x92: {  	_ =	swait.ge [sflag:s28], $0x280  }
0x93: {  	[sflag:s28] =	ssyncset.done $0x0  }
0x94: {  	s7 =	rddreg [dreg:$0xd];
	[sflag:s28] =	ssyncadd.s32 $0xFFFFFD80  }
0x95: {  	[tilespmem:s10], [sflag:$0x8] =	stream.linear.gather [hbm4b:s7+s21], $0x280, $0x38;
	[tilespmem:$0x1BC00] =	vst v63  }
0x96: {  	_ =	swait.ge [sflag:s28], $0x280  }
0x97: {  	[sflag:s28] =	ssyncset.done $0x0  }
0x98: {  	s14 =	rddreg [dreg:$0xe];
	[sflag:s28] =	ssyncadd.s32 $0xFFFFFD80  }
0x99: {  	[tilespmem:s11], [sflag:$0x8] =	stream.linear.gather [hbm4b:s14+s21], $0x280, $0x38;
	[tilespmem:$0x1BC00] =	vst v63  }
0x9a: {  	_ =	swait.ge [sflag:s28], $0x280  }
0x9b: {  	[sflag:s28] =	ssyncset.done $0x0  }
0x9c: {  	s17 =	rddreg [dreg:$0xf];
	[sflag:s28] =	ssyncadd.s32 $0xFFFFFD80  }
0x9d: {  	[tilespmem:s12], [sflag:$0x8] =	stream.linear.gather [hbm4b:s17+s21], $0x280, $0x38;
	[tilespmem:$0x1BC00] =	vst v63  }
0x9e: {  	_ =	swait.ge [sflag:s28], $0x280  }
0x9f: {  	[sflag:s28] =	ssyncset.done $0x0  }
0xa0: {  	[sflag:s28] =	ssyncadd.s32 $0xFFFFFD80  }
0xa1: {  	[tilespmem:s6], [sflag:$0x1] =	stream.indirect.gather [hbm4b:s1+s13], $0x80, s21, s13, $0xb8;
	[tilespmem:$0x1BC00] =	vst v63  }
0xa2: {  	s17 =	simm.s32 $0x80  }
0xa3: {  	[tilespmem:s15], [sflag:$0x2] =	stream.indirect.gather [hbm4b:s1+s13], $0x80, s17, s13, $0xb8;
	[tilespmem:$0x1BC00] =	vst v63  }
0xa4: {  	s14 =	simm.s32 $0x100  }
0xa5: {  	[tilespmem:s18], [sflag:$0x3] =	stream.indirect.gather [hbm4b:s1+s13], $0x80, s14, s13, $0xb8;
	[tilespmem:$0x1BC00] =	vst v63  }
0xa6: {  	s7 =	simm.s32 $0x180  }
0xa7: {  	[tilespmem:s20], [sflag:$0x4] =	stream.indirect.gather [hbm4b:s1+s13], $0x80, s7, s13, $0xb8;
	[tilespmem:$0x1BC00] =	vst v63  }
0xa8: {  	s28 =	simm.s32 $0x200  }
0xa9: {  	[tilespmem:s22], [sflag:$0x5] =	stream.indirect.gather [hbm4b:s1+s13], $0x80, s28, s13, $0xb8;
	[tilespmem:$0x1BC00] =	vst v63  }
0xaa: {  	_ =	swait.ge [sflag:s23], $0x1400  }
0xab: {  	[sflag:s23] =	ssyncset.done $0x0  }
0xac: {  	[sflag:s23] =	ssyncadd.s32 $0xFFFFEC00  }
0xad: {  	[spmem:s3] =	stream.indirect.scatter.add.f32 [tilespmem:s6], [sflag:$0x6], $0x80, s8, s13, $0xb8;
	[tilespmem:$0x1BC00] =	vst v63  }
0xae: {  	_ =	swait.ge [sflag:s24], $0x1400  }
0xaf: {  	[sflag:s24] =	ssyncset.done $0x0  }
0xb0: {  	[sflag:s24] =	ssyncadd.s32 $0xFFFFEC00  }
0xb1: {  	[tilespmem:s6], [sflag:$0x1] =	stream.indirect.gather [hbm4b:s1+s13], $0x80, s9, s13, $0xb8;
	[tilespmem:$0x1BC00] =	vst v63  }
0xb2: {  	_ =	swait.ge [sflag:s25], $0x1400  }
0xb3: {  	[sflag:s25] =	ssyncset.done $0x0  }
0xb4: {  	s30 =	simm.s32 $0xC80;
	[sflag:s25] =	ssyncadd.s32 $0xFFFFEC00  }
0xb5: {  	[spmem:s3] =	stream.indirect.scatter.add.f32 [tilespmem:s15], [sflag:$0x6], $0x80, s30, s13, $0xb8;
	[tilespmem:$0x1BC00] =	vst v63  }
0xb6: {  	_ =	swait.ge [sflag:s24], $0x1400  }
0xb7: {  	[sflag:s24] =	ssyncset.done $0x0  }
0xb8: {  	s31 =	simm.s32 $0x480;
	[sflag:s24] =	ssyncadd.s32 $0xFFFFEC00  }
0xb9: {  	[tilespmem:s15], [sflag:$0x2] =	stream.indirect.gather [hbm4b:s1+s13], $0x80, s31, s13, $0xb8;
	[tilespmem:$0x1BC00] =	vst v63  }
0xba: {  	_ =	swait.ge [sflag:s29], $0x1400  }
0xbb: {  	[sflag:s29] =	ssyncset.done $0x0  }
0xbc: {  	s5 =	simm.s32 $0xD00;
	[sflag:s29] =	ssyncadd.s32 $0xFFFFEC00  }
0xbd: {  	[spmem:s3] =	stream.indirect.scatter.add.f32 [tilespmem:s18], [sflag:$0x6], $0x80, s5, s13, $0xb8;
	[tilespmem:$0x1BC00] =	vst v63  }
0xbe: {  	_ =	swait.ge [sflag:s24], $0x1400  }
0xbf: {  	[sflag:s24] =	ssyncset.done $0x0  }
0xc0: {  	s26 =	simm.s32 $0x500;
	[sflag:s24] =	ssyncadd.s32 $0xFFFFEC00  }
0xc1: {  	[tilespmem:s18], [sflag:$0x3] =	stream.indirect.gather [hbm4b:s1+s13], $0x80, s26, s13, $0xb8;
	[tilespmem:$0x1BC00] =	vst v63  }
0xc2: {  	_ =	swait.ge [sflag:s0], $0x1400  }
0xc3: {  	[sflag:s0] =	ssyncset.done $0x0  }
0xc4: {  	s26 =	simm.s32 $0xD80;
	[sflag:s0] =	ssyncadd.s32 $0xFFFFEC00  }
0xc5: {  	[spmem:s3] =	stream.indirect.scatter.add.f32 [tilespmem:s20], [sflag:$0x6], $0x80, s26, s13, $0xb8;
	[tilespmem:$0x1BC00] =	vst v63  }
0xc6: {  	_ =	swait.ge [sflag:s24], $0x1400  }
0xc7: {  	[sflag:s24] =	ssyncset.done $0x0  }
0xc8: {  	s26 =	simm.s32 $0x580;
	[sflag:s24] =	ssyncadd.s32 $0xFFFFEC00  }
0xc9: {  	[tilespmem:s20], [sflag:$0x4] =	stream.indirect.gather [hbm4b:s1+s13], $0x80, s26, s13, $0xb8;
	[tilespmem:$0x1BC00] =	vst v63  }
0xca: {  	_ =	swait.ge [sflag:s16], $0x1400  }
0xcb: {  	[sflag:s16] =	ssyncset.done $0x0  }
0xcc: {  	s26 =	simm.s32 $0xE00;
	[sflag:s16] =	ssyncadd.s32 $0xFFFFEC00  }
0xcd: {  	[spmem:s3] =	stream.indirect.scatter.add.f32 [tilespmem:s22], [sflag:$0x6], $0x80, s26, s13, $0xb8;
	[tilespmem:$0x1BC00] =	vst v63  }
0xce: {  	_ =	swait.ge [sflag:s24], $0x1400  }
0xcf: {  	[sflag:s24] =	ssyncset.done $0x0  }
0xd0: {  	s26 =	simm.s32 $0x600;
	[sflag:s24] =	ssyncadd.s32 $0xFFFFEC00  }
0xd1: {  	[tilespmem:s22], [sflag:$0x5] =	stream.indirect.gather [hbm4b:s1+s13], $0x80, s26, s13, $0xb8;
	[tilespmem:$0x1BC00] =	vst v63  }
0xd2: {  	_ =	swait.ge [sflag:s23], $0x1400  }
0xd3: {  	[sflag:s23] =	ssyncset.done $0x0  }
0xd4: {  	[sflag:s23] =	ssyncadd.s32 $0xFFFFEC00  }
0xd5: {  	[spmem:s3] =	stream.indirect.scatter.add.f32 [tilespmem:s6], [sflag:$0x6], $0x80, s10, s13, $0xb8;
	[tilespmem:$0x1BC00] =	vst v63  }
0xd6: {  	s5 =	rddreg [dreg:$0x10]  }
0xd7: {  	[tilespmem:s21], [sflag:$0x7] =	stream.linear.gather [hbm4b:s5+s21], $0x280, $0x38;
	[tilespmem:$0x1BC00] =	vst v63  }
0xd8: {  	s5 =	rddreg [dreg:$0x11]  }
0xd9: {  	[tilespmem:s8], [sflag:$0x7] =	stream.linear.gather [hbm4b:s5+s21], $0x280, $0x38;
	[tilespmem:$0x1BC00] =	vst v63  }
0xda: {  	_ =	swait.ge [sflag:s24], $0x1400  }
0xdb: {  	[sflag:s24] =	ssyncset.done $0x0  }
0xdc: {  	[sflag:s24] =	ssyncadd.s32 $0xFFFFEC00  }
0xdd: {  	[tilespmem:s6], [sflag:$0x1] =	stream.indirect.gather [hbm4b:s1+s13], $0x80, s11, s13, $0xb8;
	[tilespmem:$0x1BC00] =	vst v63  }
0xde: {  	_ =	swait.ge [sflag:s25], $0x1400  }
0xdf: {  	[sflag:s25] =	ssyncset.done $0x0  }
0xe0: {  	s21 =	simm.s32 $0x1080;
	[sflag:s25] =	ssyncadd.s32 $0xFFFFEC00  }
0xe1: {  	[spmem:s3] =	stream.indirect.scatter.add.f32 [tilespmem:s15], [sflag:$0x6], $0x80, s21, s13, $0xb8;
	[tilespmem:$0x1BC00] =	vst v63  }
0xe2: {  	_ =	swait.ge [sflag:s24], $0x1400  }
0xe3: {  	[sflag:s24] =	ssyncset.done $0x0  }
0xe4: {  	s26 =	simm.s32 $0x880;
	[sflag:s24] =	ssyncadd.s32 $0xFFFFEC00  }
0xe5: {  	[tilespmem:s15], [sflag:$0x2] =	stream.indirect.gather [hbm4b:s1+s13], $0x80, s26, s13, $0xb8;
	[tilespmem:$0x1BC00] =	vst v63  }
0xe6: {  	_ =	swait.ge [sflag:s29], $0x1400  }
0xe7: {  	[sflag:s29] =	ssyncset.done $0x0  }
0xe8: {  	s21 =	simm.s32 $0x1100;
	[sflag:s29] =	ssyncadd.s32 $0xFFFFEC00  }
0xe9: {  	[spmem:s3] =	stream.indirect.scatter.add.f32 [tilespmem:s18], [sflag:$0x6], $0x80, s21, s13, $0xb8;
	[tilespmem:$0x1BC00] =	vst v63  }
0xea: {  	_ =	swait.ge [sflag:s24], $0x1400  }
0xeb: {  	[sflag:s24] =	ssyncset.done $0x0  }
0xec: {  	s26 =	simm.s32 $0x900;
	[sflag:s24] =	ssyncadd.s32 $0xFFFFEC00  }
0xed: {  	[tilespmem:s18], [sflag:$0x3] =	stream.indirect.gather [hbm4b:s1+s13], $0x80, s26, s13, $0xb8;
	[tilespmem:$0x1BC00] =	vst v63  }
0xee: {  	_ =	swait.ge [sflag:s0], $0x1400  }
0xef: {  	[sflag:s0] =	ssyncset.done $0x0  }
0xf0: {  	s5 =	simm.s32 $0x1180;
	[sflag:s0] =	ssyncadd.s32 $0xFFFFEC00  }
0xf1: {  	[spmem:s3] =	stream.indirect.scatter.add.f32 [tilespmem:s20], [sflag:$0x6], $0x80, s5, s13, $0xb8;
	[tilespmem:$0x1BC00] =	vst v63  }
0xf2: {  	_ =	swait.ge [sflag:s24], $0x1400  }
0xf3: {  	[sflag:s24] =	ssyncset.done $0x0  }
0xf4: {  	s21 =	simm.s32 $0x980;
	[sflag:s24] =	ssyncadd.s32 $0xFFFFEC00  }
0xf5: {  	[tilespmem:s20], [sflag:$0x4] =	stream.indirect.gather [hbm4b:s1+s13], $0x80, s21, s13, $0xb8;
	[tilespmem:$0x1BC00] =	vst v63  }
0xf6: {  	_ =	swait.ge [sflag:s16], $0x1400  }
0xf7: {  	[sflag:s16] =	ssyncset.done $0x0  }
0xf8: {  	s26 =	simm.s32 $0x1200;
	[sflag:s16] =	ssyncadd.s32 $0xFFFFEC00  }
0xf9: {  	[spmem:s3] =	stream.indirect.scatter.add.f32 [tilespmem:s22], [sflag:$0x6], $0x80, s26, s13, $0xb8;
	[tilespmem:$0x1BC00] =	vst v63  }
0xfa: {  	_ =	swait.ge [sflag:s2], $0x280  }
0xfb: {  	[sflag:s2] =	ssyncset.done $0x0  }
0xfc: {  	[sflag:s2] =	ssyncadd.s32 $0xFFFFFD80  }
0xfd: {  	_ =	swait.ge [sflag:s2], $0x280  }
0xfe: {  	[sflag:s2] =	ssyncset.done $0x0  }
0xff: {  	[sflag:s2] =	ssyncadd.s32 $0xFFFFFD80  }
0x100: {  	_ =	swait.ge [sflag:s24], $0x1400  }
0x101: {  	[sflag:s24] =	ssyncset.done $0x0  }
0x102: {  	s21 =	simm.s32 $0xA00;
	[sflag:s24] =	ssyncadd.s32 $0xFFFFEC00  }
0x103: {  	[tilespmem:s22], [sflag:$0x5] =	stream.indirect.gather [hbm4b:s1+s13], $0x80, s21, s13, $0xb8;
	[tilespmem:$0x1BC00] =	vst v63  }
0x104: {  	_ =	swait.ge [sflag:s23], $0x1400  }
0x105: {  	[sflag:s23] =	ssyncset.done $0x0  }
0x106: {  	s26 =	rddreg [dreg:$0x9];
	[sflag:s23] =	ssyncadd.s32 $0xFFFFEC00  }
0x107: {  	[spmem:s3] =	stream.indirect.scatter.add.f32 [tilespmem:s6], [sflag:$0x6], $0x80, s12, s13, $0xb8;
	[tilespmem:$0x1BC00] =	vst v63  }
0x108: {  	s5 =	rddreg [dreg:$0x8];
	s21 =	sadd.s32 $0x0, s26  }
0x109: {  	[tilespmem:s9], [sflag:$0x7] =	stream.linear.gather [hbm4b:s21+s4], $0x280, $0x38;
	[tilespmem:$0x1BC00] =	vst v63  }
0x10a: {  	s5 =	sadd.s32 $0x0, s5  }
0x10b: {  	[tilespmem:s10], [sflag:$0x7] =	stream.linear.gather [hbm4b:s5+s4], $0x280, $0x38;
	[tilespmem:$0x1BC00] =	vst v63  }
0x10c: {  	_ =	swait.ge [sflag:s24], $0x1400  }
0x10d: {  	[sflag:s24] =	ssyncset.done $0x0  }
0x10e: {  	[sflag:s24] =	ssyncadd.s32 $0xFFFFEC00  }
0x10f: {  	[tilespmem:s6], [sflag:$0x1] =	stream.indirect.gather [hbm4b:s1+s13], $0x80, s4, s13, $0xb8;
	[tilespmem:$0x1BC00] =	vst v63  }
0x110: {  	_ =	swait.ge [sflag:s25], $0x1400  }
0x111: {  	[sflag:s25] =	ssyncset.done $0x0  }
0x112: {  	s26 =	simm.s32 $0x1480;
	[sflag:s25] =	ssyncadd.s32 $0xFFFFEC00  }
0x113: {  	[spmem:s3] =	stream.indirect.scatter.add.f32 [tilespmem:s15], [sflag:$0x6], $0x80, s26, s13, $0xb8;
	[tilespmem:$0x1BC00] =	vst v63  }
0x114: {  	_ =	swait.ge [sflag:s24], $0x1400  }
0x115: {  	[sflag:s24] =	ssyncset.done $0x0  }
0x116: {  	[sflag:s24] =	ssyncadd.s32 $0xFFFFEC00  }
0x117: {  	[tilespmem:s15], [sflag:$0x2] =	stream.indirect.gather [hbm4b:s1+s13], $0x80, s17, s13, $0xb8;
	[tilespmem:$0x1BC00] =	vst v63  }
0x118: {  	_ =	swait.ge [sflag:s29], $0x1400  }
0x119: {  	[sflag:s29] =	ssyncset.done $0x0  }
0x11a: {  	s17 =	simm.s32 $0x1500;
	[sflag:s29] =	ssyncadd.s32 $0xFFFFEC00  }
0x11b: {  	[spmem:s3] =	stream.indirect.scatter.add.f32 [tilespmem:s18], [sflag:$0x6], $0x80, s17, s13, $0xb8;
	[tilespmem:$0x1BC00] =	vst v63  }
0x11c: {  	_ =	swait.ge [sflag:s24], $0x1400  }
0x11d: {  	[sflag:s24] =	ssyncset.done $0x0  }
0x11e: {  	[sflag:s24] =	ssyncadd.s32 $0xFFFFEC00  }
0x11f: {  	[tilespmem:s18], [sflag:$0x3] =	stream.indirect.gather [hbm4b:s1+s13], $0x80, s14, s13, $0xb8;
	[tilespmem:$0x1BC00] =	vst v63  }
0x120: {  	_ =	swait.ge [sflag:s0], $0x1400  }
0x121: {  	[sflag:s0] =	ssyncset.done $0x0  }
0x122: {  	s21 =	simm.s32 $0x1580;
	[sflag:s0] =	ssyncadd.s32 $0xFFFFEC00  }
0x123: {  	[spmem:s3] =	stream.indirect.scatter.add.f32 [tilespmem:s20], [sflag:$0x6], $0x80, s21, s13, $0xb8;
	[tilespmem:$0x1BC00] =	vst v63  }
0x124: {  	_ =	swait.ge [sflag:s24], $0x1400  }
0x125: {  	[sflag:s24] =	ssyncset.done $0x0  }
0x126: {  	[sflag:s24] =	ssyncadd.s32 $0xFFFFEC00  }
0x127: {  	[tilespmem:s20], [sflag:$0x4] =	stream.indirect.gather [hbm4b:s1+s13], $0x80, s7, s13, $0xb8;
	[tilespmem:$0x1BC00] =	vst v63  }
0x128: {  	_ =	swait.ge [sflag:s16], $0x1400  }
0x129: {  	[sflag:s16] =	ssyncset.done $0x0  }
0x12a: {  	s26 =	simm.s32 $0x1600;
	[sflag:s16] =	ssyncadd.s32 $0xFFFFEC00  }
0x12b: {  	[spmem:s3] =	stream.indirect.scatter.add.f32 [tilespmem:s22], [sflag:$0x6], $0x80, s26, s13, $0xb8;
	[tilespmem:$0x1BC00] =	vst v63  }
0x12c: {  	_ =	swait.ge [sflag:s2], $0x280  }
0x12d: {  	[sflag:s2] =	ssyncset.done $0x0  }
0x12e: {  	[sflag:s2] =	ssyncadd.s32 $0xFFFFFD80  }
0x12f: {  	_ =	swait.ge [sflag:s2], $0x280  }
0x130: {  	[sflag:s2] =	ssyncset.done $0x0  }
0x131: {  	[sflag:s2] =	ssyncadd.s32 $0xFFFFFD80  }
0x132: {  	_ =	swait.ge [sflag:s24], $0x1400  }
0x133: {  	[sflag:s24] =	ssyncset.done $0x0  }
0x134: {  	[sflag:s24] =	ssyncadd.s32 $0xFFFFEC00  }
0x135: {  	[tilespmem:s22], [sflag:$0x5] =	stream.indirect.gather [hbm4b:s1+s13], $0x80, s28, s13, $0xb8;
	[tilespmem:$0x1BC00] =	vst v63  }
0x136: {  	_ =	swait.ge [sflag:s23], $0x1400  }
0x137: {  	[sflag:s23] =	ssyncset.done $0x0  }
0x138: {  	s28 =	rddreg [dreg:$0x7];
	[sflag:s23] =	ssyncadd.s32 $0xFFFFEC00  }
0x139: {  	[spmem:s3] =	stream.indirect.scatter.add.f32 [tilespmem:s6], [sflag:$0x6], $0x80, s8, s13, $0xb8;
	[tilespmem:$0x1BC00] =	vst v63  }
0x13a: {  	s5 =	rddreg [dreg:$0x6];
	s21 =	sadd.s32 $0x0, s28  }
0x13b: {  	[tilespmem:s11], [sflag:$0x7] =	stream.linear.gather [hbm4b:s21+s4], $0x280, $0x38;
	[tilespmem:$0x1BC00] =	vst v63  }
0x13c: {  	s7 =	sadd.s32 $0x0, s5  }
0x13d: {  	[tilespmem:s12], [sflag:$0x7] =	stream.linear.gather [hbm4b:s7+s4], $0x280, $0x38;
	[tilespmem:$0x1BC00] =	vst v63  }
0x13e: {  	_ =	swait.ge [sflag:s24], $0x1400  }
0x13f: {  	[sflag:s24] =	ssyncset.done $0x0  }
0x140: {  	[sflag:s24] =	ssyncadd.s32 $0xFFFFEC00  }
0x141: {  	[tilespmem:s6], [sflag:$0x1] =	stream.indirect.gather [hbm4b:s1+s13], $0x80, s9, s13, $0xb8;
	[tilespmem:$0x1BC00] =	vst v63  }
0x142: {  	_ =	swait.ge [sflag:s25], $0x1400  }
0x143: {  	[sflag:s25] =	ssyncset.done $0x0  }
0x144: {  	[sflag:s25] =	ssyncadd.s32 $0xFFFFEC00  }
0x145: {  	[spmem:s3] =	stream.indirect.scatter.add.f32 [tilespmem:s15], [sflag:$0x6], $0x80, s30, s13, $0xb8;
	[tilespmem:$0x1BC00] =	vst v63  }
0x146: {  	_ =	swait.ge [sflag:s24], $0x1400  }
0x147: {  	[sflag:s24] =	ssyncset.done $0x0  }
0x148: {  	[sflag:s24] =	ssyncadd.s32 $0xFFFFEC00  }
0x149: {  	[tilespmem:s15], [sflag:$0x2] =	stream.indirect.gather [hbm4b:s1+s13], $0x80, s31, s13, $0xb8;
	[tilespmem:$0x1BC00] =	vst v63  }
0x14a: {  	_ =	swait.ge [sflag:s29], $0x1400  }
0x14b: {  	[sflag:s29] =	ssyncset.done $0x0  }
0x14c: {  	s14 =	simm.s32 $0xD00;
	[sflag:s29] =	ssyncadd.s32 $0xFFFFEC00  }
0x14d: {  	[spmem:s3] =	stream.indirect.scatter.add.f32 [tilespmem:s18], [sflag:$0x6], $0x80, s14, s13, $0xb8;
	[tilespmem:$0x1BC00] =	vst v63  }
0x14e: {  	_ =	swait.ge [sflag:s24], $0x1400  }
0x14f: {  	[sflag:s24] =	ssyncset.done $0x0  }
0x150: {  	s17 =	simm.s32 $0x500;
	[sflag:s24] =	ssyncadd.s32 $0xFFFFEC00  }
0x151: {  	[tilespmem:s18], [sflag:$0x3] =	stream.indirect.gather [hbm4b:s1+s13], $0x80, s17, s13, $0xb8;
	[tilespmem:$0x1BC00] =	vst v63  }
0x152: {  	_ =	swait.ge [sflag:s0], $0x1400  }
0x153: {  	[sflag:s0] =	ssyncset.done $0x0  }
0x154: {  	s21 =	simm.s32 $0xD80;
	[sflag:s0] =	ssyncadd.s32 $0xFFFFEC00  }
0x155: {  	[spmem:s3] =	stream.indirect.scatter.add.f32 [tilespmem:s20], [sflag:$0x6], $0x80, s21, s13, $0xb8;
	[tilespmem:$0x1BC00] =	vst v63  }
0x156: {  	_ =	swait.ge [sflag:s24], $0x1400  }
0x157: {  	[sflag:s24] =	ssyncset.done $0x0  }
0x158: {  	s26 =	simm.s32 $0x580;
	[sflag:s24] =	ssyncadd.s32 $0xFFFFEC00  }
0x159: {  	[tilespmem:s20], [sflag:$0x4] =	stream.indirect.gather [hbm4b:s1+s13], $0x80, s26, s13, $0xb8;
	[tilespmem:$0x1BC00] =	vst v63  }
0x15a: {  	_ =	swait.ge [sflag:s16], $0x1400  }
0x15b: {  	[sflag:s16] =	ssyncset.done $0x0  }
0x15c: {  	s28 =	simm.s32 $0xE00;
	[sflag:s16] =	ssyncadd.s32 $0xFFFFEC00  }
0x15d: {  	[spmem:s3] =	stream.indirect.scatter.add.f32 [tilespmem:s22], [sflag:$0x6], $0x80, s28, s13, $0xb8;
	[tilespmem:$0x1BC00] =	vst v63  }
0x15e: {  	_ =	swait.ge [sflag:s2], $0x280  }
0x15f: {  	[sflag:s2] =	ssyncset.done $0x0  }
0x160: {  	[sflag:s2] =	ssyncadd.s32 $0xFFFFFD80  }
0x161: {  	_ =	swait.ge [sflag:s2], $0x280  }
0x162: {  	[sflag:s2] =	ssyncset.done $0x0  }
0x163: {  	[sflag:s2] =	ssyncadd.s32 $0xFFFFFD80  }
0x164: {  	_ =	swait.ge [sflag:s24], $0x1400  }
0x165: {  	[sflag:s24] =	ssyncset.done $0x0  }
0x166: {  	s30 =	simm.s32 $0x600;
	[sflag:s24] =	ssyncadd.s32 $0xFFFFEC00  }
0x167: {  	[tilespmem:s22], [sflag:$0x5] =	stream.indirect.gather [hbm4b:s1+s13], $0x80, s30, s13, $0xb8;
	[tilespmem:$0x1BC00] =	vst v63  }
0x168: {  	_ =	swait.ge [sflag:s23], $0x1400  }
0x169: {  	[sflag:s23] =	ssyncset.done $0x0  }
0x16a: {  	s14 =	rddreg [dreg:$0x5];
	[sflag:s23] =	ssyncadd.s32 $0xFFFFEC00  }
0x16b: {  	[spmem:s3] =	stream.indirect.scatter.add.f32 [tilespmem:s6], [sflag:$0x6], $0x80, s10, s13, $0xb8;
	[tilespmem:$0x1BC00] =	vst v63  }
0x16c: {  	s17 =	rddreg [dreg:$0x4];
	s21 =	sadd.s32 $0x0, s14  }
0x16d: {  	[tilespmem:s4], [sflag:$0x7] =	stream.linear.gather [hbm4b:s21+s4], $0x280, $0x38;
	[tilespmem:$0x1BC00] =	vst v63  }
0x16e: {  	s28 =	sadd.s32 $0x0, s17  }
0x16f: {  	[tilespmem:s8], [sflag:$0x7] =	stream.linear.gather [hbm4b:s28+s4], $0x280, $0x38;
	[tilespmem:$0x1BC00] =	vst v63  }
0x170: {  	_ =	swait.ge [sflag:s24], $0x1400  }
0x171: {  	[sflag:s24] =	ssyncset.done $0x0  }
0x172: {  	[sflag:s24] =	ssyncadd.s32 $0xFFFFEC00  }
0x173: {  	[tilespmem:s6], [sflag:$0x1] =	stream.indirect.gather [hbm4b:s1+s13], $0x80, s11, s13, $0xb8;
	[tilespmem:$0x1BC00] =	vst v63  }
0x174: {  	_ =	swait.ge [sflag:s25], $0x1400  }
0x175: {  	[sflag:s25] =	ssyncset.done $0x0  }
0x176: {  	s14 =	simm.s32 $0x1080;
	[sflag:s25] =	ssyncadd.s32 $0xFFFFEC00  }
0x177: {  	[spmem:s3] =	stream.indirect.scatter.add.f32 [tilespmem:s15], [sflag:$0x6], $0x80, s14, s13, $0xb8;
	[tilespmem:$0x1BC00] =	vst v63  }
0x178: {  	_ =	swait.ge [sflag:s24], $0x1400  }
0x179: {  	[sflag:s24] =	ssyncset.done $0x0  }
0x17a: {  	s17 =	simm.s32 $0x880;
	[sflag:s24] =	ssyncadd.s32 $0xFFFFEC00  }
0x17b: {  	[tilespmem:s15], [sflag:$0x2] =	stream.indirect.gather [hbm4b:s1+s13], $0x80, s17, s13, $0xb8;
	[tilespmem:$0x1BC00] =	vst v63  }
0x17c: {  	_ =	swait.ge [sflag:s29], $0x1400  }
0x17d: {  	[sflag:s29] =	ssyncset.done $0x0  }
0x17e: {  	s21 =	simm.s32 $0x1100;
	[sflag:s29] =	ssyncadd.s32 $0xFFFFEC00  }
0x17f: {  	[spmem:s3] =	stream.indirect.scatter.add.f32 [tilespmem:s18], [sflag:$0x6], $0x80, s21, s13, $0xb8;
	[tilespmem:$0x1BC00] =	vst v63  }
0x180: {  	_ =	swait.ge [sflag:s24], $0x1400  }
0x181: {  	[sflag:s24] =	ssyncset.done $0x0  }
0x182: {  	s28 =	simm.s32 $0x900;
	[sflag:s24] =	ssyncadd.s32 $0xFFFFEC00  }
0x183: {  	[tilespmem:s18], [sflag:$0x3] =	stream.indirect.gather [hbm4b:s1+s13], $0x80, s28, s13, $0xb8;
	[tilespmem:$0x1BC00] =	vst v63  }
0x184: {  	_ =	swait.ge [sflag:s0], $0x1400  }
0x185: {  	[sflag:s0] =	ssyncset.done $0x0  }
0x186: {  	s30 =	simm.s32 $0x1180;
	[sflag:s0] =	ssyncadd.s32 $0xFFFFEC00  }
0x187: {  	[spmem:s3] =	stream.indirect.scatter.add.f32 [tilespmem:s20], [sflag:$0x6], $0x80, s30, s13, $0xb8;
	[tilespmem:$0x1BC00] =	vst v63  }
0x188: {  	_ =	swait.ge [sflag:s24], $0x1400  }
0x189: {  	[sflag:s24] =	ssyncset.done $0x0  }
0x18a: {  	s30 =	simm.s32 $0x980;
	[sflag:s24] =	ssyncadd.s32 $0xFFFFEC00  }
0x18b: {  	[tilespmem:s20], [sflag:$0x4] =	stream.indirect.gather [hbm4b:s1+s13], $0x80, s30, s13, $0xb8;
	[tilespmem:$0x1BC00] =	vst v63  }
0x18c: {  	s5 =	simm.s32 $0x880;
	s7 =	simm.s32 $0x600;
	_ =	swait.ge [sflag:s16], $0x1400  }
0x18d: {  	s31 =	simm.s32 $0xD80;
	s14 =	simm.s32 $0x900;
	[sflag:s16] =	ssyncset.done $0x0  }
0x18e: {  	s17 =	simm.s32 $0x980;
	s21 =	simm.s32 $0x180;
	[sflag:s16] =	ssyncadd.s32 $0xFFFFEC00  }
.LBB2_4:
0x18f: {  	s26 =	simm.s32 $0x1200  }
0x190: {  	[spmem:s3] =	stream.indirect.scatter.add.f32 [tilespmem:s22], [sflag:$0x6], $0x80, s26, s13, $0xb8;
	[tilespmem:$0x1BC00] =	vst v63  }
0x191: {  	_ =	swait.ge [sflag:s2], $0x280  }
0x192: {  	[sflag:s2] =	ssyncset.done $0x0  }
0x193: {  	[sflag:s2] =	ssyncadd.s32 $0xFFFFFD80  }
0x194: {  	_ =	swait.ge [sflag:s2], $0x280  }
0x195: {  	[sflag:s2] =	ssyncset.done $0x0  }
0x196: {  	[sflag:s2] =	ssyncadd.s32 $0xFFFFFD80  }
0x197: {  	_ =	swait.ge [sflag:s24], $0x1400  }
0x198: {  	[sflag:s24] =	ssyncset.done $0x0  }
0x199: {  	s28 =	simm.s32 $0xA00;
	[sflag:s24] =	ssyncadd.s32 $0xFFFFEC00  }
0x19a: {  	[tilespmem:s22], [sflag:$0x5] =	stream.indirect.gather [hbm4b:s1+s13], $0x80, s28, s13, $0xb8;
	[tilespmem:$0x1BC00] =	vst v63  }
0x19b: {  	_ =	swait.ge [sflag:s23], $0x1400  }
0x19c: {  	[sflag:s23] =	ssyncset.done $0x0  }
0x19d: {  	s26 =	smov.u32 s21;
	s28 =	rddreg [dreg:$0x9];
	[sflag:s23] =	ssyncadd.s32 $0xFFFFEC00  }
0x19e: {  	[spmem:s3] =	stream.indirect.scatter.add.f32 [tilespmem:s6], [sflag:$0x6], $0x80, s12, s13, $0xb8;
	[tilespmem:$0x1BC00] =	vst v63  }
0x19f: {  	s30 =	rddreg [dreg:$0x8];
	s28 =	sadd.s32 s26, s28  }
0x1a0: {  	[tilespmem:s9], [sflag:$0x7] =	stream.linear.gather [hbm4b:s28+s4], $0x280, $0x38;
	[tilespmem:$0x1BC00] =	vst v63  }
0x1a1: {  	s28 =	sadd.s32 s26, s30  }
0x1a2: {  	[tilespmem:s10], [sflag:$0x7] =	stream.linear.gather [hbm4b:s28+s4], $0x280, $0x38;
	[tilespmem:$0x1BC00] =	vst v63  }
0x1a3: {  	_ =	swait.ge [sflag:s24], $0x1400  }
0x1a4: {  	[sflag:s24] =	ssyncset.done $0x0  }
0x1a5: {  	[sflag:s24] =	ssyncadd.s32 $0xFFFFEC00  }
0x1a6: {  	[tilespmem:s6], [sflag:$0x1] =	stream.indirect.gather [hbm4b:s1+s13], $0x80, s4, s13, $0xb8;
	[tilespmem:$0x1BC00] =	vst v63  }
0x1a7: {  	_ =	swait.ge [sflag:s25], $0x1400  }
0x1a8: {  	[sflag:s25] =	ssyncset.done $0x0  }
0x1a9: {  	s28 =	simm.s32 $0x1480;
	[sflag:s25] =	ssyncadd.s32 $0xFFFFEC00  }
0x1aa: {  	[spmem:s3] =	stream.indirect.scatter.add.f32 [tilespmem:s15], [sflag:$0x6], $0x80, s28, s13, $0xb8;
	[tilespmem:$0x1BC00] =	vst v63  }
0x1ab: {  	_ =	swait.ge [sflag:s24], $0x1400  }
0x1ac: {  	[sflag:s24] =	ssyncset.done $0x0  }
0x1ad: {  	s28 =	simm.s32 $0x80;
	[sflag:s24] =	ssyncadd.s32 $0xFFFFEC00  }
0x1ae: {  	[tilespmem:s15], [sflag:$0x2] =	stream.indirect.gather [hbm4b:s1+s13], $0x80, s28, s13, $0xb8;
	[tilespmem:$0x1BC00] =	vst v63  }
0x1af: {  	_ =	swait.ge [sflag:s29], $0x1400  }
0x1b0: {  	[sflag:s29] =	ssyncset.done $0x0  }
0x1b1: {  	s28 =	simm.s32 $0x1500;
	[sflag:s29] =	ssyncadd.s32 $0xFFFFEC00  }
0x1b2: {  	[spmem:s3] =	stream.indirect.scatter.add.f32 [tilespmem:s18], [sflag:$0x6], $0x80, s28, s13, $0xb8;
	[tilespmem:$0x1BC00] =	vst v63  }
0x1b3: {  	_ =	swait.ge [sflag:s24], $0x1400  }
0x1b4: {  	[sflag:s24] =	ssyncset.done $0x0  }
0x1b5: {  	s28 =	simm.s32 $0x100;
	[sflag:s24] =	ssyncadd.s32 $0xFFFFEC00  }
0x1b6: {  	[tilespmem:s18], [sflag:$0x3] =	stream.indirect.gather [hbm4b:s1+s13], $0x80, s28, s13, $0xb8;
	[tilespmem:$0x1BC00] =	vst v63  }
0x1b7: {  	_ =	swait.ge [sflag:s0], $0x1400  }
0x1b8: {  	[sflag:s0] =	ssyncset.done $0x0  }
0x1b9: {  	s28 =	simm.s32 $0x1580;
	[sflag:s0] =	ssyncadd.s32 $0xFFFFEC00  }
0x1ba: {  	[spmem:s3] =	stream.indirect.scatter.add.f32 [tilespmem:s20], [sflag:$0x6], $0x80, s28, s13, $0xb8;
	[tilespmem:$0x1BC00] =	vst v63  }
0x1bb: {  	_ =	swait.ge [sflag:s24], $0x1400  }
0x1bc: {  	[sflag:s24] =	ssyncset.done $0x0  }
0x1bd: {  	s28 =	simm.s32 $0x180;
	[sflag:s24] =	ssyncadd.s32 $0xFFFFEC00  }
0x1be: {  	[tilespmem:s20], [sflag:$0x4] =	stream.indirect.gather [hbm4b:s1+s13], $0x80, s28, s13, $0xb8;
	[tilespmem:$0x1BC00] =	vst v63  }
0x1bf: {  	_ =	swait.ge [sflag:s16], $0x1400  }
0x1c0: {  	[sflag:s16] =	ssyncset.done $0x0  }
0x1c1: {  	s28 =	simm.s32 $0x1600;
	[sflag:s16] =	ssyncadd.s32 $0xFFFFEC00  }
0x1c2: {  	[spmem:s3] =	stream.indirect.scatter.add.f32 [tilespmem:s22], [sflag:$0x6], $0x80, s28, s13, $0xb8;
	[tilespmem:$0x1BC00] =	vst v63  }
0x1c3: {  	_ =	swait.ge [sflag:s2], $0x280  }
0x1c4: {  	[sflag:s2] =	ssyncset.done $0x0  }
0x1c5: {  	[sflag:s2] =	ssyncadd.s32 $0xFFFFFD80  }
0x1c6: {  	_ =	swait.ge [sflag:s2], $0x280  }
0x1c7: {  	[sflag:s2] =	ssyncset.done $0x0  }
0x1c8: {  	[sflag:s2] =	ssyncadd.s32 $0xFFFFFD80  }
0x1c9: {  	_ =	swait.ge [sflag:s24], $0x1400  }
0x1ca: {  	[sflag:s24] =	ssyncset.done $0x0  }
0x1cb: {  	s28 =	simm.s32 $0x200;
	[sflag:s24] =	ssyncadd.s32 $0xFFFFEC00  }
0x1cc: {  	[tilespmem:s22], [sflag:$0x5] =	stream.indirect.gather [hbm4b:s1+s13], $0x80, s28, s13, $0xb8;
	[tilespmem:$0x1BC00] =	vst v63  }
0x1cd: {  	_ =	swait.ge [sflag:s23], $0x1400  }
0x1ce: {  	[sflag:s23] =	ssyncset.done $0x0  }
0x1cf: {  	s28 =	rddreg [dreg:$0x7];
	[sflag:s23] =	ssyncadd.s32 $0xFFFFEC00  }
0x1d0: {  	[spmem:s3] =	stream.indirect.scatter.add.f32 [tilespmem:s6], [sflag:$0x6], $0x80, s8, s13, $0xb8;
	[tilespmem:$0x1BC00] =	vst v63  }
0x1d1: {  	s30 =	rddreg [dreg:$0x6];
	s28 =	sadd.s32 s26, s28  }
0x1d2: {  	[tilespmem:s11], [sflag:$0x7] =	stream.linear.gather [hbm4b:s28+s4], $0x280, $0x38;
	[tilespmem:$0x1BC00] =	vst v63  }
0x1d3: {  	s28 =	sadd.s32 s26, s30  }
0x1d4: {  	[tilespmem:s12], [sflag:$0x7] =	stream.linear.gather [hbm4b:s28+s4], $0x280, $0x38;
	[tilespmem:$0x1BC00] =	vst v63  }
0x1d5: {  	_ =	swait.ge [sflag:s24], $0x1400  }
0x1d6: {  	[sflag:s24] =	ssyncset.done $0x0  }
0x1d7: {  	[sflag:s24] =	ssyncadd.s32 $0xFFFFEC00  }
0x1d8: {  	[tilespmem:s6], [sflag:$0x1] =	stream.indirect.gather [hbm4b:s1+s13], $0x80, s9, s13, $0xb8;
	[tilespmem:$0x1BC00] =	vst v63  }
0x1d9: {  	_ =	swait.ge [sflag:s25], $0x1400  }
0x1da: {  	[sflag:s25] =	ssyncset.done $0x0  }
0x1db: {  	s28 =	simm.s32 $0xC80;
	[sflag:s25] =	ssyncadd.s32 $0xFFFFEC00  }
0x1dc: {  	[spmem:s3] =	stream.indirect.scatter.add.f32 [tilespmem:s15], [sflag:$0x6], $0x80, s28, s13, $0xb8;
	[tilespmem:$0x1BC00] =	vst v63  }
0x1dd: {  	_ =	swait.ge [sflag:s24], $0x1400  }
0x1de: {  	[sflag:s24] =	ssyncset.done $0x0  }
0x1df: {  	[sflag:s24] =	ssyncadd.s32 $0xFFFFEC00  }
0x1e0: {  	[tilespmem:s15], [sflag:$0x2] =	stream.indirect.gather [hbm4b:s1+s13], $0x80, s19, s13, $0xb8;
	[tilespmem:$0x1BC00] =	vst v63  }
0x1e1: {  	_ =	swait.ge [sflag:s29], $0x1400  }
0x1e2: {  	[sflag:s29] =	ssyncset.done $0x0  }
0x1e3: {  	s28 =	simm.s32 $0xD00;
	[sflag:s29] =	ssyncadd.s32 $0xFFFFEC00  }
0x1e4: {  	[spmem:s3] =	stream.indirect.scatter.add.f32 [tilespmem:s18], [sflag:$0x6], $0x80, s28, s13, $0xb8;
	[tilespmem:$0x1BC00] =	vst v63  }
0x1e5: {  	_ =	swait.ge [sflag:s24], $0x1400  }
0x1e6: {  	[sflag:s24] =	ssyncset.done $0x0  }
0x1e7: {  	s28 =	simm.s32 $0x500;
	[sflag:s24] =	ssyncadd.s32 $0xFFFFEC00  }
0x1e8: {  	[tilespmem:s18], [sflag:$0x3] =	stream.indirect.gather [hbm4b:s1+s13], $0x80, s28, s13, $0xb8;
	[tilespmem:$0x1BC00] =	vst v63  }
0x1e9: {  	_ =	swait.ge [sflag:s0], $0x1400  }
0x1ea: {  	[sflag:s0] =	ssyncset.done $0x0  }
0x1eb: {  	[sflag:s0] =	ssyncadd.s32 $0xFFFFEC00  }
0x1ec: {  	[spmem:s3] =	stream.indirect.scatter.add.f32 [tilespmem:s20], [sflag:$0x6], $0x80, s31, s13, $0xb8;
	[tilespmem:$0x1BC00] =	vst v63  }
0x1ed: {  	_ =	swait.ge [sflag:s24], $0x1400  }
0x1ee: {  	[sflag:s24] =	ssyncset.done $0x0  }
0x1ef: {  	s28 =	simm.s32 $0x580;
	[sflag:s24] =	ssyncadd.s32 $0xFFFFEC00  }
0x1f0: {  	[tilespmem:s20], [sflag:$0x4] =	stream.indirect.gather [hbm4b:s1+s13], $0x80, s28, s13, $0xb8;
	[tilespmem:$0x1BC00] =	vst v63  }
0x1f1: {  	_ =	swait.ge [sflag:s16], $0x1400  }
0x1f2: {  	[sflag:s16] =	ssyncset.done $0x0  }
0x1f3: {  	s28 =	simm.s32 $0xE00;
	[sflag:s16] =	ssyncadd.s32 $0xFFFFEC00  }
0x1f4: {  	[spmem:s3] =	stream.indirect.scatter.add.f32 [tilespmem:s22], [sflag:$0x6], $0x80, s28, s13, $0xb8;
	[tilespmem:$0x1BC00] =	vst v63  }
0x1f5: {  	_ =	swait.ge [sflag:s2], $0x280  }
0x1f6: {  	[sflag:s2] =	ssyncset.done $0x0  }
0x1f7: {  	[sflag:s2] =	ssyncadd.s32 $0xFFFFFD80  }
0x1f8: {  	_ =	swait.ge [sflag:s2], $0x280  }
0x1f9: {  	[sflag:s2] =	ssyncset.done $0x0  }
0x1fa: {  	[sflag:s2] =	ssyncadd.s32 $0xFFFFFD80  }
0x1fb: {  	_ =	swait.ge [sflag:s24], $0x1400  }
0x1fc: {  	[sflag:s24] =	ssyncset.done $0x0  }
0x1fd: {  	[sflag:s24] =	ssyncadd.s32 $0xFFFFEC00  }
0x1fe: {  	[tilespmem:s22], [sflag:$0x5] =	stream.indirect.gather [hbm4b:s1+s13], $0x80, s7, s13, $0xb8;
	[tilespmem:$0x1BC00] =	vst v63  }
0x1ff: {  	_ =	swait.ge [sflag:s23], $0x1400  }
0x200: {  	[sflag:s23] =	ssyncset.done $0x0  }
0x201: {  	s28 =	rddreg [dreg:$0x5];
	[sflag:s23] =	ssyncadd.s32 $0xFFFFEC00  }
0x202: {  	[spmem:s3] =	stream.indirect.scatter.add.f32 [tilespmem:s6], [sflag:$0x6], $0x80, s10, s13, $0xb8;
	[tilespmem:$0x1BC00] =	vst v63  }
0x203: {  	s30 =	rddreg [dreg:$0x4];
	s28 =	sadd.s32 s26, s28  }
0x204: {  	[tilespmem:s4], [sflag:$0x7] =	stream.linear.gather [hbm4b:s28+s4], $0x280, $0x38;
	[tilespmem:$0x1BC00] =	vst v63  }
0x205: {  	s26 =	sadd.s32 s26, s30  }
0x206: {  	[tilespmem:s8], [sflag:$0x7] =	stream.linear.gather [hbm4b:s26+s4], $0x280, $0x38;
	[tilespmem:$0x1BC00] =	vst v63  }
0x207: {  	_ =	swait.ge [sflag:s24], $0x1400  }
0x208: {  	[sflag:s24] =	ssyncset.done $0x0  }
0x209: {  	[sflag:s24] =	ssyncadd.s32 $0xFFFFEC00  }
0x20a: {  	[tilespmem:s6], [sflag:$0x1] =	stream.indirect.gather [hbm4b:s1+s13], $0x80, s11, s13, $0xb8;
	[tilespmem:$0x1BC00] =	vst v63  }
0x20b: {  	_ =	swait.ge [sflag:s25], $0x1400  }
0x20c: {  	[sflag:s25] =	ssyncset.done $0x0  }
0x20d: {  	s28 =	simm.s32 $0x1080;
	[sflag:s25] =	ssyncadd.s32 $0xFFFFEC00  }
0x20e: {  	[spmem:s3] =	stream.indirect.scatter.add.f32 [tilespmem:s15], [sflag:$0x6], $0x80, s28, s13, $0xb8;
	[tilespmem:$0x1BC00] =	vst v63  }
0x20f: {  	_ =	swait.ge [sflag:s24], $0x1400  }
0x210: {  	[sflag:s24] =	ssyncset.done $0x0  }
0x211: {  	[sflag:s24] =	ssyncadd.s32 $0xFFFFEC00  }
0x212: {  	[tilespmem:s15], [sflag:$0x2] =	stream.indirect.gather [hbm4b:s1+s13], $0x80, s5, s13, $0xb8;
	[tilespmem:$0x1BC00] =	vst v63  }
0x213: {  	_ =	swait.ge [sflag:s29], $0x1400  }
0x214: {  	[sflag:s29] =	ssyncset.done $0x0  }
0x215: {  	s30 =	simm.s32 $0x1100;
	[sflag:s29] =	ssyncadd.s32 $0xFFFFEC00  }
0x216: {  	[spmem:s3] =	stream.indirect.scatter.add.f32 [tilespmem:s18], [sflag:$0x6], $0x80, s30, s13, $0xb8;
	[tilespmem:$0x1BC00] =	vst v63  }
0x217: {  	_ =	swait.ge [sflag:s24], $0x1400  }
0x218: {  	[sflag:s24] =	ssyncset.done $0x0  }
0x219: {  	[sflag:s24] =	ssyncadd.s32 $0xFFFFEC00  }
0x21a: {  	[tilespmem:s18], [sflag:$0x3] =	stream.indirect.gather [hbm4b:s1+s13], $0x80, s14, s13, $0xb8;
	[tilespmem:$0x1BC00] =	vst v63  }
0x21b: {  	_ =	swait.ge [sflag:s0], $0x1400  }
0x21c: {  	[sflag:s0] =	ssyncset.done $0x0  }
0x21d: {  	s26 =	simm.s32 $0x1180;
	[sflag:s0] =	ssyncadd.s32 $0xFFFFEC00  }
0x21e: {  	[spmem:s3] =	stream.indirect.scatter.add.f32 [tilespmem:s20], [sflag:$0x6], $0x80, s26, s13, $0xb8;
	[tilespmem:$0x1BC00] =	vst v63  }
0x21f: {  	_ =	swait.ge [sflag:s24], $0x1400  }
0x220: {  	p0 =	sne.s32 s21, $0x1500;
	[sflag:s24] =	ssyncset.done $0x0  }
.Ltmp1:
0x221: {  	[sflag:s24] =	ssyncadd.s32 $0xFFFFEC00;
	(pc) =	sbr.rel @p0 .LBB2_4-.Ltmp1, $4  }
0x222: {  	[tilespmem:s20], [sflag:$0x4] =	stream.indirect.gather [hbm4b:s1+s13], $0x80, s17, s13, $0xb8;
	[tilespmem:$0x1BC00] =	vst v63  }
0x223: {  	_ =	swait.ge [sflag:s16], $0x1400  }
0x224: {  	[sflag:s16] =	ssyncset.done $0x0  }
0x225: {  	s21 =	sadd.s32 $0x180, s21;
	[sflag:s16] =	ssyncadd.s32 $0xFFFFEC00  }
0x226: {  	s14 =	simm.s32 $0x1200  }
0x227: {  	[spmem:s3] =	stream.indirect.scatter.add.f32 [tilespmem:s22], [sflag:$0x6], $0x80, s14, s13, $0xb8;
	[tilespmem:$0x1BC00] =	vst v63  }
0x228: {  	_ =	swait.ge [sflag:s2], $0x280  }
0x229: {  	[sflag:s2] =	ssyncset.done $0x0  }
0x22a: {  	[sflag:s2] =	ssyncadd.s32 $0xFFFFFD80  }
0x22b: {  	_ =	swait.ge [sflag:s2], $0x280  }
0x22c: {  	[sflag:s2] =	ssyncset.done $0x0  }
0x22d: {  	[sflag:s2] =	ssyncadd.s32 $0xFFFFFD80  }
0x22e: {  	_ =	swait.ge [sflag:s24], $0x1400  }
0x22f: {  	[sflag:s24] =	ssyncset.done $0x0  }
0x230: {  	s5 =	simm.s32 $0xA00;
	[sflag:s24] =	ssyncadd.s32 $0xFFFFEC00  }
0x231: {  	[tilespmem:s22], [sflag:$0x5] =	stream.indirect.gather [hbm4b:s1+s13], $0x80, s5, s13, $0xb8;
	[tilespmem:$0x1BC00] =	vst v63  }
0x232: {  	_ =	swait.ge [sflag:s23], $0x1400  }
0x233: {  	[sflag:s23] =	ssyncset.done $0x0  }
0x234: {  	[sflag:s23] =	ssyncadd.s32 $0xFFFFEC00  }
0x235: {  	[spmem:s3] =	stream.indirect.scatter.add.f32 [tilespmem:s6], [sflag:$0x6], $0x80, s12, s13, $0xb8;
	[tilespmem:$0x1BC00] =	vst v63  }
0x236: {  	s21 =	rddreg [dreg:$0x12]  }
0x237: {  	[tilespmem:s9], [sflag:$0x7] =	stream.linear.gather [hbm4b:s21+s4], $0x280, $0x38;
	[tilespmem:$0x1BC00] =	vst v63  }
0x238: {  	s5 =	rddreg [dreg:$0x13]  }
0x239: {  	[tilespmem:s10], [sflag:$0x7] =	stream.linear.gather [hbm4b:s5+s4], $0x280, $0x38;
	[tilespmem:$0x1BC00] =	vst v63  }
0x23a: {  	_ =	swait.ge [sflag:s24], $0x1400  }
0x23b: {  	[sflag:s24] =	ssyncset.done $0x0  }
0x23c: {  	[sflag:s24] =	ssyncadd.s32 $0xFFFFEC00  }
0x23d: {  	[tilespmem:s6], [sflag:$0x1] =	stream.indirect.gather [hbm4b:s1+s13], $0x80, s4, s13, $0xb8;
	[tilespmem:$0x1BC00] =	vst v63  }
0x23e: {  	_ =	swait.ge [sflag:s25], $0x1400  }
0x23f: {  	[sflag:s25] =	ssyncset.done $0x0  }
0x240: {  	s17 =	simm.s32 $0x1480;
	[sflag:s25] =	ssyncadd.s32 $0xFFFFEC00  }
0x241: {  	[spmem:s3] =	stream.indirect.scatter.add.f32 [tilespmem:s15], [sflag:$0x6], $0x80, s17, s13, $0xb8;
	[tilespmem:$0x1BC00] =	vst v63  }
0x242: {  	_ =	swait.ge [sflag:s24], $0x1400  }
0x243: {  	[sflag:s24] =	ssyncset.done $0x0  }
0x244: {  	s21 =	simm.s32 $0x80;
	[sflag:s24] =	ssyncadd.s32 $0xFFFFEC00  }
0x245: {  	[tilespmem:s15], [sflag:$0x2] =	stream.indirect.gather [hbm4b:s1+s13], $0x80, s21, s13, $0xb8;
	[tilespmem:$0x1BC00] =	vst v63  }
0x246: {  	_ =	swait.ge [sflag:s29], $0x1400  }
0x247: {  	[sflag:s29] =	ssyncset.done $0x0  }
0x248: {  	s17 =	simm.s32 $0x1500;
	[sflag:s29] =	ssyncadd.s32 $0xFFFFEC00  }
0x249: {  	[spmem:s3] =	stream.indirect.scatter.add.f32 [tilespmem:s18], [sflag:$0x6], $0x80, s17, s13, $0xb8;
	[tilespmem:$0x1BC00] =	vst v63  }
0x24a: {  	_ =	swait.ge [sflag:s24], $0x1400  }
0x24b: {  	[sflag:s24] =	ssyncset.done $0x0  }
0x24c: {  	s21 =	simm.s32 $0x100;
	[sflag:s24] =	ssyncadd.s32 $0xFFFFEC00  }
0x24d: {  	[tilespmem:s18], [sflag:$0x3] =	stream.indirect.gather [hbm4b:s1+s13], $0x80, s21, s13, $0xb8;
	[tilespmem:$0x1BC00] =	vst v63  }
0x24e: {  	_ =	swait.ge [sflag:s0], $0x1400  }
0x24f: {  	[sflag:s0] =	ssyncset.done $0x0  }
0x250: {  	s17 =	simm.s32 $0x1580;
	[sflag:s0] =	ssyncadd.s32 $0xFFFFEC00  }
0x251: {  	[spmem:s3] =	stream.indirect.scatter.add.f32 [tilespmem:s20], [sflag:$0x6], $0x80, s17, s13, $0xb8;
	[tilespmem:$0x1BC00] =	vst v63  }
0x252: {  	_ =	swait.ge [sflag:s24], $0x1400  }
0x253: {  	[sflag:s24] =	ssyncset.done $0x0  }
0x254: {  	s21 =	simm.s32 $0x180;
	[sflag:s24] =	ssyncadd.s32 $0xFFFFEC00  }
0x255: {  	[tilespmem:s20], [sflag:$0x4] =	stream.indirect.gather [hbm4b:s1+s13], $0x80, s21, s13, $0xb8;
	[tilespmem:$0x1BC00] =	vst v63  }
0x256: {  	_ =	swait.ge [sflag:s16], $0x1400  }
0x257: {  	[sflag:s16] =	ssyncset.done $0x0  }
0x258: {  	s17 =	simm.s32 $0x1600;
	[sflag:s16] =	ssyncadd.s32 $0xFFFFEC00  }
0x259: {  	[spmem:s3] =	stream.indirect.scatter.add.f32 [tilespmem:s22], [sflag:$0x6], $0x80, s17, s13, $0xb8;
	[tilespmem:$0x1BC00] =	vst v63  }
0x25a: {  	_ =	swait.ge [sflag:s2], $0x280  }
0x25b: {  	[sflag:s2] =	ssyncset.done $0x0  }
0x25c: {  	[sflag:s2] =	ssyncadd.s32 $0xFFFFFD80  }
0x25d: {  	_ =	swait.ge [sflag:s2], $0x280  }
0x25e: {  	[sflag:s2] =	ssyncset.done $0x0  }
0x25f: {  	[sflag:s2] =	ssyncadd.s32 $0xFFFFFD80  }
0x260: {  	_ =	swait.ge [sflag:s24], $0x1400  }
0x261: {  	[sflag:s24] =	ssyncset.done $0x0  }
0x262: {  	s21 =	simm.s32 $0x200;
	[sflag:s24] =	ssyncadd.s32 $0xFFFFEC00  }
0x263: {  	[tilespmem:s22], [sflag:$0x5] =	stream.indirect.gather [hbm4b:s1+s13], $0x80, s21, s13, $0xb8;
	[tilespmem:$0x1BC00] =	vst v63  }
0x264: {  	_ =	swait.ge [sflag:s23], $0x1400  }
0x265: {  	[sflag:s23] =	ssyncset.done $0x0  }
0x266: {  	[sflag:s23] =	ssyncadd.s32 $0xFFFFEC00  }
0x267: {  	[spmem:s3] =	stream.indirect.scatter.add.f32 [tilespmem:s6], [sflag:$0x6], $0x80, s8, s13, $0xb8;
	[tilespmem:$0x1BC00] =	vst v63  }
0x268: {  	_ =	swait.ge [sflag:s24], $0x1400  }
0x269: {  	[sflag:s24] =	ssyncset.done $0x0  }
0x26a: {  	[sflag:s24] =	ssyncadd.s32 $0xFFFFEC00  }
0x26b: {  	[tilespmem:s6], [sflag:$0x1] =	stream.indirect.gather [hbm4b:s1+s13], $0x80, s9, s13, $0xb8;
	[tilespmem:$0x1BC00] =	vst v63  }
0x26c: {  	_ =	swait.ge [sflag:s25], $0x1400  }
0x26d: {  	[sflag:s25] =	ssyncset.done $0x0  }
0x26e: {  	s17 =	simm.s32 $0xC80;
	[sflag:s25] =	ssyncadd.s32 $0xFFFFEC00  }
0x26f: {  	[spmem:s3] =	stream.indirect.scatter.add.f32 [tilespmem:s15], [sflag:$0x6], $0x80, s17, s13, $0xb8;
	[tilespmem:$0x1BC00] =	vst v63  }
0x270: {  	_ =	swait.ge [sflag:s24], $0x1400  }
0x271: {  	[sflag:s24] =	ssyncset.done $0x0  }
0x272: {  	[sflag:s24] =	ssyncadd.s32 $0xFFFFEC00  }
0x273: {  	[tilespmem:s15], [sflag:$0x2] =	stream.indirect.gather [hbm4b:s1+s13], $0x80, s19, s13, $0xb8;
	[tilespmem:$0x1BC00] =	vst v63  }
0x274: {  	_ =	swait.ge [sflag:s29], $0x1400  }
0x275: {  	[sflag:s29] =	ssyncset.done $0x0  }
0x276: {  	s21 =	simm.s32 $0xD00;
	[sflag:s29] =	ssyncadd.s32 $0xFFFFEC00  }
0x277: {  	[spmem:s3] =	stream.indirect.scatter.add.f32 [tilespmem:s18], [sflag:$0x6], $0x80, s21, s13, $0xb8;
	[tilespmem:$0x1BC00] =	vst v63  }
0x278: {  	_ =	swait.ge [sflag:s24], $0x1400  }
0x279: {  	[sflag:s24] =	ssyncset.done $0x0  }
0x27a: {  	s17 =	simm.s32 $0x500;
	[sflag:s24] =	ssyncadd.s32 $0xFFFFEC00  }
0x27b: {  	[tilespmem:s18], [sflag:$0x3] =	stream.indirect.gather [hbm4b:s1+s13], $0x80, s17, s13, $0xb8;
	[tilespmem:$0x1BC00] =	vst v63  }
0x27c: {  	_ =	swait.ge [sflag:s0], $0x1400  }
0x27d: {  	[sflag:s0] =	ssyncset.done $0x0  }
0x27e: {  	[sflag:s0] =	ssyncadd.s32 $0xFFFFEC00  }
0x27f: {  	[spmem:s3] =	stream.indirect.scatter.add.f32 [tilespmem:s20], [sflag:$0x6], $0x80, s31, s13, $0xb8;
	[tilespmem:$0x1BC00] =	vst v63  }
0x280: {  	_ =	swait.ge [sflag:s24], $0x1400  }
0x281: {  	[sflag:s24] =	ssyncset.done $0x0  }
0x282: {  	s21 =	simm.s32 $0x580;
	[sflag:s24] =	ssyncadd.s32 $0xFFFFEC00  }
0x283: {  	[tilespmem:s20], [sflag:$0x4] =	stream.indirect.gather [hbm4b:s1+s13], $0x80, s21, s13, $0xb8;
	[tilespmem:$0x1BC00] =	vst v63  }
0x284: {  	_ =	swait.ge [sflag:s16], $0x1400  }
0x285: {  	[sflag:s16] =	ssyncset.done $0x0  }
0x286: {  	s31 =	simm.s32 $0xE00;
	[sflag:s16] =	ssyncadd.s32 $0xFFFFEC00  }
0x287: {  	[spmem:s3] =	stream.indirect.scatter.add.f32 [tilespmem:s22], [sflag:$0x6], $0x80, s31, s13, $0xb8;
	[tilespmem:$0x1BC00] =	vst v63  }
0x288: {  	_ =	swait.ge [sflag:s24], $0x1400  }
0x289: {  	[sflag:s24] =	ssyncset.done $0x0  }
0x28a: {  	[sflag:s24] =	ssyncadd.s32 $0xFFFFEC00  }
0x28b: {  	[tilespmem:s22], [sflag:$0x5] =	stream.indirect.gather [hbm4b:s1+s13], $0x80, s7, s13, $0xb8;
	[tilespmem:$0x1BC00] =	vst v63  }
0x28c: {  	_ =	swait.ge [sflag:s23], $0x1400  }
0x28d: {  	[sflag:s23] =	ssyncset.done $0x0  }
0x28e: {  	[sflag:s23] =	ssyncadd.s32 $0xFFFFEC00  }
0x28f: {  	[spmem:s3] =	stream.indirect.scatter.add.f32 [tilespmem:s6], [sflag:$0x6], $0x80, s10, s13, $0xb8;
	[tilespmem:$0x1BC00] =	vst v63  }
0x290: {  	_ =	swait.ge [sflag:s24], $0x1400  }
0x291: {  	[sflag:s24] =	ssyncset.done $0x0  }
0x292: {  	[sflag:s24] =	ssyncadd.s32 $0xFFFFEC00  }
0x293: {  	_ =	swait.ge [sflag:s25], $0x1400  }
0x294: {  	[sflag:s25] =	ssyncset.done $0x0  }
0x295: {  	[sflag:s25] =	ssyncadd.s32 $0xFFFFEC00  }
0x296: {  	[spmem:s3] =	stream.indirect.scatter.add.f32 [tilespmem:s15], [sflag:$0x6], $0x80, s28, s13, $0xb8;
	[tilespmem:$0x1BC00] =	vst v63  }
0x297: {  	_ =	swait.ge [sflag:s24], $0x1400  }
0x298: {  	[sflag:s24] =	ssyncset.done $0x0  }
0x299: {  	[sflag:s24] =	ssyncadd.s32 $0xFFFFEC00  }
0x29a: {  	_ =	swait.ge [sflag:s29], $0x1400  }
0x29b: {  	[sflag:s29] =	ssyncset.done $0x0  }
0x29c: {  	[sflag:s29] =	ssyncadd.s32 $0xFFFFEC00  }
0x29d: {  	[spmem:s3] =	stream.indirect.scatter.add.f32 [tilespmem:s18], [sflag:$0x6], $0x80, s30, s13, $0xb8;
	[tilespmem:$0x1BC00] =	vst v63  }
0x29e: {  	_ =	swait.ge [sflag:s24], $0x1400  }
0x29f: {  	[sflag:s24] =	ssyncset.done $0x0  }
0x2a0: {  	[sflag:s24] =	ssyncadd.s32 $0xFFFFEC00  }
0x2a1: {  	_ =	swait.ge [sflag:s0], $0x1400  }
0x2a2: {  	[sflag:s0] =	ssyncset.done $0x0  }
0x2a3: {  	[sflag:s0] =	ssyncadd.s32 $0xFFFFEC00  }
0x2a4: {  	[spmem:s3] =	stream.indirect.scatter.add.f32 [tilespmem:s20], [sflag:$0x6], $0x80, s26, s13, $0xb8;
	[tilespmem:$0x1BC00] =	vst v63  }
0x2a5: {  	_ =	swait.ge [sflag:s24], $0x1400  }
0x2a6: {  	[sflag:s24] =	ssyncset.done $0x0  }
0x2a7: {  	[sflag:s24] =	ssyncadd.s32 $0xFFFFEC00  }
0x2a8: {  	_ =	swait.ge [sflag:s16], $0x1400  }
0x2a9: {  	[sflag:s16] =	ssyncset.done $0x0  }
0x2aa: {  	[sflag:s16] =	ssyncadd.s32 $0xFFFFEC00  }
0x2ab: {  	[spmem:s3] =	stream.indirect.scatter.add.f32 [tilespmem:s22], [sflag:$0x6], $0x80, s14, s13, $0xb8;
	[tilespmem:$0x1BC00] =	vst v63  }
0x2ac: {  	_ =	swait.ge [sflag:s24], $0x1400  }
0x2ad: {  	[sflag:s24] =	ssyncset.done $0x0  }
0x2ae: {  	[sflag:s24] =	ssyncadd.s32 $0xFFFFEC00  }
0x2af: {  	s14 =	stileid.u32;
	[bflag:$0x0] =	sbarrier.arrive $0xFFFF  }
0x2b0: {  	s21 =	sshll.u32 s14, $0x6;
	s30 =	rddreg [dreg:$0x15]  }
0x2b1: {  	s21 =	sor.u32 $0x1C08, s21;
	s28 =	rddreg [dreg:$0x14];
	s17 =	sshrl.u32 s30, $0x3  }
0x2b2: {  	[hbm:s28], [sflag:s21] =	dma.local [spmem:s17], $0x2800  }
0x2b3: {  	s28 =	simm.s32 $0x8  }
0x2b4: {  	_ =	swait.ge [sflag:s28], $0x2800  }
0x2b5: {  	s26 =	sld [smem:$0x7F7];
	_ =	sdelay $0x2  }
0x2b6: {  	s31 =	rddreg [dreg:$0x16];
	s5 =	sadd.s32 $0x1, s26  }
0x2b7: {  	p0 =	sne.s32 s5, s31  }
.Ltmp2:
0x2b8: {  	_ = 	snop;
	(pc) =	sbr.rel @p0 .LBB2_1-.Ltmp2, $3  }
0x2b9: {  	_ =	sdelay $0x1  }
0x2ba: {  	[sflag:s28] =	ssyncset.done $0x0  }
0x2bb: {  	[sflag:s28] =	ssyncadd.s32 $0xFFFFD800  }
0x2bc: {  	_ =	sfence.sel $0x180000  }
0x2bd: {  	[bflag:$0x0] =	sbarrier.arrive $0xFFFF  }
0x2be: {  	_ =	strace $0x9000004A  }
0x2bf: {  	s0 =	stileid.u32;
	[bflag:$0x2] =	sbarrier.arrive $0xFFFF  }
0x2c0: {  	p0 =	sne.s32 s0, $0x0;
	s0 =	rddreg [dreg:$0x3]  }
0x2c1: {  	s0 =	sadd.s32 @!p0 $0x100000, s0  }
0x2c2: {  	[sflag:s0] =	ssyncadd.tile.s32 @!p0 $0x1;
	_ =	shalt  }
.Lfunc_end2:
_tile_overlayer_lowered:
.L_overlay_start_2:
0x2c3: {  	(tag) =	ssettag $0x2  }
0x2c4: {  	s0 =	rddreg [dreg:$0x0];
	s2 =	stileid.u32  }
0x2c5: {  	s1 =	rddreg [dreg:$0x1];
	p0 =	sne.s32 s2, $0x0  }
0x2c6: {  	s3 =	rddreg [dreg:$0x2];
	[bflag:$0x3] =	sbarrier.arrive $0xFFFF;
	s2 =	simm.s32 @!p0 $0x1C08  }
0x2c7: {  	[timem:s3], [sflag:s2] =	dma.local @!p0 [hbm:s0], s1  }
0x2c8: {  	s0 =	simm.s32 @!p0 $0x8  }
0x2c9: {  	_ =	swait.ge @!p0 [sflag:s0], s1  }
0x2ca: {  	s1 =	ssub.s32 @!p0 $0x0, s1;
	[sflag:s0] =	ssyncset.done @!p0 $0x0  }
0x2cb: {  	[sflag:s0] =	ssyncadd.s32 @!p0 s1  }
0x2cc: {  	[bflag:$0x3] =	sbarrier.arrive $0xFFFF  }
0x2cd: {  	_ =	shalt  }

</sc_bundles>
